<compile_context>
chip_gen: v7x
topology: tpu7x:2x2x1
jax: 0.10.2.dev20260603
libtpu: 0.0.44.dev20260713+nightly
codegen_flags: <defaults>
</compile_context>

<pallas_src>
import functools

import jax
import jax.numpy as jnp
from jax import lax
from jax.experimental import pallas as pl
from jax.experimental.pallas import tpu as pltpu
from jax.experimental.pallas import tpu_sc as plsc

_NC = 2
_NS = 16
_NW = _NC * _NS

_CHUNK = 80


@functools.lru_cache(maxsize=None)
def _make_emb_gather(N, D):
    per_w = N // _NW
    n_chunks = per_w // _CHUNK
    n_pairs = n_chunks // 2
    assert per_w % _CHUNK == 0 and N % _NW == 0 and n_chunks % 2 == 0
    mesh = plsc.VectorSubcoreMesh(core_axis_name="c", subcore_axis_name="s")

    @functools.partial(
        pl.kernel,
        mesh=mesh,
        out_type=jax.ShapeDtypeStruct((N, D), jnp.float32),
        scratch_types=[
            pltpu.VMEM((per_w,), jnp.int32),
            pltpu.VMEM((_CHUNK, D), jnp.float32),
            pltpu.VMEM((_CHUNK, D), jnp.float32),
            pltpu.SemaphoreType.DMA,
            pltpu.SemaphoreType.DMA,
            pltpu.SemaphoreType.DMA,
        ],
    )
    def gather_kernel(idx_hbm, tab, out, idx_v, buf0, buf1, sg0, sg1, sw):
        wid = lax.axis_index("s") * _NC + lax.axis_index("c")
        base = wid * per_w
        pltpu.sync_copy(idx_hbm.at[pl.ds(base, per_w)], idx_v)

        def start_gather(c, buf, sem):
            pltpu.async_copy(
                tab.at[idx_v.at[pl.ds(c * _CHUNK, _CHUNK)]], buf, sem)

        def wait_gather(buf, sem):
            pltpu.make_async_copy(tab.at[pl.ds(0, _CHUNK)], buf, sem).wait()

        def write_out(c, buf):
            pltpu.async_copy(
                buf, out.at[pl.ds(base + c * _CHUNK, _CHUNK)], sw).wait()

        start_gather(0, buf0, sg0)

        def body(p, carry):
            c0 = 2 * p
            wait_gather(buf0, sg0)
            start_gather(c0 + 1, buf1, sg1)
            write_out(c0, buf0)
            wait_gather(buf1, sg1)

            @pl.when(p + 1 < n_pairs)
            def _():
                start_gather(c0 + 2, buf0, sg0)

            write_out(c0 + 1, buf1)
            return carry

        lax.fori_loop(0, n_pairs, body, 0)

    return gather_kernel


@functools.lru_cache(maxsize=None)
def _make_repr_gather(H, B, D):
    L = 16
    assert D == 32 and B % 128 == 0
    nb8 = B // 128
    n_q = H * nb8
    per_w = -(-n_q // _NW)
    mesh = plsc.VectorSubcoreMesh(core_axis_name="c", subcore_axis_name="s")

    @functools.partial(
        pl.kernel,
        mesh=mesh,
        compiler_params=pltpu.CompilerParams(needs_layout_passes=False),
        out_type=jax.ShapeDtypeStruct((H, D, B), jnp.float32),
        scratch_types=[
            pltpu.VMEM((128,), jnp.int32),
            pltpu.VMEM((128,), jnp.int32),
            pltpu.VMEM((128,), jnp.int32),
            pltpu.VMEM((128, 128), jnp.float32),
            pltpu.VMEM((1, D, 128), jnp.float32),
            pltpu.SemaphoreType.DMA,
        ],
    )
    def gather_kernel(idx_hbm, wtab, out, idx_v, idx4_v, m32_v, wide_v,
                      stage_v, sem):
        wid = lax.axis_index("s") * _NC + lax.axis_index("c")

        def body(i, carry):
            q = i * _NW + wid

            @pl.when(q < n_q)
            def _():
                h = q // nb8
                b8 = q % nb8
                pltpu.sync_copy(idx_hbm.at[pl.ds(q * 128, 128)], idx_v)
                for k in range(128 // L):
                    v = idx_v[pl.ds(k * L, L)]
                    idx4_v[pl.ds(k * L, L)] = lax.shift_right_logical(v, 2)
                    m32_v[pl.ds(k * L, L)] = (v & 3) * D
                pltpu.async_copy(wtab.at[idx4_v], wide_v, sem).wait()
                rows = lax.iota(jnp.int32, L)
                for bb in range(128 // L):
                    mv = m32_v[pl.ds(bb * L, L)]
                    rv = rows + (bb * L)
                    for d in range(D):
                        stage_v[0, d, pl.ds(bb * L, L)] = plsc.load_gather(
                            wide_v, [rv, mv + d])
                pltpu.sync_copy(
                    stage_v, out.at[pl.ds(h, 1), :, pl.ds(b8 * 128, 128)])

            return carry

        lax.fori_loop(0, per_w, body, 0)

    return gather_kernel


@functools.lru_cache(maxsize=None)
def _make_transpose(H, B, D, HB=1):
    assert H % HB == 0

    def body(in_ref, out_ref):
        for j in range(HB):
            out_ref[j] = in_ref[j].T

    return pl.pallas_call(
        body,
        grid=(H // HB,),
        in_specs=[pl.BlockSpec((HB, B, D), lambda h: (h, 0, 0))],
        out_specs=pl.BlockSpec((HB, D, B), lambda h: (h, 0, 0)),
        out_shape=jax.ShapeDtypeStruct((H, D, B), jnp.float32),
    )


def kernel(news_batch, news_id, news_repr_table, news_embedding_table):
    B, H = news_id.shape
    N = B * H
    hidden = news_repr_table.shape[1]
    D = news_embedding_table.shape[1]
    level = D // hidden
    idx = news_id.T.reshape(N).astype(jnp.int32)
    out_emb = _make_emb_gather(N, D)(idx, news_embedding_table)
    wtab = news_repr_table.reshape(-1, 128)
    repr_t = _make_repr_gather(H, B, hidden)(idx, wtab)
    emb_t = _make_transpose(H, B, D)(out_emb.reshape(H, B, D))
    news_embedding = emb_t.reshape(H, level, hidden, B).transpose(3, 0, 1, 2)
    news_repr = repr_t.transpose(2, 0, 1)
    return news_embedding, news_repr

# --- scband reference (transcript-rebuilt; emitter-appended) ---
"""Pipeline reference for scband-pipeline-encoder-39934605918898 (READ-ONLY COPY).

The authoritative reference and input builder live on the scoring server;
editing this copy changes nothing except your own understanding.
"""

import jax, jax.numpy as jnp
import numpy as np

VOCAB = 100000
LEVEL = 16
HIDDEN = 32

def setup_inputs(seed: int = 0) -> dict:
    key = jax.random.key(seed)
    k1, k2, k3 = jax.random.split(key, 3)
    news_batch = jnp.zeros((1024, 50), dtype=jnp.float32)
    news_id = jax.random.randint(k1, (1024, 50), 0, VOCAB, dtype=jnp.int64 if jax.config.jax_enable_x64 else jnp.int32)
    news_repr_table = jax.random.normal(k2, (VOCAB, HIDDEN), dtype=jnp.float32)
    news_embedding_table = jax.random.normal(k3, (VOCAB, LEVEL * HIDDEN), dtype=jnp.float32)
    return {"news_batch": news_batch, "news_id": news_id, "news_repr_table": news_repr_table, "news_embedding_table": news_embedding_table}

def reference(news_batch, news_id, news_repr_table, news_embedding_table):
    # Dropout is identity in eval mode; tables are frozen pretrained embeddings.
    news_repr = jnp.take(news_repr_table, news_id, axis=0)  # [B, H, hidden]
    emb = jnp.take(news_embedding_table, news_id, axis=0)   # [B, H, level*hidden]
    news_embedding = emb.reshape(tuple(news_batch.shape) + (LEVEL, HIDDEN))  # [B, H, level, hidden]
    return (news_embedding, news_repr)

if __name__ == "__main__":
    import jax
    _d = setup_inputs()
    print(jax.jit(kernel)(*tuple(_d.values())))

</pallas_src>

<mosaic_0001>
#map = affine_map<(d0, d1) -> (0)>
#map1 = affine_map<(d0, d1) -> (0, 0)>
#map2 = affine_map<(d0, d1) -> (0, 0, 0)>
module attributes {stable_mosaic.version = 14 : i64} {
  func.func @gather_kernel(%arg0: i32, %arg1: i32, %arg2: memref<51200xi32, #tpu.memory_space<hbm>>, %arg3: memref<25000x128xf32, #tpu.memory_space<hbm>>, %arg4: memref<50x32x1024xf32, #tpu.memory_space<hbm>>, %arg5: memref<128xi32, #tpu.memory_space<vmem>>, %arg6: memref<128xi32, #tpu.memory_space<vmem>>, %arg7: memref<128xi32, #tpu.memory_space<vmem>>, %arg8: memref<128x128xf32, #tpu.memory_space<vmem>>, %arg9: memref<1x32x128xf32, #tpu.memory_space<vmem>>, %arg10: memref<!tpu.dma_semaphore, #tpu.memory_space<semaphore_mem>>) attributes {dimension_semantics = [#tpu.dimension_semantics<core_parallel>, #tpu.dimension_semantics<subcore_parallel>], iteration_bounds = array<i64: 2, 16>, scalar_prefetch = 0 : i64, scratch_operands = 6 : i64, tpu.core_type = #tpu.core_type<sc_vector_subcore>, window_params = [{transform_indices = #map}, {transform_indices = #map1}, {transform_indices = #map2}]} {
    %mul3A = arith.constant 2 : i32
    %mul3A_0 = arith.muli %arg1, %mul3A : i32
    %add3A = arith.addi %mul3A_0, %arg0 : i32
    %scan3A = arith.constant 0 : i32
    %scan3A_1 = arith.constant 0 : i32
    %scan3A_2 = arith.constant 13 : i32
    %scan3A_3 = arith.addi %scan3A_1, %scan3A_2 : i32
    %scan3A_4 = arith.constant 1 : i32
    scf.for %scan3A_6 = %scan3A_1 to %scan3A_3 step %scan3A_4  : i32 {
      %mul3A_7 = arith.constant 32 : i32
      %mul3A_8 = arith.muli %scan3A_6, %mul3A_7 : i32
      %add3A_9 = arith.addi %mul3A_8, %add3A : i32
      %lt3A = arith.constant 400 : i32
      %lt3A_10 = arith.cmpi slt, %add3A_9, %lt3A : i32
      %convert_element_type3A = arith.extui %lt3A_10 : i1 to i32
      %cond3A = arith.constant 0 : i32
      %cond3A_11 = arith.cmpi ne, %convert_element_type3A, %cond3A : i32
      scf.if %cond3A_11 {
        %jit3A = arith.constant 8 : i32
        %div3A = arith.divsi %add3A_9, %jit3A : i32
        %sign3A = arith.constant 0 : i32
        %sign3A_12 = arith.cmpi sgt, %add3A_9, %sign3A : i32
        %sign3A_13 = arith.extui %sign3A_12 : i1 to i32
        %sign3A_14 = arith.constant 0 : i32
        %sign3A_15 = arith.cmpi slt, %add3A_9, %sign3A_14 : i32
        %sign3A_16 = arith.extui %sign3A_15 : i1 to i32
        %sign3A_17 = arith.subi %sign3A_13, %sign3A_16 : i32
        %sign3A_18 = arith.constant 0 : i32
        %sign3A_19 = arith.cmpi sgt, %jit3A, %sign3A_18 : i32
        %sign3A_20 = arith.extui %sign3A_19 : i1 to i32
        %sign3A_21 = arith.constant 0 : i32
        %sign3A_22 = arith.cmpi slt, %jit3A, %sign3A_21 : i32
        %sign3A_23 = arith.extui %sign3A_22 : i1 to i32
        %sign3A_24 = arith.subi %sign3A_20, %sign3A_23 : i32
        %ne3A = arith.cmpi ne, %sign3A_17, %sign3A_24 : i32
        %rem3A = arith.remsi %add3A_9, %jit3A : i32
        %ne3A_25 = arith.constant 0 : i32
        %ne3A_26 = arith.cmpi ne, %rem3A, %ne3A_25 : i32
        %and3A = arith.andi %ne3A, %ne3A_26 : i1
        %sub3A = arith.constant 1 : i32
        %sub3A_27 = arith.subi %div3A, %sub3A : i32
        %select_n3A = arith.select %and3A, %sub3A_27, %div3A : i32
        %jit3A_28 = arith.constant 8 : i32
        %eq3A = arith.constant 0 : i32
        %eq3A_29 = arith.cmpi eq, %jit3A_28, %eq3A : i32
        %jit3A_30 = arith.constant 1 : i32
        %select_n3A_31 = arith.select %eq3A_29, %jit3A_30, %jit3A_28 : i32
        %rem3A_32 = arith.remsi %add3A_9, %select_n3A_31 : i32
        %ne3A_33 = arith.constant 0 : i32
        %ne3A_34 = arith.cmpi ne, %rem3A_32, %ne3A_33 : i32
        %lt3A_35 = arith.constant 0 : i32
        %lt3A_36 = arith.cmpi slt, %rem3A_32, %lt3A_35 : i32
        %lt3A_37 = arith.constant 0 : i32
        %lt3A_38 = arith.cmpi slt, %select_n3A_31, %lt3A_37 : i32
        %ne3A_39 = arith.xori %lt3A_36, %lt3A_38 : i1
        %and3A_40 = arith.andi %ne3A_39, %ne3A_34 : i1
        %add3A_41 = arith.addi %rem3A_32, %select_n3A_31 : i32
        %select_n3A_42 = arith.select %and3A_40, %add3A_41, %rem3A_32 : i32
        %mul3A_43 = arith.constant 128 : i32
        %mul3A_44 = arith.muli %add3A_9, %mul3A_43 : i32
        "tpu.region"() ({
          %run_scoped3A = tpu.sem_alloc : memref<!tpu.dma_semaphore, #tpu.memory_space<semaphore_mem>>
          %dma_start3A_2767 = tpu.memref_slice %arg2[%mul3A_44] : memref<51200xi32, #tpu.memory_space<hbm>> -> memref<128xi32, #tpu.memory_space<hbm>>
          %dma_start3A_2768 = tpu.memref_slice %arg2[%mul3A_44] : memref<51200xi32, #tpu.memory_space<hbm>> -> memref<128xi32, #tpu.memory_space<hbm>>
          tpu.enqueue_dma source(%dma_start3A_2768 : memref<128xi32, #tpu.memory_space<hbm>>) target(%arg5 : memref<128xi32, #tpu.memory_space<vmem>>) target_semaphore(%run_scoped3A : memref<!tpu.dma_semaphore, #tpu.memory_space<semaphore_mem>>)
          %dma_wait3A_2769 = tpu.memref_slice %arg2[%mul3A_44] : memref<51200xi32, #tpu.memory_space<hbm>> -> memref<128xi32, #tpu.memory_space<hbm>>
          %dma_wait3A_2770 = tpu.memref_slice %arg2[%mul3A_44] : memref<51200xi32, #tpu.memory_space<hbm>> -> memref<128xi32, #tpu.memory_space<hbm>>
          tpu.wait_dma2 semaphore(%run_scoped3A : memref<!tpu.dma_semaphore, #tpu.memory_space<semaphore_mem>>) src(%dma_wait3A_2770 : memref<128xi32, #tpu.memory_space<hbm>>) dst(%arg5 : memref<128xi32, #tpu.memory_space<vmem>>)
          tpu.yield
        }) : () -> ()
        %get3A = arith.constant 0 : index
        %get3A_45 = tpu.vector_load %arg5[%get3A] {strides = array<i32>} : memref<128xi32, #tpu.memory_space<vmem>>, vector<16xi32>,
        %shift_right_logical3A = arith.constant 2 : i32
        %shift_right_logical3A_46 = vector.broadcast %shift_right_logical3A : i32 to vector<16xi32>
        %shift_right_logical3A_47 = arith.shrui %get3A_45, %shift_right_logical3A_46 : vector<16xi32>
        %swap3A = arith.constant 0 : index
        %swap3A_48 = tpu.vector_load %arg6[%swap3A] {strides = array<i32>} : memref<128xi32, #tpu.memory_space<vmem>>, vector<16xi32>,
        tpu.vector_store %arg6[%swap3A], %shift_right_logical3A_47 {strides = array<i32>} : memref<128xi32, #tpu.memory_space<vmem>>, vector<16xi32>,
        %and3A_49 = arith.constant 3 : i32
        %and3A_50 = vector.broadcast %and3A_49 : i32 to vector<16xi32>
        %and3A_51 = arith.andi %get3A_45, %and3A_50 : vector<16xi32>
        %mul3A_52 = arith.constant 32 : i32
        %mul3A_53 = vector.broadcast %mul3A_52 : i32 to vector<16xi32>
        %mul3A_54 = arith.muli %and3A_51, %mul3A_53 : vector<16xi32>
        %swap3A_55 = arith.constant 0 : index
        %swap3A_56 = tpu.vector_load %arg7[%swap3A_55] {strides = array<i32>} : memref<128xi32, #tpu.memory_space<vmem>>, vector<16xi32>,
        tpu.vector_store %arg7[%swap3A_55], %mul3A_54 {strides = array<i32>} : memref<128xi32, #tpu.memory_space<vmem>>, vector<16xi32>,
        %get3A_57 = arith.constant 16 : index
        %get3A_58 = tpu.vector_load %arg5[%get3A_57] {strides = array<i32>} : memref<128xi32, #tpu.memory_space<vmem>>, vector<16xi32>,
        %shift_right_logical3A_59 = arith.constant 2 : i32
        %shift_right_logical3A_60 = vector.broadcast %shift_right_logical3A_59 : i32 to vector<16xi32>
        %shift_right_logical3A_61 = arith.shrui %get3A_58, %shift_right_logical3A_60 : vector<16xi32>
        %swap3A_62 = arith.constant 16 : index
        %swap3A_63 = tpu.vector_load %arg6[%swap3A_62] {strides = array<i32>} : memref<128xi32, #tpu.memory_space<vmem>>, vector<16xi32>,
        tpu.vector_store %arg6[%swap3A_62], %shift_right_logical3A_61 {strides = array<i32>} : memref<128xi32, #tpu.memory_space<vmem>>, vector<16xi32>,
        %and3A_64 = arith.constant 3 : i32
        %and3A_65 = vector.broadcast %and3A_64 : i32 to vector<16xi32>
        %and3A_66 = arith.andi %get3A_58, %and3A_65 : vector<16xi32>
        %mul3A_67 = arith.constant 32 : i32
        %mul3A_68 = vector.broadcast %mul3A_67 : i32 to vector<16xi32>
        %mul3A_69 = arith.muli %and3A_66, %mul3A_68 : vector<16xi32>
        %swap3A_70 = arith.constant 16 : index
        %swap3A_71 = tpu.vector_load %arg7[%swap3A_70] {strides = array<i32>} : memref<128xi32, #tpu.memory_space<vmem>>, vector<16xi32>,
        tpu.vector_store %arg7[%swap3A_70], %mul3A_69 {strides = array<i32>} : memref<128xi32, #tpu.memory_space<vmem>>, vector<16xi32>,
        %get3A_72 = arith.constant 32 : index
        %get3A_73 = tpu.vector_load %arg5[%get3A_72] {strides = array<i32>} : memref<128xi32, #tpu.memory_space<vmem>>, vector<16xi32>,
        %shift_right_logical3A_74 = arith.constant 2 : i32
        %shift_right_logical3A_75 = vector.broadcast %shift_right_logical3A_74 : i32 to vector<16xi32>
        %shift_right_logical3A_76 = arith.shrui %get3A_73, %shift_right_logical3A_75 : vector<16xi32>
        %swap3A_77 = arith.constant 32 : index
        %swap3A_78 = tpu.vector_load %arg6[%swap3A_77] {strides = array<i32>} : memref<128xi32, #tpu.memory_space<vmem>>, vector<16xi32>,
        tpu.vector_store %arg6[%swap3A_77], %shift_right_logical3A_76 {strides = array<i32>} : memref<128xi32, #tpu.memory_space<vmem>>, vector<16xi32>,
        %and3A_79 = arith.constant 3 : i32
        %and3A_80 = vector.broadcast %and3A_79 : i32 to vector<16xi32>
        %and3A_81 = arith.andi %get3A_73, %and3A_80 : vector<16xi32>
        %mul3A_82 = arith.constant 32 : i32
        %mul3A_83 = vector.broadcast %mul3A_82 : i32 to vector<16xi32>
        %mul3A_84 = arith.muli %and3A_81, %mul3A_83 : vector<16xi32>
        %swap3A_85 = arith.constant 32 : index
        %swap3A_86 = tpu.vector_load %arg7[%swap3A_85] {strides = array<i32>} : memref<128xi32, #tpu.memory_space<vmem>>, vector<16xi32>,
        tpu.vector_store %arg7[%swap3A_85], %mul3A_84 {strides = array<i32>} : memref<128xi32, #tpu.memory_space<vmem>>, vector<16xi32>,
        %get3A_87 = arith.constant 48 : index
        %get3A_88 = tpu.vector_load %arg5[%get3A_87] {strides = array<i32>} : memref<128xi32, #tpu.memory_space<vmem>>, vector<16xi32>,
        %shift_right_logical3A_89 = arith.constant 2 : i32
        %shift_right_logical3A_90 = vector.broadcast %shift_right_logical3A_89 : i32 to vector<16xi32>
        %shift_right_logical3A_91 = arith.shrui %get3A_88, %shift_right_logical3A_90 : vector<16xi32>
        %swap3A_92 = arith.constant 48 : index
        %swap3A_93 = tpu.vector_load %arg6[%swap3A_92] {strides = array<i32>} : memref<128xi32, #tpu.memory_space<vmem>>, vector<16xi32>,
        tpu.vector_store %arg6[%swap3A_92], %shift_right_logical3A_91 {strides = array<i32>} : memref<128xi32, #tpu.memory_space<vmem>>, vector<16xi32>,
        %and3A_94 = arith.constant 3 : i32
        %and3A_95 = vector.broadcast %and3A_94 : i32 to vector<16xi32>
        %and3A_96 = arith.andi %get3A_88, %and3A_95 : vector<16xi32>
        %mul3A_97 = arith.constant 32 : i32
        %mul3A_98 = vector.broadcast %mul3A_97 : i32 to vector<16xi32>
        %mul3A_99 = arith.muli %and3A_96, %mul3A_98 : vector<16xi32>
        %swap3A_100 = arith.constant 48 : index
        %swap3A_101 = tpu.vector_load %arg7[%swap3A_100] {strides = array<i32>} : memref<128xi32, #tpu.memory_space<vmem>>, vector<16xi32>,
        tpu.vector_store %arg7[%swap3A_100], %mul3A_99 {strides = array<i32>} : memref<128xi32, #tpu.memory_space<vmem>>, vector<16xi32>,
        %get3A_102 = arith.constant 64 : index
        %get3A_103 = tpu.vector_load %arg5[%get3A_102] {strides = array<i32>} : memref<128xi32, #tpu.memory_space<vmem>>, vector<16xi32>,
        %shift_right_logical3A_104 = arith.constant 2 : i32
        %shift_right_logical3A_105 = vector.broadcast %shift_right_logical3A_104 : i32 to vector<16xi32>
        %shift_right_logical3A_106 = arith.shrui %get3A_103, %shift_right_logical3A_105 : vector<16xi32>
        %swap3A_107 = arith.constant 64 : index
        %swap3A_108 = tpu.vector_load %arg6[%swap3A_107] {strides = array<i32>} : memref<128xi32, #tpu.memory_space<vmem>>, vector<16xi32>,
        tpu.vector_store %arg6[%swap3A_107], %shift_right_logical3A_106 {strides = array<i32>} : memref<128xi32, #tpu.memory_space<vmem>>, vector<16xi32>,
        %and3A_109 = arith.constant 3 : i32
        %and3A_110 = vector.broadcast %and3A_109 : i32 to vector<16xi32>
        %and3A_111 = arith.andi %get3A_103, %and3A_110 : vector<16xi32>
        %mul3A_112 = arith.constant 32 : i32
        %mul3A_113 = vector.broadcast %mul3A_112 : i32 to vector<16xi32>
        %mul3A_114 = arith.muli %and3A_111, %mul3A_113 : vector<16xi32>
        %swap3A_115 = arith.constant 64 : index
        %swap3A_116 = tpu.vector_load %arg7[%swap3A_115] {strides = array<i32>} : memref<128xi32, #tpu.memory_space<vmem>>, vector<16xi32>,
        tpu.vector_store %arg7[%swap3A_115], %mul3A_114 {strides = array<i32>} : memref<128xi32, #tpu.memory_space<vmem>>, vector<16xi32>,
        %get3A_117 = arith.constant 80 : index
        %get3A_118 = tpu.vector_load %arg5[%get3A_117] {strides = array<i32>} : memref<128xi32, #tpu.memory_space<vmem>>, vector<16xi32>,
        %shift_right_logical3A_119 = arith.constant 2 : i32
        %shift_right_logical3A_120 = vector.broadcast %shift_right_logical3A_119 : i32 to vector<16xi32>
        %shift_right_logical3A_121 = arith.shrui %get3A_118, %shift_right_logical3A_120 : vector<16xi32>
        %swap3A_122 = arith.constant 80 : index
        %swap3A_123 = tpu.vector_load %arg6[%swap3A_122] {strides = array<i32>} : memref<128xi32, #tpu.memory_space<vmem>>, vector<16xi32>,
        tpu.vector_store %arg6[%swap3A_122], %shift_right_logical3A_121 {strides = array<i32>} : memref<128xi32, #tpu.memory_space<vmem>>, vector<16xi32>,
        %and3A_124 = arith.constant 3 : i32
        %and3A_125 = vector.broadcast %and3A_124 : i32 to vector<16xi32>
        %and3A_126 = arith.andi %get3A_118, %and3A_125 : vector<16xi32>
        %mul3A_127 = arith.constant 32 : i32
        %mul3A_128 = vector.broadcast %mul3A_127 : i32 to vector<16xi32>
        %mul3A_129 = arith.muli %and3A_126, %mul3A_128 : vector<16xi32>
        %swap3A_130 = arith.constant 80 : index
        %swap3A_131 = tpu.vector_load %arg7[%swap3A_130] {strides = array<i32>} : memref<128xi32, #tpu.memory_space<vmem>>, vector<16xi32>,
        tpu.vector_store %arg7[%swap3A_130], %mul3A_129 {strides = array<i32>} : memref<128xi32, #tpu.memory_space<vmem>>, vector<16xi32>,
        %get3A_132 = arith.constant 96 : index
        %get3A_133 = tpu.vector_load %arg5[%get3A_132] {strides = array<i32>} : memref<128xi32, #tpu.memory_space<vmem>>, vector<16xi32>,
        %shift_right_logical3A_134 = arith.constant 2 : i32
        %shift_right_logical3A_135 = vector.broadcast %shift_right_logical3A_134 : i32 to vector<16xi32>
        %shift_right_logical3A_136 = arith.shrui %get3A_133, %shift_right_logical3A_135 : vector<16xi32>
        %swap3A_137 = arith.constant 96 : index
        %swap3A_138 = tpu.vector_load %arg6[%swap3A_137] {strides = array<i32>} : memref<128xi32, #tpu.memory_space<vmem>>, vector<16xi32>,
        tpu.vector_store %arg6[%swap3A_137], %shift_right_logical3A_136 {strides = array<i32>} : memref<128xi32, #tpu.memory_space<vmem>>, vector<16xi32>,
        %and3A_139 = arith.constant 3 : i32
        %and3A_140 = vector.broadcast %and3A_139 : i32 to vector<16xi32>
        %and3A_141 = arith.andi %get3A_133, %and3A_140 : vector<16xi32>
        %mul3A_142 = arith.constant 32 : i32
        %mul3A_143 = vector.broadcast %mul3A_142 : i32 to vector<16xi32>
        %mul3A_144 = arith.muli %and3A_141, %mul3A_143 : vector<16xi32>
        %swap3A_145 = arith.constant 96 : index
        %swap3A_146 = tpu.vector_load %arg7[%swap3A_145] {strides = array<i32>} : memref<128xi32, #tpu.memory_space<vmem>>, vector<16xi32>,
        tpu.vector_store %arg7[%swap3A_145], %mul3A_144 {strides = array<i32>} : memref<128xi32, #tpu.memory_space<vmem>>, vector<16xi32>,
        %get3A_147 = arith.constant 112 : index
        %get3A_148 = tpu.vector_load %arg5[%get3A_147] {strides = array<i32>} : memref<128xi32, #tpu.memory_space<vmem>>, vector<16xi32>,
        %shift_right_logical3A_149 = arith.constant 2 : i32
        %shift_right_logical3A_150 = vector.broadcast %shift_right_logical3A_149 : i32 to vector<16xi32>
        %shift_right_logical3A_151 = arith.shrui %get3A_148, %shift_right_logical3A_150 : vector<16xi32>
        %swap3A_152 = arith.constant 112 : index
        %swap3A_153 = tpu.vector_load %arg6[%swap3A_152] {strides = array<i32>} : memref<128xi32, #tpu.memory_space<vmem>>, vector<16xi32>,
        tpu.vector_store %arg6[%swap3A_152], %shift_right_logical3A_151 {strides = array<i32>} : memref<128xi32, #tpu.memory_space<vmem>>, vector<16xi32>,
        %and3A_154 = arith.constant 3 : i32
        %and3A_155 = vector.broadcast %and3A_154 : i32 to vector<16xi32>
        %and3A_156 = arith.andi %get3A_148, %and3A_155 : vector<16xi32>
        %mul3A_157 = arith.constant 32 : i32
        %mul3A_158 = vector.broadcast %mul3A_157 : i32 to vector<16xi32>
        %mul3A_159 = arith.muli %and3A_156, %mul3A_158 : vector<16xi32>
        %swap3A_160 = arith.constant 112 : index
        %swap3A_161 = tpu.vector_load %arg7[%swap3A_160] {strides = array<i32>} : memref<128xi32, #tpu.memory_space<vmem>>, vector<16xi32>,
        tpu.vector_store %arg7[%swap3A_160], %mul3A_159 {strides = array<i32>} : memref<128xi32, #tpu.memory_space<vmem>>, vector<16xi32>,
        %dma_start3A = arith.constant 0 : i32
        %dma_start3A_162 = arith.constant 0 : i32
        %dma_start3A_163 = tpu.memref_slice %arg3[%dma_start3A, %dma_start3A_162] : memref<25000x128xf32, #tpu.memory_space<hbm>> -> memref<25000x128xf32, #tpu.memory_space<hbm>>
        tpu.enqueue_indirect_dma source(%dma_start3A_163 : memref<25000x128xf32, #tpu.memory_space<hbm>>) target(%arg8 : memref<128x128xf32, #tpu.memory_space<vmem>>) offsets(%arg6 : memref<128xi32, #tpu.memory_space<vmem>>) semaphore(%arg10 : memref<!tpu.dma_semaphore, #tpu.memory_space<semaphore_mem>>)
        %dma_wait3A = arith.constant 0 : i32
        %dma_wait3A_164 = arith.constant 0 : i32
        %dma_wait3A_165 = tpu.memref_slice %arg3[%dma_wait3A, %dma_wait3A_164] : memref<25000x128xf32, #tpu.memory_space<hbm>> -> memref<25000x128xf32, #tpu.memory_space<hbm>>
        tpu.wait_indirect_dma semaphore(%arg10 : memref<!tpu.dma_semaphore, #tpu.memory_space<semaphore_mem>>) src(%dma_wait3A_165 : memref<25000x128xf32, #tpu.memory_space<hbm>>) dst(%arg8 : memref<128x128xf32, #tpu.memory_space<vmem>>)
        %iota3A = tpu.iota {dimensions = array<i32: 0>} : vector<16xi32>
        %get3A_166 = arith.constant 0 : index
        %get3A_167 = tpu.vector_load %arg7[%get3A_166] {strides = array<i32>} : memref<128xi32, #tpu.memory_space<vmem>>, vector<16xi32>,
        %add3A_168 = arith.constant 0 : i32
        %add3A_169 = vector.broadcast %add3A_168 : i32 to vector<16xi32>
        %add3A_170 = arith.addi %iota3A, %add3A_169 : vector<16xi32>
        %add3A_171 = arith.constant 0 : i32
        %add3A_172 = vector.broadcast %add3A_171 : i32 to vector<16xi32>
        %add3A_173 = arith.addi %get3A_167, %add3A_172 : vector<16xi32>
        %gather3A = tpu.vector_load_idx %arg8[%add3A_170, %add3A_173] : memref<128x128xf32, #tpu.memory_space<vmem>>[vector<16xi32>, vector<16xi32>], vector<16xf32>,
        %swap3A_174 = arith.constant 0 : i32
        %swap3A_175 = arith.constant 0 : i32
        %swap3A_176 = arith.index_cast %swap3A_174 : i32 to index
        %swap3A_177 = arith.index_cast %swap3A_175 : i32 to index
        %swap3A_178 = arith.constant 0 : index
        %swap3A_179 = tpu.vector_load %arg9[%swap3A_176, %swap3A_177, %swap3A_178] {strides = array<i32>} : memref<1x32x128xf32, #tpu.memory_space<vmem>>, vector<16xf32>,
        tpu.vector_store %arg9[%swap3A_176, %swap3A_177, %swap3A_178], %gather3A {strides = array<i32>} : memref<1x32x128xf32, #tpu.memory_space<vmem>>, vector<16xf32>,
        %add3A_180 = arith.constant 1 : i32
        %add3A_181 = vector.broadcast %add3A_180 : i32 to vector<16xi32>
        %add3A_182 = arith.addi %get3A_167, %add3A_181 : vector<16xi32>
        %gather3A_183 = tpu.vector_load_idx %arg8[%add3A_170, %add3A_182] : memref<128x128xf32, #tpu.memory_space<vmem>>[vector<16xi32>, vector<16xi32>], vector<16xf32>,
        %swap3A_184 = arith.constant 0 : i32
        %swap3A_185 = arith.constant 1 : i32
        %swap3A_186 = arith.index_cast %swap3A_184 : i32 to index
        %swap3A_187 = arith.index_cast %swap3A_185 : i32 to index
        %swap3A_188 = arith.constant 0 : index
        %swap3A_189 = tpu.vector_load %arg9[%swap3A_186, %swap3A_187, %swap3A_188] {strides = array<i32>} : memref<1x32x128xf32, #tpu.memory_space<vmem>>, vector<16xf32>,
        tpu.vector_store %arg9[%swap3A_186, %swap3A_187, %swap3A_188], %gather3A_183 {strides = array<i32>} : memref<1x32x128xf32, #tpu.memory_space<vmem>>, vector<16xf32>,
        %add3A_190 = arith.constant 2 : i32
        %add3A_191 = vector.broadcast %add3A_190 : i32 to vector<16xi32>
        %add3A_192 = arith.addi %get3A_167, %add3A_191 : vector<16xi32>
        %gather3A_193 = tpu.vector_load_idx %arg8[%add3A_170, %add3A_192] : memref<128x128xf32, #tpu.memory_space<vmem>>[vector<16xi32>, vector<16xi32>], vector<16xf32>,
        %swap3A_194 = arith.constant 0 : i32
        %swap3A_195 = arith.constant 2 : i32
        %swap3A_196 = arith.index_cast %swap3A_194 : i32 to index
        %swap3A_197 = arith.index_cast %swap3A_195 : i32 to index
        %swap3A_198 = arith.constant 0 : index
        %swap3A_199 = tpu.vector_load %arg9[%swap3A_196, %swap3A_197, %swap3A_198] {strides = array<i32>} : memref<1x32x128xf32, #tpu.memory_space<vmem>>, vector<16xf32>,
        tpu.vector_store %arg9[%swap3A_196, %swap3A_197, %swap3A_198], %gather3A_193 {strides = array<i32>} : memref<1x32x128xf32, #tpu.memory_space<vmem>>, vector<16xf32>,
        %add3A_200 = arith.constant 3 : i32
        %add3A_201 = vector.broadcast %add3A_200 : i32 to vector<16xi32>
        %add3A_202 = arith.addi %get3A_167, %add3A_201 : vector<16xi32>
        %gather3A_203 = tpu.vector_load_idx %arg8[%add3A_170, %add3A_202] : memref<128x128xf32, #tpu.memory_space<vmem>>[vector<16xi32>, vector<16xi32>], vector<16xf32>,
        %swap3A_204 = arith.constant 0 : i32
        %swap3A_205 = arith.constant 3 : i32
        %swap3A_206 = arith.index_cast %swap3A_204 : i32 to index
        %swap3A_207 = arith.index_cast %swap3A_205 : i32 to index
        %swap3A_208 = arith.constant 0 : index
        %swap3A_209 = tpu.vector_load %arg9[%swap3A_206, %swap3A_207, %swap3A_208] {strides = array<i32>} : memref<1x32x128xf32, #tpu.memory_space<vmem>>, vector<16xf32>,
        tpu.vector_store %arg9[%swap3A_206, %swap3A_207, %swap3A_208], %gather3A_203 {strides = array<i32>} : memref<1x32x128xf32, #tpu.memory_space<vmem>>, vector<16xf32>,
        %add3A_210 = arith.constant 4 : i32
        %add3A_211 = vector.broadcast %add3A_210 : i32 to vector<16xi32>
        %add3A_212 = arith.addi %get3A_167, %add3A_211 : vector<16xi32>
        %gather3A_213 = tpu.vector_load_idx %arg8[%add3A_170, %add3A_212] : memref<128x128xf32, #tpu.memory_space<vmem>>[vector<16xi32>, vector<16xi32>], vector<16xf32>,
        %swap3A_214 = arith.constant 0 : i32
        %swap3A_215 = arith.constant 4 : i32
        %swap3A_216 = arith.index_cast %swap3A_214 : i32 to index
        %swap3A_217 = arith.index_cast %swap3A_215 : i32 to index
        %swap3A_218 = arith.constant 0 : index
        %swap3A_219 = tpu.vector_load %arg9[%swap3A_216, %swap3A_217, %swap3A_218] {strides = array<i32>} : memref<1x32x128xf32, #tpu.memory_space<vmem>>, vector<16xf32>,
        tpu.vector_store %arg9[%swap3A_216, %swap3A_217, %swap3A_218], %gather3A_213 {strides = array<i32>} : memref<1x32x128xf32, #tpu.memory_space<vmem>>, vector<16xf32>,
        %add3A_220 = arith.constant 5 : i32
        %add3A_221 = vector.broadcast %add3A_220 : i32 to vector<16xi32>
        %add3A_222 = arith.addi %get3A_167, %add3A_221 : vector<16xi32>
        %gather3A_223 = tpu.vector_load_idx %arg8[%add3A_170, %add3A_222] : memref<128x128xf32, #tpu.memory_space<vmem>>[vector<16xi32>, vector<16xi32>], vector<16xf32>,
        %swap3A_224 = arith.constant 0 : i32
        %swap3A_225 = arith.constant 5 : i32
        %swap3A_226 = arith.index_cast %swap3A_224 : i32 to index
        %swap3A_227 = arith.index_cast %swap3A_225 : i32 to index
        %swap3A_228 = arith.constant 0 : index
        %swap3A_229 = tpu.vector_load %arg9[%swap3A_226, %swap3A_227, %swap3A_228] {strides = array<i32>} : memref<1x32x128xf32, #tpu.memory_space<vmem>>, vector<16xf32>,
        tpu.vector_store %arg9[%swap3A_226, %swap3A_227, %swap3A_228], %gather3A_223 {strides = array<i32>} : memref<1x32x128xf32, #tpu.memory_space<vmem>>, vector<16xf32>,
        %add3A_230 = arith.constant 6 : i32
        %add3A_231 = vector.broadcast %add3A_230 : i32 to vector<16xi32>
        %add3A_232 = arith.addi %get3A_167, %add3A_231 : vector<16xi32>
        %gather3A_233 = tpu.vector_load_idx %arg8[%add3A_170, %add3A_232] : memref<128x128xf32, #tpu.memory_space<vmem>>[vector<16xi32>, vector<16xi32>], vector<16xf32>,
        %swap3A_234 = arith.constant 0 : i32
        %swap3A_235 = arith.constant 6 : i32
        %swap3A_236 = arith.index_cast %swap3A_234 : i32 to index
        %swap3A_237 = arith.index_cast %swap3A_235 : i32 to index
        %swap3A_238 = arith.constant 0 : index
        %swap3A_239 = tpu.vector_load %arg9[%swap3A_236, %swap3A_237, %swap3A_238] {strides = array<i32>} : memref<1x32x128xf32, #tpu.memory_space<vmem>>, vector<16xf32>,
        tpu.vector_store %arg9[%swap3A_236, %swap3A_237, %swap3A_238], %gather3A_233 {strides = array<i32>} : memref<1x32x128xf32, #tpu.memory_space<vmem>>, vector<16xf32>,
        %add3A_240 = arith.constant 7 : i32
        %add3A_241 = vector.broadcast %add3A_240 : i32 to vector<16xi32>
        %add3A_242 = arith.addi %get3A_167, %add3A_241 : vector<16xi32>
        %gather3A_243 = tpu.vector_load_idx %arg8[%add3A_170, %add3A_242] : memref<128x128xf32, #tpu.memory_space<vmem>>[vector<16xi32>, vector<16xi32>], vector<16xf32>,
        %swap3A_244 = arith.constant 0 : i32
        %swap3A_245 = arith.constant 7 : i32
        %swap3A_246 = arith.index_cast %swap3A_244 : i32 to index
        %swap3A_247 = arith.index_cast %swap3A_245 : i32 to index
        %swap3A_248 = arith.constant 0 : index
        %swap3A_249 = tpu.vector_load %arg9[%swap3A_246, %swap3A_247, %swap3A_248] {strides = array<i32>} : memref<1x32x128xf32, #tpu.memory_space<vmem>>, vector<16xf32>,
        tpu.vector_store %arg9[%swap3A_246, %swap3A_247, %swap3A_248], %gather3A_243 {strides = array<i32>} : memref<1x32x128xf32, #tpu.memory_space<vmem>>, vector<16xf32>,
        %add3A_250 = arith.constant 8 : i32
        %add3A_251 = vector.broadcast %add3A_250 : i32 to vector<16xi32>
        %add3A_252 = arith.addi %get3A_167, %add3A_251 : vector<16xi32>
        %gather3A_253 = tpu.vector_load_idx %arg8[%add3A_170, %add3A_252] : memref<128x128xf32, #tpu.memory_space<vmem>>[vector<16xi32>, vector<16xi32>], vector<16xf32>,
        %swap3A_254 = arith.constant 0 : i32
        %swap3A_255 = arith.constant 8 : i32
        %swap3A_256 = arith.index_cast %swap3A_254 : i32 to index
        %swap3A_257 = arith.index_cast %swap3A_255 : i32 to index
        %swap3A_258 = arith.constant 0 : index
        %swap3A_259 = tpu.vector_load %arg9[%swap3A_256, %swap3A_257, %swap3A_258] {strides = array<i32>} : memref<1x32x128xf32, #tpu.memory_space<vmem>>, vector<16xf32>,
        tpu.vector_store %arg9[%swap3A_256, %swap3A_257, %swap3A_258], %gather3A_253 {strides = array<i32>} : memref<1x32x128xf32, #tpu.memory_space<vmem>>, vector<16xf32>,
        %add3A_260 = arith.constant 9 : i32
        %add3A_261 = vector.broadcast %add3A_260 : i32 to vector<16xi32>
        %add3A_262 = arith.addi %get3A_167, %add3A_261 : vector<16xi32>
        %gather3A_263 = tpu.vector_load_idx %arg8[%add3A_170, %add3A_262] : memref<128x128xf32, #tpu.memory_space<vmem>>[vector<16xi32>, vector<16xi32>], vector<16xf32>,
        %swap3A_264 = arith.constant 0 : i32
        %swap3A_265 = arith.constant 9 : i32
        %swap3A_266 = arith.index_cast %swap3A_264 : i32 to index
        %swap3A_267 = arith.index_cast %swap3A_265 : i32 to index
        %swap3A_268 = arith.constant 0 : index
        %swap3A_269 = tpu.vector_load %arg9[%swap3A_266, %swap3A_267, %swap3A_268] {strides = array<i32>} : memref<1x32x128xf32, #tpu.memory_space<vmem>>, vector<16xf32>,
        tpu.vector_store %arg9[%swap3A_266, %swap3A_267, %swap3A_268], %gather3A_263 {strides = array<i32>} : memref<1x32x128xf32, #tpu.memory_space<vmem>>, vector<16xf32>,
        %add3A_270 = arith.constant 10 : i32
        %add3A_271 = vector.broadcast %add3A_270 : i32 to vector<16xi32>
        %add3A_272 = arith.addi %get3A_167, %add3A_271 : vector<16xi32>
        %gather3A_273 = tpu.vector_load_idx %arg8[%add3A_170, %add3A_272] : memref<128x128xf32, #tpu.memory_space<vmem>>[vector<16xi32>, vector<16xi32>], vector<16xf32>,
        %swap3A_274 = arith.constant 0 : i32
        %swap3A_275 = arith.constant 10 : i32
        %swap3A_276 = arith.index_cast %swap3A_274 : i32 to index
        %swap3A_277 = arith.index_cast %swap3A_275 : i32 to index
        %swap3A_278 = arith.constant 0 : index
        %swap3A_279 = tpu.vector_load %arg9[%swap3A_276, %swap3A_277, %swap3A_278] {strides = array<i32>} : memref<1x32x128xf32, #tpu.memory_space<vmem>>, vector<16xf32>,
        tpu.vector_store %arg9[%swap3A_276, %swap3A_277, %swap3A_278], %gather3A_273 {strides = array<i32>} : memref<1x32x128xf32, #tpu.memory_space<vmem>>, vector<16xf32>,
        %add3A_280 = arith.constant 11 : i32
        %add3A_281 = vector.broadcast %add3A_280 : i32 to vector<16xi32>
        %add3A_282 = arith.addi %get3A_167, %add3A_281 : vector<16xi32>
        %gather3A_283 = tpu.vector_load_idx %arg8[%add3A_170, %add3A_282] : memref<128x128xf32, #tpu.memory_space<vmem>>[vector<16xi32>, vector<16xi32>], vector<16xf32>,
        %swap3A_284 = arith.constant 0 : i32
        %swap3A_285 = arith.constant 11 : i32
        %swap3A_286 = arith.index_cast %swap3A_284 : i32 to index
        %swap3A_287 = arith.index_cast %swap3A_285 : i32 to index
        %swap3A_288 = arith.constant 0 : index
        %swap3A_289 = tpu.vector_load %arg9[%swap3A_286, %swap3A_287, %swap3A_288] {strides = array<i32>} : memref<1x32x128xf32, #tpu.memory_space<vmem>>, vector<16xf32>,
        tpu.vector_store %arg9[%swap3A_286, %swap3A_287, %swap3A_288], %gather3A_283 {strides = array<i32>} : memref<1x32x128xf32, #tpu.memory_space<vmem>>, vector<16xf32>,
        %add3A_290 = arith.constant 12 : i32
        %add3A_291 = vector.broadcast %add3A_290 : i32 to vector<16xi32>
        %add3A_292 = arith.addi %get3A_167, %add3A_291 : vector<16xi32>
        %gather3A_293 = tpu.vector_load_idx %arg8[%add3A_170, %add3A_292] : memref<128x128xf32, #tpu.memory_space<vmem>>[vector<16xi32>, vector<16xi32>], vector<16xf32>,
        %swap3A_294 = arith.constant 0 : i32
        %swap3A_295 = arith.constant 12 : i32
        %swap3A_296 = arith.index_cast %swap3A_294 : i32 to index
        %swap3A_297 = arith.index_cast %swap3A_295 : i32 to index
        %swap3A_298 = arith.constant 0 : index
        %swap3A_299 = tpu.vector_load %arg9[%swap3A_296, %swap3A_297, %swap3A_298] {strides = array<i32>} : memref<1x32x128xf32, #tpu.memory_space<vmem>>, vector<16xf32>,
        tpu.vector_store %arg9[%swap3A_296, %swap3A_297, %swap3A_298], %gather3A_293 {strides = array<i32>} : memref<1x32x128xf32, #tpu.memory_space<vmem>>, vector<16xf32>,
        %add3A_300 = arith.constant 13 : i32
        %add3A_301 = vector.broadcast %add3A_300 : i32 to vector<16xi32>
        %add3A_302 = arith.addi %get3A_167, %add3A_301 : vector<16xi32>
        %gather3A_303 = tpu.vector_load_idx %arg8[%add3A_170, %add3A_302] : memref<128x128xf32, #tpu.memory_space<vmem>>[vector<16xi32>, vector<16xi32>], vector<16xf32>,
        %swap3A_304 = arith.constant 0 : i32
        %swap3A_305 = arith.constant 13 : i32
        %swap3A_306 = arith.index_cast %swap3A_304 : i32 to index
        %swap3A_307 = arith.index_cast %swap3A_305 : i32 to index
        %swap3A_308 = arith.constant 0 : index
        %swap3A_309 = tpu.vector_load %arg9[%swap3A_306, %swap3A_307, %swap3A_308] {strides = array<i32>} : memref<1x32x128xf32, #tpu.memory_space<vmem>>, vector<16xf32>,
        tpu.vector_store %arg9[%swap3A_306, %swap3A_307, %swap3A_308], %gather3A_303 {strides = array<i32>} : memref<1x32x128xf32, #tpu.memory_space<vmem>>, vector<16xf32>,
        %add3A_310 = arith.constant 14 : i32
        %add3A_311 = vector.broadcast %add3A_310 : i32 to vector<16xi32>
        %add3A_312 = arith.addi %get3A_167, %add3A_311 : vector<16xi32>
        %gather3A_313 = tpu.vector_load_idx %arg8[%add3A_170, %add3A_312] : memref<128x128xf32, #tpu.memory_space<vmem>>[vector<16xi32>, vector<16xi32>], vector<16xf32>,
        %swap3A_314 = arith.constant 0 : i32
        %swap3A_315 = arith.constant 14 : i32
        %swap3A_316 = arith.index_cast %swap3A_314 : i32 to index
        %swap3A_317 = arith.index_cast %swap3A_315 : i32 to index
        %swap3A_318 = arith.constant 0 : index
        %swap3A_319 = tpu.vector_load %arg9[%swap3A_316, %swap3A_317, %swap3A_318] {strides = array<i32>} : memref<1x32x128xf32, #tpu.memory_space<vmem>>, vector<16xf32>,
        tpu.vector_store %arg9[%swap3A_316, %swap3A_317, %swap3A_318], %gather3A_313 {strides = array<i32>} : memref<1x32x128xf32, #tpu.memory_space<vmem>>, vector<16xf32>,
        %add3A_320 = arith.constant 15 : i32
        %add3A_321 = vector.broadcast %add3A_320 : i32 to vector<16xi32>
        %add3A_322 = arith.addi %get3A_167, %add3A_321 : vector<16xi32>
        %gather3A_323 = tpu.vector_load_idx %arg8[%add3A_170, %add3A_322] : memref<128x128xf32, #tpu.memory_space<vmem>>[vector<16xi32>, vector<16xi32>], vector<16xf32>,
        %swap3A_324 = arith.constant 0 : i32
        %swap3A_325 = arith.constant 15 : i32
        %swap3A_326 = arith.index_cast %swap3A_324 : i32 to index
        %swap3A_327 = arith.index_cast %swap3A_325 : i32 to index
        %swap3A_328 = arith.constant 0 : index
        %swap3A_329 = tpu.vector_load %arg9[%swap3A_326, %swap3A_327, %swap3A_328] {strides = array<i32>} : memref<1x32x128xf32, #tpu.memory_space<vmem>>, vector<16xf32>,
        tpu.vector_store %arg9[%swap3A_326, %swap3A_327, %swap3A_328], %gather3A_323 {strides = array<i32>} : memref<1x32x128xf32, #tpu.memory_space<vmem>>, vector<16xf32>,
        %add3A_330 = arith.constant 16 : i32
        %add3A_331 = vector.broadcast %add3A_330 : i32 to vector<16xi32>
        %add3A_332 = arith.addi %get3A_167, %add3A_331 : vector<16xi32>
        %gather3A_333 = tpu.vector_load_idx %arg8[%add3A_170, %add3A_332] : memref<128x128xf32, #tpu.memory_space<vmem>>[vector<16xi32>, vector<16xi32>], vector<16xf32>,
        %swap3A_334 = arith.constant 0 : i32
        %swap3A_335 = arith.constant 16 : i32
        %swap3A_336 = arith.index_cast %swap3A_334 : i32 to index
        %swap3A_337 = arith.index_cast %swap3A_335 : i32 to index
        %swap3A_338 = arith.constant 0 : index
        %swap3A_339 = tpu.vector_load %arg9[%swap3A_336, %swap3A_337, %swap3A_338] {strides = array<i32>} : memref<1x32x128xf32, #tpu.memory_space<vmem>>, vector<16xf32>,
        tpu.vector_store %arg9[%swap3A_336, %swap3A_337, %swap3A_338], %gather3A_333 {strides = array<i32>} : memref<1x32x128xf32, #tpu.memory_space<vmem>>, vector<16xf32>,
        %add3A_340 = arith.constant 17 : i32
        %add3A_341 = vector.broadcast %add3A_340 : i32 to vector<16xi32>
        %add3A_342 = arith.addi %get3A_167, %add3A_341 : vector<16xi32>
        %gather3A_343 = tpu.vector_load_idx %arg8[%add3A_170, %add3A_342] : memref<128x128xf32, #tpu.memory_space<vmem>>[vector<16xi32>, vector<16xi32>], vector<16xf32>,
        %swap3A_344 = arith.constant 0 : i32
        %swap3A_345 = arith.constant 17 : i32
        %swap3A_346 = arith.index_cast %swap3A_344 : i32 to index
        %swap3A_347 = arith.index_cast %swap3A_345 : i32 to index
        %swap3A_348 = arith.constant 0 : index
        %swap3A_349 = tpu.vector_load %arg9[%swap3A_346, %swap3A_347, %swap3A_348] {strides = array<i32>} : memref<1x32x128xf32, #tpu.memory_space<vmem>>, vector<16xf32>,
        tpu.vector_store %arg9[%swap3A_346, %swap3A_347, %swap3A_348], %gather3A_343 {strides = array<i32>} : memref<1x32x128xf32, #tpu.memory_space<vmem>>, vector<16xf32>,
        %add3A_350 = arith.constant 18 : i32
        %add3A_351 = vector.broadcast %add3A_350 : i32 to vector<16xi32>
        %add3A_352 = arith.addi %get3A_167, %add3A_351 : vector<16xi32>
        %gather3A_353 = tpu.vector_load_idx %arg8[%add3A_170, %add3A_352] : memref<128x128xf32, #tpu.memory_space<vmem>>[vector<16xi32>, vector<16xi32>], vector<16xf32>,
        %swap3A_354 = arith.constant 0 : i32
        %swap3A_355 = arith.constant 18 : i32
        %swap3A_356 = arith.index_cast %swap3A_354 : i32 to index
        %swap3A_357 = arith.index_cast %swap3A_355 : i32 to index
        %swap3A_358 = arith.constant 0 : index
        %swap3A_359 = tpu.vector_load %arg9[%swap3A_356, %swap3A_357, %swap3A_358] {strides = array<i32>} : memref<1x32x128xf32, #tpu.memory_space<vmem>>, vector<16xf32>,
        tpu.vector_store %arg9[%swap3A_356, %swap3A_357, %swap3A_358], %gather3A_353 {strides = array<i32>} : memref<1x32x128xf32, #tpu.memory_space<vmem>>, vector<16xf32>,
        %add3A_360 = arith.constant 19 : i32
        %add3A_361 = vector.broadcast %add3A_360 : i32 to vector<16xi32>
        %add3A_362 = arith.addi %get3A_167, %add3A_361 : vector<16xi32>
        %gather3A_363 = tpu.vector_load_idx %arg8[%add3A_170, %add3A_362] : memref<128x128xf32, #tpu.memory_space<vmem>>[vector<16xi32>, vector<16xi32>], vector<16xf32>,
        %swap3A_364 = arith.constant 0 : i32
        %swap3A_365 = arith.constant 19 : i32
        %swap3A_366 = arith.index_cast %swap3A_364 : i32 to index
        %swap3A_367 = arith.index_cast %swap3A_365 : i32 to index
        %swap3A_368 = arith.constant 0 : index
        %swap3A_369 = tpu.vector_load %arg9[%swap3A_366, %swap3A_367, %swap3A_368] {strides = array<i32>} : memref<1x32x128xf32, #tpu.memory_space<vmem>>, vector<16xf32>,
        tpu.vector_store %arg9[%swap3A_366, %swap3A_367, %swap3A_368], %gather3A_363 {strides = array<i32>} : memref<1x32x128xf32, #tpu.memory_space<vmem>>, vector<16xf32>,
        %add3A_370 = arith.constant 20 : i32
        %add3A_371 = vector.broadcast %add3A_370 : i32 to vector<16xi32>
        %add3A_372 = arith.addi %get3A_167, %add3A_371 : vector<16xi32>
        %gather3A_373 = tpu.vector_load_idx %arg8[%add3A_170, %add3A_372] : memref<128x128xf32, #tpu.memory_space<vmem>>[vector<16xi32>, vector<16xi32>], vector<16xf32>,
        %swap3A_374 = arith.constant 0 : i32
        %swap3A_375 = arith.constant 20 : i32
        %swap3A_376 = arith.index_cast %swap3A_374 : i32 to index
        %swap3A_377 = arith.index_cast %swap3A_375 : i32 to index
        %swap3A_378 = arith.constant 0 : index
        %swap3A_379 = tpu.vector_load %arg9[%swap3A_376, %swap3A_377, %swap3A_378] {strides = array<i32>} : memref<1x32x128xf32, #tpu.memory_space<vmem>>, vector<16xf32>,
        tpu.vector_store %arg9[%swap3A_376, %swap3A_377, %swap3A_378], %gather3A_373 {strides = array<i32>} : memref<1x32x128xf32, #tpu.memory_space<vmem>>, vector<16xf32>,
        %add3A_380 = arith.constant 21 : i32
        %add3A_381 = vector.broadcast %add3A_380 : i32 to vector<16xi32>
        %add3A_382 = arith.addi %get3A_167, %add3A_381 : vector<16xi32>
        %gather3A_383 = tpu.vector_load_idx %arg8[%add3A_170, %add3A_382] : memref<128x128xf32, #tpu.memory_space<vmem>>[vector<16xi32>, vector<16xi32>], vector<16xf32>,
        %swap3A_384 = arith.constant 0 : i32
        %swap3A_385 = arith.constant 21 : i32
        %swap3A_386 = arith.index_cast %swap3A_384 : i32 to index
        %swap3A_387 = arith.index_cast %swap3A_385 : i32 to index
        %swap3A_388 = arith.constant 0 : index
        %swap3A_389 = tpu.vector_load %arg9[%swap3A_386, %swap3A_387, %swap3A_388] {strides = array<i32>} : memref<1x32x128xf32, #tpu.memory_space<vmem>>, vector<16xf32>,
        tpu.vector_store %arg9[%swap3A_386, %swap3A_387, %swap3A_388], %gather3A_383 {strides = array<i32>} : memref<1x32x128xf32, #tpu.memory_space<vmem>>, vector<16xf32>,
        %add3A_390 = arith.constant 22 : i32
        %add3A_391 = vector.broadcast %add3A_390 : i32 to vector<16xi32>
        %add3A_392 = arith.addi %get3A_167, %add3A_391 : vector<16xi32>
        %gather3A_393 = tpu.vector_load_idx %arg8[%add3A_170, %add3A_392] : memref<128x128xf32, #tpu.memory_space<vmem>>[vector<16xi32>, vector<16xi32>], vector<16xf32>,
        %swap3A_394 = arith.constant 0 : i32
        %swap3A_395 = arith.constant 22 : i32
        %swap3A_396 = arith.index_cast %swap3A_394 : i32 to index
        %swap3A_397 = arith.index_cast %swap3A_395 : i32 to index
        %swap3A_398 = arith.constant 0 : index
        %swap3A_399 = tpu.vector_load %arg9[%swap3A_396, %swap3A_397, %swap3A_398] {strides = array<i32>} : memref<1x32x128xf32, #tpu.memory_space<vmem>>, vector<16xf32>,
        tpu.vector_store %arg9[%swap3A_396, %swap3A_397, %swap3A_398], %gather3A_393 {strides = array<i32>} : memref<1x32x128xf32, #tpu.memory_space<vmem>>, vector<16xf32>,
        %add3A_400 = arith.constant 23 : i32
        %add3A_401 = vector.broadcast %add3A_400 : i32 to vector<16xi32>
        %add3A_402 = arith.addi %get3A_167, %add3A_401 : vector<16xi32>
        %gather3A_403 = tpu.vector_load_idx %arg8[%add3A_170, %add3A_402] : memref<128x128xf32, #tpu.memory_space<vmem>>[vector<16xi32>, vector<16xi32>], vector<16xf32>,
        %swap3A_404 = arith.constant 0 : i32
        %swap3A_405 = arith.constant 23 : i32
        %swap3A_406 = arith.index_cast %swap3A_404 : i32 to index
        %swap3A_407 = arith.index_cast %swap3A_405 : i32 to index
        %swap3A_408 = arith.constant 0 : index
        %swap3A_409 = tpu.vector_load %arg9[%swap3A_406, %swap3A_407, %swap3A_408] {strides = array<i32>} : memref<1x32x128xf32, #tpu.memory_space<vmem>>, vector<16xf32>,
        tpu.vector_store %arg9[%swap3A_406, %swap3A_407, %swap3A_408], %gather3A_403 {strides = array<i32>} : memref<1x32x128xf32, #tpu.memory_space<vmem>>, vector<16xf32>,
        %add3A_410 = arith.constant 24 : i32
        %add3A_411 = vector.broadcast %add3A_410 : i32 to vector<16xi32>
        %add3A_412 = arith.addi %get3A_167, %add3A_411 : vector<16xi32>
        %gather3A_413 = tpu.vector_load_idx %arg8[%add3A_170, %add3A_412] : memref<128x128xf32, #tpu.memory_space<vmem>>[vector<16xi32>, vector<16xi32>], vector<16xf32>,
        %swap3A_414 = arith.constant 0 : i32
        %swap3A_415 = arith.constant 24 : i32
        %swap3A_416 = arith.index_cast %swap3A_414 : i32 to index
        %swap3A_417 = arith.index_cast %swap3A_415 : i32 to index
        %swap3A_418 = arith.constant 0 : index
        %swap3A_419 = tpu.vector_load %arg9[%swap3A_416, %swap3A_417, %swap3A_418] {strides = array<i32>} : memref<1x32x128xf32, #tpu.memory_space<vmem>>, vector<16xf32>,
        tpu.vector_store %arg9[%swap3A_416, %swap3A_417, %swap3A_418], %gather3A_413 {strides = array<i32>} : memref<1x32x128xf32, #tpu.memory_space<vmem>>, vector<16xf32>,
        %add3A_420 = arith.constant 25 : i32
        %add3A_421 = vector.broadcast %add3A_420 : i32 to vector<16xi32>
        %add3A_422 = arith.addi %get3A_167, %add3A_421 : vector<16xi32>
        %gather3A_423 = tpu.vector_load_idx %arg8[%add3A_170, %add3A_422] : memref<128x128xf32, #tpu.memory_space<vmem>>[vector<16xi32>, vector<16xi32>], vector<16xf32>,
        %swap3A_424 = arith.constant 0 : i32
        %swap3A_425 = arith.constant 25 : i32
        %swap3A_426 = arith.index_cast %swap3A_424 : i32 to index
        %swap3A_427 = arith.index_cast %swap3A_425 : i32 to index
        %swap3A_428 = arith.constant 0 : index
        %swap3A_429 = tpu.vector_load %arg9[%swap3A_426, %swap3A_427, %swap3A_428] {strides = array<i32>} : memref<1x32x128xf32, #tpu.memory_space<vmem>>, vector<16xf32>,
        tpu.vector_store %arg9[%swap3A_426, %swap3A_427, %swap3A_428], %gather3A_423 {strides = array<i32>} : memref<1x32x128xf32, #tpu.memory_space<vmem>>, vector<16xf32>,
        %add3A_430 = arith.constant 26 : i32
        %add3A_431 = vector.broadcast %add3A_430 : i32 to vector<16xi32>
        %add3A_432 = arith.addi %get3A_167, %add3A_431 : vector<16xi32>
        %gather3A_433 = tpu.vector_load_idx %arg8[%add3A_170, %add3A_432] : memref<128x128xf32, #tpu.memory_space<vmem>>[vector<16xi32>, vector<16xi32>], vector<16xf32>,
        %swap3A_434 = arith.constant 0 : i32
        %swap3A_435 = arith.constant 26 : i32
        %swap3A_436 = arith.index_cast %swap3A_434 : i32 to index
        %swap3A_437 = arith.index_cast %swap3A_435 : i32 to index
        %swap3A_438 = arith.constant 0 : index
        %swap3A_439 = tpu.vector_load %arg9[%swap3A_436, %swap3A_437, %swap3A_438] {strides = array<i32>} : memref<1x32x128xf32, #tpu.memory_space<vmem>>, vector<16xf32>,
        tpu.vector_store %arg9[%swap3A_436, %swap3A_437, %swap3A_438], %gather3A_433 {strides = array<i32>} : memref<1x32x128xf32, #tpu.memory_space<vmem>>, vector<16xf32>,
        %add3A_440 = arith.constant 27 : i32
        %add3A_441 = vector.broadcast %add3A_440 : i32 to vector<16xi32>
        %add3A_442 = arith.addi %get3A_167, %add3A_441 : vector<16xi32>
        %gather3A_443 = tpu.vector_load_idx %arg8[%add3A_170, %add3A_442] : memref<128x128xf32, #tpu.memory_space<vmem>>[vector<16xi32>, vector<16xi32>], vector<16xf32>,
        %swap3A_444 = arith.constant 0 : i32
        %swap3A_445 = arith.constant 27 : i32
        %swap3A_446 = arith.index_cast %swap3A_444 : i32 to index
        %swap3A_447 = arith.index_cast %swap3A_445 : i32 to index
        %swap3A_448 = arith.constant 0 : index
        %swap3A_449 = tpu.vector_load %arg9[%swap3A_446, %swap3A_447, %swap3A_448] {strides = array<i32>} : memref<1x32x128xf32, #tpu.memory_space<vmem>>, vector<16xf32>,
        tpu.vector_store %arg9[%swap3A_446, %swap3A_447, %swap3A_448], %gather3A_443 {strides = array<i32>} : memref<1x32x128xf32, #tpu.memory_space<vmem>>, vector<16xf32>,
        %add3A_450 = arith.constant 28 : i32
        %add3A_451 = vector.broadcast %add3A_450 : i32 to vector<16xi32>
        %add3A_452 = arith.addi %get3A_167, %add3A_451 : vector<16xi32>
        %gather3A_453 = tpu.vector_load_idx %arg8[%add3A_170, %add3A_452] : memref<128x128xf32, #tpu.memory_space<vmem>>[vector<16xi32>, vector<16xi32>], vector<16xf32>,
        %swap3A_454 = arith.constant 0 : i32
        %swap3A_455 = arith.constant 28 : i32
        %swap3A_456 = arith.index_cast %swap3A_454 : i32 to index
        %swap3A_457 = arith.index_cast %swap3A_455 : i32 to index
        %swap3A_458 = arith.constant 0 : index
        %swap3A_459 = tpu.vector_load %arg9[%swap3A_456, %swap3A_457, %swap3A_458] {strides = array<i32>} : memref<1x32x128xf32, #tpu.memory_space<vmem>>, vector<16xf32>,
        tpu.vector_store %arg9[%swap3A_456, %swap3A_457, %swap3A_458], %gather3A_453 {strides = array<i32>} : memref<1x32x128xf32, #tpu.memory_space<vmem>>, vector<16xf32>,
        %add3A_460 = arith.constant 29 : i32
        %add3A_461 = vector.broadcast %add3A_460 : i32 to vector<16xi32>
        %add3A_462 = arith.addi %get3A_167, %add3A_461 : vector<16xi32>
        %gather3A_463 = tpu.vector_load_idx %arg8[%add3A_170, %add3A_462] : memref<128x128xf32, #tpu.memory_space<vmem>>[vector<16xi32>, vector<16xi32>], vector<16xf32>,
        %swap3A_464 = arith.constant 0 : i32
        %swap3A_465 = arith.constant 29 : i32
        %swap3A_466 = arith.index_cast %swap3A_464 : i32 to index
        %swap3A_467 = arith.index_cast %swap3A_465 : i32 to index
        %swap3A_468 = arith.constant 0 : index
        %swap3A_469 = tpu.vector_load %arg9[%swap3A_466, %swap3A_467, %swap3A_468] {strides = array<i32>} : memref<1x32x128xf32, #tpu.memory_space<vmem>>, vector<16xf32>,
        tpu.vector_store %arg9[%swap3A_466, %swap3A_467, %swap3A_468], %gather3A_463 {strides = array<i32>} : memref<1x32x128xf32, #tpu.memory_space<vmem>>, vector<16xf32>,
        %add3A_470 = arith.constant 30 : i32
        %add3A_471 = vector.broadcast %add3A_470 : i32 to vector<16xi32>
        %add3A_472 = arith.addi %get3A_167, %add3A_471 : vector<16xi32>
        %gather3A_473 = tpu.vector_load_idx %arg8[%add3A_170, %add3A_472] : memref<128x128xf32, #tpu.memory_space<vmem>>[vector<16xi32>, vector<16xi32>], vector<16xf32>,
        %swap3A_474 = arith.constant 0 : i32
        %swap3A_475 = arith.constant 30 : i32
        %swap3A_476 = arith.index_cast %swap3A_474 : i32 to index
        %swap3A_477 = arith.index_cast %swap3A_475 : i32 to index
        %swap3A_478 = arith.constant 0 : index
        %swap3A_479 = tpu.vector_load %arg9[%swap3A_476, %swap3A_477, %swap3A_478] {strides = array<i32>} : memref<1x32x128xf32, #tpu.memory_space<vmem>>, vector<16xf32>,
        tpu.vector_store %arg9[%swap3A_476, %swap3A_477, %swap3A_478], %gather3A_473 {strides = array<i32>} : memref<1x32x128xf32, #tpu.memory_space<vmem>>, vector<16xf32>,
        %add3A_480 = arith.constant 31 : i32
        %add3A_481 = vector.broadcast %add3A_480 : i32 to vector<16xi32>
        %add3A_482 = arith.addi %get3A_167, %add3A_481 : vector<16xi32>
        %gather3A_483 = tpu.vector_load_idx %arg8[%add3A_170, %add3A_482] : memref<128x128xf32, #tpu.memory_space<vmem>>[vector<16xi32>, vector<16xi32>], vector<16xf32>,
        %swap3A_484 = arith.constant 0 : i32
        %swap3A_485 = arith.constant 31 : i32
        %swap3A_486 = arith.index_cast %swap3A_484 : i32 to index
        %swap3A_487 = arith.index_cast %swap3A_485 : i32 to index
        %swap3A_488 = arith.constant 0 : index
        %swap3A_489 = tpu.vector_load %arg9[%swap3A_486, %swap3A_487, %swap3A_488] {strides = array<i32>} : memref<1x32x128xf32, #tpu.memory_space<vmem>>, vector<16xf32>,
        tpu.vector_store %arg9[%swap3A_486, %swap3A_487, %swap3A_488], %gather3A_483 {strides = array<i32>} : memref<1x32x128xf32, #tpu.memory_space<vmem>>, vector<16xf32>,
        %get3A_490 = arith.constant 16 : index
        %get3A_491 = tpu.vector_load %arg7[%get3A_490] {strides = array<i32>} : memref<128xi32, #tpu.memory_space<vmem>>, vector<16xi32>,
        %add3A_492 = arith.constant 16 : i32
        %add3A_493 = vector.broadcast %add3A_492 : i32 to vector<16xi32>
        %add3A_494 = arith.addi %iota3A, %add3A_493 : vector<16xi32>
        %add3A_495 = arith.constant 0 : i32
        %add3A_496 = vector.broadcast %add3A_495 : i32 to vector<16xi32>
        %add3A_497 = arith.addi %get3A_491, %add3A_496 : vector<16xi32>
        %gather3A_498 = tpu.vector_load_idx %arg8[%add3A_494, %add3A_497] : memref<128x128xf32, #tpu.memory_space<vmem>>[vector<16xi32>, vector<16xi32>], vector<16xf32>,
        %swap3A_499 = arith.constant 0 : i32
        %swap3A_500 = arith.constant 0 : i32
        %swap3A_501 = arith.index_cast %swap3A_499 : i32 to index
        %swap3A_502 = arith.index_cast %swap3A_500 : i32 to index
        %swap3A_503 = arith.constant 16 : index
        %swap3A_504 = tpu.vector_load %arg9[%swap3A_501, %swap3A_502, %swap3A_503] {strides = array<i32>} : memref<1x32x128xf32, #tpu.memory_space<vmem>>, vector<16xf32>,
        tpu.vector_store %arg9[%swap3A_501, %swap3A_502, %swap3A_503], %gather3A_498 {strides = array<i32>} : memref<1x32x128xf32, #tpu.memory_space<vmem>>, vector<16xf32>,
        %add3A_505 = arith.constant 1 : i32
        %add3A_506 = vector.broadcast %add3A_505 : i32 to vector<16xi32>
        %add3A_507 = arith.addi %get3A_491, %add3A_506 : vector<16xi32>
        %gather3A_508 = tpu.vector_load_idx %arg8[%add3A_494, %add3A_507] : memref<128x128xf32, #tpu.memory_space<vmem>>[vector<16xi32>, vector<16xi32>], vector<16xf32>,
        %swap3A_509 = arith.constant 0 : i32
        %swap3A_510 = arith.constant 1 : i32
        %swap3A_511 = arith.index_cast %swap3A_509 : i32 to index
        %swap3A_512 = arith.index_cast %swap3A_510 : i32 to index
        %swap3A_513 = arith.constant 16 : index
        %swap3A_514 = tpu.vector_load %arg9[%swap3A_511, %swap3A_512, %swap3A_513] {strides = array<i32>} : memref<1x32x128xf32, #tpu.memory_space<vmem>>, vector<16xf32>,
        tpu.vector_store %arg9[%swap3A_511, %swap3A_512, %swap3A_513], %gather3A_508 {strides = array<i32>} : memref<1x32x128xf32, #tpu.memory_space<vmem>>, vector<16xf32>,
        %add3A_515 = arith.constant 2 : i32
        %add3A_516 = vector.broadcast %add3A_515 : i32 to vector<16xi32>
        %add3A_517 = arith.addi %get3A_491, %add3A_516 : vector<16xi32>
        %gather3A_518 = tpu.vector_load_idx %arg8[%add3A_494, %add3A_517] : memref<128x128xf32, #tpu.memory_space<vmem>>[vector<16xi32>, vector<16xi32>], vector<16xf32>,
        %swap3A_519 = arith.constant 0 : i32
        %swap3A_520 = arith.constant 2 : i32
        %swap3A_521 = arith.index_cast %swap3A_519 : i32 to index
        %swap3A_522 = arith.index_cast %swap3A_520 : i32 to index
        %swap3A_523 = arith.constant 16 : index
        %swap3A_524 = tpu.vector_load %arg9[%swap3A_521, %swap3A_522, %swap3A_523] {strides = array<i32>} : memref<1x32x128xf32, #tpu.memory_space<vmem>>, vector<16xf32>,
        tpu.vector_store %arg9[%swap3A_521, %swap3A_522, %swap3A_523], %gather3A_518 {strides = array<i32>} : memref<1x32x128xf32, #tpu.memory_space<vmem>>, vector<16xf32>,
        %add3A_525 = arith.constant 3 : i32
        %add3A_526 = vector.broadcast %add3A_525 : i32 to vector<16xi32>
        %add3A_527 = arith.addi %get3A_491, %add3A_526 : vector<16xi32>
        %gather3A_528 = tpu.vector_load_idx %arg8[%add3A_494, %add3A_527] : memref<128x128xf32, #tpu.memory_space<vmem>>[vector<16xi32>, vector<16xi32>], vector<16xf32>,
        %swap3A_529 = arith.constant 0 : i32
        %swap3A_530 = arith.constant 3 : i32
        %swap3A_531 = arith.index_cast %swap3A_529 : i32 to index
        %swap3A_532 = arith.index_cast %swap3A_530 : i32 to index
        %swap3A_533 = arith.constant 16 : index
        %swap3A_534 = tpu.vector_load %arg9[%swap3A_531, %swap3A_532, %swap3A_533] {strides = array<i32>} : memref<1x32x128xf32, #tpu.memory_space<vmem>>, vector<16xf32>,
        tpu.vector_store %arg9[%swap3A_531, %swap3A_532, %swap3A_533], %gather3A_528 {strides = array<i32>} : memref<1x32x128xf32, #tpu.memory_space<vmem>>, vector<16xf32>,
        %add3A_535 = arith.constant 4 : i32
        %add3A_536 = vector.broadcast %add3A_535 : i32 to vector<16xi32>
        %add3A_537 = arith.addi %get3A_491, %add3A_536 : vector<16xi32>
        %gather3A_538 = tpu.vector_load_idx %arg8[%add3A_494, %add3A_537] : memref<128x128xf32, #tpu.memory_space<vmem>>[vector<16xi32>, vector<16xi32>], vector<16xf32>,
        %swap3A_539 = arith.constant 0 : i32
        %swap3A_540 = arith.constant 4 : i32
        %swap3A_541 = arith.index_cast %swap3A_539 : i32 to index
        %swap3A_542 = arith.index_cast %swap3A_540 : i32 to index
        %swap3A_543 = arith.constant 16 : index
        %swap3A_544 = tpu.vector_load %arg9[%swap3A_541, %swap3A_542, %swap3A_543] {strides = array<i32>} : memref<1x32x128xf32, #tpu.memory_space<vmem>>, vector<16xf32>,
        tpu.vector_store %arg9[%swap3A_541, %swap3A_542, %swap3A_543], %gather3A_538 {strides = array<i32>} : memref<1x32x128xf32, #tpu.memory_space<vmem>>, vector<16xf32>,
        %add3A_545 = arith.constant 5 : i32
        %add3A_546 = vector.broadcast %add3A_545 : i32 to vector<16xi32>
        %add3A_547 = arith.addi %get3A_491, %add3A_546 : vector<16xi32>
        %gather3A_548 = tpu.vector_load_idx %arg8[%add3A_494, %add3A_547] : memref<128x128xf32, #tpu.memory_space<vmem>>[vector<16xi32>, vector<16xi32>], vector<16xf32>,
        %swap3A_549 = arith.constant 0 : i32
        %swap3A_550 = arith.constant 5 : i32
        %swap3A_551 = arith.index_cast %swap3A_549 : i32 to index
        %swap3A_552 = arith.index_cast %swap3A_550 : i32 to index
        %swap3A_553 = arith.constant 16 : index
        %swap3A_554 = tpu.vector_load %arg9[%swap3A_551, %swap3A_552, %swap3A_553] {strides = array<i32>} : memref<1x32x128xf32, #tpu.memory_space<vmem>>, vector<16xf32>,
        tpu.vector_store %arg9[%swap3A_551, %swap3A_552, %swap3A_553], %gather3A_548 {strides = array<i32>} : memref<1x32x128xf32, #tpu.memory_space<vmem>>, vector<16xf32>,
        %add3A_555 = arith.constant 6 : i32
        %add3A_556 = vector.broadcast %add3A_555 : i32 to vector<16xi32>
        %add3A_557 = arith.addi %get3A_491, %add3A_556 : vector<16xi32>
        %gather3A_558 = tpu.vector_load_idx %arg8[%add3A_494, %add3A_557] : memref<128x128xf32, #tpu.memory_space<vmem>>[vector<16xi32>, vector<16xi32>], vector<16xf32>,
        %swap3A_559 = arith.constant 0 : i32
        %swap3A_560 = arith.constant 6 : i32
        %swap3A_561 = arith.index_cast %swap3A_559 : i32 to index
        %swap3A_562 = arith.index_cast %swap3A_560 : i32 to index
        %swap3A_563 = arith.constant 16 : index
        %swap3A_564 = tpu.vector_load %arg9[%swap3A_561, %swap3A_562, %swap3A_563] {strides = array<i32>} : memref<1x32x128xf32, #tpu.memory_space<vmem>>, vector<16xf32>,
        tpu.vector_store %arg9[%swap3A_561, %swap3A_562, %swap3A_563], %gather3A_558 {strides = array<i32>} : memref<1x32x128xf32, #tpu.memory_space<vmem>>, vector<16xf32>,
        %add3A_565 = arith.constant 7 : i32
        %add3A_566 = vector.broadcast %add3A_565 : i32 to vector<16xi32>
        %add3A_567 = arith.addi %get3A_491, %add3A_566 : vector<16xi32>
        %gather3A_568 = tpu.vector_load_idx %arg8[%add3A_494, %add3A_567] : memref<128x128xf32, #tpu.memory_space<vmem>>[vector<16xi32>, vector<16xi32>], vector<16xf32>,
        %swap3A_569 = arith.constant 0 : i32
        %swap3A_570 = arith.constant 7 : i32
        %swap3A_571 = arith.index_cast %swap3A_569 : i32 to index
        %swap3A_572 = arith.index_cast %swap3A_570 : i32 to index
        %swap3A_573 = arith.constant 16 : index
        %swap3A_574 = tpu.vector_load %arg9[%swap3A_571, %swap3A_572, %swap3A_573] {strides = array<i32>} : memref<1x32x128xf32, #tpu.memory_space<vmem>>, vector<16xf32>,
        tpu.vector_store %arg9[%swap3A_571, %swap3A_572, %swap3A_573], %gather3A_568 {strides = array<i32>} : memref<1x32x128xf32, #tpu.memory_space<vmem>>, vector<16xf32>,
        %add3A_575 = arith.constant 8 : i32
        %add3A_576 = vector.broadcast %add3A_575 : i32 to vector<16xi32>
        %add3A_577 = arith.addi %get3A_491, %add3A_576 : vector<16xi32>
        %gather3A_578 = tpu.vector_load_idx %arg8[%add3A_494, %add3A_577] : memref<128x128xf32, #tpu.memory_space<vmem>>[vector<16xi32>, vector<16xi32>], vector<16xf32>,
        %swap3A_579 = arith.constant 0 : i32
        %swap3A_580 = arith.constant 8 : i32
        %swap3A_581 = arith.index_cast %swap3A_579 : i32 to index
        %swap3A_582 = arith.index_cast %swap3A_580 : i32 to index
        %swap3A_583 = arith.constant 16 : index
        %swap3A_584 = tpu.vector_load %arg9[%swap3A_581, %swap3A_582, %swap3A_583] {strides = array<i32>} : memref<1x32x128xf32, #tpu.memory_space<vmem>>, vector<16xf32>,
        tpu.vector_store %arg9[%swap3A_581, %swap3A_582, %swap3A_583], %gather3A_578 {strides = array<i32>} : memref<1x32x128xf32, #tpu.memory_space<vmem>>, vector<16xf32>,
        %add3A_585 = arith.constant 9 : i32
        %add3A_586 = vector.broadcast %add3A_585 : i32 to vector<16xi32>
        %add3A_587 = arith.addi %get3A_491, %add3A_586 : vector<16xi32>
        %gather3A_588 = tpu.vector_load_idx %arg8[%add3A_494, %add3A_587] : memref<128x128xf32, #tpu.memory_space<vmem>>[vector<16xi32>, vector<16xi32>], vector<16xf32>,
        %swap3A_589 = arith.constant 0 : i32
        %swap3A_590 = arith.constant 9 : i32
        %swap3A_591 = arith.index_cast %swap3A_589 : i32 to index
        %swap3A_592 = arith.index_cast %swap3A_590 : i32 to index
        %swap3A_593 = arith.constant 16 : index
        %swap3A_594 = tpu.vector_load %arg9[%swap3A_591, %swap3A_592, %swap3A_593] {strides = array<i32>} : memref<1x32x128xf32, #tpu.memory_space<vmem>>, vector<16xf32>,
        tpu.vector_store %arg9[%swap3A_591, %swap3A_592, %swap3A_593], %gather3A_588 {strides = array<i32>} : memref<1x32x128xf32, #tpu.memory_space<vmem>>, vector<16xf32>,
        %add3A_595 = arith.constant 10 : i32
        %add3A_596 = vector.broadcast %add3A_595 : i32 to vector<16xi32>
        %add3A_597 = arith.addi %get3A_491, %add3A_596 : vector<16xi32>
        %gather3A_598 = tpu.vector_load_idx %arg8[%add3A_494, %add3A_597] : memref<128x128xf32, #tpu.memory_space<vmem>>[vector<16xi32>, vector<16xi32>], vector<16xf32>,
        %swap3A_599 = arith.constant 0 : i32
        %swap3A_600 = arith.constant 10 : i32
        %swap3A_601 = arith.index_cast %swap3A_599 : i32 to index
        %swap3A_602 = arith.index_cast %swap3A_600 : i32 to index
        %swap3A_603 = arith.constant 16 : index
        %swap3A_604 = tpu.vector_load %arg9[%swap3A_601, %swap3A_602, %swap3A_603] {strides = array<i32>} : memref<1x32x128xf32, #tpu.memory_space<vmem>>, vector<16xf32>,
        tpu.vector_store %arg9[%swap3A_601, %swap3A_602, %swap3A_603], %gather3A_598 {strides = array<i32>} : memref<1x32x128xf32, #tpu.memory_space<vmem>>, vector<16xf32>,
        %add3A_605 = arith.constant 11 : i32
        %add3A_606 = vector.broadcast %add3A_605 : i32 to vector<16xi32>
        %add3A_607 = arith.addi %get3A_491, %add3A_606 : vector<16xi32>
        %gather3A_608 = tpu.vector_load_idx %arg8[%add3A_494, %add3A_607] : memref<128x128xf32, #tpu.memory_space<vmem>>[vector<16xi32>, vector<16xi32>], vector<16xf32>,
        %swap3A_609 = arith.constant 0 : i32
        %swap3A_610 = arith.constant 11 : i32
        %swap3A_611 = arith.index_cast %swap3A_609 : i32 to index
        %swap3A_612 = arith.index_cast %swap3A_610 : i32 to index
        %swap3A_613 = arith.constant 16 : index
        %swap3A_614 = tpu.vector_load %arg9[%swap3A_611, %swap3A_612, %swap3A_613] {strides = array<i32>} : memref<1x32x128xf32, #tpu.memory_space<vmem>>, vector<16xf32>,
        tpu.vector_store %arg9[%swap3A_611, %swap3A_612, %swap3A_613], %gather3A_608 {strides = array<i32>} : memref<1x32x128xf32, #tpu.memory_space<vmem>>, vector<16xf32>,
        %add3A_615 = arith.constant 12 : i32
        %add3A_616 = vector.broadcast %add3A_615 : i32 to vector<16xi32>
        %add3A_617 = arith.addi %get3A_491, %add3A_616 : vector<16xi32>
        %gather3A_618 = tpu.vector_load_idx %arg8[%add3A_494, %add3A_617] : memref<128x128xf32, #tpu.memory_space<vmem>>[vector<16xi32>, vector<16xi32>], vector<16xf32>,
        %swap3A_619 = arith.constant 0 : i32
        %swap3A_620 = arith.constant 12 : i32
        %swap3A_621 = arith.index_cast %swap3A_619 : i32 to index
        %swap3A_622 = arith.index_cast %swap3A_620 : i32 to index
        %swap3A_623 = arith.constant 16 : index
        %swap3A_624 = tpu.vector_load %arg9[%swap3A_621, %swap3A_622, %swap3A_623] {strides = array<i32>} : memref<1x32x128xf32, #tpu.memory_space<vmem>>, vector<16xf32>,
        tpu.vector_store %arg9[%swap3A_621, %swap3A_622, %swap3A_623], %gather3A_618 {strides = array<i32>} : memref<1x32x128xf32, #tpu.memory_space<vmem>>, vector<16xf32>,
        %add3A_625 = arith.constant 13 : i32
        %add3A_626 = vector.broadcast %add3A_625 : i32 to vector<16xi32>
        %add3A_627 = arith.addi %get3A_491, %add3A_626 : vector<16xi32>
        %gather3A_628 = tpu.vector_load_idx %arg8[%add3A_494, %add3A_627] : memref<128x128xf32, #tpu.memory_space<vmem>>[vector<16xi32>, vector<16xi32>], vector<16xf32>,
        %swap3A_629 = arith.constant 0 : i32
        %swap3A_630 = arith.constant 13 : i32
        %swap3A_631 = arith.index_cast %swap3A_629 : i32 to index
        %swap3A_632 = arith.index_cast %swap3A_630 : i32 to index
        %swap3A_633 = arith.constant 16 : index
        %swap3A_634 = tpu.vector_load %arg9[%swap3A_631, %swap3A_632, %swap3A_633] {strides = array<i32>} : memref<1x32x128xf32, #tpu.memory_space<vmem>>, vector<16xf32>,
        tpu.vector_store %arg9[%swap3A_631, %swap3A_632, %swap3A_633], %gather3A_628 {strides = array<i32>} : memref<1x32x128xf32, #tpu.memory_space<vmem>>, vector<16xf32>,
        %add3A_635 = arith.constant 14 : i32
        %add3A_636 = vector.broadcast %add3A_635 : i32 to vector<16xi32>
        %add3A_637 = arith.addi %get3A_491, %add3A_636 : vector<16xi32>
        %gather3A_638 = tpu.vector_load_idx %arg8[%add3A_494, %add3A_637] : memref<128x128xf32, #tpu.memory_space<vmem>>[vector<16xi32>, vector<16xi32>], vector<16xf32>,
        %swap3A_639 = arith.constant 0 : i32
        %swap3A_640 = arith.constant 14 : i32
        %swap3A_641 = arith.index_cast %swap3A_639 : i32 to index
        %swap3A_642 = arith.index_cast %swap3A_640 : i32 to index
        %swap3A_643 = arith.constant 16 : index
        %swap3A_644 = tpu.vector_load %arg9[%swap3A_641, %swap3A_642, %swap3A_643] {strides = array<i32>} : memref<1x32x128xf32, #tpu.memory_space<vmem>>, vector<16xf32>,
        tpu.vector_store %arg9[%swap3A_641, %swap3A_642, %swap3A_643], %gather3A_638 {strides = array<i32>} : memref<1x32x128xf32, #tpu.memory_space<vmem>>, vector<16xf32>,
        %add3A_645 = arith.constant 15 : i32
        %add3A_646 = vector.broadcast %add3A_645 : i32 to vector<16xi32>
        %add3A_647 = arith.addi %get3A_491, %add3A_646 : vector<16xi32>
        %gather3A_648 = tpu.vector_load_idx %arg8[%add3A_494, %add3A_647] : memref<128x128xf32, #tpu.memory_space<vmem>>[vector<16xi32>, vector<16xi32>], vector<16xf32>,
        %swap3A_649 = arith.constant 0 : i32
        %swap3A_650 = arith.constant 15 : i32
        %swap3A_651 = arith.index_cast %swap3A_649 : i32 to index
        %swap3A_652 = arith.index_cast %swap3A_650 : i32 to index
        %swap3A_653 = arith.constant 16 : index
        %swap3A_654 = tpu.vector_load %arg9[%swap3A_651, %swap3A_652, %swap3A_653] {strides = array<i32>} : memref<1x32x128xf32, #tpu.memory_space<vmem>>, vector<16xf32>,
        tpu.vector_store %arg9[%swap3A_651, %swap3A_652, %swap3A_653], %gather3A_648 {strides = array<i32>} : memref<1x32x128xf32, #tpu.memory_space<vmem>>, vector<16xf32>,
        %add3A_655 = arith.constant 16 : i32
        %add3A_656 = vector.broadcast %add3A_655 : i32 to vector<16xi32>
        %add3A_657 = arith.addi %get3A_491, %add3A_656 : vector<16xi32>
        %gather3A_658 = tpu.vector_load_idx %arg8[%add3A_494, %add3A_657] : memref<128x128xf32, #tpu.memory_space<vmem>>[vector<16xi32>, vector<16xi32>], vector<16xf32>,
        %swap3A_659 = arith.constant 0 : i32
        %swap3A_660 = arith.constant 16 : i32
        %swap3A_661 = arith.index_cast %swap3A_659 : i32 to index
        %swap3A_662 = arith.index_cast %swap3A_660 : i32 to index
        %swap3A_663 = arith.constant 16 : index
        %swap3A_664 = tpu.vector_load %arg9[%swap3A_661, %swap3A_662, %swap3A_663] {strides = array<i32>} : memref<1x32x128xf32, #tpu.memory_space<vmem>>, vector<16xf32>,
        tpu.vector_store %arg9[%swap3A_661, %swap3A_662, %swap3A_663], %gather3A_658 {strides = array<i32>} : memref<1x32x128xf32, #tpu.memory_space<vmem>>, vector<16xf32>,
        %add3A_665 = arith.constant 17 : i32
        %add3A_666 = vector.broadcast %add3A_665 : i32 to vector<16xi32>
        %add3A_667 = arith.addi %get3A_491, %add3A_666 : vector<16xi32>
        %gather3A_668 = tpu.vector_load_idx %arg8[%add3A_494, %add3A_667] : memref<128x128xf32, #tpu.memory_space<vmem>>[vector<16xi32>, vector<16xi32>], vector<16xf32>,
        %swap3A_669 = arith.constant 0 : i32
        %swap3A_670 = arith.constant 17 : i32
        %swap3A_671 = arith.index_cast %swap3A_669 : i32 to index
        %swap3A_672 = arith.index_cast %swap3A_670 : i32 to index
        %swap3A_673 = arith.constant 16 : index
        %swap3A_674 = tpu.vector_load %arg9[%swap3A_671, %swap3A_672, %swap3A_673] {strides = array<i32>} : memref<1x32x128xf32, #tpu.memory_space<vmem>>, vector<16xf32>,
        tpu.vector_store %arg9[%swap3A_671, %swap3A_672, %swap3A_673], %gather3A_668 {strides = array<i32>} : memref<1x32x128xf32, #tpu.memory_space<vmem>>, vector<16xf32>,
        %add3A_675 = arith.constant 18 : i32
        %add3A_676 = vector.broadcast %add3A_675 : i32 to vector<16xi32>
        %add3A_677 = arith.addi %get3A_491, %add3A_676 : vector<16xi32>
        %gather3A_678 = tpu.vector_load_idx %arg8[%add3A_494, %add3A_677] : memref<128x128xf32, #tpu.memory_space<vmem>>[vector<16xi32>, vector<16xi32>], vector<16xf32>,
        %swap3A_679 = arith.constant 0 : i32
        %swap3A_680 = arith.constant 18 : i32
        %swap3A_681 = arith.index_cast %swap3A_679 : i32 to index
        %swap3A_682 = arith.index_cast %swap3A_680 : i32 to index
        %swap3A_683 = arith.constant 16 : index
        %swap3A_684 = tpu.vector_load %arg9[%swap3A_681, %swap3A_682, %swap3A_683] {strides = array<i32>} : memref<1x32x128xf32, #tpu.memory_space<vmem>>, vector<16xf32>,
        tpu.vector_store %arg9[%swap3A_681, %swap3A_682, %swap3A_683], %gather3A_678 {strides = array<i32>} : memref<1x32x128xf32, #tpu.memory_space<vmem>>, vector<16xf32>,
        %add3A_685 = arith.constant 19 : i32
        %add3A_686 = vector.broadcast %add3A_685 : i32 to vector<16xi32>
        %add3A_687 = arith.addi %get3A_491, %add3A_686 : vector<16xi32>
        %gather3A_688 = tpu.vector_load_idx %arg8[%add3A_494, %add3A_687] : memref<128x128xf32, #tpu.memory_space<vmem>>[vector<16xi32>, vector<16xi32>], vector<16xf32>,
        %swap3A_689 = arith.constant 0 : i32
        %swap3A_690 = arith.constant 19 : i32
        %swap3A_691 = arith.index_cast %swap3A_689 : i32 to index
        %swap3A_692 = arith.index_cast %swap3A_690 : i32 to index
        %swap3A_693 = arith.constant 16 : index
        %swap3A_694 = tpu.vector_load %arg9[%swap3A_691, %swap3A_692, %swap3A_693] {strides = array<i32>} : memref<1x32x128xf32, #tpu.memory_space<vmem>>, vector<16xf32>,
        tpu.vector_store %arg9[%swap3A_691, %swap3A_692, %swap3A_693], %gather3A_688 {strides = array<i32>} : memref<1x32x128xf32, #tpu.memory_space<vmem>>, vector<16xf32>,
        %add3A_695 = arith.constant 20 : i32
        %add3A_696 = vector.broadcast %add3A_695 : i32 to vector<16xi32>
        %add3A_697 = arith.addi %get3A_491, %add3A_696 : vector<16xi32>
        %gather3A_698 = tpu.vector_load_idx %arg8[%add3A_494, %add3A_697] : memref<128x128xf32, #tpu.memory_space<vmem>>[vector<16xi32>, vector<16xi32>], vector<16xf32>,
        %swap3A_699 = arith.constant 0 : i32
        %swap3A_700 = arith.constant 20 : i32
        %swap3A_701 = arith.index_cast %swap3A_699 : i32 to index
        %swap3A_702 = arith.index_cast %swap3A_700 : i32 to index
        %swap3A_703 = arith.constant 16 : index
        %swap3A_704 = tpu.vector_load %arg9[%swap3A_701, %swap3A_702, %swap3A_703] {strides = array<i32>} : memref<1x32x128xf32, #tpu.memory_space<vmem>>, vector<16xf32>,
        tpu.vector_store %arg9[%swap3A_701, %swap3A_702, %swap3A_703], %gather3A_698 {strides = array<i32>} : memref<1x32x128xf32, #tpu.memory_space<vmem>>, vector<16xf32>,
        %add3A_705 = arith.constant 21 : i32
        %add3A_706 = vector.broadcast %add3A_705 : i32 to vector<16xi32>
        %add3A_707 = arith.addi %get3A_491, %add3A_706 : vector<16xi32>
        %gather3A_708 = tpu.vector_load_idx %arg8[%add3A_494, %add3A_707] : memref<128x128xf32, #tpu.memory_space<vmem>>[vector<16xi32>, vector<16xi32>], vector<16xf32>,
        %swap3A_709 = arith.constant 0 : i32
        %swap3A_710 = arith.constant 21 : i32
        %swap3A_711 = arith.index_cast %swap3A_709 : i32 to index
        %swap3A_712 = arith.index_cast %swap3A_710 : i32 to index
        %swap3A_713 = arith.constant 16 : index
        %swap3A_714 = tpu.vector_load %arg9[%swap3A_711, %swap3A_712, %swap3A_713] {strides = array<i32>} : memref<1x32x128xf32, #tpu.memory_space<vmem>>, vector<16xf32>,
        tpu.vector_store %arg9[%swap3A_711, %swap3A_712, %swap3A_713], %gather3A_708 {strides = array<i32>} : memref<1x32x128xf32, #tpu.memory_space<vmem>>, vector<16xf32>,
        %add3A_715 = arith.constant 22 : i32
        %add3A_716 = vector.broadcast %add3A_715 : i32 to vector<16xi32>
        %add3A_717 = arith.addi %get3A_491, %add3A_716 : vector<16xi32>
        %gather3A_718 = tpu.vector_load_idx %arg8[%add3A_494, %add3A_717] : memref<128x128xf32, #tpu.memory_space<vmem>>[vector<16xi32>, vector<16xi32>], vector<16xf32>,
        %swap3A_719 = arith.constant 0 : i32
        %swap3A_720 = arith.constant 22 : i32
        %swap3A_721 = arith.index_cast %swap3A_719 : i32 to index
        %swap3A_722 = arith.index_cast %swap3A_720 : i32 to index
        %swap3A_723 = arith.constant 16 : index
        %swap3A_724 = tpu.vector_load %arg9[%swap3A_721, %swap3A_722, %swap3A_723] {strides = array<i32>} : memref<1x32x128xf32, #tpu.memory_space<vmem>>, vector<16xf32>,
        tpu.vector_store %arg9[%swap3A_721, %swap3A_722, %swap3A_723], %gather3A_718 {strides = array<i32>} : memref<1x32x128xf32, #tpu.memory_space<vmem>>, vector<16xf32>,
        %add3A_725 = arith.constant 23 : i32
        %add3A_726 = vector.broadcast %add3A_725 : i32 to vector<16xi32>
        %add3A_727 = arith.addi %get3A_491, %add3A_726 : vector<16xi32>
        %gather3A_728 = tpu.vector_load_idx %arg8[%add3A_494, %add3A_727] : memref<128x128xf32, #tpu.memory_space<vmem>>[vector<16xi32>, vector<16xi32>], vector<16xf32>,
        %swap3A_729 = arith.constant 0 : i32
        %swap3A_730 = arith.constant 23 : i32
        %swap3A_731 = arith.index_cast %swap3A_729 : i32 to index
        %swap3A_732 = arith.index_cast %swap3A_730 : i32 to index
        %swap3A_733 = arith.constant 16 : index
        %swap3A_734 = tpu.vector_load %arg9[%swap3A_731, %swap3A_732, %swap3A_733] {strides = array<i32>} : memref<1x32x128xf32, #tpu.memory_space<vmem>>, vector<16xf32>,
        tpu.vector_store %arg9[%swap3A_731, %swap3A_732, %swap3A_733], %gather3A_728 {strides = array<i32>} : memref<1x32x128xf32, #tpu.memory_space<vmem>>, vector<16xf32>,
        %add3A_735 = arith.constant 24 : i32
        %add3A_736 = vector.broadcast %add3A_735 : i32 to vector<16xi32>
        %add3A_737 = arith.addi %get3A_491, %add3A_736 : vector<16xi32>
        %gather3A_738 = tpu.vector_load_idx %arg8[%add3A_494, %add3A_737] : memref<128x128xf32, #tpu.memory_space<vmem>>[vector<16xi32>, vector<16xi32>], vector<16xf32>,
        %swap3A_739 = arith.constant 0 : i32
        %swap3A_740 = arith.constant 24 : i32
        %swap3A_741 = arith.index_cast %swap3A_739 : i32 to index
        %swap3A_742 = arith.index_cast %swap3A_740 : i32 to index
        %swap3A_743 = arith.constant 16 : index
        %swap3A_744 = tpu.vector_load %arg9[%swap3A_741, %swap3A_742, %swap3A_743] {strides = array<i32>} : memref<1x32x128xf32, #tpu.memory_space<vmem>>, vector<16xf32>,
        tpu.vector_store %arg9[%swap3A_741, %swap3A_742, %swap3A_743], %gather3A_738 {strides = array<i32>} : memref<1x32x128xf32, #tpu.memory_space<vmem>>, vector<16xf32>,
        %add3A_745 = arith.constant 25 : i32
        %add3A_746 = vector.broadcast %add3A_745 : i32 to vector<16xi32>
        %add3A_747 = arith.addi %get3A_491, %add3A_746 : vector<16xi32>
        %gather3A_748 = tpu.vector_load_idx %arg8[%add3A_494, %add3A_747] : memref<128x128xf32, #tpu.memory_space<vmem>>[vector<16xi32>, vector<16xi32>], vector<16xf32>,
        %swap3A_749 = arith.constant 0 : i32
        %swap3A_750 = arith.constant 25 : i32
        %swap3A_751 = arith.index_cast %swap3A_749 : i32 to index
        %swap3A_752 = arith.index_cast %swap3A_750 : i32 to index
        %swap3A_753 = arith.constant 16 : index
        %swap3A_754 = tpu.vector_load %arg9[%swap3A_751, %swap3A_752, %swap3A_753] {strides = array<i32>} : memref<1x32x128xf32, #tpu.memory_space<vmem>>, vector<16xf32>,
        tpu.vector_store %arg9[%swap3A_751, %swap3A_752, %swap3A_753], %gather3A_748 {strides = array<i32>} : memref<1x32x128xf32, #tpu.memory_space<vmem>>, vector<16xf32>,
        %add3A_755 = arith.constant 26 : i32
        %add3A_756 = vector.broadcast %add3A_755 : i32 to vector<16xi32>
        %add3A_757 = arith.addi %get3A_491, %add3A_756 : vector<16xi32>
        %gather3A_758 = tpu.vector_load_idx %arg8[%add3A_494, %add3A_757] : memref<128x128xf32, #tpu.memory_space<vmem>>[vector<16xi32>, vector<16xi32>], vector<16xf32>,
        %swap3A_759 = arith.constant 0 : i32
        %swap3A_760 = arith.constant 26 : i32
        %swap3A_761 = arith.index_cast %swap3A_759 : i32 to index
        %swap3A_762 = arith.index_cast %swap3A_760 : i32 to index
        %swap3A_763 = arith.constant 16 : index
        %swap3A_764 = tpu.vector_load %arg9[%swap3A_761, %swap3A_762, %swap3A_763] {strides = array<i32>} : memref<1x32x128xf32, #tpu.memory_space<vmem>>, vector<16xf32>,
        tpu.vector_store %arg9[%swap3A_761, %swap3A_762, %swap3A_763], %gather3A_758 {strides = array<i32>} : memref<1x32x128xf32, #tpu.memory_space<vmem>>, vector<16xf32>,
        %add3A_765 = arith.constant 27 : i32
        %add3A_766 = vector.broadcast %add3A_765 : i32 to vector<16xi32>
        %add3A_767 = arith.addi %get3A_491, %add3A_766 : vector<16xi32>
        %gather3A_768 = tpu.vector_load_idx %arg8[%add3A_494, %add3A_767] : memref<128x128xf32, #tpu.memory_space<vmem>>[vector<16xi32>, vector<16xi32>], vector<16xf32>,
        %swap3A_769 = arith.constant 0 : i32
        %swap3A_770 = arith.constant 27 : i32
        %swap3A_771 = arith.index_cast %swap3A_769 : i32 to index
        %swap3A_772 = arith.index_cast %swap3A_770 : i32 to index
        %swap3A_773 = arith.constant 16 : index
        %swap3A_774 = tpu.vector_load %arg9[%swap3A_771, %swap3A_772, %swap3A_773] {strides = array<i32>} : memref<1x32x128xf32, #tpu.memory_space<vmem>>, vector<16xf32>,
        tpu.vector_store %arg9[%swap3A_771, %swap3A_772, %swap3A_773], %gather3A_768 {strides = array<i32>} : memref<1x32x128xf32, #tpu.memory_space<vmem>>, vector<16xf32>,
        %add3A_775 = arith.constant 28 : i32
        %add3A_776 = vector.broadcast %add3A_775 : i32 to vector<16xi32>
        %add3A_777 = arith.addi %get3A_491, %add3A_776 : vector<16xi32>
        %gather3A_778 = tpu.vector_load_idx %arg8[%add3A_494, %add3A_777] : memref<128x128xf32, #tpu.memory_space<vmem>>[vector<16xi32>, vector<16xi32>], vector<16xf32>,
        %swap3A_779 = arith.constant 0 : i32
        %swap3A_780 = arith.constant 28 : i32
        %swap3A_781 = arith.index_cast %swap3A_779 : i32 to index
        %swap3A_782 = arith.index_cast %swap3A_780 : i32 to index
        %swap3A_783 = arith.constant 16 : index
        %swap3A_784 = tpu.vector_load %arg9[%swap3A_781, %swap3A_782, %swap3A_783] {strides = array<i32>} : memref<1x32x128xf32, #tpu.memory_space<vmem>>, vector<16xf32>,
        tpu.vector_store %arg9[%swap3A_781, %swap3A_782, %swap3A_783], %gather3A_778 {strides = array<i32>} : memref<1x32x128xf32, #tpu.memory_space<vmem>>, vector<16xf32>,
        %add3A_785 = arith.constant 29 : i32
        %add3A_786 = vector.broadcast %add3A_785 : i32 to vector<16xi32>
        %add3A_787 = arith.addi %get3A_491, %add3A_786 : vector<16xi32>
        %gather3A_788 = tpu.vector_load_idx %arg8[%add3A_494, %add3A_787] : memref<128x128xf32, #tpu.memory_space<vmem>>[vector<16xi32>, vector<16xi32>], vector<16xf32>,
        %swap3A_789 = arith.constant 0 : i32
        %swap3A_790 = arith.constant 29 : i32
        %swap3A_791 = arith.index_cast %swap3A_789 : i32 to index
        %swap3A_792 = arith.index_cast %swap3A_790 : i32 to index
        %swap3A_793 = arith.constant 16 : index
        %swap3A_794 = tpu.vector_load %arg9[%swap3A_791, %swap3A_792, %swap3A_793] {strides = array<i32>} : memref<1x32x128xf32, #tpu.memory_space<vmem>>, vector<16xf32>,
        tpu.vector_store %arg9[%swap3A_791, %swap3A_792, %swap3A_793], %gather3A_788 {strides = array<i32>} : memref<1x32x128xf32, #tpu.memory_space<vmem>>, vector<16xf32>,
        %add3A_795 = arith.constant 30 : i32
        %add3A_796 = vector.broadcast %add3A_795 : i32 to vector<16xi32>
        %add3A_797 = arith.addi %get3A_491, %add3A_796 : vector<16xi32>
        %gather3A_798 = tpu.vector_load_idx %arg8[%add3A_494, %add3A_797] : memref<128x128xf32, #tpu.memory_space<vmem>>[vector<16xi32>, vector<16xi32>], vector<16xf32>,
        %swap3A_799 = arith.constant 0 : i32
        %swap3A_800 = arith.constant 30 : i32
        %swap3A_801 = arith.index_cast %swap3A_799 : i32 to index
        %swap3A_802 = arith.index_cast %swap3A_800 : i32 to index
        %swap3A_803 = arith.constant 16 : index
        %swap3A_804 = tpu.vector_load %arg9[%swap3A_801, %swap3A_802, %swap3A_803] {strides = array<i32>} : memref<1x32x128xf32, #tpu.memory_space<vmem>>, vector<16xf32>,
        tpu.vector_store %arg9[%swap3A_801, %swap3A_802, %swap3A_803], %gather3A_798 {strides = array<i32>} : memref<1x32x128xf32, #tpu.memory_space<vmem>>, vector<16xf32>,
        %add3A_805 = arith.constant 31 : i32
        %add3A_806 = vector.broadcast %add3A_805 : i32 to vector<16xi32>
        %add3A_807 = arith.addi %get3A_491, %add3A_806 : vector<16xi32>
        %gather3A_808 = tpu.vector_load_idx %arg8[%add3A_494, %add3A_807] : memref<128x128xf32, #tpu.memory_space<vmem>>[vector<16xi32>, vector<16xi32>], vector<16xf32>,
        %swap3A_809 = arith.constant 0 : i32
        %swap3A_810 = arith.constant 31 : i32
        %swap3A_811 = arith.index_cast %swap3A_809 : i32 to index
        %swap3A_812 = arith.index_cast %swap3A_810 : i32 to index
        %swap3A_813 = arith.constant 16 : index
        %swap3A_814 = tpu.vector_load %arg9[%swap3A_811, %swap3A_812, %swap3A_813] {strides = array<i32>} : memref<1x32x128xf32, #tpu.memory_space<vmem>>, vector<16xf32>,
        tpu.vector_store %arg9[%swap3A_811, %swap3A_812, %swap3A_813], %gather3A_808 {strides = array<i32>} : memref<1x32x128xf32, #tpu.memory_space<vmem>>, vector<16xf32>,
        %get3A_815 = arith.constant 32 : index
        %get3A_816 = tpu.vector_load %arg7[%get3A_815] {strides = array<i32>} : memref<128xi32, #tpu.memory_space<vmem>>, vector<16xi32>,
        %add3A_817 = arith.constant 32 : i32
        %add3A_818 = vector.broadcast %add3A_817 : i32 to vector<16xi32>
        %add3A_819 = arith.addi %iota3A, %add3A_818 : vector<16xi32>
        %add3A_820 = arith.constant 0 : i32
        %add3A_821 = vector.broadcast %add3A_820 : i32 to vector<16xi32>
        %add3A_822 = arith.addi %get3A_816, %add3A_821 : vector<16xi32>
        %gather3A_823 = tpu.vector_load_idx %arg8[%add3A_819, %add3A_822] : memref<128x128xf32, #tpu.memory_space<vmem>>[vector<16xi32>, vector<16xi32>], vector<16xf32>,
        %swap3A_824 = arith.constant 0 : i32
        %swap3A_825 = arith.constant 0 : i32
        %swap3A_826 = arith.index_cast %swap3A_824 : i32 to index
        %swap3A_827 = arith.index_cast %swap3A_825 : i32 to index
        %swap3A_828 = arith.constant 32 : index
        %swap3A_829 = tpu.vector_load %arg9[%swap3A_826, %swap3A_827, %swap3A_828] {strides = array<i32>} : memref<1x32x128xf32, #tpu.memory_space<vmem>>, vector<16xf32>,
        tpu.vector_store %arg9[%swap3A_826, %swap3A_827, %swap3A_828], %gather3A_823 {strides = array<i32>} : memref<1x32x128xf32, #tpu.memory_space<vmem>>, vector<16xf32>,
        %add3A_830 = arith.constant 1 : i32
        %add3A_831 = vector.broadcast %add3A_830 : i32 to vector<16xi32>
        %add3A_832 = arith.addi %get3A_816, %add3A_831 : vector<16xi32>
        %gather3A_833 = tpu.vector_load_idx %arg8[%add3A_819, %add3A_832] : memref<128x128xf32, #tpu.memory_space<vmem>>[vector<16xi32>, vector<16xi32>], vector<16xf32>,
        %swap3A_834 = arith.constant 0 : i32
        %swap3A_835 = arith.constant 1 : i32
        %swap3A_836 = arith.index_cast %swap3A_834 : i32 to index
        %swap3A_837 = arith.index_cast %swap3A_835 : i32 to index
        %swap3A_838 = arith.constant 32 : index
        %swap3A_839 = tpu.vector_load %arg9[%swap3A_836, %swap3A_837, %swap3A_838] {strides = array<i32>} : memref<1x32x128xf32, #tpu.memory_space<vmem>>, vector<16xf32>,
        tpu.vector_store %arg9[%swap3A_836, %swap3A_837, %swap3A_838], %gather3A_833 {strides = array<i32>} : memref<1x32x128xf32, #tpu.memory_space<vmem>>, vector<16xf32>,
        %add3A_840 = arith.constant 2 : i32
        %add3A_841 = vector.broadcast %add3A_840 : i32 to vector<16xi32>
        %add3A_842 = arith.addi %get3A_816, %add3A_841 : vector<16xi32>
        %gather3A_843 = tpu.vector_load_idx %arg8[%add3A_819, %add3A_842] : memref<128x128xf32, #tpu.memory_space<vmem>>[vector<16xi32>, vector<16xi32>], vector<16xf32>,
        %swap3A_844 = arith.constant 0 : i32
        %swap3A_845 = arith.constant 2 : i32
        %swap3A_846 = arith.index_cast %swap3A_844 : i32 to index
        %swap3A_847 = arith.index_cast %swap3A_845 : i32 to index
        %swap3A_848 = arith.constant 32 : index
        %swap3A_849 = tpu.vector_load %arg9[%swap3A_846, %swap3A_847, %swap3A_848] {strides = array<i32>} : memref<1x32x128xf32, #tpu.memory_space<vmem>>, vector<16xf32>,
        tpu.vector_store %arg9[%swap3A_846, %swap3A_847, %swap3A_848], %gather3A_843 {strides = array<i32>} : memref<1x32x128xf32, #tpu.memory_space<vmem>>, vector<16xf32>,
        %add3A_850 = arith.constant 3 : i32
        %add3A_851 = vector.broadcast %add3A_850 : i32 to vector<16xi32>
        %add3A_852 = arith.addi %get3A_816, %add3A_851 : vector<16xi32>
        %gather3A_853 = tpu.vector_load_idx %arg8[%add3A_819, %add3A_852] : memref<128x128xf32, #tpu.memory_space<vmem>>[vector<16xi32>, vector<16xi32>], vector<16xf32>,
        %swap3A_854 = arith.constant 0 : i32
        %swap3A_855 = arith.constant 3 : i32
        %swap3A_856 = arith.index_cast %swap3A_854 : i32 to index
        %swap3A_857 = arith.index_cast %swap3A_855 : i32 to index
        %swap3A_858 = arith.constant 32 : index
        %swap3A_859 = tpu.vector_load %arg9[%swap3A_856, %swap3A_857, %swap3A_858] {strides = array<i32>} : memref<1x32x128xf32, #tpu.memory_space<vmem>>, vector<16xf32>,
        tpu.vector_store %arg9[%swap3A_856, %swap3A_857, %swap3A_858], %gather3A_853 {strides = array<i32>} : memref<1x32x128xf32, #tpu.memory_space<vmem>>, vector<16xf32>,
        %add3A_860 = arith.constant 4 : i32
        %add3A_861 = vector.broadcast %add3A_860 : i32 to vector<16xi32>
        %add3A_862 = arith.addi %get3A_816, %add3A_861 : vector<16xi32>
        %gather3A_863 = tpu.vector_load_idx %arg8[%add3A_819, %add3A_862] : memref<128x128xf32, #tpu.memory_space<vmem>>[vector<16xi32>, vector<16xi32>], vector<16xf32>,
        %swap3A_864 = arith.constant 0 : i32
        %swap3A_865 = arith.constant 4 : i32
        %swap3A_866 = arith.index_cast %swap3A_864 : i32 to index
        %swap3A_867 = arith.index_cast %swap3A_865 : i32 to index
        %swap3A_868 = arith.constant 32 : index
        %swap3A_869 = tpu.vector_load %arg9[%swap3A_866, %swap3A_867, %swap3A_868] {strides = array<i32>} : memref<1x32x128xf32, #tpu.memory_space<vmem>>, vector<16xf32>,
        tpu.vector_store %arg9[%swap3A_866, %swap3A_867, %swap3A_868], %gather3A_863 {strides = array<i32>} : memref<1x32x128xf32, #tpu.memory_space<vmem>>, vector<16xf32>,
        %add3A_870 = arith.constant 5 : i32
        %add3A_871 = vector.broadcast %add3A_870 : i32 to vector<16xi32>
        %add3A_872 = arith.addi %get3A_816, %add3A_871 : vector<16xi32>
        %gather3A_873 = tpu.vector_load_idx %arg8[%add3A_819, %add3A_872] : memref<128x128xf32, #tpu.memory_space<vmem>>[vector<16xi32>, vector<16xi32>], vector<16xf32>,
        %swap3A_874 = arith.constant 0 : i32
        %swap3A_875 = arith.constant 5 : i32
        %swap3A_876 = arith.index_cast %swap3A_874 : i32 to index
        %swap3A_877 = arith.index_cast %swap3A_875 : i32 to index
        %swap3A_878 = arith.constant 32 : index
        %swap3A_879 = tpu.vector_load %arg9[%swap3A_876, %swap3A_877, %swap3A_878] {strides = array<i32>} : memref<1x32x128xf32, #tpu.memory_space<vmem>>, vector<16xf32>,
        tpu.vector_store %arg9[%swap3A_876, %swap3A_877, %swap3A_878], %gather3A_873 {strides = array<i32>} : memref<1x32x128xf32, #tpu.memory_space<vmem>>, vector<16xf32>,
        %add3A_880 = arith.constant 6 : i32
        %add3A_881 = vector.broadcast %add3A_880 : i32 to vector<16xi32>
        %add3A_882 = arith.addi %get3A_816, %add3A_881 : vector<16xi32>
        %gather3A_883 = tpu.vector_load_idx %arg8[%add3A_819, %add3A_882] : memref<128x128xf32, #tpu.memory_space<vmem>>[vector<16xi32>, vector<16xi32>], vector<16xf32>,
        %swap3A_884 = arith.constant 0 : i32
        %swap3A_885 = arith.constant 6 : i32
        %swap3A_886 = arith.index_cast %swap3A_884 : i32 to index
        %swap3A_887 = arith.index_cast %swap3A_885 : i32 to index
        %swap3A_888 = arith.constant 32 : index
        %swap3A_889 = tpu.vector_load %arg9[%swap3A_886, %swap3A_887, %swap3A_888] {strides = array<i32>} : memref<1x32x128xf32, #tpu.memory_space<vmem>>, vector<16xf32>,
        tpu.vector_store %arg9[%swap3A_886, %swap3A_887, %swap3A_888], %gather3A_883 {strides = array<i32>} : memref<1x32x128xf32, #tpu.memory_space<vmem>>, vector<16xf32>,
        %add3A_890 = arith.constant 7 : i32
        %add3A_891 = vector.broadcast %add3A_890 : i32 to vector<16xi32>
        %add3A_892 = arith.addi %get3A_816, %add3A_891 : vector<16xi32>
        %gather3A_893 = tpu.vector_load_idx %arg8[%add3A_819, %add3A_892] : memref<128x128xf32, #tpu.memory_space<vmem>>[vector<16xi32>, vector<16xi32>], vector<16xf32>,
        %swap3A_894 = arith.constant 0 : i32
        %swap3A_895 = arith.constant 7 : i32
        %swap3A_896 = arith.index_cast %swap3A_894 : i32 to index
        %swap3A_897 = arith.index_cast %swap3A_895 : i32 to index
        %swap3A_898 = arith.constant 32 : index
        %swap3A_899 = tpu.vector_load %arg9[%swap3A_896, %swap3A_897, %swap3A_898] {strides = array<i32>} : memref<1x32x128xf32, #tpu.memory_space<vmem>>, vector<16xf32>,
        tpu.vector_store %arg9[%swap3A_896, %swap3A_897, %swap3A_898], %gather3A_893 {strides = array<i32>} : memref<1x32x128xf32, #tpu.memory_space<vmem>>, vector<16xf32>,
        %add3A_900 = arith.constant 8 : i32
        %add3A_901 = vector.broadcast %add3A_900 : i32 to vector<16xi32>
        %add3A_902 = arith.addi %get3A_816, %add3A_901 : vector<16xi32>
        %gather3A_903 = tpu.vector_load_idx %arg8[%add3A_819, %add3A_902] : memref<128x128xf32, #tpu.memory_space<vmem>>[vector<16xi32>, vector<16xi32>], vector<16xf32>,
        %swap3A_904 = arith.constant 0 : i32
        %swap3A_905 = arith.constant 8 : i32
        %swap3A_906 = arith.index_cast %swap3A_904 : i32 to index
        %swap3A_907 = arith.index_cast %swap3A_905 : i32 to index
        %swap3A_908 = arith.constant 32 : index
        %swap3A_909 = tpu.vector_load %arg9[%swap3A_906, %swap3A_907, %swap3A_908] {strides = array<i32>} : memref<1x32x128xf32, #tpu.memory_space<vmem>>, vector<16xf32>,
        tpu.vector_store %arg9[%swap3A_906, %swap3A_907, %swap3A_908], %gather3A_903 {strides = array<i32>} : memref<1x32x128xf32, #tpu.memory_space<vmem>>, vector<16xf32>,
        %add3A_910 = arith.constant 9 : i32
        %add3A_911 = vector.broadcast %add3A_910 : i32 to vector<16xi32>
        %add3A_912 = arith.addi %get3A_816, %add3A_911 : vector<16xi32>
        %gather3A_913 = tpu.vector_load_idx %arg8[%add3A_819, %add3A_912] : memref<128x128xf32, #tpu.memory_space<vmem>>[vector<16xi32>, vector<16xi32>], vector<16xf32>,
        %swap3A_914 = arith.constant 0 : i32
        %swap3A_915 = arith.constant 9 : i32
        %swap3A_916 = arith.index_cast %swap3A_914 : i32 to index
        %swap3A_917 = arith.index_cast %swap3A_915 : i32 to index
        %swap3A_918 = arith.constant 32 : index
        %swap3A_919 = tpu.vector_load %arg9[%swap3A_916, %swap3A_917, %swap3A_918] {strides = array<i32>} : memref<1x32x128xf32, #tpu.memory_space<vmem>>, vector<16xf32>,
        tpu.vector_store %arg9[%swap3A_916, %swap3A_917, %swap3A_918], %gather3A_913 {strides = array<i32>} : memref<1x32x128xf32, #tpu.memory_space<vmem>>, vector<16xf32>,
        %add3A_920 = arith.constant 10 : i32
        %add3A_921 = vector.broadcast %add3A_920 : i32 to vector<16xi32>
        %add3A_922 = arith.addi %get3A_816, %add3A_921 : vector<16xi32>
        %gather3A_923 = tpu.vector_load_idx %arg8[%add3A_819, %add3A_922] : memref<128x128xf32, #tpu.memory_space<vmem>>[vector<16xi32>, vector<16xi32>], vector<16xf32>,
        %swap3A_924 = arith.constant 0 : i32
        %swap3A_925 = arith.constant 10 : i32
        %swap3A_926 = arith.index_cast %swap3A_924 : i32 to index
        %swap3A_927 = arith.index_cast %swap3A_925 : i32 to index
        %swap3A_928 = arith.constant 32 : index
        %swap3A_929 = tpu.vector_load %arg9[%swap3A_926, %swap3A_927, %swap3A_928] {strides = array<i32>} : memref<1x32x128xf32, #tpu.memory_space<vmem>>, vector<16xf32>,
        tpu.vector_store %arg9[%swap3A_926, %swap3A_927, %swap3A_928], %gather3A_923 {strides = array<i32>} : memref<1x32x128xf32, #tpu.memory_space<vmem>>, vector<16xf32>,
        %add3A_930 = arith.constant 11 : i32
        %add3A_931 = vector.broadcast %add3A_930 : i32 to vector<16xi32>
        %add3A_932 = arith.addi %get3A_816, %add3A_931 : vector<16xi32>
        %gather3A_933 = tpu.vector_load_idx %arg8[%add3A_819, %add3A_932] : memref<128x128xf32, #tpu.memory_space<vmem>>[vector<16xi32>, vector<16xi32>], vector<16xf32>,
        %swap3A_934 = arith.constant 0 : i32
        %swap3A_935 = arith.constant 11 : i32
        %swap3A_936 = arith.index_cast %swap3A_934 : i32 to index
        %swap3A_937 = arith.index_cast %swap3A_935 : i32 to index
        %swap3A_938 = arith.constant 32 : index
        %swap3A_939 = tpu.vector_load %arg9[%swap3A_936, %swap3A_937, %swap3A_938] {strides = array<i32>} : memref<1x32x128xf32, #tpu.memory_space<vmem>>, vector<16xf32>,
        tpu.vector_store %arg9[%swap3A_936, %swap3A_937, %swap3A_938], %gather3A_933 {strides = array<i32>} : memref<1x32x128xf32, #tpu.memory_space<vmem>>, vector<16xf32>,
        %add3A_940 = arith.constant 12 : i32
        %add3A_941 = vector.broadcast %add3A_940 : i32 to vector<16xi32>
        %add3A_942 = arith.addi %get3A_816, %add3A_941 : vector<16xi32>
        %gather3A_943 = tpu.vector_load_idx %arg8[%add3A_819, %add3A_942] : memref<128x128xf32, #tpu.memory_space<vmem>>[vector<16xi32>, vector<16xi32>], vector<16xf32>,
        %swap3A_944 = arith.constant 0 : i32
        %swap3A_945 = arith.constant 12 : i32
        %swap3A_946 = arith.index_cast %swap3A_944 : i32 to index
        %swap3A_947 = arith.index_cast %swap3A_945 : i32 to index
        %swap3A_948 = arith.constant 32 : index
        %swap3A_949 = tpu.vector_load %arg9[%swap3A_946, %swap3A_947, %swap3A_948] {strides = array<i32>} : memref<1x32x128xf32, #tpu.memory_space<vmem>>, vector<16xf32>,
        tpu.vector_store %arg9[%swap3A_946, %swap3A_947, %swap3A_948], %gather3A_943 {strides = array<i32>} : memref<1x32x128xf32, #tpu.memory_space<vmem>>, vector<16xf32>,
        %add3A_950 = arith.constant 13 : i32
        %add3A_951 = vector.broadcast %add3A_950 : i32 to vector<16xi32>
        %add3A_952 = arith.addi %get3A_816, %add3A_951 : vector<16xi32>
        %gather3A_953 = tpu.vector_load_idx %arg8[%add3A_819, %add3A_952] : memref<128x128xf32, #tpu.memory_space<vmem>>[vector<16xi32>, vector<16xi32>], vector<16xf32>,
        %swap3A_954 = arith.constant 0 : i32
        %swap3A_955 = arith.constant 13 : i32
        %swap3A_956 = arith.index_cast %swap3A_954 : i32 to index
        %swap3A_957 = arith.index_cast %swap3A_955 : i32 to index
        %swap3A_958 = arith.constant 32 : index
        %swap3A_959 = tpu.vector_load %arg9[%swap3A_956, %swap3A_957, %swap3A_958] {strides = array<i32>} : memref<1x32x128xf32, #tpu.memory_space<vmem>>, vector<16xf32>,
        tpu.vector_store %arg9[%swap3A_956, %swap3A_957, %swap3A_958], %gather3A_953 {strides = array<i32>} : memref<1x32x128xf32, #tpu.memory_space<vmem>>, vector<16xf32>,
        %add3A_960 = arith.constant 14 : i32
        %add3A_961 = vector.broadcast %add3A_960 : i32 to vector<16xi32>
        %add3A_962 = arith.addi %get3A_816, %add3A_961 : vector<16xi32>
        %gather3A_963 = tpu.vector_load_idx %arg8[%add3A_819, %add3A_962] : memref<128x128xf32, #tpu.memory_space<vmem>>[vector<16xi32>, vector<16xi32>], vector<16xf32>,
        %swap3A_964 = arith.constant 0 : i32
        %swap3A_965 = arith.constant 14 : i32
        %swap3A_966 = arith.index_cast %swap3A_964 : i32 to index
        %swap3A_967 = arith.index_cast %swap3A_965 : i32 to index
        %swap3A_968 = arith.constant 32 : index
        %swap3A_969 = tpu.vector_load %arg9[%swap3A_966, %swap3A_967, %swap3A_968] {strides = array<i32>} : memref<1x32x128xf32, #tpu.memory_space<vmem>>, vector<16xf32>,
        tpu.vector_store %arg9[%swap3A_966, %swap3A_967, %swap3A_968], %gather3A_963 {strides = array<i32>} : memref<1x32x128xf32, #tpu.memory_space<vmem>>, vector<16xf32>,
        %add3A_970 = arith.constant 15 : i32
        %add3A_971 = vector.broadcast %add3A_970 : i32 to vector<16xi32>
        %add3A_972 = arith.addi %get3A_816, %add3A_971 : vector<16xi32>
        %gather3A_973 = tpu.vector_load_idx %arg8[%add3A_819, %add3A_972] : memref<128x128xf32, #tpu.memory_space<vmem>>[vector<16xi32>, vector<16xi32>], vector<16xf32>,
        %swap3A_974 = arith.constant 0 : i32
        %swap3A_975 = arith.constant 15 : i32
        %swap3A_976 = arith.index_cast %swap3A_974 : i32 to index
        %swap3A_977 = arith.index_cast %swap3A_975 : i32 to index
        %swap3A_978 = arith.constant 32 : index
        %swap3A_979 = tpu.vector_load %arg9[%swap3A_976, %swap3A_977, %swap3A_978] {strides = array<i32>} : memref<1x32x128xf32, #tpu.memory_space<vmem>>, vector<16xf32>,
        tpu.vector_store %arg9[%swap3A_976, %swap3A_977, %swap3A_978], %gather3A_973 {strides = array<i32>} : memref<1x32x128xf32, #tpu.memory_space<vmem>>, vector<16xf32>,
        %add3A_980 = arith.constant 16 : i32
        %add3A_981 = vector.broadcast %add3A_980 : i32 to vector<16xi32>
        %add3A_982 = arith.addi %get3A_816, %add3A_981 : vector<16xi32>
        %gather3A_983 = tpu.vector_load_idx %arg8[%add3A_819, %add3A_982] : memref<128x128xf32, #tpu.memory_space<vmem>>[vector<16xi32>, vector<16xi32>], vector<16xf32>,
        %swap3A_984 = arith.constant 0 : i32
        %swap3A_985 = arith.constant 16 : i32
        %swap3A_986 = arith.index_cast %swap3A_984 : i32 to index
        %swap3A_987 = arith.index_cast %swap3A_985 : i32 to index
        %swap3A_988 = arith.constant 32 : index
        %swap3A_989 = tpu.vector_load %arg9[%swap3A_986, %swap3A_987, %swap3A_988] {strides = array<i32>} : memref<1x32x128xf32, #tpu.memory_space<vmem>>, vector<16xf32>,
        tpu.vector_store %arg9[%swap3A_986, %swap3A_987, %swap3A_988], %gather3A_983 {strides = array<i32>} : memref<1x32x128xf32, #tpu.memory_space<vmem>>, vector<16xf32>,
        %add3A_990 = arith.constant 17 : i32
        %add3A_991 = vector.broadcast %add3A_990 : i32 to vector<16xi32>
        %add3A_992 = arith.addi %get3A_816, %add3A_991 : vector<16xi32>
        %gather3A_993 = tpu.vector_load_idx %arg8[%add3A_819, %add3A_992] : memref<128x128xf32, #tpu.memory_space<vmem>>[vector<16xi32>, vector<16xi32>], vector<16xf32>,
        %swap3A_994 = arith.constant 0 : i32
        %swap3A_995 = arith.constant 17 : i32
        %swap3A_996 = arith.index_cast %swap3A_994 : i32 to index
        %swap3A_997 = arith.index_cast %swap3A_995 : i32 to index
        %swap3A_998 = arith.constant 32 : index
        %swap3A_999 = tpu.vector_load %arg9[%swap3A_996, %swap3A_997, %swap3A_998] {strides = array<i32>} : memref<1x32x128xf32, #tpu.memory_space<vmem>>, vector<16xf32>,
        tpu.vector_store %arg9[%swap3A_996, %swap3A_997, %swap3A_998], %gather3A_993 {strides = array<i32>} : memref<1x32x128xf32, #tpu.memory_space<vmem>>, vector<16xf32>,
        %add3A_1000 = arith.constant 18 : i32
        %add3A_1001 = vector.broadcast %add3A_1000 : i32 to vector<16xi32>
        %add3A_1002 = arith.addi %get3A_816, %add3A_1001 : vector<16xi32>
        %gather3A_1003 = tpu.vector_load_idx %arg8[%add3A_819, %add3A_1002] : memref<128x128xf32, #tpu.memory_space<vmem>>[vector<16xi32>, vector<16xi32>], vector<16xf32>,
        %swap3A_1004 = arith.constant 0 : i32
        %swap3A_1005 = arith.constant 18 : i32
        %swap3A_1006 = arith.index_cast %swap3A_1004 : i32 to index
        %swap3A_1007 = arith.index_cast %swap3A_1005 : i32 to index
        %swap3A_1008 = arith.constant 32 : index
        %swap3A_1009 = tpu.vector_load %arg9[%swap3A_1006, %swap3A_1007, %swap3A_1008] {strides = array<i32>} : memref<1x32x128xf32, #tpu.memory_space<vmem>>, vector<16xf32>,
        tpu.vector_store %arg9[%swap3A_1006, %swap3A_1007, %swap3A_1008], %gather3A_1003 {strides = array<i32>} : memref<1x32x128xf32, #tpu.memory_space<vmem>>, vector<16xf32>,
        %add3A_1010 = arith.constant 19 : i32
        %add3A_1011 = vector.broadcast %add3A_1010 : i32 to vector<16xi32>
        %add3A_1012 = arith.addi %get3A_816, %add3A_1011 : vector<16xi32>
        %gather3A_1013 = tpu.vector_load_idx %arg8[%add3A_819, %add3A_1012] : memref<128x128xf32, #tpu.memory_space<vmem>>[vector<16xi32>, vector<16xi32>], vector<16xf32>,
        %swap3A_1014 = arith.constant 0 : i32
        %swap3A_1015 = arith.constant 19 : i32
        %swap3A_1016 = arith.index_cast %swap3A_1014 : i32 to index
        %swap3A_1017 = arith.index_cast %swap3A_1015 : i32 to index
        %swap3A_1018 = arith.constant 32 : index
        %swap3A_1019 = tpu.vector_load %arg9[%swap3A_1016, %swap3A_1017, %swap3A_1018] {strides = array<i32>} : memref<1x32x128xf32, #tpu.memory_space<vmem>>, vector<16xf32>,
        tpu.vector_store %arg9[%swap3A_1016, %swap3A_1017, %swap3A_1018], %gather3A_1013 {strides = array<i32>} : memref<1x32x128xf32, #tpu.memory_space<vmem>>, vector<16xf32>,
        %add3A_1020 = arith.constant 20 : i32
        %add3A_1021 = vector.broadcast %add3A_1020 : i32 to vector<16xi32>
        %add3A_1022 = arith.addi %get3A_816, %add3A_1021 : vector<16xi32>
        %gather3A_1023 = tpu.vector_load_idx %arg8[%add3A_819, %add3A_1022] : memref<128x128xf32, #tpu.memory_space<vmem>>[vector<16xi32>, vector<16xi32>], vector<16xf32>,
        %swap3A_1024 = arith.constant 0 : i32
        %swap3A_1025 = arith.constant 20 : i32
        %swap3A_1026 = arith.index_cast %swap3A_1024 : i32 to index
        %swap3A_1027 = arith.index_cast %swap3A_1025 : i32 to index
        %swap3A_1028 = arith.constant 32 : index
        %swap3A_1029 = tpu.vector_load %arg9[%swap3A_1026, %swap3A_1027, %swap3A_1028] {strides = array<i32>} : memref<1x32x128xf32, #tpu.memory_space<vmem>>, vector<16xf32>,
        tpu.vector_store %arg9[%swap3A_1026, %swap3A_1027, %swap3A_1028], %gather3A_1023 {strides = array<i32>} : memref<1x32x128xf32, #tpu.memory_space<vmem>>, vector<16xf32>,
        %add3A_1030 = arith.constant 21 : i32
        %add3A_1031 = vector.broadcast %add3A_1030 : i32 to vector<16xi32>
        %add3A_1032 = arith.addi %get3A_816, %add3A_1031 : vector<16xi32>
        %gather3A_1033 = tpu.vector_load_idx %arg8[%add3A_819, %add3A_1032] : memref<128x128xf32, #tpu.memory_space<vmem>>[vector<16xi32>, vector<16xi32>], vector<16xf32>,
        %swap3A_1034 = arith.constant 0 : i32
        %swap3A_1035 = arith.constant 21 : i32
        %swap3A_1036 = arith.index_cast %swap3A_1034 : i32 to index
        %swap3A_1037 = arith.index_cast %swap3A_1035 : i32 to index
        %swap3A_1038 = arith.constant 32 : index
        %swap3A_1039 = tpu.vector_load %arg9[%swap3A_1036, %swap3A_1037, %swap3A_1038] {strides = array<i32>} : memref<1x32x128xf32, #tpu.memory_space<vmem>>, vector<16xf32>,
        tpu.vector_store %arg9[%swap3A_1036, %swap3A_1037, %swap3A_1038], %gather3A_1033 {strides = array<i32>} : memref<1x32x128xf32, #tpu.memory_space<vmem>>, vector<16xf32>,
        %add3A_1040 = arith.constant 22 : i32
        %add3A_1041 = vector.broadcast %add3A_1040 : i32 to vector<16xi32>
        %add3A_1042 = arith.addi %get3A_816, %add3A_1041 : vector<16xi32>
        %gather3A_1043 = tpu.vector_load_idx %arg8[%add3A_819, %add3A_1042] : memref<128x128xf32, #tpu.memory_space<vmem>>[vector<16xi32>, vector<16xi32>], vector<16xf32>,
        %swap3A_1044 = arith.constant 0 : i32
        %swap3A_1045 = arith.constant 22 : i32
        %swap3A_1046 = arith.index_cast %swap3A_1044 : i32 to index
        %swap3A_1047 = arith.index_cast %swap3A_1045 : i32 to index
        %swap3A_1048 = arith.constant 32 : index
        %swap3A_1049 = tpu.vector_load %arg9[%swap3A_1046, %swap3A_1047, %swap3A_1048] {strides = array<i32>} : memref<1x32x128xf32, #tpu.memory_space<vmem>>, vector<16xf32>,
        tpu.vector_store %arg9[%swap3A_1046, %swap3A_1047, %swap3A_1048], %gather3A_1043 {strides = array<i32>} : memref<1x32x128xf32, #tpu.memory_space<vmem>>, vector<16xf32>,
        %add3A_1050 = arith.constant 23 : i32
        %add3A_1051 = vector.broadcast %add3A_1050 : i32 to vector<16xi32>
        %add3A_1052 = arith.addi %get3A_816, %add3A_1051 : vector<16xi32>
        %gather3A_1053 = tpu.vector_load_idx %arg8[%add3A_819, %add3A_1052] : memref<128x128xf32, #tpu.memory_space<vmem>>[vector<16xi32>, vector<16xi32>], vector<16xf32>,
        %swap3A_1054 = arith.constant 0 : i32
        %swap3A_1055 = arith.constant 23 : i32
        %swap3A_1056 = arith.index_cast %swap3A_1054 : i32 to index
        %swap3A_1057 = arith.index_cast %swap3A_1055 : i32 to index
        %swap3A_1058 = arith.constant 32 : index
        %swap3A_1059 = tpu.vector_load %arg9[%swap3A_1056, %swap3A_1057, %swap3A_1058] {strides = array<i32>} : memref<1x32x128xf32, #tpu.memory_space<vmem>>, vector<16xf32>,
        tpu.vector_store %arg9[%swap3A_1056, %swap3A_1057, %swap3A_1058], %gather3A_1053 {strides = array<i32>} : memref<1x32x128xf32, #tpu.memory_space<vmem>>, vector<16xf32>,
        %add3A_1060 = arith.constant 24 : i32
        %add3A_1061 = vector.broadcast %add3A_1060 : i32 to vector<16xi32>
        %add3A_1062 = arith.addi %get3A_816, %add3A_1061 : vector<16xi32>
        %gather3A_1063 = tpu.vector_load_idx %arg8[%add3A_819, %add3A_1062] : memref<128x128xf32, #tpu.memory_space<vmem>>[vector<16xi32>, vector<16xi32>], vector<16xf32>,
        %swap3A_1064 = arith.constant 0 : i32
        %swap3A_1065 = arith.constant 24 : i32
        %swap3A_1066 = arith.index_cast %swap3A_1064 : i32 to index
        %swap3A_1067 = arith.index_cast %swap3A_1065 : i32 to index
        %swap3A_1068 = arith.constant 32 : index
        %swap3A_1069 = tpu.vector_load %arg9[%swap3A_1066, %swap3A_1067, %swap3A_1068] {strides = array<i32>} : memref<1x32x128xf32, #tpu.memory_space<vmem>>, vector<16xf32>,
        tpu.vector_store %arg9[%swap3A_1066, %swap3A_1067, %swap3A_1068], %gather3A_1063 {strides = array<i32>} : memref<1x32x128xf32, #tpu.memory_space<vmem>>, vector<16xf32>,
        %add3A_1070 = arith.constant 25 : i32
        %add3A_1071 = vector.broadcast %add3A_1070 : i32 to vector<16xi32>
        %add3A_1072 = arith.addi %get3A_816, %add3A_1071 : vector<16xi32>
        %gather3A_1073 = tpu.vector_load_idx %arg8[%add3A_819, %add3A_1072] : memref<128x128xf32, #tpu.memory_space<vmem>>[vector<16xi32>, vector<16xi32>], vector<16xf32>,
        %swap3A_1074 = arith.constant 0 : i32
        %swap3A_1075 = arith.constant 25 : i32
        %swap3A_1076 = arith.index_cast %swap3A_1074 : i32 to index
        %swap3A_1077 = arith.index_cast %swap3A_1075 : i32 to index
        %swap3A_1078 = arith.constant 32 : index
        %swap3A_1079 = tpu.vector_load %arg9[%swap3A_1076, %swap3A_1077, %swap3A_1078] {strides = array<i32>} : memref<1x32x128xf32, #tpu.memory_space<vmem>>, vector<16xf32>,
        tpu.vector_store %arg9[%swap3A_1076, %swap3A_1077, %swap3A_1078], %gather3A_1073 {strides = array<i32>} : memref<1x32x128xf32, #tpu.memory_space<vmem>>, vector<16xf32>,
        %add3A_1080 = arith.constant 26 : i32
        %add3A_1081 = vector.broadcast %add3A_1080 : i32 to vector<16xi32>
        %add3A_1082 = arith.addi %get3A_816, %add3A_1081 : vector<16xi32>
        %gather3A_1083 = tpu.vector_load_idx %arg8[%add3A_819, %add3A_1082] : memref<128x128xf32, #tpu.memory_space<vmem>>[vector<16xi32>, vector<16xi32>], vector<16xf32>,
        %swap3A_1084 = arith.constant 0 : i32
        %swap3A_1085 = arith.constant 26 : i32
        %swap3A_1086 = arith.index_cast %swap3A_1084 : i32 to index
        %swap3A_1087 = arith.index_cast %swap3A_1085 : i32 to index
        %swap3A_1088 = arith.constant 32 : index
        %swap3A_1089 = tpu.vector_load %arg9[%swap3A_1086, %swap3A_1087, %swap3A_1088] {strides = array<i32>} : memref<1x32x128xf32, #tpu.memory_space<vmem>>, vector<16xf32>,
        tpu.vector_store %arg9[%swap3A_1086, %swap3A_1087, %swap3A_1088], %gather3A_1083 {strides = array<i32>} : memref<1x32x128xf32, #tpu.memory_space<vmem>>, vector<16xf32>,
        %add3A_1090 = arith.constant 27 : i32
        %add3A_1091 = vector.broadcast %add3A_1090 : i32 to vector<16xi32>
        %add3A_1092 = arith.addi %get3A_816, %add3A_1091 : vector<16xi32>
        %gather3A_1093 = tpu.vector_load_idx %arg8[%add3A_819, %add3A_1092] : memref<128x128xf32, #tpu.memory_space<vmem>>[vector<16xi32>, vector<16xi32>], vector<16xf32>,
        %swap3A_1094 = arith.constant 0 : i32
        %swap3A_1095 = arith.constant 27 : i32
        %swap3A_1096 = arith.index_cast %swap3A_1094 : i32 to index
        %swap3A_1097 = arith.index_cast %swap3A_1095 : i32 to index
        %swap3A_1098 = arith.constant 32 : index
        %swap3A_1099 = tpu.vector_load %arg9[%swap3A_1096, %swap3A_1097, %swap3A_1098] {strides = array<i32>} : memref<1x32x128xf32, #tpu.memory_space<vmem>>, vector<16xf32>,
        tpu.vector_store %arg9[%swap3A_1096, %swap3A_1097, %swap3A_1098], %gather3A_1093 {strides = array<i32>} : memref<1x32x128xf32, #tpu.memory_space<vmem>>, vector<16xf32>,
        %add3A_1100 = arith.constant 28 : i32
        %add3A_1101 = vector.broadcast %add3A_1100 : i32 to vector<16xi32>
        %add3A_1102 = arith.addi %get3A_816, %add3A_1101 : vector<16xi32>
        %gather3A_1103 = tpu.vector_load_idx %arg8[%add3A_819, %add3A_1102] : memref<128x128xf32, #tpu.memory_space<vmem>>[vector<16xi32>, vector<16xi32>], vector<16xf32>,
        %swap3A_1104 = arith.constant 0 : i32
        %swap3A_1105 = arith.constant 28 : i32
        %swap3A_1106 = arith.index_cast %swap3A_1104 : i32 to index
        %swap3A_1107 = arith.index_cast %swap3A_1105 : i32 to index
        %swap3A_1108 = arith.constant 32 : index
        %swap3A_1109 = tpu.vector_load %arg9[%swap3A_1106, %swap3A_1107, %swap3A_1108] {strides = array<i32>} : memref<1x32x128xf32, #tpu.memory_space<vmem>>, vector<16xf32>,
        tpu.vector_store %arg9[%swap3A_1106, %swap3A_1107, %swap3A_1108], %gather3A_1103 {strides = array<i32>} : memref<1x32x128xf32, #tpu.memory_space<vmem>>, vector<16xf32>,
        %add3A_1110 = arith.constant 29 : i32
        %add3A_1111 = vector.broadcast %add3A_1110 : i32 to vector<16xi32>
        %add3A_1112 = arith.addi %get3A_816, %add3A_1111 : vector<16xi32>
        %gather3A_1113 = tpu.vector_load_idx %arg8[%add3A_819, %add3A_1112] : memref<128x128xf32, #tpu.memory_space<vmem>>[vector<16xi32>, vector<16xi32>], vector<16xf32>,
        %swap3A_1114 = arith.constant 0 : i32
        %swap3A_1115 = arith.constant 29 : i32
        %swap3A_1116 = arith.index_cast %swap3A_1114 : i32 to index
        %swap3A_1117 = arith.index_cast %swap3A_1115 : i32 to index
        %swap3A_1118 = arith.constant 32 : index
        %swap3A_1119 = tpu.vector_load %arg9[%swap3A_1116, %swap3A_1117, %swap3A_1118] {strides = array<i32>} : memref<1x32x128xf32, #tpu.memory_space<vmem>>, vector<16xf32>,
        tpu.vector_store %arg9[%swap3A_1116, %swap3A_1117, %swap3A_1118], %gather3A_1113 {strides = array<i32>} : memref<1x32x128xf32, #tpu.memory_space<vmem>>, vector<16xf32>,
        %add3A_1120 = arith.constant 30 : i32
        %add3A_1121 = vector.broadcast %add3A_1120 : i32 to vector<16xi32>
        %add3A_1122 = arith.addi %get3A_816, %add3A_1121 : vector<16xi32>
        %gather3A_1123 = tpu.vector_load_idx %arg8[%add3A_819, %add3A_1122] : memref<128x128xf32, #tpu.memory_space<vmem>>[vector<16xi32>, vector<16xi32>], vector<16xf32>,
        %swap3A_1124 = arith.constant 0 : i32
        %swap3A_1125 = arith.constant 30 : i32
        %swap3A_1126 = arith.index_cast %swap3A_1124 : i32 to index
        %swap3A_1127 = arith.index_cast %swap3A_1125 : i32 to index
        %swap3A_1128 = arith.constant 32 : index
        %swap3A_1129 = tpu.vector_load %arg9[%swap3A_1126, %swap3A_1127, %swap3A_1128] {strides = array<i32>} : memref<1x32x128xf32, #tpu.memory_space<vmem>>, vector<16xf32>,
        tpu.vector_store %arg9[%swap3A_1126, %swap3A_1127, %swap3A_1128], %gather3A_1123 {strides = array<i32>} : memref<1x32x128xf32, #tpu.memory_space<vmem>>, vector<16xf32>,
        %add3A_1130 = arith.constant 31 : i32
        %add3A_1131 = vector.broadcast %add3A_1130 : i32 to vector<16xi32>
        %add3A_1132 = arith.addi %get3A_816, %add3A_1131 : vector<16xi32>
        %gather3A_1133 = tpu.vector_load_idx %arg8[%add3A_819, %add3A_1132] : memref<128x128xf32, #tpu.memory_space<vmem>>[vector<16xi32>, vector<16xi32>], vector<16xf32>,
        %swap3A_1134 = arith.constant 0 : i32
        %swap3A_1135 = arith.constant 31 : i32
        %swap3A_1136 = arith.index_cast %swap3A_1134 : i32 to index
        %swap3A_1137 = arith.index_cast %swap3A_1135 : i32 to index
        %swap3A_1138 = arith.constant 32 : index
        %swap3A_1139 = tpu.vector_load %arg9[%swap3A_1136, %swap3A_1137, %swap3A_1138] {strides = array<i32>} : memref<1x32x128xf32, #tpu.memory_space<vmem>>, vector<16xf32>,
        tpu.vector_store %arg9[%swap3A_1136, %swap3A_1137, %swap3A_1138], %gather3A_1133 {strides = array<i32>} : memref<1x32x128xf32, #tpu.memory_space<vmem>>, vector<16xf32>,
        %get3A_1140 = arith.constant 48 : index
        %get3A_1141 = tpu.vector_load %arg7[%get3A_1140] {strides = array<i32>} : memref<128xi32, #tpu.memory_space<vmem>>, vector<16xi32>,
        %add3A_1142 = arith.constant 48 : i32
        %add3A_1143 = vector.broadcast %add3A_1142 : i32 to vector<16xi32>
        %add3A_1144 = arith.addi %iota3A, %add3A_1143 : vector<16xi32>
        %add3A_1145 = arith.constant 0 : i32
        %add3A_1146 = vector.broadcast %add3A_1145 : i32 to vector<16xi32>
        %add3A_1147 = arith.addi %get3A_1141, %add3A_1146 : vector<16xi32>
        %gather3A_1148 = tpu.vector_load_idx %arg8[%add3A_1144, %add3A_1147] : memref<128x128xf32, #tpu.memory_space<vmem>>[vector<16xi32>, vector<16xi32>], vector<16xf32>,
        %swap3A_1149 = arith.constant 0 : i32
        %swap3A_1150 = arith.constant 0 : i32
        %swap3A_1151 = arith.index_cast %swap3A_1149 : i32 to index
        %swap3A_1152 = arith.index_cast %swap3A_1150 : i32 to index
        %swap3A_1153 = arith.constant 48 : index
        %swap3A_1154 = tpu.vector_load %arg9[%swap3A_1151, %swap3A_1152, %swap3A_1153] {strides = array<i32>} : memref<1x32x128xf32, #tpu.memory_space<vmem>>, vector<16xf32>,
        tpu.vector_store %arg9[%swap3A_1151, %swap3A_1152, %swap3A_1153], %gather3A_1148 {strides = array<i32>} : memref<1x32x128xf32, #tpu.memory_space<vmem>>, vector<16xf32>,
        %add3A_1155 = arith.constant 1 : i32
        %add3A_1156 = vector.broadcast %add3A_1155 : i32 to vector<16xi32>
        %add3A_1157 = arith.addi %get3A_1141, %add3A_1156 : vector<16xi32>
        %gather3A_1158 = tpu.vector_load_idx %arg8[%add3A_1144, %add3A_1157] : memref<128x128xf32, #tpu.memory_space<vmem>>[vector<16xi32>, vector<16xi32>], vector<16xf32>,
        %swap3A_1159 = arith.constant 0 : i32
        %swap3A_1160 = arith.constant 1 : i32
        %swap3A_1161 = arith.index_cast %swap3A_1159 : i32 to index
        %swap3A_1162 = arith.index_cast %swap3A_1160 : i32 to index
        %swap3A_1163 = arith.constant 48 : index
        %swap3A_1164 = tpu.vector_load %arg9[%swap3A_1161, %swap3A_1162, %swap3A_1163] {strides = array<i32>} : memref<1x32x128xf32, #tpu.memory_space<vmem>>, vector<16xf32>,
        tpu.vector_store %arg9[%swap3A_1161, %swap3A_1162, %swap3A_1163], %gather3A_1158 {strides = array<i32>} : memref<1x32x128xf32, #tpu.memory_space<vmem>>, vector<16xf32>,
        %add3A_1165 = arith.constant 2 : i32
        %add3A_1166 = vector.broadcast %add3A_1165 : i32 to vector<16xi32>
        %add3A_1167 = arith.addi %get3A_1141, %add3A_1166 : vector<16xi32>
        %gather3A_1168 = tpu.vector_load_idx %arg8[%add3A_1144, %add3A_1167] : memref<128x128xf32, #tpu.memory_space<vmem>>[vector<16xi32>, vector<16xi32>], vector<16xf32>,
        %swap3A_1169 = arith.constant 0 : i32
        %swap3A_1170 = arith.constant 2 : i32
        %swap3A_1171 = arith.index_cast %swap3A_1169 : i32 to index
        %swap3A_1172 = arith.index_cast %swap3A_1170 : i32 to index
        %swap3A_1173 = arith.constant 48 : index
        %swap3A_1174 = tpu.vector_load %arg9[%swap3A_1171, %swap3A_1172, %swap3A_1173] {strides = array<i32>} : memref<1x32x128xf32, #tpu.memory_space<vmem>>, vector<16xf32>,
        tpu.vector_store %arg9[%swap3A_1171, %swap3A_1172, %swap3A_1173], %gather3A_1168 {strides = array<i32>} : memref<1x32x128xf32, #tpu.memory_space<vmem>>, vector<16xf32>,
        %add3A_1175 = arith.constant 3 : i32
        %add3A_1176 = vector.broadcast %add3A_1175 : i32 to vector<16xi32>
        %add3A_1177 = arith.addi %get3A_1141, %add3A_1176 : vector<16xi32>
        %gather3A_1178 = tpu.vector_load_idx %arg8[%add3A_1144, %add3A_1177] : memref<128x128xf32, #tpu.memory_space<vmem>>[vector<16xi32>, vector<16xi32>], vector<16xf32>,
        %swap3A_1179 = arith.constant 0 : i32
        %swap3A_1180 = arith.constant 3 : i32
        %swap3A_1181 = arith.index_cast %swap3A_1179 : i32 to index
        %swap3A_1182 = arith.index_cast %swap3A_1180 : i32 to index
        %swap3A_1183 = arith.constant 48 : index
        %swap3A_1184 = tpu.vector_load %arg9[%swap3A_1181, %swap3A_1182, %swap3A_1183] {strides = array<i32>} : memref<1x32x128xf32, #tpu.memory_space<vmem>>, vector<16xf32>,
        tpu.vector_store %arg9[%swap3A_1181, %swap3A_1182, %swap3A_1183], %gather3A_1178 {strides = array<i32>} : memref<1x32x128xf32, #tpu.memory_space<vmem>>, vector<16xf32>,
        %add3A_1185 = arith.constant 4 : i32
        %add3A_1186 = vector.broadcast %add3A_1185 : i32 to vector<16xi32>
        %add3A_1187 = arith.addi %get3A_1141, %add3A_1186 : vector<16xi32>
        %gather3A_1188 = tpu.vector_load_idx %arg8[%add3A_1144, %add3A_1187] : memref<128x128xf32, #tpu.memory_space<vmem>>[vector<16xi32>, vector<16xi32>], vector<16xf32>,
        %swap3A_1189 = arith.constant 0 : i32
        %swap3A_1190 = arith.constant 4 : i32
        %swap3A_1191 = arith.index_cast %swap3A_1189 : i32 to index
        %swap3A_1192 = arith.index_cast %swap3A_1190 : i32 to index
        %swap3A_1193 = arith.constant 48 : index
        %swap3A_1194 = tpu.vector_load %arg9[%swap3A_1191, %swap3A_1192, %swap3A_1193] {strides = array<i32>} : memref<1x32x128xf32, #tpu.memory_space<vmem>>, vector<16xf32>,
        tpu.vector_store %arg9[%swap3A_1191, %swap3A_1192, %swap3A_1193], %gather3A_1188 {strides = array<i32>} : memref<1x32x128xf32, #tpu.memory_space<vmem>>, vector<16xf32>,
        %add3A_1195 = arith.constant 5 : i32
        %add3A_1196 = vector.broadcast %add3A_1195 : i32 to vector<16xi32>
        %add3A_1197 = arith.addi %get3A_1141, %add3A_1196 : vector<16xi32>
        %gather3A_1198 = tpu.vector_load_idx %arg8[%add3A_1144, %add3A_1197] : memref<128x128xf32, #tpu.memory_space<vmem>>[vector<16xi32>, vector<16xi32>], vector<16xf32>,
        %swap3A_1199 = arith.constant 0 : i32
        %swap3A_1200 = arith.constant 5 : i32
        %swap3A_1201 = arith.index_cast %swap3A_1199 : i32 to index
        %swap3A_1202 = arith.index_cast %swap3A_1200 : i32 to index
        %swap3A_1203 = arith.constant 48 : index
        %swap3A_1204 = tpu.vector_load %arg9[%swap3A_1201, %swap3A_1202, %swap3A_1203] {strides = array<i32>} : memref<1x32x128xf32, #tpu.memory_space<vmem>>, vector<16xf32>,
        tpu.vector_store %arg9[%swap3A_1201, %swap3A_1202, %swap3A_1203], %gather3A_1198 {strides = array<i32>} : memref<1x32x128xf32, #tpu.memory_space<vmem>>, vector<16xf32>,
        %add3A_1205 = arith.constant 6 : i32
        %add3A_1206 = vector.broadcast %add3A_1205 : i32 to vector<16xi32>
        %add3A_1207 = arith.addi %get3A_1141, %add3A_1206 : vector<16xi32>
        %gather3A_1208 = tpu.vector_load_idx %arg8[%add3A_1144, %add3A_1207] : memref<128x128xf32, #tpu.memory_space<vmem>>[vector<16xi32>, vector<16xi32>], vector<16xf32>,
        %swap3A_1209 = arith.constant 0 : i32
        %swap3A_1210 = arith.constant 6 : i32
        %swap3A_1211 = arith.index_cast %swap3A_1209 : i32 to index
        %swap3A_1212 = arith.index_cast %swap3A_1210 : i32 to index
        %swap3A_1213 = arith.constant 48 : index
        %swap3A_1214 = tpu.vector_load %arg9[%swap3A_1211, %swap3A_1212, %swap3A_1213] {strides = array<i32>} : memref<1x32x128xf32, #tpu.memory_space<vmem>>, vector<16xf32>,
        tpu.vector_store %arg9[%swap3A_1211, %swap3A_1212, %swap3A_1213], %gather3A_1208 {strides = array<i32>} : memref<1x32x128xf32, #tpu.memory_space<vmem>>, vector<16xf32>,
        %add3A_1215 = arith.constant 7 : i32
        %add3A_1216 = vector.broadcast %add3A_1215 : i32 to vector<16xi32>
        %add3A_1217 = arith.addi %get3A_1141, %add3A_1216 : vector<16xi32>
        %gather3A_1218 = tpu.vector_load_idx %arg8[%add3A_1144, %add3A_1217] : memref<128x128xf32, #tpu.memory_space<vmem>>[vector<16xi32>, vector<16xi32>], vector<16xf32>,
        %swap3A_1219 = arith.constant 0 : i32
        %swap3A_1220 = arith.constant 7 : i32
        %swap3A_1221 = arith.index_cast %swap3A_1219 : i32 to index
        %swap3A_1222 = arith.index_cast %swap3A_1220 : i32 to index
        %swap3A_1223 = arith.constant 48 : index
        %swap3A_1224 = tpu.vector_load %arg9[%swap3A_1221, %swap3A_1222, %swap3A_1223] {strides = array<i32>} : memref<1x32x128xf32, #tpu.memory_space<vmem>>, vector<16xf32>,
        tpu.vector_store %arg9[%swap3A_1221, %swap3A_1222, %swap3A_1223], %gather3A_1218 {strides = array<i32>} : memref<1x32x128xf32, #tpu.memory_space<vmem>>, vector<16xf32>,
        %add3A_1225 = arith.constant 8 : i32
        %add3A_1226 = vector.broadcast %add3A_1225 : i32 to vector<16xi32>
        %add3A_1227 = arith.addi %get3A_1141, %add3A_1226 : vector<16xi32>
        %gather3A_1228 = tpu.vector_load_idx %arg8[%add3A_1144, %add3A_1227] : memref<128x128xf32, #tpu.memory_space<vmem>>[vector<16xi32>, vector<16xi32>], vector<16xf32>,
        %swap3A_1229 = arith.constant 0 : i32
        %swap3A_1230 = arith.constant 8 : i32
        %swap3A_1231 = arith.index_cast %swap3A_1229 : i32 to index
        %swap3A_1232 = arith.index_cast %swap3A_1230 : i32 to index
        %swap3A_1233 = arith.constant 48 : index
        %swap3A_1234 = tpu.vector_load %arg9[%swap3A_1231, %swap3A_1232, %swap3A_1233] {strides = array<i32>} : memref<1x32x128xf32, #tpu.memory_space<vmem>>, vector<16xf32>,
        tpu.vector_store %arg9[%swap3A_1231, %swap3A_1232, %swap3A_1233], %gather3A_1228 {strides = array<i32>} : memref<1x32x128xf32, #tpu.memory_space<vmem>>, vector<16xf32>,
        %add3A_1235 = arith.constant 9 : i32
        %add3A_1236 = vector.broadcast %add3A_1235 : i32 to vector<16xi32>
        %add3A_1237 = arith.addi %get3A_1141, %add3A_1236 : vector<16xi32>
        %gather3A_1238 = tpu.vector_load_idx %arg8[%add3A_1144, %add3A_1237] : memref<128x128xf32, #tpu.memory_space<vmem>>[vector<16xi32>, vector<16xi32>], vector<16xf32>,
        %swap3A_1239 = arith.constant 0 : i32
        %swap3A_1240 = arith.constant 9 : i32
        %swap3A_1241 = arith.index_cast %swap3A_1239 : i32 to index
        %swap3A_1242 = arith.index_cast %swap3A_1240 : i32 to index
        %swap3A_1243 = arith.constant 48 : index
        %swap3A_1244 = tpu.vector_load %arg9[%swap3A_1241, %swap3A_1242, %swap3A_1243] {strides = array<i32>} : memref<1x32x128xf32, #tpu.memory_space<vmem>>, vector<16xf32>,
        tpu.vector_store %arg9[%swap3A_1241, %swap3A_1242, %swap3A_1243], %gather3A_1238 {strides = array<i32>} : memref<1x32x128xf32, #tpu.memory_space<vmem>>, vector<16xf32>,
        %add3A_1245 = arith.constant 10 : i32
        %add3A_1246 = vector.broadcast %add3A_1245 : i32 to vector<16xi32>
        %add3A_1247 = arith.addi %get3A_1141, %add3A_1246 : vector<16xi32>
        %gather3A_1248 = tpu.vector_load_idx %arg8[%add3A_1144, %add3A_1247] : memref<128x128xf32, #tpu.memory_space<vmem>>[vector<16xi32>, vector<16xi32>], vector<16xf32>,
        %swap3A_1249 = arith.constant 0 : i32
        %swap3A_1250 = arith.constant 10 : i32
        %swap3A_1251 = arith.index_cast %swap3A_1249 : i32 to index
        %swap3A_1252 = arith.index_cast %swap3A_1250 : i32 to index
        %swap3A_1253 = arith.constant 48 : index
        %swap3A_1254 = tpu.vector_load %arg9[%swap3A_1251, %swap3A_1252, %swap3A_1253] {strides = array<i32>} : memref<1x32x128xf32, #tpu.memory_space<vmem>>, vector<16xf32>,
        tpu.vector_store %arg9[%swap3A_1251, %swap3A_1252, %swap3A_1253], %gather3A_1248 {strides = array<i32>} : memref<1x32x128xf32, #tpu.memory_space<vmem>>, vector<16xf32>,
        %add3A_1255 = arith.constant 11 : i32
        %add3A_1256 = vector.broadcast %add3A_1255 : i32 to vector<16xi32>
        %add3A_1257 = arith.addi %get3A_1141, %add3A_1256 : vector<16xi32>
        %gather3A_1258 = tpu.vector_load_idx %arg8[%add3A_1144, %add3A_1257] : memref<128x128xf32, #tpu.memory_space<vmem>>[vector<16xi32>, vector<16xi32>], vector<16xf32>,
        %swap3A_1259 = arith.constant 0 : i32
        %swap3A_1260 = arith.constant 11 : i32
        %swap3A_1261 = arith.index_cast %swap3A_1259 : i32 to index
        %swap3A_1262 = arith.index_cast %swap3A_1260 : i32 to index
        %swap3A_1263 = arith.constant 48 : index
        %swap3A_1264 = tpu.vector_load %arg9[%swap3A_1261, %swap3A_1262, %swap3A_1263] {strides = array<i32>} : memref<1x32x128xf32, #tpu.memory_space<vmem>>, vector<16xf32>,
        tpu.vector_store %arg9[%swap3A_1261, %swap3A_1262, %swap3A_1263], %gather3A_1258 {strides = array<i32>} : memref<1x32x128xf32, #tpu.memory_space<vmem>>, vector<16xf32>,
        %add3A_1265 = arith.constant 12 : i32
        %add3A_1266 = vector.broadcast %add3A_1265 : i32 to vector<16xi32>
        %add3A_1267 = arith.addi %get3A_1141, %add3A_1266 : vector<16xi32>
        %gather3A_1268 = tpu.vector_load_idx %arg8[%add3A_1144, %add3A_1267] : memref<128x128xf32, #tpu.memory_space<vmem>>[vector<16xi32>, vector<16xi32>], vector<16xf32>,
        %swap3A_1269 = arith.constant 0 : i32
        %swap3A_1270 = arith.constant 12 : i32
        %swap3A_1271 = arith.index_cast %swap3A_1269 : i32 to index
        %swap3A_1272 = arith.index_cast %swap3A_1270 : i32 to index
        %swap3A_1273 = arith.constant 48 : index
        %swap3A_1274 = tpu.vector_load %arg9[%swap3A_1271, %swap3A_1272, %swap3A_1273] {strides = array<i32>} : memref<1x32x128xf32, #tpu.memory_space<vmem>>, vector<16xf32>,
        tpu.vector_store %arg9[%swap3A_1271, %swap3A_1272, %swap3A_1273], %gather3A_1268 {strides = array<i32>} : memref<1x32x128xf32, #tpu.memory_space<vmem>>, vector<16xf32>,
        %add3A_1275 = arith.constant 13 : i32
        %add3A_1276 = vector.broadcast %add3A_1275 : i32 to vector<16xi32>
        %add3A_1277 = arith.addi %get3A_1141, %add3A_1276 : vector<16xi32>
        %gather3A_1278 = tpu.vector_load_idx %arg8[%add3A_1144, %add3A_1277] : memref<128x128xf32, #tpu.memory_space<vmem>>[vector<16xi32>, vector<16xi32>], vector<16xf32>,
        %swap3A_1279 = arith.constant 0 : i32
        %swap3A_1280 = arith.constant 13 : i32
        %swap3A_1281 = arith.index_cast %swap3A_1279 : i32 to index
        %swap3A_1282 = arith.index_cast %swap3A_1280 : i32 to index
        %swap3A_1283 = arith.constant 48 : index
        %swap3A_1284 = tpu.vector_load %arg9[%swap3A_1281, %swap3A_1282, %swap3A_1283] {strides = array<i32>} : memref<1x32x128xf32, #tpu.memory_space<vmem>>, vector<16xf32>,
        tpu.vector_store %arg9[%swap3A_1281, %swap3A_1282, %swap3A_1283], %gather3A_1278 {strides = array<i32>} : memref<1x32x128xf32, #tpu.memory_space<vmem>>, vector<16xf32>,
        %add3A_1285 = arith.constant 14 : i32
        %add3A_1286 = vector.broadcast %add3A_1285 : i32 to vector<16xi32>
        %add3A_1287 = arith.addi %get3A_1141, %add3A_1286 : vector<16xi32>
        %gather3A_1288 = tpu.vector_load_idx %arg8[%add3A_1144, %add3A_1287] : memref<128x128xf32, #tpu.memory_space<vmem>>[vector<16xi32>, vector<16xi32>], vector<16xf32>,
        %swap3A_1289 = arith.constant 0 : i32
        %swap3A_1290 = arith.constant 14 : i32
        %swap3A_1291 = arith.index_cast %swap3A_1289 : i32 to index
        %swap3A_1292 = arith.index_cast %swap3A_1290 : i32 to index
        %swap3A_1293 = arith.constant 48 : index
        %swap3A_1294 = tpu.vector_load %arg9[%swap3A_1291, %swap3A_1292, %swap3A_1293] {strides = array<i32>} : memref<1x32x128xf32, #tpu.memory_space<vmem>>, vector<16xf32>,
        tpu.vector_store %arg9[%swap3A_1291, %swap3A_1292, %swap3A_1293], %gather3A_1288 {strides = array<i32>} : memref<1x32x128xf32, #tpu.memory_space<vmem>>, vector<16xf32>,
        %add3A_1295 = arith.constant 15 : i32
        %add3A_1296 = vector.broadcast %add3A_1295 : i32 to vector<16xi32>
        %add3A_1297 = arith.addi %get3A_1141, %add3A_1296 : vector<16xi32>
        %gather3A_1298 = tpu.vector_load_idx %arg8[%add3A_1144, %add3A_1297] : memref<128x128xf32, #tpu.memory_space<vmem>>[vector<16xi32>, vector<16xi32>], vector<16xf32>,
        %swap3A_1299 = arith.constant 0 : i32
        %swap3A_1300 = arith.constant 15 : i32
        %swap3A_1301 = arith.index_cast %swap3A_1299 : i32 to index
        %swap3A_1302 = arith.index_cast %swap3A_1300 : i32 to index
        %swap3A_1303 = arith.constant 48 : index
        %swap3A_1304 = tpu.vector_load %arg9[%swap3A_1301, %swap3A_1302, %swap3A_1303] {strides = array<i32>} : memref<1x32x128xf32, #tpu.memory_space<vmem>>, vector<16xf32>,
        tpu.vector_store %arg9[%swap3A_1301, %swap3A_1302, %swap3A_1303], %gather3A_1298 {strides = array<i32>} : memref<1x32x128xf32, #tpu.memory_space<vmem>>, vector<16xf32>,
        %add3A_1305 = arith.constant 16 : i32
        %add3A_1306 = vector.broadcast %add3A_1305 : i32 to vector<16xi32>
        %add3A_1307 = arith.addi %get3A_1141, %add3A_1306 : vector<16xi32>
        %gather3A_1308 = tpu.vector_load_idx %arg8[%add3A_1144, %add3A_1307] : memref<128x128xf32, #tpu.memory_space<vmem>>[vector<16xi32>, vector<16xi32>], vector<16xf32>,
        %swap3A_1309 = arith.constant 0 : i32
        %swap3A_1310 = arith.constant 16 : i32
        %swap3A_1311 = arith.index_cast %swap3A_1309 : i32 to index
        %swap3A_1312 = arith.index_cast %swap3A_1310 : i32 to index
        %swap3A_1313 = arith.constant 48 : index
        %swap3A_1314 = tpu.vector_load %arg9[%swap3A_1311, %swap3A_1312, %swap3A_1313] {strides = array<i32>} : memref<1x32x128xf32, #tpu.memory_space<vmem>>, vector<16xf32>,
        tpu.vector_store %arg9[%swap3A_1311, %swap3A_1312, %swap3A_1313], %gather3A_1308 {strides = array<i32>} : memref<1x32x128xf32, #tpu.memory_space<vmem>>, vector<16xf32>,
        %add3A_1315 = arith.constant 17 : i32
        %add3A_1316 = vector.broadcast %add3A_1315 : i32 to vector<16xi32>
        %add3A_1317 = arith.addi %get3A_1141, %add3A_1316 : vector<16xi32>
        %gather3A_1318 = tpu.vector_load_idx %arg8[%add3A_1144, %add3A_1317] : memref<128x128xf32, #tpu.memory_space<vmem>>[vector<16xi32>, vector<16xi32>], vector<16xf32>,
        %swap3A_1319 = arith.constant 0 : i32
        %swap3A_1320 = arith.constant 17 : i32
        %swap3A_1321 = arith.index_cast %swap3A_1319 : i32 to index
        %swap3A_1322 = arith.index_cast %swap3A_1320 : i32 to index
        %swap3A_1323 = arith.constant 48 : index
        %swap3A_1324 = tpu.vector_load %arg9[%swap3A_1321, %swap3A_1322, %swap3A_1323] {strides = array<i32>} : memref<1x32x128xf32, #tpu.memory_space<vmem>>, vector<16xf32>,
        tpu.vector_store %arg9[%swap3A_1321, %swap3A_1322, %swap3A_1323], %gather3A_1318 {strides = array<i32>} : memref<1x32x128xf32, #tpu.memory_space<vmem>>, vector<16xf32>,
        %add3A_1325 = arith.constant 18 : i32
        %add3A_1326 = vector.broadcast %add3A_1325 : i32 to vector<16xi32>
        %add3A_1327 = arith.addi %get3A_1141, %add3A_1326 : vector<16xi32>
        %gather3A_1328 = tpu.vector_load_idx %arg8[%add3A_1144, %add3A_1327] : memref<128x128xf32, #tpu.memory_space<vmem>>[vector<16xi32>, vector<16xi32>], vector<16xf32>,
        %swap3A_1329 = arith.constant 0 : i32
        %swap3A_1330 = arith.constant 18 : i32
        %swap3A_1331 = arith.index_cast %swap3A_1329 : i32 to index
        %swap3A_1332 = arith.index_cast %swap3A_1330 : i32 to index
        %swap3A_1333 = arith.constant 48 : index
        %swap3A_1334 = tpu.vector_load %arg9[%swap3A_1331, %swap3A_1332, %swap3A_1333] {strides = array<i32>} : memref<1x32x128xf32, #tpu.memory_space<vmem>>, vector<16xf32>,
        tpu.vector_store %arg9[%swap3A_1331, %swap3A_1332, %swap3A_1333], %gather3A_1328 {strides = array<i32>} : memref<1x32x128xf32, #tpu.memory_space<vmem>>, vector<16xf32>,
        %add3A_1335 = arith.constant 19 : i32
        %add3A_1336 = vector.broadcast %add3A_1335 : i32 to vector<16xi32>
        %add3A_1337 = arith.addi %get3A_1141, %add3A_1336 : vector<16xi32>
        %gather3A_1338 = tpu.vector_load_idx %arg8[%add3A_1144, %add3A_1337] : memref<128x128xf32, #tpu.memory_space<vmem>>[vector<16xi32>, vector<16xi32>], vector<16xf32>,
        %swap3A_1339 = arith.constant 0 : i32
        %swap3A_1340 = arith.constant 19 : i32
        %swap3A_1341 = arith.index_cast %swap3A_1339 : i32 to index
        %swap3A_1342 = arith.index_cast %swap3A_1340 : i32 to index
        %swap3A_1343 = arith.constant 48 : index
        %swap3A_1344 = tpu.vector_load %arg9[%swap3A_1341, %swap3A_1342, %swap3A_1343] {strides = array<i32>} : memref<1x32x128xf32, #tpu.memory_space<vmem>>, vector<16xf32>,
        tpu.vector_store %arg9[%swap3A_1341, %swap3A_1342, %swap3A_1343], %gather3A_1338 {strides = array<i32>} : memref<1x32x128xf32, #tpu.memory_space<vmem>>, vector<16xf32>,
        %add3A_1345 = arith.constant 20 : i32
        %add3A_1346 = vector.broadcast %add3A_1345 : i32 to vector<16xi32>
        %add3A_1347 = arith.addi %get3A_1141, %add3A_1346 : vector<16xi32>
        %gather3A_1348 = tpu.vector_load_idx %arg8[%add3A_1144, %add3A_1347] : memref<128x128xf32, #tpu.memory_space<vmem>>[vector<16xi32>, vector<16xi32>], vector<16xf32>,
        %swap3A_1349 = arith.constant 0 : i32
        %swap3A_1350 = arith.constant 20 : i32
        %swap3A_1351 = arith.index_cast %swap3A_1349 : i32 to index
        %swap3A_1352 = arith.index_cast %swap3A_1350 : i32 to index
        %swap3A_1353 = arith.constant 48 : index
        %swap3A_1354 = tpu.vector_load %arg9[%swap3A_1351, %swap3A_1352, %swap3A_1353] {strides = array<i32>} : memref<1x32x128xf32, #tpu.memory_space<vmem>>, vector<16xf32>,
        tpu.vector_store %arg9[%swap3A_1351, %swap3A_1352, %swap3A_1353], %gather3A_1348 {strides = array<i32>} : memref<1x32x128xf32, #tpu.memory_space<vmem>>, vector<16xf32>,
        %add3A_1355 = arith.constant 21 : i32
        %add3A_1356 = vector.broadcast %add3A_1355 : i32 to vector<16xi32>
        %add3A_1357 = arith.addi %get3A_1141, %add3A_1356 : vector<16xi32>
        %gather3A_1358 = tpu.vector_load_idx %arg8[%add3A_1144, %add3A_1357] : memref<128x128xf32, #tpu.memory_space<vmem>>[vector<16xi32>, vector<16xi32>], vector<16xf32>,
        %swap3A_1359 = arith.constant 0 : i32
        %swap3A_1360 = arith.constant 21 : i32
        %swap3A_1361 = arith.index_cast %swap3A_1359 : i32 to index
        %swap3A_1362 = arith.index_cast %swap3A_1360 : i32 to index
        %swap3A_1363 = arith.constant 48 : index
        %swap3A_1364 = tpu.vector_load %arg9[%swap3A_1361, %swap3A_1362, %swap3A_1363] {strides = array<i32>} : memref<1x32x128xf32, #tpu.memory_space<vmem>>, vector<16xf32>,
        tpu.vector_store %arg9[%swap3A_1361, %swap3A_1362, %swap3A_1363], %gather3A_1358 {strides = array<i32>} : memref<1x32x128xf32, #tpu.memory_space<vmem>>, vector<16xf32>,
        %add3A_1365 = arith.constant 22 : i32
        %add3A_1366 = vector.broadcast %add3A_1365 : i32 to vector<16xi32>
        %add3A_1367 = arith.addi %get3A_1141, %add3A_1366 : vector<16xi32>
        %gather3A_1368 = tpu.vector_load_idx %arg8[%add3A_1144, %add3A_1367] : memref<128x128xf32, #tpu.memory_space<vmem>>[vector<16xi32>, vector<16xi32>], vector<16xf32>,
        %swap3A_1369 = arith.constant 0 : i32
        %swap3A_1370 = arith.constant 22 : i32
        %swap3A_1371 = arith.index_cast %swap3A_1369 : i32 to index
        %swap3A_1372 = arith.index_cast %swap3A_1370 : i32 to index
        %swap3A_1373 = arith.constant 48 : index
        %swap3A_1374 = tpu.vector_load %arg9[%swap3A_1371, %swap3A_1372, %swap3A_1373] {strides = array<i32>} : memref<1x32x128xf32, #tpu.memory_space<vmem>>, vector<16xf32>,
        tpu.vector_store %arg9[%swap3A_1371, %swap3A_1372, %swap3A_1373], %gather3A_1368 {strides = array<i32>} : memref<1x32x128xf32, #tpu.memory_space<vmem>>, vector<16xf32>,
        %add3A_1375 = arith.constant 23 : i32
        %add3A_1376 = vector.broadcast %add3A_1375 : i32 to vector<16xi32>
        %add3A_1377 = arith.addi %get3A_1141, %add3A_1376 : vector<16xi32>
        %gather3A_1378 = tpu.vector_load_idx %arg8[%add3A_1144, %add3A_1377] : memref<128x128xf32, #tpu.memory_space<vmem>>[vector<16xi32>, vector<16xi32>], vector<16xf32>,
        %swap3A_1379 = arith.constant 0 : i32
        %swap3A_1380 = arith.constant 23 : i32
        %swap3A_1381 = arith.index_cast %swap3A_1379 : i32 to index
        %swap3A_1382 = arith.index_cast %swap3A_1380 : i32 to index
        %swap3A_1383 = arith.constant 48 : index
        %swap3A_1384 = tpu.vector_load %arg9[%swap3A_1381, %swap3A_1382, %swap3A_1383] {strides = array<i32>} : memref<1x32x128xf32, #tpu.memory_space<vmem>>, vector<16xf32>,
        tpu.vector_store %arg9[%swap3A_1381, %swap3A_1382, %swap3A_1383], %gather3A_1378 {strides = array<i32>} : memref<1x32x128xf32, #tpu.memory_space<vmem>>, vector<16xf32>,
        %add3A_1385 = arith.constant 24 : i32
        %add3A_1386 = vector.broadcast %add3A_1385 : i32 to vector<16xi32>
        %add3A_1387 = arith.addi %get3A_1141, %add3A_1386 : vector<16xi32>
        %gather3A_1388 = tpu.vector_load_idx %arg8[%add3A_1144, %add3A_1387] : memref<128x128xf32, #tpu.memory_space<vmem>>[vector<16xi32>, vector<16xi32>], vector<16xf32>,
        %swap3A_1389 = arith.constant 0 : i32
        %swap3A_1390 = arith.constant 24 : i32
        %swap3A_1391 = arith.index_cast %swap3A_1389 : i32 to index
        %swap3A_1392 = arith.index_cast %swap3A_1390 : i32 to index
        %swap3A_1393 = arith.constant 48 : index
        %swap3A_1394 = tpu.vector_load %arg9[%swap3A_1391, %swap3A_1392, %swap3A_1393] {strides = array<i32>} : memref<1x32x128xf32, #tpu.memory_space<vmem>>, vector<16xf32>,
        tpu.vector_store %arg9[%swap3A_1391, %swap3A_1392, %swap3A_1393], %gather3A_1388 {strides = array<i32>} : memref<1x32x128xf32, #tpu.memory_space<vmem>>, vector<16xf32>,
        %add3A_1395 = arith.constant 25 : i32
        %add3A_1396 = vector.broadcast %add3A_1395 : i32 to vector<16xi32>
        %add3A_1397 = arith.addi %get3A_1141, %add3A_1396 : vector<16xi32>
        %gather3A_1398 = tpu.vector_load_idx %arg8[%add3A_1144, %add3A_1397] : memref<128x128xf32, #tpu.memory_space<vmem>>[vector<16xi32>, vector<16xi32>], vector<16xf32>,
        %swap3A_1399 = arith.constant 0 : i32
        %swap3A_1400 = arith.constant 25 : i32
        %swap3A_1401 = arith.index_cast %swap3A_1399 : i32 to index
        %swap3A_1402 = arith.index_cast %swap3A_1400 : i32 to index
        %swap3A_1403 = arith.constant 48 : index
        %swap3A_1404 = tpu.vector_load %arg9[%swap3A_1401, %swap3A_1402, %swap3A_1403] {strides = array<i32>} : memref<1x32x128xf32, #tpu.memory_space<vmem>>, vector<16xf32>,
        tpu.vector_store %arg9[%swap3A_1401, %swap3A_1402, %swap3A_1403], %gather3A_1398 {strides = array<i32>} : memref<1x32x128xf32, #tpu.memory_space<vmem>>, vector<16xf32>,
        %add3A_1405 = arith.constant 26 : i32
        %add3A_1406 = vector.broadcast %add3A_1405 : i32 to vector<16xi32>
        %add3A_1407 = arith.addi %get3A_1141, %add3A_1406 : vector<16xi32>
        %gather3A_1408 = tpu.vector_load_idx %arg8[%add3A_1144, %add3A_1407] : memref<128x128xf32, #tpu.memory_space<vmem>>[vector<16xi32>, vector<16xi32>], vector<16xf32>,
        %swap3A_1409 = arith.constant 0 : i32
        %swap3A_1410 = arith.constant 26 : i32
        %swap3A_1411 = arith.index_cast %swap3A_1409 : i32 to index
        %swap3A_1412 = arith.index_cast %swap3A_1410 : i32 to index
        %swap3A_1413 = arith.constant 48 : index
        %swap3A_1414 = tpu.vector_load %arg9[%swap3A_1411, %swap3A_1412, %swap3A_1413] {strides = array<i32>} : memref<1x32x128xf32, #tpu.memory_space<vmem>>, vector<16xf32>,
        tpu.vector_store %arg9[%swap3A_1411, %swap3A_1412, %swap3A_1413], %gather3A_1408 {strides = array<i32>} : memref<1x32x128xf32, #tpu.memory_space<vmem>>, vector<16xf32>,
        %add3A_1415 = arith.constant 27 : i32
        %add3A_1416 = vector.broadcast %add3A_1415 : i32 to vector<16xi32>
        %add3A_1417 = arith.addi %get3A_1141, %add3A_1416 : vector<16xi32>
        %gather3A_1418 = tpu.vector_load_idx %arg8[%add3A_1144, %add3A_1417] : memref<128x128xf32, #tpu.memory_space<vmem>>[vector<16xi32>, vector<16xi32>], vector<16xf32>,
        %swap3A_1419 = arith.constant 0 : i32
        %swap3A_1420 = arith.constant 27 : i32
        %swap3A_1421 = arith.index_cast %swap3A_1419 : i32 to index
        %swap3A_1422 = arith.index_cast %swap3A_1420 : i32 to index
        %swap3A_1423 = arith.constant 48 : index
        %swap3A_1424 = tpu.vector_load %arg9[%swap3A_1421, %swap3A_1422, %swap3A_1423] {strides = array<i32>} : memref<1x32x128xf32, #tpu.memory_space<vmem>>, vector<16xf32>,
        tpu.vector_store %arg9[%swap3A_1421, %swap3A_1422, %swap3A_1423], %gather3A_1418 {strides = array<i32>} : memref<1x32x128xf32, #tpu.memory_space<vmem>>, vector<16xf32>,
        %add3A_1425 = arith.constant 28 : i32
        %add3A_1426 = vector.broadcast %add3A_1425 : i32 to vector<16xi32>
        %add3A_1427 = arith.addi %get3A_1141, %add3A_1426 : vector<16xi32>
        %gather3A_1428 = tpu.vector_load_idx %arg8[%add3A_1144, %add3A_1427] : memref<128x128xf32, #tpu.memory_space<vmem>>[vector<16xi32>, vector<16xi32>], vector<16xf32>,
        %swap3A_1429 = arith.constant 0 : i32
        %swap3A_1430 = arith.constant 28 : i32
        %swap3A_1431 = arith.index_cast %swap3A_1429 : i32 to index
        %swap3A_1432 = arith.index_cast %swap3A_1430 : i32 to index
        %swap3A_1433 = arith.constant 48 : index
        %swap3A_1434 = tpu.vector_load %arg9[%swap3A_1431, %swap3A_1432, %swap3A_1433] {strides = array<i32>} : memref<1x32x128xf32, #tpu.memory_space<vmem>>, vector<16xf32>,
        tpu.vector_store %arg9[%swap3A_1431, %swap3A_1432, %swap3A_1433], %gather3A_1428 {strides = array<i32>} : memref<1x32x128xf32, #tpu.memory_space<vmem>>, vector<16xf32>,
        %add3A_1435 = arith.constant 29 : i32
        %add3A_1436 = vector.broadcast %add3A_1435 : i32 to vector<16xi32>
        %add3A_1437 = arith.addi %get3A_1141, %add3A_1436 : vector<16xi32>
        %gather3A_1438 = tpu.vector_load_idx %arg8[%add3A_1144, %add3A_1437] : memref<128x128xf32, #tpu.memory_space<vmem>>[vector<16xi32>, vector<16xi32>], vector<16xf32>,
        %swap3A_1439 = arith.constant 0 : i32
        %swap3A_1440 = arith.constant 29 : i32
        %swap3A_1441 = arith.index_cast %swap3A_1439 : i32 to index
        %swap3A_1442 = arith.index_cast %swap3A_1440 : i32 to index
        %swap3A_1443 = arith.constant 48 : index
        %swap3A_1444 = tpu.vector_load %arg9[%swap3A_1441, %swap3A_1442, %swap3A_1443] {strides = array<i32>} : memref<1x32x128xf32, #tpu.memory_space<vmem>>, vector<16xf32>,
        tpu.vector_store %arg9[%swap3A_1441, %swap3A_1442, %swap3A_1443], %gather3A_1438 {strides = array<i32>} : memref<1x32x128xf32, #tpu.memory_space<vmem>>, vector<16xf32>,
        %add3A_1445 = arith.constant 30 : i32
        %add3A_1446 = vector.broadcast %add3A_1445 : i32 to vector<16xi32>
        %add3A_1447 = arith.addi %get3A_1141, %add3A_1446 : vector<16xi32>
        %gather3A_1448 = tpu.vector_load_idx %arg8[%add3A_1144, %add3A_1447] : memref<128x128xf32, #tpu.memory_space<vmem>>[vector<16xi32>, vector<16xi32>], vector<16xf32>,
        %swap3A_1449 = arith.constant 0 : i32
        %swap3A_1450 = arith.constant 30 : i32
        %swap3A_1451 = arith.index_cast %swap3A_1449 : i32 to index
        %swap3A_1452 = arith.index_cast %swap3A_1450 : i32 to index
        %swap3A_1453 = arith.constant 48 : index
        %swap3A_1454 = tpu.vector_load %arg9[%swap3A_1451, %swap3A_1452, %swap3A_1453] {strides = array<i32>} : memref<1x32x128xf32, #tpu.memory_space<vmem>>, vector<16xf32>,
        tpu.vector_store %arg9[%swap3A_1451, %swap3A_1452, %swap3A_1453], %gather3A_1448 {strides = array<i32>} : memref<1x32x128xf32, #tpu.memory_space<vmem>>, vector<16xf32>,
        %add3A_1455 = arith.constant 31 : i32
        %add3A_1456 = vector.broadcast %add3A_1455 : i32 to vector<16xi32>
        %add3A_1457 = arith.addi %get3A_1141, %add3A_1456 : vector<16xi32>
        %gather3A_1458 = tpu.vector_load_idx %arg8[%add3A_1144, %add3A_1457] : memref<128x128xf32, #tpu.memory_space<vmem>>[vector<16xi32>, vector<16xi32>], vector<16xf32>,
        %swap3A_1459 = arith.constant 0 : i32
        %swap3A_1460 = arith.constant 31 : i32
        %swap3A_1461 = arith.index_cast %swap3A_1459 : i32 to index
        %swap3A_1462 = arith.index_cast %swap3A_1460 : i32 to index
        %swap3A_1463 = arith.constant 48 : index
        %swap3A_1464 = tpu.vector_load %arg9[%swap3A_1461, %swap3A_1462, %swap3A_1463] {strides = array<i32>} : memref<1x32x128xf32, #tpu.memory_space<vmem>>, vector<16xf32>,
        tpu.vector_store %arg9[%swap3A_1461, %swap3A_1462, %swap3A_1463], %gather3A_1458 {strides = array<i32>} : memref<1x32x128xf32, #tpu.memory_space<vmem>>, vector<16xf32>,
        %get3A_1465 = arith.constant 64 : index
        %get3A_1466 = tpu.vector_load %arg7[%get3A_1465] {strides = array<i32>} : memref<128xi32, #tpu.memory_space<vmem>>, vector<16xi32>,
        %add3A_1467 = arith.constant 64 : i32
        %add3A_1468 = vector.broadcast %add3A_1467 : i32 to vector<16xi32>
        %add3A_1469 = arith.addi %iota3A, %add3A_1468 : vector<16xi32>
        %add3A_1470 = arith.constant 0 : i32
        %add3A_1471 = vector.broadcast %add3A_1470 : i32 to vector<16xi32>
        %add3A_1472 = arith.addi %get3A_1466, %add3A_1471 : vector<16xi32>
        %gather3A_1473 = tpu.vector_load_idx %arg8[%add3A_1469, %add3A_1472] : memref<128x128xf32, #tpu.memory_space<vmem>>[vector<16xi32>, vector<16xi32>], vector<16xf32>,
        %swap3A_1474 = arith.constant 0 : i32
        %swap3A_1475 = arith.constant 0 : i32
        %swap3A_1476 = arith.index_cast %swap3A_1474 : i32 to index
        %swap3A_1477 = arith.index_cast %swap3A_1475 : i32 to index
        %swap3A_1478 = arith.constant 64 : index
        %swap3A_1479 = tpu.vector_load %arg9[%swap3A_1476, %swap3A_1477, %swap3A_1478] {strides = array<i32>} : memref<1x32x128xf32, #tpu.memory_space<vmem>>, vector<16xf32>,
        tpu.vector_store %arg9[%swap3A_1476, %swap3A_1477, %swap3A_1478], %gather3A_1473 {strides = array<i32>} : memref<1x32x128xf32, #tpu.memory_space<vmem>>, vector<16xf32>,
        %add3A_1480 = arith.constant 1 : i32
        %add3A_1481 = vector.broadcast %add3A_1480 : i32 to vector<16xi32>
        %add3A_1482 = arith.addi %get3A_1466, %add3A_1481 : vector<16xi32>
        %gather3A_1483 = tpu.vector_load_idx %arg8[%add3A_1469, %add3A_1482] : memref<128x128xf32, #tpu.memory_space<vmem>>[vector<16xi32>, vector<16xi32>], vector<16xf32>,
        %swap3A_1484 = arith.constant 0 : i32
        %swap3A_1485 = arith.constant 1 : i32
        %swap3A_1486 = arith.index_cast %swap3A_1484 : i32 to index
        %swap3A_1487 = arith.index_cast %swap3A_1485 : i32 to index
        %swap3A_1488 = arith.constant 64 : index
        %swap3A_1489 = tpu.vector_load %arg9[%swap3A_1486, %swap3A_1487, %swap3A_1488] {strides = array<i32>} : memref<1x32x128xf32, #tpu.memory_space<vmem>>, vector<16xf32>,
        tpu.vector_store %arg9[%swap3A_1486, %swap3A_1487, %swap3A_1488], %gather3A_1483 {strides = array<i32>} : memref<1x32x128xf32, #tpu.memory_space<vmem>>, vector<16xf32>,
        %add3A_1490 = arith.constant 2 : i32
        %add3A_1491 = vector.broadcast %add3A_1490 : i32 to vector<16xi32>
        %add3A_1492 = arith.addi %get3A_1466, %add3A_1491 : vector<16xi32>
        %gather3A_1493 = tpu.vector_load_idx %arg8[%add3A_1469, %add3A_1492] : memref<128x128xf32, #tpu.memory_space<vmem>>[vector<16xi32>, vector<16xi32>], vector<16xf32>,
        %swap3A_1494 = arith.constant 0 : i32
        %swap3A_1495 = arith.constant 2 : i32
        %swap3A_1496 = arith.index_cast %swap3A_1494 : i32 to index
        %swap3A_1497 = arith.index_cast %swap3A_1495 : i32 to index
        %swap3A_1498 = arith.constant 64 : index
        %swap3A_1499 = tpu.vector_load %arg9[%swap3A_1496, %swap3A_1497, %swap3A_1498] {strides = array<i32>} : memref<1x32x128xf32, #tpu.memory_space<vmem>>, vector<16xf32>,
        tpu.vector_store %arg9[%swap3A_1496, %swap3A_1497, %swap3A_1498], %gather3A_1493 {strides = array<i32>} : memref<1x32x128xf32, #tpu.memory_space<vmem>>, vector<16xf32>,
        %add3A_1500 = arith.constant 3 : i32
        %add3A_1501 = vector.broadcast %add3A_1500 : i32 to vector<16xi32>
        %add3A_1502 = arith.addi %get3A_1466, %add3A_1501 : vector<16xi32>
        %gather3A_1503 = tpu.vector_load_idx %arg8[%add3A_1469, %add3A_1502] : memref<128x128xf32, #tpu.memory_space<vmem>>[vector<16xi32>, vector<16xi32>], vector<16xf32>,
        %swap3A_1504 = arith.constant 0 : i32
        %swap3A_1505 = arith.constant 3 : i32
        %swap3A_1506 = arith.index_cast %swap3A_1504 : i32 to index
        %swap3A_1507 = arith.index_cast %swap3A_1505 : i32 to index
        %swap3A_1508 = arith.constant 64 : index
        %swap3A_1509 = tpu.vector_load %arg9[%swap3A_1506, %swap3A_1507, %swap3A_1508] {strides = array<i32>} : memref<1x32x128xf32, #tpu.memory_space<vmem>>, vector<16xf32>,
        tpu.vector_store %arg9[%swap3A_1506, %swap3A_1507, %swap3A_1508], %gather3A_1503 {strides = array<i32>} : memref<1x32x128xf32, #tpu.memory_space<vmem>>, vector<16xf32>,
        %add3A_1510 = arith.constant 4 : i32
        %add3A_1511 = vector.broadcast %add3A_1510 : i32 to vector<16xi32>
        %add3A_1512 = arith.addi %get3A_1466, %add3A_1511 : vector<16xi32>
        %gather3A_1513 = tpu.vector_load_idx %arg8[%add3A_1469, %add3A_1512] : memref<128x128xf32, #tpu.memory_space<vmem>>[vector<16xi32>, vector<16xi32>], vector<16xf32>,
        %swap3A_1514 = arith.constant 0 : i32
        %swap3A_1515 = arith.constant 4 : i32
        %swap3A_1516 = arith.index_cast %swap3A_1514 : i32 to index
        %swap3A_1517 = arith.index_cast %swap3A_1515 : i32 to index
        %swap3A_1518 = arith.constant 64 : index
        %swap3A_1519 = tpu.vector_load %arg9[%swap3A_1516, %swap3A_1517, %swap3A_1518] {strides = array<i32>} : memref<1x32x128xf32, #tpu.memory_space<vmem>>, vector<16xf32>,
        tpu.vector_store %arg9[%swap3A_1516, %swap3A_1517, %swap3A_1518], %gather3A_1513 {strides = array<i32>} : memref<1x32x128xf32, #tpu.memory_space<vmem>>, vector<16xf32>,
        %add3A_1520 = arith.constant 5 : i32
        %add3A_1521 = vector.broadcast %add3A_1520 : i32 to vector<16xi32>
        %add3A_1522 = arith.addi %get3A_1466, %add3A_1521 : vector<16xi32>
        %gather3A_1523 = tpu.vector_load_idx %arg8[%add3A_1469, %add3A_1522] : memref<128x128xf32, #tpu.memory_space<vmem>>[vector<16xi32>, vector<16xi32>], vector<16xf32>,
        %swap3A_1524 = arith.constant 0 : i32
        %swap3A_1525 = arith.constant 5 : i32
        %swap3A_1526 = arith.index_cast %swap3A_1524 : i32 to index
        %swap3A_1527 = arith.index_cast %swap3A_1525 : i32 to index
        %swap3A_1528 = arith.constant 64 : index
        %swap3A_1529 = tpu.vector_load %arg9[%swap3A_1526, %swap3A_1527, %swap3A_1528] {strides = array<i32>} : memref<1x32x128xf32, #tpu.memory_space<vmem>>, vector<16xf32>,
        tpu.vector_store %arg9[%swap3A_1526, %swap3A_1527, %swap3A_1528], %gather3A_1523 {strides = array<i32>} : memref<1x32x128xf32, #tpu.memory_space<vmem>>, vector<16xf32>,
        %add3A_1530 = arith.constant 6 : i32
        %add3A_1531 = vector.broadcast %add3A_1530 : i32 to vector<16xi32>
        %add3A_1532 = arith.addi %get3A_1466, %add3A_1531 : vector<16xi32>
        %gather3A_1533 = tpu.vector_load_idx %arg8[%add3A_1469, %add3A_1532] : memref<128x128xf32, #tpu.memory_space<vmem>>[vector<16xi32>, vector<16xi32>], vector<16xf32>,
        %swap3A_1534 = arith.constant 0 : i32
        %swap3A_1535 = arith.constant 6 : i32
        %swap3A_1536 = arith.index_cast %swap3A_1534 : i32 to index
        %swap3A_1537 = arith.index_cast %swap3A_1535 : i32 to index
        %swap3A_1538 = arith.constant 64 : index
        %swap3A_1539 = tpu.vector_load %arg9[%swap3A_1536, %swap3A_1537, %swap3A_1538] {strides = array<i32>} : memref<1x32x128xf32, #tpu.memory_space<vmem>>, vector<16xf32>,
        tpu.vector_store %arg9[%swap3A_1536, %swap3A_1537, %swap3A_1538], %gather3A_1533 {strides = array<i32>} : memref<1x32x128xf32, #tpu.memory_space<vmem>>, vector<16xf32>,
        %add3A_1540 = arith.constant 7 : i32
        %add3A_1541 = vector.broadcast %add3A_1540 : i32 to vector<16xi32>
        %add3A_1542 = arith.addi %get3A_1466, %add3A_1541 : vector<16xi32>
        %gather3A_1543 = tpu.vector_load_idx %arg8[%add3A_1469, %add3A_1542] : memref<128x128xf32, #tpu.memory_space<vmem>>[vector<16xi32>, vector<16xi32>], vector<16xf32>,
        %swap3A_1544 = arith.constant 0 : i32
        %swap3A_1545 = arith.constant 7 : i32
        %swap3A_1546 = arith.index_cast %swap3A_1544 : i32 to index
        %swap3A_1547 = arith.index_cast %swap3A_1545 : i32 to index
        %swap3A_1548 = arith.constant 64 : index
        %swap3A_1549 = tpu.vector_load %arg9[%swap3A_1546, %swap3A_1547, %swap3A_1548] {strides = array<i32>} : memref<1x32x128xf32, #tpu.memory_space<vmem>>, vector<16xf32>,
        tpu.vector_store %arg9[%swap3A_1546, %swap3A_1547, %swap3A_1548], %gather3A_1543 {strides = array<i32>} : memref<1x32x128xf32, #tpu.memory_space<vmem>>, vector<16xf32>,
        %add3A_1550 = arith.constant 8 : i32
        %add3A_1551 = vector.broadcast %add3A_1550 : i32 to vector<16xi32>
        %add3A_1552 = arith.addi %get3A_1466, %add3A_1551 : vector<16xi32>
        %gather3A_1553 = tpu.vector_load_idx %arg8[%add3A_1469, %add3A_1552] : memref<128x128xf32, #tpu.memory_space<vmem>>[vector<16xi32>, vector<16xi32>], vector<16xf32>,
        %swap3A_1554 = arith.constant 0 : i32
        %swap3A_1555 = arith.constant 8 : i32
        %swap3A_1556 = arith.index_cast %swap3A_1554 : i32 to index
        %swap3A_1557 = arith.index_cast %swap3A_1555 : i32 to index
        %swap3A_1558 = arith.constant 64 : index
        %swap3A_1559 = tpu.vector_load %arg9[%swap3A_1556, %swap3A_1557, %swap3A_1558] {strides = array<i32>} : memref<1x32x128xf32, #tpu.memory_space<vmem>>, vector<16xf32>,
        tpu.vector_store %arg9[%swap3A_1556, %swap3A_1557, %swap3A_1558], %gather3A_1553 {strides = array<i32>} : memref<1x32x128xf32, #tpu.memory_space<vmem>>, vector<16xf32>,
        %add3A_1560 = arith.constant 9 : i32
        %add3A_1561 = vector.broadcast %add3A_1560 : i32 to vector<16xi32>
        %add3A_1562 = arith.addi %get3A_1466, %add3A_1561 : vector<16xi32>
        %gather3A_1563 = tpu.vector_load_idx %arg8[%add3A_1469, %add3A_1562] : memref<128x128xf32, #tpu.memory_space<vmem>>[vector<16xi32>, vector<16xi32>], vector<16xf32>,
        %swap3A_1564 = arith.constant 0 : i32
        %swap3A_1565 = arith.constant 9 : i32
        %swap3A_1566 = arith.index_cast %swap3A_1564 : i32 to index
        %swap3A_1567 = arith.index_cast %swap3A_1565 : i32 to index
        %swap3A_1568 = arith.constant 64 : index
        %swap3A_1569 = tpu.vector_load %arg9[%swap3A_1566, %swap3A_1567, %swap3A_1568] {strides = array<i32>} : memref<1x32x128xf32, #tpu.memory_space<vmem>>, vector<16xf32>,
        tpu.vector_store %arg9[%swap3A_1566, %swap3A_1567, %swap3A_1568], %gather3A_1563 {strides = array<i32>} : memref<1x32x128xf32, #tpu.memory_space<vmem>>, vector<16xf32>,
        %add3A_1570 = arith.constant 10 : i32
        %add3A_1571 = vector.broadcast %add3A_1570 : i32 to vector<16xi32>
        %add3A_1572 = arith.addi %get3A_1466, %add3A_1571 : vector<16xi32>
        %gather3A_1573 = tpu.vector_load_idx %arg8[%add3A_1469, %add3A_1572] : memref<128x128xf32, #tpu.memory_space<vmem>>[vector<16xi32>, vector<16xi32>], vector<16xf32>,
        %swap3A_1574 = arith.constant 0 : i32
        %swap3A_1575 = arith.constant 10 : i32
        %swap3A_1576 = arith.index_cast %swap3A_1574 : i32 to index
        %swap3A_1577 = arith.index_cast %swap3A_1575 : i32 to index
        %swap3A_1578 = arith.constant 64 : index
        %swap3A_1579 = tpu.vector_load %arg9[%swap3A_1576, %swap3A_1577, %swap3A_1578] {strides = array<i32>} : memref<1x32x128xf32, #tpu.memory_space<vmem>>, vector<16xf32>,
        tpu.vector_store %arg9[%swap3A_1576, %swap3A_1577, %swap3A_1578], %gather3A_1573 {strides = array<i32>} : memref<1x32x128xf32, #tpu.memory_space<vmem>>, vector<16xf32>,
        %add3A_1580 = arith.constant 11 : i32
        %add3A_1581 = vector.broadcast %add3A_1580 : i32 to vector<16xi32>
        %add3A_1582 = arith.addi %get3A_1466, %add3A_1581 : vector<16xi32>
        %gather3A_1583 = tpu.vector_load_idx %arg8[%add3A_1469, %add3A_1582] : memref<128x128xf32, #tpu.memory_space<vmem>>[vector<16xi32>, vector<16xi32>], vector<16xf32>,
        %swap3A_1584 = arith.constant 0 : i32
        %swap3A_1585 = arith.constant 11 : i32
        %swap3A_1586 = arith.index_cast %swap3A_1584 : i32 to index
        %swap3A_1587 = arith.index_cast %swap3A_1585 : i32 to index
        %swap3A_1588 = arith.constant 64 : index
        %swap3A_1589 = tpu.vector_load %arg9[%swap3A_1586, %swap3A_1587, %swap3A_1588] {strides = array<i32>} : memref<1x32x128xf32, #tpu.memory_space<vmem>>, vector<16xf32>,
        tpu.vector_store %arg9[%swap3A_1586, %swap3A_1587, %swap3A_1588], %gather3A_1583 {strides = array<i32>} : memref<1x32x128xf32, #tpu.memory_space<vmem>>, vector<16xf32>,
        %add3A_1590 = arith.constant 12 : i32
        %add3A_1591 = vector.broadcast %add3A_1590 : i32 to vector<16xi32>
        %add3A_1592 = arith.addi %get3A_1466, %add3A_1591 : vector<16xi32>
        %gather3A_1593 = tpu.vector_load_idx %arg8[%add3A_1469, %add3A_1592] : memref<128x128xf32, #tpu.memory_space<vmem>>[vector<16xi32>, vector<16xi32>], vector<16xf32>,
        %swap3A_1594 = arith.constant 0 : i32
        %swap3A_1595 = arith.constant 12 : i32
        %swap3A_1596 = arith.index_cast %swap3A_1594 : i32 to index
        %swap3A_1597 = arith.index_cast %swap3A_1595 : i32 to index
        %swap3A_1598 = arith.constant 64 : index
        %swap3A_1599 = tpu.vector_load %arg9[%swap3A_1596, %swap3A_1597, %swap3A_1598] {strides = array<i32>} : memref<1x32x128xf32, #tpu.memory_space<vmem>>, vector<16xf32>,
        tpu.vector_store %arg9[%swap3A_1596, %swap3A_1597, %swap3A_1598], %gather3A_1593 {strides = array<i32>} : memref<1x32x128xf32, #tpu.memory_space<vmem>>, vector<16xf32>,
        %add3A_1600 = arith.constant 13 : i32
        %add3A_1601 = vector.broadcast %add3A_1600 : i32 to vector<16xi32>
        %add3A_1602 = arith.addi %get3A_1466, %add3A_1601 : vector<16xi32>
        %gather3A_1603 = tpu.vector_load_idx %arg8[%add3A_1469, %add3A_1602] : memref<128x128xf32, #tpu.memory_space<vmem>>[vector<16xi32>, vector<16xi32>], vector<16xf32>,
        %swap3A_1604 = arith.constant 0 : i32
        %swap3A_1605 = arith.constant 13 : i32
        %swap3A_1606 = arith.index_cast %swap3A_1604 : i32 to index
        %swap3A_1607 = arith.index_cast %swap3A_1605 : i32 to index
        %swap3A_1608 = arith.constant 64 : index
        %swap3A_1609 = tpu.vector_load %arg9[%swap3A_1606, %swap3A_1607, %swap3A_1608] {strides = array<i32>} : memref<1x32x128xf32, #tpu.memory_space<vmem>>, vector<16xf32>,
        tpu.vector_store %arg9[%swap3A_1606, %swap3A_1607, %swap3A_1608], %gather3A_1603 {strides = array<i32>} : memref<1x32x128xf32, #tpu.memory_space<vmem>>, vector<16xf32>,
        %add3A_1610 = arith.constant 14 : i32
        %add3A_1611 = vector.broadcast %add3A_1610 : i32 to vector<16xi32>
        %add3A_1612 = arith.addi %get3A_1466, %add3A_1611 : vector<16xi32>
        %gather3A_1613 = tpu.vector_load_idx %arg8[%add3A_1469, %add3A_1612] : memref<128x128xf32, #tpu.memory_space<vmem>>[vector<16xi32>, vector<16xi32>], vector<16xf32>,
        %swap3A_1614 = arith.constant 0 : i32
        %swap3A_1615 = arith.constant 14 : i32
        %swap3A_1616 = arith.index_cast %swap3A_1614 : i32 to index
        %swap3A_1617 = arith.index_cast %swap3A_1615 : i32 to index
        %swap3A_1618 = arith.constant 64 : index
        %swap3A_1619 = tpu.vector_load %arg9[%swap3A_1616, %swap3A_1617, %swap3A_1618] {strides = array<i32>} : memref<1x32x128xf32, #tpu.memory_space<vmem>>, vector<16xf32>,
        tpu.vector_store %arg9[%swap3A_1616, %swap3A_1617, %swap3A_1618], %gather3A_1613 {strides = array<i32>} : memref<1x32x128xf32, #tpu.memory_space<vmem>>, vector<16xf32>,
        %add3A_1620 = arith.constant 15 : i32
        %add3A_1621 = vector.broadcast %add3A_1620 : i32 to vector<16xi32>
        %add3A_1622 = arith.addi %get3A_1466, %add3A_1621 : vector<16xi32>
        %gather3A_1623 = tpu.vector_load_idx %arg8[%add3A_1469, %add3A_1622] : memref<128x128xf32, #tpu.memory_space<vmem>>[vector<16xi32>, vector<16xi32>], vector<16xf32>,
        %swap3A_1624 = arith.constant 0 : i32
        %swap3A_1625 = arith.constant 15 : i32
        %swap3A_1626 = arith.index_cast %swap3A_1624 : i32 to index
        %swap3A_1627 = arith.index_cast %swap3A_1625 : i32 to index
        %swap3A_1628 = arith.constant 64 : index
        %swap3A_1629 = tpu.vector_load %arg9[%swap3A_1626, %swap3A_1627, %swap3A_1628] {strides = array<i32>} : memref<1x32x128xf32, #tpu.memory_space<vmem>>, vector<16xf32>,
        tpu.vector_store %arg9[%swap3A_1626, %swap3A_1627, %swap3A_1628], %gather3A_1623 {strides = array<i32>} : memref<1x32x128xf32, #tpu.memory_space<vmem>>, vector<16xf32>,
        %add3A_1630 = arith.constant 16 : i32
        %add3A_1631 = vector.broadcast %add3A_1630 : i32 to vector<16xi32>
        %add3A_1632 = arith.addi %get3A_1466, %add3A_1631 : vector<16xi32>
        %gather3A_1633 = tpu.vector_load_idx %arg8[%add3A_1469, %add3A_1632] : memref<128x128xf32, #tpu.memory_space<vmem>>[vector<16xi32>, vector<16xi32>], vector<16xf32>,
        %swap3A_1634 = arith.constant 0 : i32
        %swap3A_1635 = arith.constant 16 : i32
        %swap3A_1636 = arith.index_cast %swap3A_1634 : i32 to index
        %swap3A_1637 = arith.index_cast %swap3A_1635 : i32 to index
        %swap3A_1638 = arith.constant 64 : index
        %swap3A_1639 = tpu.vector_load %arg9[%swap3A_1636, %swap3A_1637, %swap3A_1638] {strides = array<i32>} : memref<1x32x128xf32, #tpu.memory_space<vmem>>, vector<16xf32>,
        tpu.vector_store %arg9[%swap3A_1636, %swap3A_1637, %swap3A_1638], %gather3A_1633 {strides = array<i32>} : memref<1x32x128xf32, #tpu.memory_space<vmem>>, vector<16xf32>,
        %add3A_1640 = arith.constant 17 : i32
        %add3A_1641 = vector.broadcast %add3A_1640 : i32 to vector<16xi32>
        %add3A_1642 = arith.addi %get3A_1466, %add3A_1641 : vector<16xi32>
        %gather3A_1643 = tpu.vector_load_idx %arg8[%add3A_1469, %add3A_1642] : memref<128x128xf32, #tpu.memory_space<vmem>>[vector<16xi32>, vector<16xi32>], vector<16xf32>,
        %swap3A_1644 = arith.constant 0 : i32
        %swap3A_1645 = arith.constant 17 : i32
        %swap3A_1646 = arith.index_cast %swap3A_1644 : i32 to index
        %swap3A_1647 = arith.index_cast %swap3A_1645 : i32 to index
        %swap3A_1648 = arith.constant 64 : index
        %swap3A_1649 = tpu.vector_load %arg9[%swap3A_1646, %swap3A_1647, %swap3A_1648] {strides = array<i32>} : memref<1x32x128xf32, #tpu.memory_space<vmem>>, vector<16xf32>,
        tpu.vector_store %arg9[%swap3A_1646, %swap3A_1647, %swap3A_1648], %gather3A_1643 {strides = array<i32>} : memref<1x32x128xf32, #tpu.memory_space<vmem>>, vector<16xf32>,
        %add3A_1650 = arith.constant 18 : i32
        %add3A_1651 = vector.broadcast %add3A_1650 : i32 to vector<16xi32>
        %add3A_1652 = arith.addi %get3A_1466, %add3A_1651 : vector<16xi32>
        %gather3A_1653 = tpu.vector_load_idx %arg8[%add3A_1469, %add3A_1652] : memref<128x128xf32, #tpu.memory_space<vmem>>[vector<16xi32>, vector<16xi32>], vector<16xf32>,
        %swap3A_1654 = arith.constant 0 : i32
        %swap3A_1655 = arith.constant 18 : i32
        %swap3A_1656 = arith.index_cast %swap3A_1654 : i32 to index
        %swap3A_1657 = arith.index_cast %swap3A_1655 : i32 to index
        %swap3A_1658 = arith.constant 64 : index
        %swap3A_1659 = tpu.vector_load %arg9[%swap3A_1656, %swap3A_1657, %swap3A_1658] {strides = array<i32>} : memref<1x32x128xf32, #tpu.memory_space<vmem>>, vector<16xf32>,
        tpu.vector_store %arg9[%swap3A_1656, %swap3A_1657, %swap3A_1658], %gather3A_1653 {strides = array<i32>} : memref<1x32x128xf32, #tpu.memory_space<vmem>>, vector<16xf32>,
        %add3A_1660 = arith.constant 19 : i32
        %add3A_1661 = vector.broadcast %add3A_1660 : i32 to vector<16xi32>
        %add3A_1662 = arith.addi %get3A_1466, %add3A_1661 : vector<16xi32>
        %gather3A_1663 = tpu.vector_load_idx %arg8[%add3A_1469, %add3A_1662] : memref<128x128xf32, #tpu.memory_space<vmem>>[vector<16xi32>, vector<16xi32>], vector<16xf32>,
        %swap3A_1664 = arith.constant 0 : i32
        %swap3A_1665 = arith.constant 19 : i32
        %swap3A_1666 = arith.index_cast %swap3A_1664 : i32 to index
        %swap3A_1667 = arith.index_cast %swap3A_1665 : i32 to index
        %swap3A_1668 = arith.constant 64 : index
        %swap3A_1669 = tpu.vector_load %arg9[%swap3A_1666, %swap3A_1667, %swap3A_1668] {strides = array<i32>} : memref<1x32x128xf32, #tpu.memory_space<vmem>>, vector<16xf32>,
        tpu.vector_store %arg9[%swap3A_1666, %swap3A_1667, %swap3A_1668], %gather3A_1663 {strides = array<i32>} : memref<1x32x128xf32, #tpu.memory_space<vmem>>, vector<16xf32>,
        %add3A_1670 = arith.constant 20 : i32
        %add3A_1671 = vector.broadcast %add3A_1670 : i32 to vector<16xi32>
        %add3A_1672 = arith.addi %get3A_1466, %add3A_1671 : vector<16xi32>
        %gather3A_1673 = tpu.vector_load_idx %arg8[%add3A_1469, %add3A_1672] : memref<128x128xf32, #tpu.memory_space<vmem>>[vector<16xi32>, vector<16xi32>], vector<16xf32>,
        %swap3A_1674 = arith.constant 0 : i32
        %swap3A_1675 = arith.constant 20 : i32
        %swap3A_1676 = arith.index_cast %swap3A_1674 : i32 to index
        %swap3A_1677 = arith.index_cast %swap3A_1675 : i32 to index
        %swap3A_1678 = arith.constant 64 : index
        %swap3A_1679 = tpu.vector_load %arg9[%swap3A_1676, %swap3A_1677, %swap3A_1678] {strides = array<i32>} : memref<1x32x128xf32, #tpu.memory_space<vmem>>, vector<16xf32>,
        tpu.vector_store %arg9[%swap3A_1676, %swap3A_1677, %swap3A_1678], %gather3A_1673 {strides = array<i32>} : memref<1x32x128xf32, #tpu.memory_space<vmem>>, vector<16xf32>,
        %add3A_1680 = arith.constant 21 : i32
        %add3A_1681 = vector.broadcast %add3A_1680 : i32 to vector<16xi32>
        %add3A_1682 = arith.addi %get3A_1466, %add3A_1681 : vector<16xi32>
        %gather3A_1683 = tpu.vector_load_idx %arg8[%add3A_1469, %add3A_1682] : memref<128x128xf32, #tpu.memory_space<vmem>>[vector<16xi32>, vector<16xi32>], vector<16xf32>,
        %swap3A_1684 = arith.constant 0 : i32
        %swap3A_1685 = arith.constant 21 : i32
        %swap3A_1686 = arith.index_cast %swap3A_1684 : i32 to index
        %swap3A_1687 = arith.index_cast %swap3A_1685 : i32 to index
        %swap3A_1688 = arith.constant 64 : index
        %swap3A_1689 = tpu.vector_load %arg9[%swap3A_1686, %swap3A_1687, %swap3A_1688] {strides = array<i32>} : memref<1x32x128xf32, #tpu.memory_space<vmem>>, vector<16xf32>,
        tpu.vector_store %arg9[%swap3A_1686, %swap3A_1687, %swap3A_1688], %gather3A_1683 {strides = array<i32>} : memref<1x32x128xf32, #tpu.memory_space<vmem>>, vector<16xf32>,
        %add3A_1690 = arith.constant 22 : i32
        %add3A_1691 = vector.broadcast %add3A_1690 : i32 to vector<16xi32>
        %add3A_1692 = arith.addi %get3A_1466, %add3A_1691 : vector<16xi32>
        %gather3A_1693 = tpu.vector_load_idx %arg8[%add3A_1469, %add3A_1692] : memref<128x128xf32, #tpu.memory_space<vmem>>[vector<16xi32>, vector<16xi32>], vector<16xf32>,
        %swap3A_1694 = arith.constant 0 : i32
        %swap3A_1695 = arith.constant 22 : i32
        %swap3A_1696 = arith.index_cast %swap3A_1694 : i32 to index
        %swap3A_1697 = arith.index_cast %swap3A_1695 : i32 to index
        %swap3A_1698 = arith.constant 64 : index
        %swap3A_1699 = tpu.vector_load %arg9[%swap3A_1696, %swap3A_1697, %swap3A_1698] {strides = array<i32>} : memref<1x32x128xf32, #tpu.memory_space<vmem>>, vector<16xf32>,
        tpu.vector_store %arg9[%swap3A_1696, %swap3A_1697, %swap3A_1698], %gather3A_1693 {strides = array<i32>} : memref<1x32x128xf32, #tpu.memory_space<vmem>>, vector<16xf32>,
        %add3A_1700 = arith.constant 23 : i32
        %add3A_1701 = vector.broadcast %add3A_1700 : i32 to vector<16xi32>
        %add3A_1702 = arith.addi %get3A_1466, %add3A_1701 : vector<16xi32>
        %gather3A_1703 = tpu.vector_load_idx %arg8[%add3A_1469, %add3A_1702] : memref<128x128xf32, #tpu.memory_space<vmem>>[vector<16xi32>, vector<16xi32>], vector<16xf32>,
        %swap3A_1704 = arith.constant 0 : i32
        %swap3A_1705 = arith.constant 23 : i32
        %swap3A_1706 = arith.index_cast %swap3A_1704 : i32 to index
        %swap3A_1707 = arith.index_cast %swap3A_1705 : i32 to index
        %swap3A_1708 = arith.constant 64 : index
        %swap3A_1709 = tpu.vector_load %arg9[%swap3A_1706, %swap3A_1707, %swap3A_1708] {strides = array<i32>} : memref<1x32x128xf32, #tpu.memory_space<vmem>>, vector<16xf32>,
        tpu.vector_store %arg9[%swap3A_1706, %swap3A_1707, %swap3A_1708], %gather3A_1703 {strides = array<i32>} : memref<1x32x128xf32, #tpu.memory_space<vmem>>, vector<16xf32>,
        %add3A_1710 = arith.constant 24 : i32
        %add3A_1711 = vector.broadcast %add3A_1710 : i32 to vector<16xi32>
        %add3A_1712 = arith.addi %get3A_1466, %add3A_1711 : vector<16xi32>
        %gather3A_1713 = tpu.vector_load_idx %arg8[%add3A_1469, %add3A_1712] : memref<128x128xf32, #tpu.memory_space<vmem>>[vector<16xi32>, vector<16xi32>], vector<16xf32>,
        %swap3A_1714 = arith.constant 0 : i32
        %swap3A_1715 = arith.constant 24 : i32
        %swap3A_1716 = arith.index_cast %swap3A_1714 : i32 to index
        %swap3A_1717 = arith.index_cast %swap3A_1715 : i32 to index
        %swap3A_1718 = arith.constant 64 : index
        %swap3A_1719 = tpu.vector_load %arg9[%swap3A_1716, %swap3A_1717, %swap3A_1718] {strides = array<i32>} : memref<1x32x128xf32, #tpu.memory_space<vmem>>, vector<16xf32>,
        tpu.vector_store %arg9[%swap3A_1716, %swap3A_1717, %swap3A_1718], %gather3A_1713 {strides = array<i32>} : memref<1x32x128xf32, #tpu.memory_space<vmem>>, vector<16xf32>,
        %add3A_1720 = arith.constant 25 : i32
        %add3A_1721 = vector.broadcast %add3A_1720 : i32 to vector<16xi32>
        %add3A_1722 = arith.addi %get3A_1466, %add3A_1721 : vector<16xi32>
        %gather3A_1723 = tpu.vector_load_idx %arg8[%add3A_1469, %add3A_1722] : memref<128x128xf32, #tpu.memory_space<vmem>>[vector<16xi32>, vector<16xi32>], vector<16xf32>,
        %swap3A_1724 = arith.constant 0 : i32
        %swap3A_1725 = arith.constant 25 : i32
        %swap3A_1726 = arith.index_cast %swap3A_1724 : i32 to index
        %swap3A_1727 = arith.index_cast %swap3A_1725 : i32 to index
        %swap3A_1728 = arith.constant 64 : index
        %swap3A_1729 = tpu.vector_load %arg9[%swap3A_1726, %swap3A_1727, %swap3A_1728] {strides = array<i32>} : memref<1x32x128xf32, #tpu.memory_space<vmem>>, vector<16xf32>,
        tpu.vector_store %arg9[%swap3A_1726, %swap3A_1727, %swap3A_1728], %gather3A_1723 {strides = array<i32>} : memref<1x32x128xf32, #tpu.memory_space<vmem>>, vector<16xf32>,
        %add3A_1730 = arith.constant 26 : i32
        %add3A_1731 = vector.broadcast %add3A_1730 : i32 to vector<16xi32>
        %add3A_1732 = arith.addi %get3A_1466, %add3A_1731 : vector<16xi32>
        %gather3A_1733 = tpu.vector_load_idx %arg8[%add3A_1469, %add3A_1732] : memref<128x128xf32, #tpu.memory_space<vmem>>[vector<16xi32>, vector<16xi32>], vector<16xf32>,
        %swap3A_1734 = arith.constant 0 : i32
        %swap3A_1735 = arith.constant 26 : i32
        %swap3A_1736 = arith.index_cast %swap3A_1734 : i32 to index
        %swap3A_1737 = arith.index_cast %swap3A_1735 : i32 to index
        %swap3A_1738 = arith.constant 64 : index
        %swap3A_1739 = tpu.vector_load %arg9[%swap3A_1736, %swap3A_1737, %swap3A_1738] {strides = array<i32>} : memref<1x32x128xf32, #tpu.memory_space<vmem>>, vector<16xf32>,
        tpu.vector_store %arg9[%swap3A_1736, %swap3A_1737, %swap3A_1738], %gather3A_1733 {strides = array<i32>} : memref<1x32x128xf32, #tpu.memory_space<vmem>>, vector<16xf32>,
        %add3A_1740 = arith.constant 27 : i32
        %add3A_1741 = vector.broadcast %add3A_1740 : i32 to vector<16xi32>
        %add3A_1742 = arith.addi %get3A_1466, %add3A_1741 : vector<16xi32>
        %gather3A_1743 = tpu.vector_load_idx %arg8[%add3A_1469, %add3A_1742] : memref<128x128xf32, #tpu.memory_space<vmem>>[vector<16xi32>, vector<16xi32>], vector<16xf32>,
        %swap3A_1744 = arith.constant 0 : i32
        %swap3A_1745 = arith.constant 27 : i32
        %swap3A_1746 = arith.index_cast %swap3A_1744 : i32 to index
        %swap3A_1747 = arith.index_cast %swap3A_1745 : i32 to index
        %swap3A_1748 = arith.constant 64 : index
        %swap3A_1749 = tpu.vector_load %arg9[%swap3A_1746, %swap3A_1747, %swap3A_1748] {strides = array<i32>} : memref<1x32x128xf32, #tpu.memory_space<vmem>>, vector<16xf32>,
        tpu.vector_store %arg9[%swap3A_1746, %swap3A_1747, %swap3A_1748], %gather3A_1743 {strides = array<i32>} : memref<1x32x128xf32, #tpu.memory_space<vmem>>, vector<16xf32>,
        %add3A_1750 = arith.constant 28 : i32
        %add3A_1751 = vector.broadcast %add3A_1750 : i32 to vector<16xi32>
        %add3A_1752 = arith.addi %get3A_1466, %add3A_1751 : vector<16xi32>
        %gather3A_1753 = tpu.vector_load_idx %arg8[%add3A_1469, %add3A_1752] : memref<128x128xf32, #tpu.memory_space<vmem>>[vector<16xi32>, vector<16xi32>], vector<16xf32>,
        %swap3A_1754 = arith.constant 0 : i32
        %swap3A_1755 = arith.constant 28 : i32
        %swap3A_1756 = arith.index_cast %swap3A_1754 : i32 to index
        %swap3A_1757 = arith.index_cast %swap3A_1755 : i32 to index
        %swap3A_1758 = arith.constant 64 : index
        %swap3A_1759 = tpu.vector_load %arg9[%swap3A_1756, %swap3A_1757, %swap3A_1758] {strides = array<i32>} : memref<1x32x128xf32, #tpu.memory_space<vmem>>, vector<16xf32>,
        tpu.vector_store %arg9[%swap3A_1756, %swap3A_1757, %swap3A_1758], %gather3A_1753 {strides = array<i32>} : memref<1x32x128xf32, #tpu.memory_space<vmem>>, vector<16xf32>,
        %add3A_1760 = arith.constant 29 : i32
        %add3A_1761 = vector.broadcast %add3A_1760 : i32 to vector<16xi32>
        %add3A_1762 = arith.addi %get3A_1466, %add3A_1761 : vector<16xi32>
        %gather3A_1763 = tpu.vector_load_idx %arg8[%add3A_1469, %add3A_1762] : memref<128x128xf32, #tpu.memory_space<vmem>>[vector<16xi32>, vector<16xi32>], vector<16xf32>,
        %swap3A_1764 = arith.constant 0 : i32
        %swap3A_1765 = arith.constant 29 : i32
        %swap3A_1766 = arith.index_cast %swap3A_1764 : i32 to index
        %swap3A_1767 = arith.index_cast %swap3A_1765 : i32 to index
        %swap3A_1768 = arith.constant 64 : index
        %swap3A_1769 = tpu.vector_load %arg9[%swap3A_1766, %swap3A_1767, %swap3A_1768] {strides = array<i32>} : memref<1x32x128xf32, #tpu.memory_space<vmem>>, vector<16xf32>,
        tpu.vector_store %arg9[%swap3A_1766, %swap3A_1767, %swap3A_1768], %gather3A_1763 {strides = array<i32>} : memref<1x32x128xf32, #tpu.memory_space<vmem>>, vector<16xf32>,
        %add3A_1770 = arith.constant 30 : i32
        %add3A_1771 = vector.broadcast %add3A_1770 : i32 to vector<16xi32>
        %add3A_1772 = arith.addi %get3A_1466, %add3A_1771 : vector<16xi32>
        %gather3A_1773 = tpu.vector_load_idx %arg8[%add3A_1469, %add3A_1772] : memref<128x128xf32, #tpu.memory_space<vmem>>[vector<16xi32>, vector<16xi32>], vector<16xf32>,
        %swap3A_1774 = arith.constant 0 : i32
        %swap3A_1775 = arith.constant 30 : i32
        %swap3A_1776 = arith.index_cast %swap3A_1774 : i32 to index
        %swap3A_1777 = arith.index_cast %swap3A_1775 : i32 to index
        %swap3A_1778 = arith.constant 64 : index
        %swap3A_1779 = tpu.vector_load %arg9[%swap3A_1776, %swap3A_1777, %swap3A_1778] {strides = array<i32>} : memref<1x32x128xf32, #tpu.memory_space<vmem>>, vector<16xf32>,
        tpu.vector_store %arg9[%swap3A_1776, %swap3A_1777, %swap3A_1778], %gather3A_1773 {strides = array<i32>} : memref<1x32x128xf32, #tpu.memory_space<vmem>>, vector<16xf32>,
        %add3A_1780 = arith.constant 31 : i32
        %add3A_1781 = vector.broadcast %add3A_1780 : i32 to vector<16xi32>
        %add3A_1782 = arith.addi %get3A_1466, %add3A_1781 : vector<16xi32>
        %gather3A_1783 = tpu.vector_load_idx %arg8[%add3A_1469, %add3A_1782] : memref<128x128xf32, #tpu.memory_space<vmem>>[vector<16xi32>, vector<16xi32>], vector<16xf32>,
        %swap3A_1784 = arith.constant 0 : i32
        %swap3A_1785 = arith.constant 31 : i32
        %swap3A_1786 = arith.index_cast %swap3A_1784 : i32 to index
        %swap3A_1787 = arith.index_cast %swap3A_1785 : i32 to index
        %swap3A_1788 = arith.constant 64 : index
        %swap3A_1789 = tpu.vector_load %arg9[%swap3A_1786, %swap3A_1787, %swap3A_1788] {strides = array<i32>} : memref<1x32x128xf32, #tpu.memory_space<vmem>>, vector<16xf32>,
        tpu.vector_store %arg9[%swap3A_1786, %swap3A_1787, %swap3A_1788], %gather3A_1783 {strides = array<i32>} : memref<1x32x128xf32, #tpu.memory_space<vmem>>, vector<16xf32>,
        %get3A_1790 = arith.constant 80 : index
        %get3A_1791 = tpu.vector_load %arg7[%get3A_1790] {strides = array<i32>} : memref<128xi32, #tpu.memory_space<vmem>>, vector<16xi32>,
        %add3A_1792 = arith.constant 80 : i32
        %add3A_1793 = vector.broadcast %add3A_1792 : i32 to vector<16xi32>
        %add3A_1794 = arith.addi %iota3A, %add3A_1793 : vector<16xi32>
        %add3A_1795 = arith.constant 0 : i32
        %add3A_1796 = vector.broadcast %add3A_1795 : i32 to vector<16xi32>
        %add3A_1797 = arith.addi %get3A_1791, %add3A_1796 : vector<16xi32>
        %gather3A_1798 = tpu.vector_load_idx %arg8[%add3A_1794, %add3A_1797] : memref<128x128xf32, #tpu.memory_space<vmem>>[vector<16xi32>, vector<16xi32>], vector<16xf32>,
        %swap3A_1799 = arith.constant 0 : i32
        %swap3A_1800 = arith.constant 0 : i32
        %swap3A_1801 = arith.index_cast %swap3A_1799 : i32 to index
        %swap3A_1802 = arith.index_cast %swap3A_1800 : i32 to index
        %swap3A_1803 = arith.constant 80 : index
        %swap3A_1804 = tpu.vector_load %arg9[%swap3A_1801, %swap3A_1802, %swap3A_1803] {strides = array<i32>} : memref<1x32x128xf32, #tpu.memory_space<vmem>>, vector<16xf32>,
        tpu.vector_store %arg9[%swap3A_1801, %swap3A_1802, %swap3A_1803], %gather3A_1798 {strides = array<i32>} : memref<1x32x128xf32, #tpu.memory_space<vmem>>, vector<16xf32>,
        %add3A_1805 = arith.constant 1 : i32
        %add3A_1806 = vector.broadcast %add3A_1805 : i32 to vector<16xi32>
        %add3A_1807 = arith.addi %get3A_1791, %add3A_1806 : vector<16xi32>
        %gather3A_1808 = tpu.vector_load_idx %arg8[%add3A_1794, %add3A_1807] : memref<128x128xf32, #tpu.memory_space<vmem>>[vector<16xi32>, vector<16xi32>], vector<16xf32>,
        %swap3A_1809 = arith.constant 0 : i32
        %swap3A_1810 = arith.constant 1 : i32
        %swap3A_1811 = arith.index_cast %swap3A_1809 : i32 to index
        %swap3A_1812 = arith.index_cast %swap3A_1810 : i32 to index
        %swap3A_1813 = arith.constant 80 : index
        %swap3A_1814 = tpu.vector_load %arg9[%swap3A_1811, %swap3A_1812, %swap3A_1813] {strides = array<i32>} : memref<1x32x128xf32, #tpu.memory_space<vmem>>, vector<16xf32>,
        tpu.vector_store %arg9[%swap3A_1811, %swap3A_1812, %swap3A_1813], %gather3A_1808 {strides = array<i32>} : memref<1x32x128xf32, #tpu.memory_space<vmem>>, vector<16xf32>,
        %add3A_1815 = arith.constant 2 : i32
        %add3A_1816 = vector.broadcast %add3A_1815 : i32 to vector<16xi32>
        %add3A_1817 = arith.addi %get3A_1791, %add3A_1816 : vector<16xi32>
        %gather3A_1818 = tpu.vector_load_idx %arg8[%add3A_1794, %add3A_1817] : memref<128x128xf32, #tpu.memory_space<vmem>>[vector<16xi32>, vector<16xi32>], vector<16xf32>,
        %swap3A_1819 = arith.constant 0 : i32
        %swap3A_1820 = arith.constant 2 : i32
        %swap3A_1821 = arith.index_cast %swap3A_1819 : i32 to index
        %swap3A_1822 = arith.index_cast %swap3A_1820 : i32 to index
        %swap3A_1823 = arith.constant 80 : index
        %swap3A_1824 = tpu.vector_load %arg9[%swap3A_1821, %swap3A_1822, %swap3A_1823] {strides = array<i32>} : memref<1x32x128xf32, #tpu.memory_space<vmem>>, vector<16xf32>,
        tpu.vector_store %arg9[%swap3A_1821, %swap3A_1822, %swap3A_1823], %gather3A_1818 {strides = array<i32>} : memref<1x32x128xf32, #tpu.memory_space<vmem>>, vector<16xf32>,
        %add3A_1825 = arith.constant 3 : i32
        %add3A_1826 = vector.broadcast %add3A_1825 : i32 to vector<16xi32>
        %add3A_1827 = arith.addi %get3A_1791, %add3A_1826 : vector<16xi32>
        %gather3A_1828 = tpu.vector_load_idx %arg8[%add3A_1794, %add3A_1827] : memref<128x128xf32, #tpu.memory_space<vmem>>[vector<16xi32>, vector<16xi32>], vector<16xf32>,
        %swap3A_1829 = arith.constant 0 : i32
        %swap3A_1830 = arith.constant 3 : i32
        %swap3A_1831 = arith.index_cast %swap3A_1829 : i32 to index
        %swap3A_1832 = arith.index_cast %swap3A_1830 : i32 to index
        %swap3A_1833 = arith.constant 80 : index
        %swap3A_1834 = tpu.vector_load %arg9[%swap3A_1831, %swap3A_1832, %swap3A_1833] {strides = array<i32>} : memref<1x32x128xf32, #tpu.memory_space<vmem>>, vector<16xf32>,
        tpu.vector_store %arg9[%swap3A_1831, %swap3A_1832, %swap3A_1833], %gather3A_1828 {strides = array<i32>} : memref<1x32x128xf32, #tpu.memory_space<vmem>>, vector<16xf32>,
        %add3A_1835 = arith.constant 4 : i32
        %add3A_1836 = vector.broadcast %add3A_1835 : i32 to vector<16xi32>
        %add3A_1837 = arith.addi %get3A_1791, %add3A_1836 : vector<16xi32>
        %gather3A_1838 = tpu.vector_load_idx %arg8[%add3A_1794, %add3A_1837] : memref<128x128xf32, #tpu.memory_space<vmem>>[vector<16xi32>, vector<16xi32>], vector<16xf32>,
        %swap3A_1839 = arith.constant 0 : i32
        %swap3A_1840 = arith.constant 4 : i32
        %swap3A_1841 = arith.index_cast %swap3A_1839 : i32 to index
        %swap3A_1842 = arith.index_cast %swap3A_1840 : i32 to index
        %swap3A_1843 = arith.constant 80 : index
        %swap3A_1844 = tpu.vector_load %arg9[%swap3A_1841, %swap3A_1842, %swap3A_1843] {strides = array<i32>} : memref<1x32x128xf32, #tpu.memory_space<vmem>>, vector<16xf32>,
        tpu.vector_store %arg9[%swap3A_1841, %swap3A_1842, %swap3A_1843], %gather3A_1838 {strides = array<i32>} : memref<1x32x128xf32, #tpu.memory_space<vmem>>, vector<16xf32>,
        %add3A_1845 = arith.constant 5 : i32
        %add3A_1846 = vector.broadcast %add3A_1845 : i32 to vector<16xi32>
        %add3A_1847 = arith.addi %get3A_1791, %add3A_1846 : vector<16xi32>
        %gather3A_1848 = tpu.vector_load_idx %arg8[%add3A_1794, %add3A_1847] : memref<128x128xf32, #tpu.memory_space<vmem>>[vector<16xi32>, vector<16xi32>], vector<16xf32>,
        %swap3A_1849 = arith.constant 0 : i32
        %swap3A_1850 = arith.constant 5 : i32
        %swap3A_1851 = arith.index_cast %swap3A_1849 : i32 to index
        %swap3A_1852 = arith.index_cast %swap3A_1850 : i32 to index
        %swap3A_1853 = arith.constant 80 : index
        %swap3A_1854 = tpu.vector_load %arg9[%swap3A_1851, %swap3A_1852, %swap3A_1853] {strides = array<i32>} : memref<1x32x128xf32, #tpu.memory_space<vmem>>, vector<16xf32>,
        tpu.vector_store %arg9[%swap3A_1851, %swap3A_1852, %swap3A_1853], %gather3A_1848 {strides = array<i32>} : memref<1x32x128xf32, #tpu.memory_space<vmem>>, vector<16xf32>,
        %add3A_1855 = arith.constant 6 : i32
        %add3A_1856 = vector.broadcast %add3A_1855 : i32 to vector<16xi32>
        %add3A_1857 = arith.addi %get3A_1791, %add3A_1856 : vector<16xi32>
        %gather3A_1858 = tpu.vector_load_idx %arg8[%add3A_1794, %add3A_1857] : memref<128x128xf32, #tpu.memory_space<vmem>>[vector<16xi32>, vector<16xi32>], vector<16xf32>,
        %swap3A_1859 = arith.constant 0 : i32
        %swap3A_1860 = arith.constant 6 : i32
        %swap3A_1861 = arith.index_cast %swap3A_1859 : i32 to index
        %swap3A_1862 = arith.index_cast %swap3A_1860 : i32 to index
        %swap3A_1863 = arith.constant 80 : index
        %swap3A_1864 = tpu.vector_load %arg9[%swap3A_1861, %swap3A_1862, %swap3A_1863] {strides = array<i32>} : memref<1x32x128xf32, #tpu.memory_space<vmem>>, vector<16xf32>,
        tpu.vector_store %arg9[%swap3A_1861, %swap3A_1862, %swap3A_1863], %gather3A_1858 {strides = array<i32>} : memref<1x32x128xf32, #tpu.memory_space<vmem>>, vector<16xf32>,
        %add3A_1865 = arith.constant 7 : i32
        %add3A_1866 = vector.broadcast %add3A_1865 : i32 to vector<16xi32>
        %add3A_1867 = arith.addi %get3A_1791, %add3A_1866 : vector<16xi32>
        %gather3A_1868 = tpu.vector_load_idx %arg8[%add3A_1794, %add3A_1867] : memref<128x128xf32, #tpu.memory_space<vmem>>[vector<16xi32>, vector<16xi32>], vector<16xf32>,
        %swap3A_1869 = arith.constant 0 : i32
        %swap3A_1870 = arith.constant 7 : i32
        %swap3A_1871 = arith.index_cast %swap3A_1869 : i32 to index
        %swap3A_1872 = arith.index_cast %swap3A_1870 : i32 to index
        %swap3A_1873 = arith.constant 80 : index
        %swap3A_1874 = tpu.vector_load %arg9[%swap3A_1871, %swap3A_1872, %swap3A_1873] {strides = array<i32>} : memref<1x32x128xf32, #tpu.memory_space<vmem>>, vector<16xf32>,
        tpu.vector_store %arg9[%swap3A_1871, %swap3A_1872, %swap3A_1873], %gather3A_1868 {strides = array<i32>} : memref<1x32x128xf32, #tpu.memory_space<vmem>>, vector<16xf32>,
        %add3A_1875 = arith.constant 8 : i32
        %add3A_1876 = vector.broadcast %add3A_1875 : i32 to vector<16xi32>
        %add3A_1877 = arith.addi %get3A_1791, %add3A_1876 : vector<16xi32>
        %gather3A_1878 = tpu.vector_load_idx %arg8[%add3A_1794, %add3A_1877] : memref<128x128xf32, #tpu.memory_space<vmem>>[vector<16xi32>, vector<16xi32>], vector<16xf32>,
        %swap3A_1879 = arith.constant 0 : i32
        %swap3A_1880 = arith.constant 8 : i32
        %swap3A_1881 = arith.index_cast %swap3A_1879 : i32 to index
        %swap3A_1882 = arith.index_cast %swap3A_1880 : i32 to index
        %swap3A_1883 = arith.constant 80 : index
        %swap3A_1884 = tpu.vector_load %arg9[%swap3A_1881, %swap3A_1882, %swap3A_1883] {strides = array<i32>} : memref<1x32x128xf32, #tpu.memory_space<vmem>>, vector<16xf32>,
        tpu.vector_store %arg9[%swap3A_1881, %swap3A_1882, %swap3A_1883], %gather3A_1878 {strides = array<i32>} : memref<1x32x128xf32, #tpu.memory_space<vmem>>, vector<16xf32>,
        %add3A_1885 = arith.constant 9 : i32
        %add3A_1886 = vector.broadcast %add3A_1885 : i32 to vector<16xi32>
        %add3A_1887 = arith.addi %get3A_1791, %add3A_1886 : vector<16xi32>
        %gather3A_1888 = tpu.vector_load_idx %arg8[%add3A_1794, %add3A_1887] : memref<128x128xf32, #tpu.memory_space<vmem>>[vector<16xi32>, vector<16xi32>], vector<16xf32>,
        %swap3A_1889 = arith.constant 0 : i32
        %swap3A_1890 = arith.constant 9 : i32
        %swap3A_1891 = arith.index_cast %swap3A_1889 : i32 to index
        %swap3A_1892 = arith.index_cast %swap3A_1890 : i32 to index
        %swap3A_1893 = arith.constant 80 : index
        %swap3A_1894 = tpu.vector_load %arg9[%swap3A_1891, %swap3A_1892, %swap3A_1893] {strides = array<i32>} : memref<1x32x128xf32, #tpu.memory_space<vmem>>, vector<16xf32>,
        tpu.vector_store %arg9[%swap3A_1891, %swap3A_1892, %swap3A_1893], %gather3A_1888 {strides = array<i32>} : memref<1x32x128xf32, #tpu.memory_space<vmem>>, vector<16xf32>,
        %add3A_1895 = arith.constant 10 : i32
        %add3A_1896 = vector.broadcast %add3A_1895 : i32 to vector<16xi32>
        %add3A_1897 = arith.addi %get3A_1791, %add3A_1896 : vector<16xi32>
        %gather3A_1898 = tpu.vector_load_idx %arg8[%add3A_1794, %add3A_1897] : memref<128x128xf32, #tpu.memory_space<vmem>>[vector<16xi32>, vector<16xi32>], vector<16xf32>,
        %swap3A_1899 = arith.constant 0 : i32
        %swap3A_1900 = arith.constant 10 : i32
        %swap3A_1901 = arith.index_cast %swap3A_1899 : i32 to index
        %swap3A_1902 = arith.index_cast %swap3A_1900 : i32 to index
        %swap3A_1903 = arith.constant 80 : index
        %swap3A_1904 = tpu.vector_load %arg9[%swap3A_1901, %swap3A_1902, %swap3A_1903] {strides = array<i32>} : memref<1x32x128xf32, #tpu.memory_space<vmem>>, vector<16xf32>,
        tpu.vector_store %arg9[%swap3A_1901, %swap3A_1902, %swap3A_1903], %gather3A_1898 {strides = array<i32>} : memref<1x32x128xf32, #tpu.memory_space<vmem>>, vector<16xf32>,
        %add3A_1905 = arith.constant 11 : i32
        %add3A_1906 = vector.broadcast %add3A_1905 : i32 to vector<16xi32>
        %add3A_1907 = arith.addi %get3A_1791, %add3A_1906 : vector<16xi32>
        %gather3A_1908 = tpu.vector_load_idx %arg8[%add3A_1794, %add3A_1907] : memref<128x128xf32, #tpu.memory_space<vmem>>[vector<16xi32>, vector<16xi32>], vector<16xf32>,
        %swap3A_1909 = arith.constant 0 : i32
        %swap3A_1910 = arith.constant 11 : i32
        %swap3A_1911 = arith.index_cast %swap3A_1909 : i32 to index
        %swap3A_1912 = arith.index_cast %swap3A_1910 : i32 to index
        %swap3A_1913 = arith.constant 80 : index
        %swap3A_1914 = tpu.vector_load %arg9[%swap3A_1911, %swap3A_1912, %swap3A_1913] {strides = array<i32>} : memref<1x32x128xf32, #tpu.memory_space<vmem>>, vector<16xf32>,
        tpu.vector_store %arg9[%swap3A_1911, %swap3A_1912, %swap3A_1913], %gather3A_1908 {strides = array<i32>} : memref<1x32x128xf32, #tpu.memory_space<vmem>>, vector<16xf32>,
        %add3A_1915 = arith.constant 12 : i32
        %add3A_1916 = vector.broadcast %add3A_1915 : i32 to vector<16xi32>
        %add3A_1917 = arith.addi %get3A_1791, %add3A_1916 : vector<16xi32>
        %gather3A_1918 = tpu.vector_load_idx %arg8[%add3A_1794, %add3A_1917] : memref<128x128xf32, #tpu.memory_space<vmem>>[vector<16xi32>, vector<16xi32>], vector<16xf32>,
        %swap3A_1919 = arith.constant 0 : i32
        %swap3A_1920 = arith.constant 12 : i32
        %swap3A_1921 = arith.index_cast %swap3A_1919 : i32 to index
        %swap3A_1922 = arith.index_cast %swap3A_1920 : i32 to index
        %swap3A_1923 = arith.constant 80 : index
        %swap3A_1924 = tpu.vector_load %arg9[%swap3A_1921, %swap3A_1922, %swap3A_1923] {strides = array<i32>} : memref<1x32x128xf32, #tpu.memory_space<vmem>>, vector<16xf32>,
        tpu.vector_store %arg9[%swap3A_1921, %swap3A_1922, %swap3A_1923], %gather3A_1918 {strides = array<i32>} : memref<1x32x128xf32, #tpu.memory_space<vmem>>, vector<16xf32>,
        %add3A_1925 = arith.constant 13 : i32
        %add3A_1926 = vector.broadcast %add3A_1925 : i32 to vector<16xi32>
        %add3A_1927 = arith.addi %get3A_1791, %add3A_1926 : vector<16xi32>
        %gather3A_1928 = tpu.vector_load_idx %arg8[%add3A_1794, %add3A_1927] : memref<128x128xf32, #tpu.memory_space<vmem>>[vector<16xi32>, vector<16xi32>], vector<16xf32>,
        %swap3A_1929 = arith.constant 0 : i32
        %swap3A_1930 = arith.constant 13 : i32
        %swap3A_1931 = arith.index_cast %swap3A_1929 : i32 to index
        %swap3A_1932 = arith.index_cast %swap3A_1930 : i32 to index
        %swap3A_1933 = arith.constant 80 : index
        %swap3A_1934 = tpu.vector_load %arg9[%swap3A_1931, %swap3A_1932, %swap3A_1933] {strides = array<i32>} : memref<1x32x128xf32, #tpu.memory_space<vmem>>, vector<16xf32>,
        tpu.vector_store %arg9[%swap3A_1931, %swap3A_1932, %swap3A_1933], %gather3A_1928 {strides = array<i32>} : memref<1x32x128xf32, #tpu.memory_space<vmem>>, vector<16xf32>,
        %add3A_1935 = arith.constant 14 : i32
        %add3A_1936 = vector.broadcast %add3A_1935 : i32 to vector<16xi32>
        %add3A_1937 = arith.addi %get3A_1791, %add3A_1936 : vector<16xi32>
        %gather3A_1938 = tpu.vector_load_idx %arg8[%add3A_1794, %add3A_1937] : memref<128x128xf32, #tpu.memory_space<vmem>>[vector<16xi32>, vector<16xi32>], vector<16xf32>,
        %swap3A_1939 = arith.constant 0 : i32
        %swap3A_1940 = arith.constant 14 : i32
        %swap3A_1941 = arith.index_cast %swap3A_1939 : i32 to index
        %swap3A_1942 = arith.index_cast %swap3A_1940 : i32 to index
        %swap3A_1943 = arith.constant 80 : index
        %swap3A_1944 = tpu.vector_load %arg9[%swap3A_1941, %swap3A_1942, %swap3A_1943] {strides = array<i32>} : memref<1x32x128xf32, #tpu.memory_space<vmem>>, vector<16xf32>,
        tpu.vector_store %arg9[%swap3A_1941, %swap3A_1942, %swap3A_1943], %gather3A_1938 {strides = array<i32>} : memref<1x32x128xf32, #tpu.memory_space<vmem>>, vector<16xf32>,
        %add3A_1945 = arith.constant 15 : i32
        %add3A_1946 = vector.broadcast %add3A_1945 : i32 to vector<16xi32>
        %add3A_1947 = arith.addi %get3A_1791, %add3A_1946 : vector<16xi32>
        %gather3A_1948 = tpu.vector_load_idx %arg8[%add3A_1794, %add3A_1947] : memref<128x128xf32, #tpu.memory_space<vmem>>[vector<16xi32>, vector<16xi32>], vector<16xf32>,
        %swap3A_1949 = arith.constant 0 : i32
        %swap3A_1950 = arith.constant 15 : i32
        %swap3A_1951 = arith.index_cast %swap3A_1949 : i32 to index
        %swap3A_1952 = arith.index_cast %swap3A_1950 : i32 to index
        %swap3A_1953 = arith.constant 80 : index
        %swap3A_1954 = tpu.vector_load %arg9[%swap3A_1951, %swap3A_1952, %swap3A_1953] {strides = array<i32>} : memref<1x32x128xf32, #tpu.memory_space<vmem>>, vector<16xf32>,
        tpu.vector_store %arg9[%swap3A_1951, %swap3A_1952, %swap3A_1953], %gather3A_1948 {strides = array<i32>} : memref<1x32x128xf32, #tpu.memory_space<vmem>>, vector<16xf32>,
        %add3A_1955 = arith.constant 16 : i32
        %add3A_1956 = vector.broadcast %add3A_1955 : i32 to vector<16xi32>
        %add3A_1957 = arith.addi %get3A_1791, %add3A_1956 : vector<16xi32>
        %gather3A_1958 = tpu.vector_load_idx %arg8[%add3A_1794, %add3A_1957] : memref<128x128xf32, #tpu.memory_space<vmem>>[vector<16xi32>, vector<16xi32>], vector<16xf32>,
        %swap3A_1959 = arith.constant 0 : i32
        %swap3A_1960 = arith.constant 16 : i32
        %swap3A_1961 = arith.index_cast %swap3A_1959 : i32 to index
        %swap3A_1962 = arith.index_cast %swap3A_1960 : i32 to index
        %swap3A_1963 = arith.constant 80 : index
        %swap3A_1964 = tpu.vector_load %arg9[%swap3A_1961, %swap3A_1962, %swap3A_1963] {strides = array<i32>} : memref<1x32x128xf32, #tpu.memory_space<vmem>>, vector<16xf32>,
        tpu.vector_store %arg9[%swap3A_1961, %swap3A_1962, %swap3A_1963], %gather3A_1958 {strides = array<i32>} : memref<1x32x128xf32, #tpu.memory_space<vmem>>, vector<16xf32>,
        %add3A_1965 = arith.constant 17 : i32
        %add3A_1966 = vector.broadcast %add3A_1965 : i32 to vector<16xi32>
        %add3A_1967 = arith.addi %get3A_1791, %add3A_1966 : vector<16xi32>
        %gather3A_1968 = tpu.vector_load_idx %arg8[%add3A_1794, %add3A_1967] : memref<128x128xf32, #tpu.memory_space<vmem>>[vector<16xi32>, vector<16xi32>], vector<16xf32>,
        %swap3A_1969 = arith.constant 0 : i32
        %swap3A_1970 = arith.constant 17 : i32
        %swap3A_1971 = arith.index_cast %swap3A_1969 : i32 to index
        %swap3A_1972 = arith.index_cast %swap3A_1970 : i32 to index
        %swap3A_1973 = arith.constant 80 : index
        %swap3A_1974 = tpu.vector_load %arg9[%swap3A_1971, %swap3A_1972, %swap3A_1973] {strides = array<i32>} : memref<1x32x128xf32, #tpu.memory_space<vmem>>, vector<16xf32>,
        tpu.vector_store %arg9[%swap3A_1971, %swap3A_1972, %swap3A_1973], %gather3A_1968 {strides = array<i32>} : memref<1x32x128xf32, #tpu.memory_space<vmem>>, vector<16xf32>,
        %add3A_1975 = arith.constant 18 : i32
        %add3A_1976 = vector.broadcast %add3A_1975 : i32 to vector<16xi32>
        %add3A_1977 = arith.addi %get3A_1791, %add3A_1976 : vector<16xi32>
        %gather3A_1978 = tpu.vector_load_idx %arg8[%add3A_1794, %add3A_1977] : memref<128x128xf32, #tpu.memory_space<vmem>>[vector<16xi32>, vector<16xi32>], vector<16xf32>,
        %swap3A_1979 = arith.constant 0 : i32
        %swap3A_1980 = arith.constant 18 : i32
        %swap3A_1981 = arith.index_cast %swap3A_1979 : i32 to index
        %swap3A_1982 = arith.index_cast %swap3A_1980 : i32 to index
        %swap3A_1983 = arith.constant 80 : index
        %swap3A_1984 = tpu.vector_load %arg9[%swap3A_1981, %swap3A_1982, %swap3A_1983] {strides = array<i32>} : memref<1x32x128xf32, #tpu.memory_space<vmem>>, vector<16xf32>,
        tpu.vector_store %arg9[%swap3A_1981, %swap3A_1982, %swap3A_1983], %gather3A_1978 {strides = array<i32>} : memref<1x32x128xf32, #tpu.memory_space<vmem>>, vector<16xf32>,
        %add3A_1985 = arith.constant 19 : i32
        %add3A_1986 = vector.broadcast %add3A_1985 : i32 to vector<16xi32>
        %add3A_1987 = arith.addi %get3A_1791, %add3A_1986 : vector<16xi32>
        %gather3A_1988 = tpu.vector_load_idx %arg8[%add3A_1794, %add3A_1987] : memref<128x128xf32, #tpu.memory_space<vmem>>[vector<16xi32>, vector<16xi32>], vector<16xf32>,
        %swap3A_1989 = arith.constant 0 : i32
        %swap3A_1990 = arith.constant 19 : i32
        %swap3A_1991 = arith.index_cast %swap3A_1989 : i32 to index
        %swap3A_1992 = arith.index_cast %swap3A_1990 : i32 to index
        %swap3A_1993 = arith.constant 80 : index
        %swap3A_1994 = tpu.vector_load %arg9[%swap3A_1991, %swap3A_1992, %swap3A_1993] {strides = array<i32>} : memref<1x32x128xf32, #tpu.memory_space<vmem>>, vector<16xf32>,
        tpu.vector_store %arg9[%swap3A_1991, %swap3A_1992, %swap3A_1993], %gather3A_1988 {strides = array<i32>} : memref<1x32x128xf32, #tpu.memory_space<vmem>>, vector<16xf32>,
        %add3A_1995 = arith.constant 20 : i32
        %add3A_1996 = vector.broadcast %add3A_1995 : i32 to vector<16xi32>
        %add3A_1997 = arith.addi %get3A_1791, %add3A_1996 : vector<16xi32>
        %gather3A_1998 = tpu.vector_load_idx %arg8[%add3A_1794, %add3A_1997] : memref<128x128xf32, #tpu.memory_space<vmem>>[vector<16xi32>, vector<16xi32>], vector<16xf32>,
        %swap3A_1999 = arith.constant 0 : i32
        %swap3A_2000 = arith.constant 20 : i32
        %swap3A_2001 = arith.index_cast %swap3A_1999 : i32 to index
        %swap3A_2002 = arith.index_cast %swap3A_2000 : i32 to index
        %swap3A_2003 = arith.constant 80 : index
        %swap3A_2004 = tpu.vector_load %arg9[%swap3A_2001, %swap3A_2002, %swap3A_2003] {strides = array<i32>} : memref<1x32x128xf32, #tpu.memory_space<vmem>>, vector<16xf32>,
        tpu.vector_store %arg9[%swap3A_2001, %swap3A_2002, %swap3A_2003], %gather3A_1998 {strides = array<i32>} : memref<1x32x128xf32, #tpu.memory_space<vmem>>, vector<16xf32>,
        %add3A_2005 = arith.constant 21 : i32
        %add3A_2006 = vector.broadcast %add3A_2005 : i32 to vector<16xi32>
        %add3A_2007 = arith.addi %get3A_1791, %add3A_2006 : vector<16xi32>
        %gather3A_2008 = tpu.vector_load_idx %arg8[%add3A_1794, %add3A_2007] : memref<128x128xf32, #tpu.memory_space<vmem>>[vector<16xi32>, vector<16xi32>], vector<16xf32>,
        %swap3A_2009 = arith.constant 0 : i32
        %swap3A_2010 = arith.constant 21 : i32
        %swap3A_2011 = arith.index_cast %swap3A_2009 : i32 to index
        %swap3A_2012 = arith.index_cast %swap3A_2010 : i32 to index
        %swap3A_2013 = arith.constant 80 : index
        %swap3A_2014 = tpu.vector_load %arg9[%swap3A_2011, %swap3A_2012, %swap3A_2013] {strides = array<i32>} : memref<1x32x128xf32, #tpu.memory_space<vmem>>, vector<16xf32>,
        tpu.vector_store %arg9[%swap3A_2011, %swap3A_2012, %swap3A_2013], %gather3A_2008 {strides = array<i32>} : memref<1x32x128xf32, #tpu.memory_space<vmem>>, vector<16xf32>,
        %add3A_2015 = arith.constant 22 : i32
        %add3A_2016 = vector.broadcast %add3A_2015 : i32 to vector<16xi32>
        %add3A_2017 = arith.addi %get3A_1791, %add3A_2016 : vector<16xi32>
        %gather3A_2018 = tpu.vector_load_idx %arg8[%add3A_1794, %add3A_2017] : memref<128x128xf32, #tpu.memory_space<vmem>>[vector<16xi32>, vector<16xi32>], vector<16xf32>,
        %swap3A_2019 = arith.constant 0 : i32
        %swap3A_2020 = arith.constant 22 : i32
        %swap3A_2021 = arith.index_cast %swap3A_2019 : i32 to index
        %swap3A_2022 = arith.index_cast %swap3A_2020 : i32 to index
        %swap3A_2023 = arith.constant 80 : index
        %swap3A_2024 = tpu.vector_load %arg9[%swap3A_2021, %swap3A_2022, %swap3A_2023] {strides = array<i32>} : memref<1x32x128xf32, #tpu.memory_space<vmem>>, vector<16xf32>,
        tpu.vector_store %arg9[%swap3A_2021, %swap3A_2022, %swap3A_2023], %gather3A_2018 {strides = array<i32>} : memref<1x32x128xf32, #tpu.memory_space<vmem>>, vector<16xf32>,
        %add3A_2025 = arith.constant 23 : i32
        %add3A_2026 = vector.broadcast %add3A_2025 : i32 to vector<16xi32>
        %add3A_2027 = arith.addi %get3A_1791, %add3A_2026 : vector<16xi32>
        %gather3A_2028 = tpu.vector_load_idx %arg8[%add3A_1794, %add3A_2027] : memref<128x128xf32, #tpu.memory_space<vmem>>[vector<16xi32>, vector<16xi32>], vector<16xf32>,
        %swap3A_2029 = arith.constant 0 : i32
        %swap3A_2030 = arith.constant 23 : i32
        %swap3A_2031 = arith.index_cast %swap3A_2029 : i32 to index
        %swap3A_2032 = arith.index_cast %swap3A_2030 : i32 to index
        %swap3A_2033 = arith.constant 80 : index
        %swap3A_2034 = tpu.vector_load %arg9[%swap3A_2031, %swap3A_2032, %swap3A_2033] {strides = array<i32>} : memref<1x32x128xf32, #tpu.memory_space<vmem>>, vector<16xf32>,
        tpu.vector_store %arg9[%swap3A_2031, %swap3A_2032, %swap3A_2033], %gather3A_2028 {strides = array<i32>} : memref<1x32x128xf32, #tpu.memory_space<vmem>>, vector<16xf32>,
        %add3A_2035 = arith.constant 24 : i32
        %add3A_2036 = vector.broadcast %add3A_2035 : i32 to vector<16xi32>
        %add3A_2037 = arith.addi %get3A_1791, %add3A_2036 : vector<16xi32>
        %gather3A_2038 = tpu.vector_load_idx %arg8[%add3A_1794, %add3A_2037] : memref<128x128xf32, #tpu.memory_space<vmem>>[vector<16xi32>, vector<16xi32>], vector<16xf32>,
        %swap3A_2039 = arith.constant 0 : i32
        %swap3A_2040 = arith.constant 24 : i32
        %swap3A_2041 = arith.index_cast %swap3A_2039 : i32 to index
        %swap3A_2042 = arith.index_cast %swap3A_2040 : i32 to index
        %swap3A_2043 = arith.constant 80 : index
        %swap3A_2044 = tpu.vector_load %arg9[%swap3A_2041, %swap3A_2042, %swap3A_2043] {strides = array<i32>} : memref<1x32x128xf32, #tpu.memory_space<vmem>>, vector<16xf32>,
        tpu.vector_store %arg9[%swap3A_2041, %swap3A_2042, %swap3A_2043], %gather3A_2038 {strides = array<i32>} : memref<1x32x128xf32, #tpu.memory_space<vmem>>, vector<16xf32>,
        %add3A_2045 = arith.constant 25 : i32
        %add3A_2046 = vector.broadcast %add3A_2045 : i32 to vector<16xi32>
        %add3A_2047 = arith.addi %get3A_1791, %add3A_2046 : vector<16xi32>
        %gather3A_2048 = tpu.vector_load_idx %arg8[%add3A_1794, %add3A_2047] : memref<128x128xf32, #tpu.memory_space<vmem>>[vector<16xi32>, vector<16xi32>], vector<16xf32>,
        %swap3A_2049 = arith.constant 0 : i32
        %swap3A_2050 = arith.constant 25 : i32
        %swap3A_2051 = arith.index_cast %swap3A_2049 : i32 to index
        %swap3A_2052 = arith.index_cast %swap3A_2050 : i32 to index
        %swap3A_2053 = arith.constant 80 : index
        %swap3A_2054 = tpu.vector_load %arg9[%swap3A_2051, %swap3A_2052, %swap3A_2053] {strides = array<i32>} : memref<1x32x128xf32, #tpu.memory_space<vmem>>, vector<16xf32>,
        tpu.vector_store %arg9[%swap3A_2051, %swap3A_2052, %swap3A_2053], %gather3A_2048 {strides = array<i32>} : memref<1x32x128xf32, #tpu.memory_space<vmem>>, vector<16xf32>,
        %add3A_2055 = arith.constant 26 : i32
        %add3A_2056 = vector.broadcast %add3A_2055 : i32 to vector<16xi32>
        %add3A_2057 = arith.addi %get3A_1791, %add3A_2056 : vector<16xi32>
        %gather3A_2058 = tpu.vector_load_idx %arg8[%add3A_1794, %add3A_2057] : memref<128x128xf32, #tpu.memory_space<vmem>>[vector<16xi32>, vector<16xi32>], vector<16xf32>,
        %swap3A_2059 = arith.constant 0 : i32
        %swap3A_2060 = arith.constant 26 : i32
        %swap3A_2061 = arith.index_cast %swap3A_2059 : i32 to index
        %swap3A_2062 = arith.index_cast %swap3A_2060 : i32 to index
        %swap3A_2063 = arith.constant 80 : index
        %swap3A_2064 = tpu.vector_load %arg9[%swap3A_2061, %swap3A_2062, %swap3A_2063] {strides = array<i32>} : memref<1x32x128xf32, #tpu.memory_space<vmem>>, vector<16xf32>,
        tpu.vector_store %arg9[%swap3A_2061, %swap3A_2062, %swap3A_2063], %gather3A_2058 {strides = array<i32>} : memref<1x32x128xf32, #tpu.memory_space<vmem>>, vector<16xf32>,
        %add3A_2065 = arith.constant 27 : i32
        %add3A_2066 = vector.broadcast %add3A_2065 : i32 to vector<16xi32>
        %add3A_2067 = arith.addi %get3A_1791, %add3A_2066 : vector<16xi32>
        %gather3A_2068 = tpu.vector_load_idx %arg8[%add3A_1794, %add3A_2067] : memref<128x128xf32, #tpu.memory_space<vmem>>[vector<16xi32>, vector<16xi32>], vector<16xf32>,
        %swap3A_2069 = arith.constant 0 : i32
        %swap3A_2070 = arith.constant 27 : i32
        %swap3A_2071 = arith.index_cast %swap3A_2069 : i32 to index
        %swap3A_2072 = arith.index_cast %swap3A_2070 : i32 to index
        %swap3A_2073 = arith.constant 80 : index
        %swap3A_2074 = tpu.vector_load %arg9[%swap3A_2071, %swap3A_2072, %swap3A_2073] {strides = array<i32>} : memref<1x32x128xf32, #tpu.memory_space<vmem>>, vector<16xf32>,
        tpu.vector_store %arg9[%swap3A_2071, %swap3A_2072, %swap3A_2073], %gather3A_2068 {strides = array<i32>} : memref<1x32x128xf32, #tpu.memory_space<vmem>>, vector<16xf32>,
        %add3A_2075 = arith.constant 28 : i32
        %add3A_2076 = vector.broadcast %add3A_2075 : i32 to vector<16xi32>
        %add3A_2077 = arith.addi %get3A_1791, %add3A_2076 : vector<16xi32>
        %gather3A_2078 = tpu.vector_load_idx %arg8[%add3A_1794, %add3A_2077] : memref<128x128xf32, #tpu.memory_space<vmem>>[vector<16xi32>, vector<16xi32>], vector<16xf32>,
        %swap3A_2079 = arith.constant 0 : i32
        %swap3A_2080 = arith.constant 28 : i32
        %swap3A_2081 = arith.index_cast %swap3A_2079 : i32 to index
        %swap3A_2082 = arith.index_cast %swap3A_2080 : i32 to index
        %swap3A_2083 = arith.constant 80 : index
        %swap3A_2084 = tpu.vector_load %arg9[%swap3A_2081, %swap3A_2082, %swap3A_2083] {strides = array<i32>} : memref<1x32x128xf32, #tpu.memory_space<vmem>>, vector<16xf32>,
        tpu.vector_store %arg9[%swap3A_2081, %swap3A_2082, %swap3A_2083], %gather3A_2078 {strides = array<i32>} : memref<1x32x128xf32, #tpu.memory_space<vmem>>, vector<16xf32>,
        %add3A_2085 = arith.constant 29 : i32
        %add3A_2086 = vector.broadcast %add3A_2085 : i32 to vector<16xi32>
        %add3A_2087 = arith.addi %get3A_1791, %add3A_2086 : vector<16xi32>
        %gather3A_2088 = tpu.vector_load_idx %arg8[%add3A_1794, %add3A_2087] : memref<128x128xf32, #tpu.memory_space<vmem>>[vector<16xi32>, vector<16xi32>], vector<16xf32>,
        %swap3A_2089 = arith.constant 0 : i32
        %swap3A_2090 = arith.constant 29 : i32
        %swap3A_2091 = arith.index_cast %swap3A_2089 : i32 to index
        %swap3A_2092 = arith.index_cast %swap3A_2090 : i32 to index
        %swap3A_2093 = arith.constant 80 : index
        %swap3A_2094 = tpu.vector_load %arg9[%swap3A_2091, %swap3A_2092, %swap3A_2093] {strides = array<i32>} : memref<1x32x128xf32, #tpu.memory_space<vmem>>, vector<16xf32>,
        tpu.vector_store %arg9[%swap3A_2091, %swap3A_2092, %swap3A_2093], %gather3A_2088 {strides = array<i32>} : memref<1x32x128xf32, #tpu.memory_space<vmem>>, vector<16xf32>,
        %add3A_2095 = arith.constant 30 : i32
        %add3A_2096 = vector.broadcast %add3A_2095 : i32 to vector<16xi32>
        %add3A_2097 = arith.addi %get3A_1791, %add3A_2096 : vector<16xi32>
        %gather3A_2098 = tpu.vector_load_idx %arg8[%add3A_1794, %add3A_2097] : memref<128x128xf32, #tpu.memory_space<vmem>>[vector<16xi32>, vector<16xi32>], vector<16xf32>,
        %swap3A_2099 = arith.constant 0 : i32
        %swap3A_2100 = arith.constant 30 : i32
        %swap3A_2101 = arith.index_cast %swap3A_2099 : i32 to index
        %swap3A_2102 = arith.index_cast %swap3A_2100 : i32 to index
        %swap3A_2103 = arith.constant 80 : index
        %swap3A_2104 = tpu.vector_load %arg9[%swap3A_2101, %swap3A_2102, %swap3A_2103] {strides = array<i32>} : memref<1x32x128xf32, #tpu.memory_space<vmem>>, vector<16xf32>,
        tpu.vector_store %arg9[%swap3A_2101, %swap3A_2102, %swap3A_2103], %gather3A_2098 {strides = array<i32>} : memref<1x32x128xf32, #tpu.memory_space<vmem>>, vector<16xf32>,
        %add3A_2105 = arith.constant 31 : i32
        %add3A_2106 = vector.broadcast %add3A_2105 : i32 to vector<16xi32>
        %add3A_2107 = arith.addi %get3A_1791, %add3A_2106 : vector<16xi32>
        %gather3A_2108 = tpu.vector_load_idx %arg8[%add3A_1794, %add3A_2107] : memref<128x128xf32, #tpu.memory_space<vmem>>[vector<16xi32>, vector<16xi32>], vector<16xf32>,
        %swap3A_2109 = arith.constant 0 : i32
        %swap3A_2110 = arith.constant 31 : i32
        %swap3A_2111 = arith.index_cast %swap3A_2109 : i32 to index
        %swap3A_2112 = arith.index_cast %swap3A_2110 : i32 to index
        %swap3A_2113 = arith.constant 80 : index
        %swap3A_2114 = tpu.vector_load %arg9[%swap3A_2111, %swap3A_2112, %swap3A_2113] {strides = array<i32>} : memref<1x32x128xf32, #tpu.memory_space<vmem>>, vector<16xf32>,
        tpu.vector_store %arg9[%swap3A_2111, %swap3A_2112, %swap3A_2113], %gather3A_2108 {strides = array<i32>} : memref<1x32x128xf32, #tpu.memory_space<vmem>>, vector<16xf32>,
        %get3A_2115 = arith.constant 96 : index
        %get3A_2116 = tpu.vector_load %arg7[%get3A_2115] {strides = array<i32>} : memref<128xi32, #tpu.memory_space<vmem>>, vector<16xi32>,
        %add3A_2117 = arith.constant 96 : i32
        %add3A_2118 = vector.broadcast %add3A_2117 : i32 to vector<16xi32>
        %add3A_2119 = arith.addi %iota3A, %add3A_2118 : vector<16xi32>
        %add3A_2120 = arith.constant 0 : i32
        %add3A_2121 = vector.broadcast %add3A_2120 : i32 to vector<16xi32>
        %add3A_2122 = arith.addi %get3A_2116, %add3A_2121 : vector<16xi32>
        %gather3A_2123 = tpu.vector_load_idx %arg8[%add3A_2119, %add3A_2122] : memref<128x128xf32, #tpu.memory_space<vmem>>[vector<16xi32>, vector<16xi32>], vector<16xf32>,
        %swap3A_2124 = arith.constant 0 : i32
        %swap3A_2125 = arith.constant 0 : i32
        %swap3A_2126 = arith.index_cast %swap3A_2124 : i32 to index
        %swap3A_2127 = arith.index_cast %swap3A_2125 : i32 to index
        %swap3A_2128 = arith.constant 96 : index
        %swap3A_2129 = tpu.vector_load %arg9[%swap3A_2126, %swap3A_2127, %swap3A_2128] {strides = array<i32>} : memref<1x32x128xf32, #tpu.memory_space<vmem>>, vector<16xf32>,
        tpu.vector_store %arg9[%swap3A_2126, %swap3A_2127, %swap3A_2128], %gather3A_2123 {strides = array<i32>} : memref<1x32x128xf32, #tpu.memory_space<vmem>>, vector<16xf32>,
        %add3A_2130 = arith.constant 1 : i32
        %add3A_2131 = vector.broadcast %add3A_2130 : i32 to vector<16xi32>
        %add3A_2132 = arith.addi %get3A_2116, %add3A_2131 : vector<16xi32>
        %gather3A_2133 = tpu.vector_load_idx %arg8[%add3A_2119, %add3A_2132] : memref<128x128xf32, #tpu.memory_space<vmem>>[vector<16xi32>, vector<16xi32>], vector<16xf32>,
        %swap3A_2134 = arith.constant 0 : i32
        %swap3A_2135 = arith.constant 1 : i32
        %swap3A_2136 = arith.index_cast %swap3A_2134 : i32 to index
        %swap3A_2137 = arith.index_cast %swap3A_2135 : i32 to index
        %swap3A_2138 = arith.constant 96 : index
        %swap3A_2139 = tpu.vector_load %arg9[%swap3A_2136, %swap3A_2137, %swap3A_2138] {strides = array<i32>} : memref<1x32x128xf32, #tpu.memory_space<vmem>>, vector<16xf32>,
        tpu.vector_store %arg9[%swap3A_2136, %swap3A_2137, %swap3A_2138], %gather3A_2133 {strides = array<i32>} : memref<1x32x128xf32, #tpu.memory_space<vmem>>, vector<16xf32>,
        %add3A_2140 = arith.constant 2 : i32
        %add3A_2141 = vector.broadcast %add3A_2140 : i32 to vector<16xi32>
        %add3A_2142 = arith.addi %get3A_2116, %add3A_2141 : vector<16xi32>
        %gather3A_2143 = tpu.vector_load_idx %arg8[%add3A_2119, %add3A_2142] : memref<128x128xf32, #tpu.memory_space<vmem>>[vector<16xi32>, vector<16xi32>], vector<16xf32>,
        %swap3A_2144 = arith.constant 0 : i32
        %swap3A_2145 = arith.constant 2 : i32
        %swap3A_2146 = arith.index_cast %swap3A_2144 : i32 to index
        %swap3A_2147 = arith.index_cast %swap3A_2145 : i32 to index
        %swap3A_2148 = arith.constant 96 : index
        %swap3A_2149 = tpu.vector_load %arg9[%swap3A_2146, %swap3A_2147, %swap3A_2148] {strides = array<i32>} : memref<1x32x128xf32, #tpu.memory_space<vmem>>, vector<16xf32>,
        tpu.vector_store %arg9[%swap3A_2146, %swap3A_2147, %swap3A_2148], %gather3A_2143 {strides = array<i32>} : memref<1x32x128xf32, #tpu.memory_space<vmem>>, vector<16xf32>,
        %add3A_2150 = arith.constant 3 : i32
        %add3A_2151 = vector.broadcast %add3A_2150 : i32 to vector<16xi32>
        %add3A_2152 = arith.addi %get3A_2116, %add3A_2151 : vector<16xi32>
        %gather3A_2153 = tpu.vector_load_idx %arg8[%add3A_2119, %add3A_2152] : memref<128x128xf32, #tpu.memory_space<vmem>>[vector<16xi32>, vector<16xi32>], vector<16xf32>,
        %swap3A_2154 = arith.constant 0 : i32
        %swap3A_2155 = arith.constant 3 : i32
        %swap3A_2156 = arith.index_cast %swap3A_2154 : i32 to index
        %swap3A_2157 = arith.index_cast %swap3A_2155 : i32 to index
        %swap3A_2158 = arith.constant 96 : index
        %swap3A_2159 = tpu.vector_load %arg9[%swap3A_2156, %swap3A_2157, %swap3A_2158] {strides = array<i32>} : memref<1x32x128xf32, #tpu.memory_space<vmem>>, vector<16xf32>,
        tpu.vector_store %arg9[%swap3A_2156, %swap3A_2157, %swap3A_2158], %gather3A_2153 {strides = array<i32>} : memref<1x32x128xf32, #tpu.memory_space<vmem>>, vector<16xf32>,
        %add3A_2160 = arith.constant 4 : i32
        %add3A_2161 = vector.broadcast %add3A_2160 : i32 to vector<16xi32>
        %add3A_2162 = arith.addi %get3A_2116, %add3A_2161 : vector<16xi32>
        %gather3A_2163 = tpu.vector_load_idx %arg8[%add3A_2119, %add3A_2162] : memref<128x128xf32, #tpu.memory_space<vmem>>[vector<16xi32>, vector<16xi32>], vector<16xf32>,
        %swap3A_2164 = arith.constant 0 : i32
        %swap3A_2165 = arith.constant 4 : i32
        %swap3A_2166 = arith.index_cast %swap3A_2164 : i32 to index
        %swap3A_2167 = arith.index_cast %swap3A_2165 : i32 to index
        %swap3A_2168 = arith.constant 96 : index
        %swap3A_2169 = tpu.vector_load %arg9[%swap3A_2166, %swap3A_2167, %swap3A_2168] {strides = array<i32>} : memref<1x32x128xf32, #tpu.memory_space<vmem>>, vector<16xf32>,
        tpu.vector_store %arg9[%swap3A_2166, %swap3A_2167, %swap3A_2168], %gather3A_2163 {strides = array<i32>} : memref<1x32x128xf32, #tpu.memory_space<vmem>>, vector<16xf32>,
        %add3A_2170 = arith.constant 5 : i32
        %add3A_2171 = vector.broadcast %add3A_2170 : i32 to vector<16xi32>
        %add3A_2172 = arith.addi %get3A_2116, %add3A_2171 : vector<16xi32>
        %gather3A_2173 = tpu.vector_load_idx %arg8[%add3A_2119, %add3A_2172] : memref<128x128xf32, #tpu.memory_space<vmem>>[vector<16xi32>, vector<16xi32>], vector<16xf32>,
        %swap3A_2174 = arith.constant 0 : i32
        %swap3A_2175 = arith.constant 5 : i32
        %swap3A_2176 = arith.index_cast %swap3A_2174 : i32 to index
        %swap3A_2177 = arith.index_cast %swap3A_2175 : i32 to index
        %swap3A_2178 = arith.constant 96 : index
        %swap3A_2179 = tpu.vector_load %arg9[%swap3A_2176, %swap3A_2177, %swap3A_2178] {strides = array<i32>} : memref<1x32x128xf32, #tpu.memory_space<vmem>>, vector<16xf32>,
        tpu.vector_store %arg9[%swap3A_2176, %swap3A_2177, %swap3A_2178], %gather3A_2173 {strides = array<i32>} : memref<1x32x128xf32, #tpu.memory_space<vmem>>, vector<16xf32>,
        %add3A_2180 = arith.constant 6 : i32
        %add3A_2181 = vector.broadcast %add3A_2180 : i32 to vector<16xi32>
        %add3A_2182 = arith.addi %get3A_2116, %add3A_2181 : vector<16xi32>
        %gather3A_2183 = tpu.vector_load_idx %arg8[%add3A_2119, %add3A_2182] : memref<128x128xf32, #tpu.memory_space<vmem>>[vector<16xi32>, vector<16xi32>], vector<16xf32>,
        %swap3A_2184 = arith.constant 0 : i32
        %swap3A_2185 = arith.constant 6 : i32
        %swap3A_2186 = arith.index_cast %swap3A_2184 : i32 to index
        %swap3A_2187 = arith.index_cast %swap3A_2185 : i32 to index
        %swap3A_2188 = arith.constant 96 : index
        %swap3A_2189 = tpu.vector_load %arg9[%swap3A_2186, %swap3A_2187, %swap3A_2188] {strides = array<i32>} : memref<1x32x128xf32, #tpu.memory_space<vmem>>, vector<16xf32>,
        tpu.vector_store %arg9[%swap3A_2186, %swap3A_2187, %swap3A_2188], %gather3A_2183 {strides = array<i32>} : memref<1x32x128xf32, #tpu.memory_space<vmem>>, vector<16xf32>,
        %add3A_2190 = arith.constant 7 : i32
        %add3A_2191 = vector.broadcast %add3A_2190 : i32 to vector<16xi32>
        %add3A_2192 = arith.addi %get3A_2116, %add3A_2191 : vector<16xi32>
        %gather3A_2193 = tpu.vector_load_idx %arg8[%add3A_2119, %add3A_2192] : memref<128x128xf32, #tpu.memory_space<vmem>>[vector<16xi32>, vector<16xi32>], vector<16xf32>,
        %swap3A_2194 = arith.constant 0 : i32
        %swap3A_2195 = arith.constant 7 : i32
        %swap3A_2196 = arith.index_cast %swap3A_2194 : i32 to index
        %swap3A_2197 = arith.index_cast %swap3A_2195 : i32 to index
        %swap3A_2198 = arith.constant 96 : index
        %swap3A_2199 = tpu.vector_load %arg9[%swap3A_2196, %swap3A_2197, %swap3A_2198] {strides = array<i32>} : memref<1x32x128xf32, #tpu.memory_space<vmem>>, vector<16xf32>,
        tpu.vector_store %arg9[%swap3A_2196, %swap3A_2197, %swap3A_2198], %gather3A_2193 {strides = array<i32>} : memref<1x32x128xf32, #tpu.memory_space<vmem>>, vector<16xf32>,
        %add3A_2200 = arith.constant 8 : i32
        %add3A_2201 = vector.broadcast %add3A_2200 : i32 to vector<16xi32>
        %add3A_2202 = arith.addi %get3A_2116, %add3A_2201 : vector<16xi32>
        %gather3A_2203 = tpu.vector_load_idx %arg8[%add3A_2119, %add3A_2202] : memref<128x128xf32, #tpu.memory_space<vmem>>[vector<16xi32>, vector<16xi32>], vector<16xf32>,
        %swap3A_2204 = arith.constant 0 : i32
        %swap3A_2205 = arith.constant 8 : i32
        %swap3A_2206 = arith.index_cast %swap3A_2204 : i32 to index
        %swap3A_2207 = arith.index_cast %swap3A_2205 : i32 to index
        %swap3A_2208 = arith.constant 96 : index
        %swap3A_2209 = tpu.vector_load %arg9[%swap3A_2206, %swap3A_2207, %swap3A_2208] {strides = array<i32>} : memref<1x32x128xf32, #tpu.memory_space<vmem>>, vector<16xf32>,
        tpu.vector_store %arg9[%swap3A_2206, %swap3A_2207, %swap3A_2208], %gather3A_2203 {strides = array<i32>} : memref<1x32x128xf32, #tpu.memory_space<vmem>>, vector<16xf32>,
        %add3A_2210 = arith.constant 9 : i32
        %add3A_2211 = vector.broadcast %add3A_2210 : i32 to vector<16xi32>
        %add3A_2212 = arith.addi %get3A_2116, %add3A_2211 : vector<16xi32>
        %gather3A_2213 = tpu.vector_load_idx %arg8[%add3A_2119, %add3A_2212] : memref<128x128xf32, #tpu.memory_space<vmem>>[vector<16xi32>, vector<16xi32>], vector<16xf32>,
        %swap3A_2214 = arith.constant 0 : i32
        %swap3A_2215 = arith.constant 9 : i32
        %swap3A_2216 = arith.index_cast %swap3A_2214 : i32 to index
        %swap3A_2217 = arith.index_cast %swap3A_2215 : i32 to index
        %swap3A_2218 = arith.constant 96 : index
        %swap3A_2219 = tpu.vector_load %arg9[%swap3A_2216, %swap3A_2217, %swap3A_2218] {strides = array<i32>} : memref<1x32x128xf32, #tpu.memory_space<vmem>>, vector<16xf32>,
        tpu.vector_store %arg9[%swap3A_2216, %swap3A_2217, %swap3A_2218], %gather3A_2213 {strides = array<i32>} : memref<1x32x128xf32, #tpu.memory_space<vmem>>, vector<16xf32>,
        %add3A_2220 = arith.constant 10 : i32
        %add3A_2221 = vector.broadcast %add3A_2220 : i32 to vector<16xi32>
        %add3A_2222 = arith.addi %get3A_2116, %add3A_2221 : vector<16xi32>
        %gather3A_2223 = tpu.vector_load_idx %arg8[%add3A_2119, %add3A_2222] : memref<128x128xf32, #tpu.memory_space<vmem>>[vector<16xi32>, vector<16xi32>], vector<16xf32>,
        %swap3A_2224 = arith.constant 0 : i32
        %swap3A_2225 = arith.constant 10 : i32
        %swap3A_2226 = arith.index_cast %swap3A_2224 : i32 to index
        %swap3A_2227 = arith.index_cast %swap3A_2225 : i32 to index
        %swap3A_2228 = arith.constant 96 : index
        %swap3A_2229 = tpu.vector_load %arg9[%swap3A_2226, %swap3A_2227, %swap3A_2228] {strides = array<i32>} : memref<1x32x128xf32, #tpu.memory_space<vmem>>, vector<16xf32>,
        tpu.vector_store %arg9[%swap3A_2226, %swap3A_2227, %swap3A_2228], %gather3A_2223 {strides = array<i32>} : memref<1x32x128xf32, #tpu.memory_space<vmem>>, vector<16xf32>,
        %add3A_2230 = arith.constant 11 : i32
        %add3A_2231 = vector.broadcast %add3A_2230 : i32 to vector<16xi32>
        %add3A_2232 = arith.addi %get3A_2116, %add3A_2231 : vector<16xi32>
        %gather3A_2233 = tpu.vector_load_idx %arg8[%add3A_2119, %add3A_2232] : memref<128x128xf32, #tpu.memory_space<vmem>>[vector<16xi32>, vector<16xi32>], vector<16xf32>,
        %swap3A_2234 = arith.constant 0 : i32
        %swap3A_2235 = arith.constant 11 : i32
        %swap3A_2236 = arith.index_cast %swap3A_2234 : i32 to index
        %swap3A_2237 = arith.index_cast %swap3A_2235 : i32 to index
        %swap3A_2238 = arith.constant 96 : index
        %swap3A_2239 = tpu.vector_load %arg9[%swap3A_2236, %swap3A_2237, %swap3A_2238] {strides = array<i32>} : memref<1x32x128xf32, #tpu.memory_space<vmem>>, vector<16xf32>,
        tpu.vector_store %arg9[%swap3A_2236, %swap3A_2237, %swap3A_2238], %gather3A_2233 {strides = array<i32>} : memref<1x32x128xf32, #tpu.memory_space<vmem>>, vector<16xf32>,
        %add3A_2240 = arith.constant 12 : i32
        %add3A_2241 = vector.broadcast %add3A_2240 : i32 to vector<16xi32>
        %add3A_2242 = arith.addi %get3A_2116, %add3A_2241 : vector<16xi32>
        %gather3A_2243 = tpu.vector_load_idx %arg8[%add3A_2119, %add3A_2242] : memref<128x128xf32, #tpu.memory_space<vmem>>[vector<16xi32>, vector<16xi32>], vector<16xf32>,
        %swap3A_2244 = arith.constant 0 : i32
        %swap3A_2245 = arith.constant 12 : i32
        %swap3A_2246 = arith.index_cast %swap3A_2244 : i32 to index
        %swap3A_2247 = arith.index_cast %swap3A_2245 : i32 to index
        %swap3A_2248 = arith.constant 96 : index
        %swap3A_2249 = tpu.vector_load %arg9[%swap3A_2246, %swap3A_2247, %swap3A_2248] {strides = array<i32>} : memref<1x32x128xf32, #tpu.memory_space<vmem>>, vector<16xf32>,
        tpu.vector_store %arg9[%swap3A_2246, %swap3A_2247, %swap3A_2248], %gather3A_2243 {strides = array<i32>} : memref<1x32x128xf32, #tpu.memory_space<vmem>>, vector<16xf32>,
        %add3A_2250 = arith.constant 13 : i32
        %add3A_2251 = vector.broadcast %add3A_2250 : i32 to vector<16xi32>
        %add3A_2252 = arith.addi %get3A_2116, %add3A_2251 : vector<16xi32>
        %gather3A_2253 = tpu.vector_load_idx %arg8[%add3A_2119, %add3A_2252] : memref<128x128xf32, #tpu.memory_space<vmem>>[vector<16xi32>, vector<16xi32>], vector<16xf32>,
        %swap3A_2254 = arith.constant 0 : i32
        %swap3A_2255 = arith.constant 13 : i32
        %swap3A_2256 = arith.index_cast %swap3A_2254 : i32 to index
        %swap3A_2257 = arith.index_cast %swap3A_2255 : i32 to index
        %swap3A_2258 = arith.constant 96 : index
        %swap3A_2259 = tpu.vector_load %arg9[%swap3A_2256, %swap3A_2257, %swap3A_2258] {strides = array<i32>} : memref<1x32x128xf32, #tpu.memory_space<vmem>>, vector<16xf32>,
        tpu.vector_store %arg9[%swap3A_2256, %swap3A_2257, %swap3A_2258], %gather3A_2253 {strides = array<i32>} : memref<1x32x128xf32, #tpu.memory_space<vmem>>, vector<16xf32>,
        %add3A_2260 = arith.constant 14 : i32
        %add3A_2261 = vector.broadcast %add3A_2260 : i32 to vector<16xi32>
        %add3A_2262 = arith.addi %get3A_2116, %add3A_2261 : vector<16xi32>
        %gather3A_2263 = tpu.vector_load_idx %arg8[%add3A_2119, %add3A_2262] : memref<128x128xf32, #tpu.memory_space<vmem>>[vector<16xi32>, vector<16xi32>], vector<16xf32>,
        %swap3A_2264 = arith.constant 0 : i32
        %swap3A_2265 = arith.constant 14 : i32
        %swap3A_2266 = arith.index_cast %swap3A_2264 : i32 to index
        %swap3A_2267 = arith.index_cast %swap3A_2265 : i32 to index
        %swap3A_2268 = arith.constant 96 : index
        %swap3A_2269 = tpu.vector_load %arg9[%swap3A_2266, %swap3A_2267, %swap3A_2268] {strides = array<i32>} : memref<1x32x128xf32, #tpu.memory_space<vmem>>, vector<16xf32>,
        tpu.vector_store %arg9[%swap3A_2266, %swap3A_2267, %swap3A_2268], %gather3A_2263 {strides = array<i32>} : memref<1x32x128xf32, #tpu.memory_space<vmem>>, vector<16xf32>,
        %add3A_2270 = arith.constant 15 : i32
        %add3A_2271 = vector.broadcast %add3A_2270 : i32 to vector<16xi32>
        %add3A_2272 = arith.addi %get3A_2116, %add3A_2271 : vector<16xi32>
        %gather3A_2273 = tpu.vector_load_idx %arg8[%add3A_2119, %add3A_2272] : memref<128x128xf32, #tpu.memory_space<vmem>>[vector<16xi32>, vector<16xi32>], vector<16xf32>,
        %swap3A_2274 = arith.constant 0 : i32
        %swap3A_2275 = arith.constant 15 : i32
        %swap3A_2276 = arith.index_cast %swap3A_2274 : i32 to index
        %swap3A_2277 = arith.index_cast %swap3A_2275 : i32 to index
        %swap3A_2278 = arith.constant 96 : index
        %swap3A_2279 = tpu.vector_load %arg9[%swap3A_2276, %swap3A_2277, %swap3A_2278] {strides = array<i32>} : memref<1x32x128xf32, #tpu.memory_space<vmem>>, vector<16xf32>,
        tpu.vector_store %arg9[%swap3A_2276, %swap3A_2277, %swap3A_2278], %gather3A_2273 {strides = array<i32>} : memref<1x32x128xf32, #tpu.memory_space<vmem>>, vector<16xf32>,
        %add3A_2280 = arith.constant 16 : i32
        %add3A_2281 = vector.broadcast %add3A_2280 : i32 to vector<16xi32>
        %add3A_2282 = arith.addi %get3A_2116, %add3A_2281 : vector<16xi32>
        %gather3A_2283 = tpu.vector_load_idx %arg8[%add3A_2119, %add3A_2282] : memref<128x128xf32, #tpu.memory_space<vmem>>[vector<16xi32>, vector<16xi32>], vector<16xf32>,
        %swap3A_2284 = arith.constant 0 : i32
        %swap3A_2285 = arith.constant 16 : i32
        %swap3A_2286 = arith.index_cast %swap3A_2284 : i32 to index
        %swap3A_2287 = arith.index_cast %swap3A_2285 : i32 to index
        %swap3A_2288 = arith.constant 96 : index
        %swap3A_2289 = tpu.vector_load %arg9[%swap3A_2286, %swap3A_2287, %swap3A_2288] {strides = array<i32>} : memref<1x32x128xf32, #tpu.memory_space<vmem>>, vector<16xf32>,
        tpu.vector_store %arg9[%swap3A_2286, %swap3A_2287, %swap3A_2288], %gather3A_2283 {strides = array<i32>} : memref<1x32x128xf32, #tpu.memory_space<vmem>>, vector<16xf32>,
        %add3A_2290 = arith.constant 17 : i32
        %add3A_2291 = vector.broadcast %add3A_2290 : i32 to vector<16xi32>
        %add3A_2292 = arith.addi %get3A_2116, %add3A_2291 : vector<16xi32>
        %gather3A_2293 = tpu.vector_load_idx %arg8[%add3A_2119, %add3A_2292] : memref<128x128xf32, #tpu.memory_space<vmem>>[vector<16xi32>, vector<16xi32>], vector<16xf32>,
        %swap3A_2294 = arith.constant 0 : i32
        %swap3A_2295 = arith.constant 17 : i32
        %swap3A_2296 = arith.index_cast %swap3A_2294 : i32 to index
        %swap3A_2297 = arith.index_cast %swap3A_2295 : i32 to index
        %swap3A_2298 = arith.constant 96 : index
        %swap3A_2299 = tpu.vector_load %arg9[%swap3A_2296, %swap3A_2297, %swap3A_2298] {strides = array<i32>} : memref<1x32x128xf32, #tpu.memory_space<vmem>>, vector<16xf32>,
        tpu.vector_store %arg9[%swap3A_2296, %swap3A_2297, %swap3A_2298], %gather3A_2293 {strides = array<i32>} : memref<1x32x128xf32, #tpu.memory_space<vmem>>, vector<16xf32>,
        %add3A_2300 = arith.constant 18 : i32
        %add3A_2301 = vector.broadcast %add3A_2300 : i32 to vector<16xi32>
        %add3A_2302 = arith.addi %get3A_2116, %add3A_2301 : vector<16xi32>
        %gather3A_2303 = tpu.vector_load_idx %arg8[%add3A_2119, %add3A_2302] : memref<128x128xf32, #tpu.memory_space<vmem>>[vector<16xi32>, vector<16xi32>], vector<16xf32>,
        %swap3A_2304 = arith.constant 0 : i32
        %swap3A_2305 = arith.constant 18 : i32
        %swap3A_2306 = arith.index_cast %swap3A_2304 : i32 to index
        %swap3A_2307 = arith.index_cast %swap3A_2305 : i32 to index
        %swap3A_2308 = arith.constant 96 : index
        %swap3A_2309 = tpu.vector_load %arg9[%swap3A_2306, %swap3A_2307, %swap3A_2308] {strides = array<i32>} : memref<1x32x128xf32, #tpu.memory_space<vmem>>, vector<16xf32>,
        tpu.vector_store %arg9[%swap3A_2306, %swap3A_2307, %swap3A_2308], %gather3A_2303 {strides = array<i32>} : memref<1x32x128xf32, #tpu.memory_space<vmem>>, vector<16xf32>,
        %add3A_2310 = arith.constant 19 : i32
        %add3A_2311 = vector.broadcast %add3A_2310 : i32 to vector<16xi32>
        %add3A_2312 = arith.addi %get3A_2116, %add3A_2311 : vector<16xi32>
        %gather3A_2313 = tpu.vector_load_idx %arg8[%add3A_2119, %add3A_2312] : memref<128x128xf32, #tpu.memory_space<vmem>>[vector<16xi32>, vector<16xi32>], vector<16xf32>,
        %swap3A_2314 = arith.constant 0 : i32
        %swap3A_2315 = arith.constant 19 : i32
        %swap3A_2316 = arith.index_cast %swap3A_2314 : i32 to index
        %swap3A_2317 = arith.index_cast %swap3A_2315 : i32 to index
        %swap3A_2318 = arith.constant 96 : index
        %swap3A_2319 = tpu.vector_load %arg9[%swap3A_2316, %swap3A_2317, %swap3A_2318] {strides = array<i32>} : memref<1x32x128xf32, #tpu.memory_space<vmem>>, vector<16xf32>,
        tpu.vector_store %arg9[%swap3A_2316, %swap3A_2317, %swap3A_2318], %gather3A_2313 {strides = array<i32>} : memref<1x32x128xf32, #tpu.memory_space<vmem>>, vector<16xf32>,
        %add3A_2320 = arith.constant 20 : i32
        %add3A_2321 = vector.broadcast %add3A_2320 : i32 to vector<16xi32>
        %add3A_2322 = arith.addi %get3A_2116, %add3A_2321 : vector<16xi32>
        %gather3A_2323 = tpu.vector_load_idx %arg8[%add3A_2119, %add3A_2322] : memref<128x128xf32, #tpu.memory_space<vmem>>[vector<16xi32>, vector<16xi32>], vector<16xf32>,
        %swap3A_2324 = arith.constant 0 : i32
        %swap3A_2325 = arith.constant 20 : i32
        %swap3A_2326 = arith.index_cast %swap3A_2324 : i32 to index
        %swap3A_2327 = arith.index_cast %swap3A_2325 : i32 to index
        %swap3A_2328 = arith.constant 96 : index
        %swap3A_2329 = tpu.vector_load %arg9[%swap3A_2326, %swap3A_2327, %swap3A_2328] {strides = array<i32>} : memref<1x32x128xf32, #tpu.memory_space<vmem>>, vector<16xf32>,
        tpu.vector_store %arg9[%swap3A_2326, %swap3A_2327, %swap3A_2328], %gather3A_2323 {strides = array<i32>} : memref<1x32x128xf32, #tpu.memory_space<vmem>>, vector<16xf32>,
        %add3A_2330 = arith.constant 21 : i32
        %add3A_2331 = vector.broadcast %add3A_2330 : i32 to vector<16xi32>
        %add3A_2332 = arith.addi %get3A_2116, %add3A_2331 : vector<16xi32>
        %gather3A_2333 = tpu.vector_load_idx %arg8[%add3A_2119, %add3A_2332] : memref<128x128xf32, #tpu.memory_space<vmem>>[vector<16xi32>, vector<16xi32>], vector<16xf32>,
        %swap3A_2334 = arith.constant 0 : i32
        %swap3A_2335 = arith.constant 21 : i32
        %swap3A_2336 = arith.index_cast %swap3A_2334 : i32 to index
        %swap3A_2337 = arith.index_cast %swap3A_2335 : i32 to index
        %swap3A_2338 = arith.constant 96 : index
        %swap3A_2339 = tpu.vector_load %arg9[%swap3A_2336, %swap3A_2337, %swap3A_2338] {strides = array<i32>} : memref<1x32x128xf32, #tpu.memory_space<vmem>>, vector<16xf32>,
        tpu.vector_store %arg9[%swap3A_2336, %swap3A_2337, %swap3A_2338], %gather3A_2333 {strides = array<i32>} : memref<1x32x128xf32, #tpu.memory_space<vmem>>, vector<16xf32>,
        %add3A_2340 = arith.constant 22 : i32
        %add3A_2341 = vector.broadcast %add3A_2340 : i32 to vector<16xi32>
        %add3A_2342 = arith.addi %get3A_2116, %add3A_2341 : vector<16xi32>
        %gather3A_2343 = tpu.vector_load_idx %arg8[%add3A_2119, %add3A_2342] : memref<128x128xf32, #tpu.memory_space<vmem>>[vector<16xi32>, vector<16xi32>], vector<16xf32>,
        %swap3A_2344 = arith.constant 0 : i32
        %swap3A_2345 = arith.constant 22 : i32
        %swap3A_2346 = arith.index_cast %swap3A_2344 : i32 to index
        %swap3A_2347 = arith.index_cast %swap3A_2345 : i32 to index
        %swap3A_2348 = arith.constant 96 : index
        %swap3A_2349 = tpu.vector_load %arg9[%swap3A_2346, %swap3A_2347, %swap3A_2348] {strides = array<i32>} : memref<1x32x128xf32, #tpu.memory_space<vmem>>, vector<16xf32>,
        tpu.vector_store %arg9[%swap3A_2346, %swap3A_2347, %swap3A_2348], %gather3A_2343 {strides = array<i32>} : memref<1x32x128xf32, #tpu.memory_space<vmem>>, vector<16xf32>,
        %add3A_2350 = arith.constant 23 : i32
        %add3A_2351 = vector.broadcast %add3A_2350 : i32 to vector<16xi32>
        %add3A_2352 = arith.addi %get3A_2116, %add3A_2351 : vector<16xi32>
        %gather3A_2353 = tpu.vector_load_idx %arg8[%add3A_2119, %add3A_2352] : memref<128x128xf32, #tpu.memory_space<vmem>>[vector<16xi32>, vector<16xi32>], vector<16xf32>,
        %swap3A_2354 = arith.constant 0 : i32
        %swap3A_2355 = arith.constant 23 : i32
        %swap3A_2356 = arith.index_cast %swap3A_2354 : i32 to index
        %swap3A_2357 = arith.index_cast %swap3A_2355 : i32 to index
        %swap3A_2358 = arith.constant 96 : index
        %swap3A_2359 = tpu.vector_load %arg9[%swap3A_2356, %swap3A_2357, %swap3A_2358] {strides = array<i32>} : memref<1x32x128xf32, #tpu.memory_space<vmem>>, vector<16xf32>,
        tpu.vector_store %arg9[%swap3A_2356, %swap3A_2357, %swap3A_2358], %gather3A_2353 {strides = array<i32>} : memref<1x32x128xf32, #tpu.memory_space<vmem>>, vector<16xf32>,
        %add3A_2360 = arith.constant 24 : i32
        %add3A_2361 = vector.broadcast %add3A_2360 : i32 to vector<16xi32>
        %add3A_2362 = arith.addi %get3A_2116, %add3A_2361 : vector<16xi32>
        %gather3A_2363 = tpu.vector_load_idx %arg8[%add3A_2119, %add3A_2362] : memref<128x128xf32, #tpu.memory_space<vmem>>[vector<16xi32>, vector<16xi32>], vector<16xf32>,
        %swap3A_2364 = arith.constant 0 : i32
        %swap3A_2365 = arith.constant 24 : i32
        %swap3A_2366 = arith.index_cast %swap3A_2364 : i32 to index
        %swap3A_2367 = arith.index_cast %swap3A_2365 : i32 to index
        %swap3A_2368 = arith.constant 96 : index
        %swap3A_2369 = tpu.vector_load %arg9[%swap3A_2366, %swap3A_2367, %swap3A_2368] {strides = array<i32>} : memref<1x32x128xf32, #tpu.memory_space<vmem>>, vector<16xf32>,
        tpu.vector_store %arg9[%swap3A_2366, %swap3A_2367, %swap3A_2368], %gather3A_2363 {strides = array<i32>} : memref<1x32x128xf32, #tpu.memory_space<vmem>>, vector<16xf32>,
        %add3A_2370 = arith.constant 25 : i32
        %add3A_2371 = vector.broadcast %add3A_2370 : i32 to vector<16xi32>
        %add3A_2372 = arith.addi %get3A_2116, %add3A_2371 : vector<16xi32>
        %gather3A_2373 = tpu.vector_load_idx %arg8[%add3A_2119, %add3A_2372] : memref<128x128xf32, #tpu.memory_space<vmem>>[vector<16xi32>, vector<16xi32>], vector<16xf32>,
        %swap3A_2374 = arith.constant 0 : i32
        %swap3A_2375 = arith.constant 25 : i32
        %swap3A_2376 = arith.index_cast %swap3A_2374 : i32 to index
        %swap3A_2377 = arith.index_cast %swap3A_2375 : i32 to index
        %swap3A_2378 = arith.constant 96 : index
        %swap3A_2379 = tpu.vector_load %arg9[%swap3A_2376, %swap3A_2377, %swap3A_2378] {strides = array<i32>} : memref<1x32x128xf32, #tpu.memory_space<vmem>>, vector<16xf32>,
        tpu.vector_store %arg9[%swap3A_2376, %swap3A_2377, %swap3A_2378], %gather3A_2373 {strides = array<i32>} : memref<1x32x128xf32, #tpu.memory_space<vmem>>, vector<16xf32>,
        %add3A_2380 = arith.constant 26 : i32
        %add3A_2381 = vector.broadcast %add3A_2380 : i32 to vector<16xi32>
        %add3A_2382 = arith.addi %get3A_2116, %add3A_2381 : vector<16xi32>
        %gather3A_2383 = tpu.vector_load_idx %arg8[%add3A_2119, %add3A_2382] : memref<128x128xf32, #tpu.memory_space<vmem>>[vector<16xi32>, vector<16xi32>], vector<16xf32>,
        %swap3A_2384 = arith.constant 0 : i32
        %swap3A_2385 = arith.constant 26 : i32
        %swap3A_2386 = arith.index_cast %swap3A_2384 : i32 to index
        %swap3A_2387 = arith.index_cast %swap3A_2385 : i32 to index
        %swap3A_2388 = arith.constant 96 : index
        %swap3A_2389 = tpu.vector_load %arg9[%swap3A_2386, %swap3A_2387, %swap3A_2388] {strides = array<i32>} : memref<1x32x128xf32, #tpu.memory_space<vmem>>, vector<16xf32>,
        tpu.vector_store %arg9[%swap3A_2386, %swap3A_2387, %swap3A_2388], %gather3A_2383 {strides = array<i32>} : memref<1x32x128xf32, #tpu.memory_space<vmem>>, vector<16xf32>,
        %add3A_2390 = arith.constant 27 : i32
        %add3A_2391 = vector.broadcast %add3A_2390 : i32 to vector<16xi32>
        %add3A_2392 = arith.addi %get3A_2116, %add3A_2391 : vector<16xi32>
        %gather3A_2393 = tpu.vector_load_idx %arg8[%add3A_2119, %add3A_2392] : memref<128x128xf32, #tpu.memory_space<vmem>>[vector<16xi32>, vector<16xi32>], vector<16xf32>,
        %swap3A_2394 = arith.constant 0 : i32
        %swap3A_2395 = arith.constant 27 : i32
        %swap3A_2396 = arith.index_cast %swap3A_2394 : i32 to index
        %swap3A_2397 = arith.index_cast %swap3A_2395 : i32 to index
        %swap3A_2398 = arith.constant 96 : index
        %swap3A_2399 = tpu.vector_load %arg9[%swap3A_2396, %swap3A_2397, %swap3A_2398] {strides = array<i32>} : memref<1x32x128xf32, #tpu.memory_space<vmem>>, vector<16xf32>,
        tpu.vector_store %arg9[%swap3A_2396, %swap3A_2397, %swap3A_2398], %gather3A_2393 {strides = array<i32>} : memref<1x32x128xf32, #tpu.memory_space<vmem>>, vector<16xf32>,
        %add3A_2400 = arith.constant 28 : i32
        %add3A_2401 = vector.broadcast %add3A_2400 : i32 to vector<16xi32>
        %add3A_2402 = arith.addi %get3A_2116, %add3A_2401 : vector<16xi32>
        %gather3A_2403 = tpu.vector_load_idx %arg8[%add3A_2119, %add3A_2402] : memref<128x128xf32, #tpu.memory_space<vmem>>[vector<16xi32>, vector<16xi32>], vector<16xf32>,
        %swap3A_2404 = arith.constant 0 : i32
        %swap3A_2405 = arith.constant 28 : i32
        %swap3A_2406 = arith.index_cast %swap3A_2404 : i32 to index
        %swap3A_2407 = arith.index_cast %swap3A_2405 : i32 to index
        %swap3A_2408 = arith.constant 96 : index
        %swap3A_2409 = tpu.vector_load %arg9[%swap3A_2406, %swap3A_2407, %swap3A_2408] {strides = array<i32>} : memref<1x32x128xf32, #tpu.memory_space<vmem>>, vector<16xf32>,
        tpu.vector_store %arg9[%swap3A_2406, %swap3A_2407, %swap3A_2408], %gather3A_2403 {strides = array<i32>} : memref<1x32x128xf32, #tpu.memory_space<vmem>>, vector<16xf32>,
        %add3A_2410 = arith.constant 29 : i32
        %add3A_2411 = vector.broadcast %add3A_2410 : i32 to vector<16xi32>
        %add3A_2412 = arith.addi %get3A_2116, %add3A_2411 : vector<16xi32>
        %gather3A_2413 = tpu.vector_load_idx %arg8[%add3A_2119, %add3A_2412] : memref<128x128xf32, #tpu.memory_space<vmem>>[vector<16xi32>, vector<16xi32>], vector<16xf32>,
        %swap3A_2414 = arith.constant 0 : i32
        %swap3A_2415 = arith.constant 29 : i32
        %swap3A_2416 = arith.index_cast %swap3A_2414 : i32 to index
        %swap3A_2417 = arith.index_cast %swap3A_2415 : i32 to index
        %swap3A_2418 = arith.constant 96 : index
        %swap3A_2419 = tpu.vector_load %arg9[%swap3A_2416, %swap3A_2417, %swap3A_2418] {strides = array<i32>} : memref<1x32x128xf32, #tpu.memory_space<vmem>>, vector<16xf32>,
        tpu.vector_store %arg9[%swap3A_2416, %swap3A_2417, %swap3A_2418], %gather3A_2413 {strides = array<i32>} : memref<1x32x128xf32, #tpu.memory_space<vmem>>, vector<16xf32>,
        %add3A_2420 = arith.constant 30 : i32
        %add3A_2421 = vector.broadcast %add3A_2420 : i32 to vector<16xi32>
        %add3A_2422 = arith.addi %get3A_2116, %add3A_2421 : vector<16xi32>
        %gather3A_2423 = tpu.vector_load_idx %arg8[%add3A_2119, %add3A_2422] : memref<128x128xf32, #tpu.memory_space<vmem>>[vector<16xi32>, vector<16xi32>], vector<16xf32>,
        %swap3A_2424 = arith.constant 0 : i32
        %swap3A_2425 = arith.constant 30 : i32
        %swap3A_2426 = arith.index_cast %swap3A_2424 : i32 to index
        %swap3A_2427 = arith.index_cast %swap3A_2425 : i32 to index
        %swap3A_2428 = arith.constant 96 : index
        %swap3A_2429 = tpu.vector_load %arg9[%swap3A_2426, %swap3A_2427, %swap3A_2428] {strides = array<i32>} : memref<1x32x128xf32, #tpu.memory_space<vmem>>, vector<16xf32>,
        tpu.vector_store %arg9[%swap3A_2426, %swap3A_2427, %swap3A_2428], %gather3A_2423 {strides = array<i32>} : memref<1x32x128xf32, #tpu.memory_space<vmem>>, vector<16xf32>,
        %add3A_2430 = arith.constant 31 : i32
        %add3A_2431 = vector.broadcast %add3A_2430 : i32 to vector<16xi32>
        %add3A_2432 = arith.addi %get3A_2116, %add3A_2431 : vector<16xi32>
        %gather3A_2433 = tpu.vector_load_idx %arg8[%add3A_2119, %add3A_2432] : memref<128x128xf32, #tpu.memory_space<vmem>>[vector<16xi32>, vector<16xi32>], vector<16xf32>,
        %swap3A_2434 = arith.constant 0 : i32
        %swap3A_2435 = arith.constant 31 : i32
        %swap3A_2436 = arith.index_cast %swap3A_2434 : i32 to index
        %swap3A_2437 = arith.index_cast %swap3A_2435 : i32 to index
        %swap3A_2438 = arith.constant 96 : index
        %swap3A_2439 = tpu.vector_load %arg9[%swap3A_2436, %swap3A_2437, %swap3A_2438] {strides = array<i32>} : memref<1x32x128xf32, #tpu.memory_space<vmem>>, vector<16xf32>,
        tpu.vector_store %arg9[%swap3A_2436, %swap3A_2437, %swap3A_2438], %gather3A_2433 {strides = array<i32>} : memref<1x32x128xf32, #tpu.memory_space<vmem>>, vector<16xf32>,
        %get3A_2440 = arith.constant 112 : index
        %get3A_2441 = tpu.vector_load %arg7[%get3A_2440] {strides = array<i32>} : memref<128xi32, #tpu.memory_space<vmem>>, vector<16xi32>,
        %add3A_2442 = arith.constant 112 : i32
        %add3A_2443 = vector.broadcast %add3A_2442 : i32 to vector<16xi32>
        %add3A_2444 = arith.addi %iota3A, %add3A_2443 : vector<16xi32>
        %add3A_2445 = arith.constant 0 : i32
        %add3A_2446 = vector.broadcast %add3A_2445 : i32 to vector<16xi32>
        %add3A_2447 = arith.addi %get3A_2441, %add3A_2446 : vector<16xi32>
        %gather3A_2448 = tpu.vector_load_idx %arg8[%add3A_2444, %add3A_2447] : memref<128x128xf32, #tpu.memory_space<vmem>>[vector<16xi32>, vector<16xi32>], vector<16xf32>,
        %swap3A_2449 = arith.constant 0 : i32
        %swap3A_2450 = arith.constant 0 : i32
        %swap3A_2451 = arith.index_cast %swap3A_2449 : i32 to index
        %swap3A_2452 = arith.index_cast %swap3A_2450 : i32 to index
        %swap3A_2453 = arith.constant 112 : index
        %swap3A_2454 = tpu.vector_load %arg9[%swap3A_2451, %swap3A_2452, %swap3A_2453] {strides = array<i32>} : memref<1x32x128xf32, #tpu.memory_space<vmem>>, vector<16xf32>,
        tpu.vector_store %arg9[%swap3A_2451, %swap3A_2452, %swap3A_2453], %gather3A_2448 {strides = array<i32>} : memref<1x32x128xf32, #tpu.memory_space<vmem>>, vector<16xf32>,
        %add3A_2455 = arith.constant 1 : i32
        %add3A_2456 = vector.broadcast %add3A_2455 : i32 to vector<16xi32>
        %add3A_2457 = arith.addi %get3A_2441, %add3A_2456 : vector<16xi32>
        %gather3A_2458 = tpu.vector_load_idx %arg8[%add3A_2444, %add3A_2457] : memref<128x128xf32, #tpu.memory_space<vmem>>[vector<16xi32>, vector<16xi32>], vector<16xf32>,
        %swap3A_2459 = arith.constant 0 : i32
        %swap3A_2460 = arith.constant 1 : i32
        %swap3A_2461 = arith.index_cast %swap3A_2459 : i32 to index
        %swap3A_2462 = arith.index_cast %swap3A_2460 : i32 to index
        %swap3A_2463 = arith.constant 112 : index
        %swap3A_2464 = tpu.vector_load %arg9[%swap3A_2461, %swap3A_2462, %swap3A_2463] {strides = array<i32>} : memref<1x32x128xf32, #tpu.memory_space<vmem>>, vector<16xf32>,
        tpu.vector_store %arg9[%swap3A_2461, %swap3A_2462, %swap3A_2463], %gather3A_2458 {strides = array<i32>} : memref<1x32x128xf32, #tpu.memory_space<vmem>>, vector<16xf32>,
        %add3A_2465 = arith.constant 2 : i32
        %add3A_2466 = vector.broadcast %add3A_2465 : i32 to vector<16xi32>
        %add3A_2467 = arith.addi %get3A_2441, %add3A_2466 : vector<16xi32>
        %gather3A_2468 = tpu.vector_load_idx %arg8[%add3A_2444, %add3A_2467] : memref<128x128xf32, #tpu.memory_space<vmem>>[vector<16xi32>, vector<16xi32>], vector<16xf32>,
        %swap3A_2469 = arith.constant 0 : i32
        %swap3A_2470 = arith.constant 2 : i32
        %swap3A_2471 = arith.index_cast %swap3A_2469 : i32 to index
        %swap3A_2472 = arith.index_cast %swap3A_2470 : i32 to index
        %swap3A_2473 = arith.constant 112 : index
        %swap3A_2474 = tpu.vector_load %arg9[%swap3A_2471, %swap3A_2472, %swap3A_2473] {strides = array<i32>} : memref<1x32x128xf32, #tpu.memory_space<vmem>>, vector<16xf32>,
        tpu.vector_store %arg9[%swap3A_2471, %swap3A_2472, %swap3A_2473], %gather3A_2468 {strides = array<i32>} : memref<1x32x128xf32, #tpu.memory_space<vmem>>, vector<16xf32>,
        %add3A_2475 = arith.constant 3 : i32
        %add3A_2476 = vector.broadcast %add3A_2475 : i32 to vector<16xi32>
        %add3A_2477 = arith.addi %get3A_2441, %add3A_2476 : vector<16xi32>
        %gather3A_2478 = tpu.vector_load_idx %arg8[%add3A_2444, %add3A_2477] : memref<128x128xf32, #tpu.memory_space<vmem>>[vector<16xi32>, vector<16xi32>], vector<16xf32>,
        %swap3A_2479 = arith.constant 0 : i32
        %swap3A_2480 = arith.constant 3 : i32
        %swap3A_2481 = arith.index_cast %swap3A_2479 : i32 to index
        %swap3A_2482 = arith.index_cast %swap3A_2480 : i32 to index
        %swap3A_2483 = arith.constant 112 : index
        %swap3A_2484 = tpu.vector_load %arg9[%swap3A_2481, %swap3A_2482, %swap3A_2483] {strides = array<i32>} : memref<1x32x128xf32, #tpu.memory_space<vmem>>, vector<16xf32>,
        tpu.vector_store %arg9[%swap3A_2481, %swap3A_2482, %swap3A_2483], %gather3A_2478 {strides = array<i32>} : memref<1x32x128xf32, #tpu.memory_space<vmem>>, vector<16xf32>,
        %add3A_2485 = arith.constant 4 : i32
        %add3A_2486 = vector.broadcast %add3A_2485 : i32 to vector<16xi32>
        %add3A_2487 = arith.addi %get3A_2441, %add3A_2486 : vector<16xi32>
        %gather3A_2488 = tpu.vector_load_idx %arg8[%add3A_2444, %add3A_2487] : memref<128x128xf32, #tpu.memory_space<vmem>>[vector<16xi32>, vector<16xi32>], vector<16xf32>,
        %swap3A_2489 = arith.constant 0 : i32
        %swap3A_2490 = arith.constant 4 : i32
        %swap3A_2491 = arith.index_cast %swap3A_2489 : i32 to index
        %swap3A_2492 = arith.index_cast %swap3A_2490 : i32 to index
        %swap3A_2493 = arith.constant 112 : index
        %swap3A_2494 = tpu.vector_load %arg9[%swap3A_2491, %swap3A_2492, %swap3A_2493] {strides = array<i32>} : memref<1x32x128xf32, #tpu.memory_space<vmem>>, vector<16xf32>,
        tpu.vector_store %arg9[%swap3A_2491, %swap3A_2492, %swap3A_2493], %gather3A_2488 {strides = array<i32>} : memref<1x32x128xf32, #tpu.memory_space<vmem>>, vector<16xf32>,
        %add3A_2495 = arith.constant 5 : i32
        %add3A_2496 = vector.broadcast %add3A_2495 : i32 to vector<16xi32>
        %add3A_2497 = arith.addi %get3A_2441, %add3A_2496 : vector<16xi32>
        %gather3A_2498 = tpu.vector_load_idx %arg8[%add3A_2444, %add3A_2497] : memref<128x128xf32, #tpu.memory_space<vmem>>[vector<16xi32>, vector<16xi32>], vector<16xf32>,
        %swap3A_2499 = arith.constant 0 : i32
        %swap3A_2500 = arith.constant 5 : i32
        %swap3A_2501 = arith.index_cast %swap3A_2499 : i32 to index
        %swap3A_2502 = arith.index_cast %swap3A_2500 : i32 to index
        %swap3A_2503 = arith.constant 112 : index
        %swap3A_2504 = tpu.vector_load %arg9[%swap3A_2501, %swap3A_2502, %swap3A_2503] {strides = array<i32>} : memref<1x32x128xf32, #tpu.memory_space<vmem>>, vector<16xf32>,
        tpu.vector_store %arg9[%swap3A_2501, %swap3A_2502, %swap3A_2503], %gather3A_2498 {strides = array<i32>} : memref<1x32x128xf32, #tpu.memory_space<vmem>>, vector<16xf32>,
        %add3A_2505 = arith.constant 6 : i32
        %add3A_2506 = vector.broadcast %add3A_2505 : i32 to vector<16xi32>
        %add3A_2507 = arith.addi %get3A_2441, %add3A_2506 : vector<16xi32>
        %gather3A_2508 = tpu.vector_load_idx %arg8[%add3A_2444, %add3A_2507] : memref<128x128xf32, #tpu.memory_space<vmem>>[vector<16xi32>, vector<16xi32>], vector<16xf32>,
        %swap3A_2509 = arith.constant 0 : i32
        %swap3A_2510 = arith.constant 6 : i32
        %swap3A_2511 = arith.index_cast %swap3A_2509 : i32 to index
        %swap3A_2512 = arith.index_cast %swap3A_2510 : i32 to index
        %swap3A_2513 = arith.constant 112 : index
        %swap3A_2514 = tpu.vector_load %arg9[%swap3A_2511, %swap3A_2512, %swap3A_2513] {strides = array<i32>} : memref<1x32x128xf32, #tpu.memory_space<vmem>>, vector<16xf32>,
        tpu.vector_store %arg9[%swap3A_2511, %swap3A_2512, %swap3A_2513], %gather3A_2508 {strides = array<i32>} : memref<1x32x128xf32, #tpu.memory_space<vmem>>, vector<16xf32>,
        %add3A_2515 = arith.constant 7 : i32
        %add3A_2516 = vector.broadcast %add3A_2515 : i32 to vector<16xi32>
        %add3A_2517 = arith.addi %get3A_2441, %add3A_2516 : vector<16xi32>
        %gather3A_2518 = tpu.vector_load_idx %arg8[%add3A_2444, %add3A_2517] : memref<128x128xf32, #tpu.memory_space<vmem>>[vector<16xi32>, vector<16xi32>], vector<16xf32>,
        %swap3A_2519 = arith.constant 0 : i32
        %swap3A_2520 = arith.constant 7 : i32
        %swap3A_2521 = arith.index_cast %swap3A_2519 : i32 to index
        %swap3A_2522 = arith.index_cast %swap3A_2520 : i32 to index
        %swap3A_2523 = arith.constant 112 : index
        %swap3A_2524 = tpu.vector_load %arg9[%swap3A_2521, %swap3A_2522, %swap3A_2523] {strides = array<i32>} : memref<1x32x128xf32, #tpu.memory_space<vmem>>, vector<16xf32>,
        tpu.vector_store %arg9[%swap3A_2521, %swap3A_2522, %swap3A_2523], %gather3A_2518 {strides = array<i32>} : memref<1x32x128xf32, #tpu.memory_space<vmem>>, vector<16xf32>,
        %add3A_2525 = arith.constant 8 : i32
        %add3A_2526 = vector.broadcast %add3A_2525 : i32 to vector<16xi32>
        %add3A_2527 = arith.addi %get3A_2441, %add3A_2526 : vector<16xi32>
        %gather3A_2528 = tpu.vector_load_idx %arg8[%add3A_2444, %add3A_2527] : memref<128x128xf32, #tpu.memory_space<vmem>>[vector<16xi32>, vector<16xi32>], vector<16xf32>,
        %swap3A_2529 = arith.constant 0 : i32
        %swap3A_2530 = arith.constant 8 : i32
        %swap3A_2531 = arith.index_cast %swap3A_2529 : i32 to index
        %swap3A_2532 = arith.index_cast %swap3A_2530 : i32 to index
        %swap3A_2533 = arith.constant 112 : index
        %swap3A_2534 = tpu.vector_load %arg9[%swap3A_2531, %swap3A_2532, %swap3A_2533] {strides = array<i32>} : memref<1x32x128xf32, #tpu.memory_space<vmem>>, vector<16xf32>,
        tpu.vector_store %arg9[%swap3A_2531, %swap3A_2532, %swap3A_2533], %gather3A_2528 {strides = array<i32>} : memref<1x32x128xf32, #tpu.memory_space<vmem>>, vector<16xf32>,
        %add3A_2535 = arith.constant 9 : i32
        %add3A_2536 = vector.broadcast %add3A_2535 : i32 to vector<16xi32>
        %add3A_2537 = arith.addi %get3A_2441, %add3A_2536 : vector<16xi32>
        %gather3A_2538 = tpu.vector_load_idx %arg8[%add3A_2444, %add3A_2537] : memref<128x128xf32, #tpu.memory_space<vmem>>[vector<16xi32>, vector<16xi32>], vector<16xf32>,
        %swap3A_2539 = arith.constant 0 : i32
        %swap3A_2540 = arith.constant 9 : i32
        %swap3A_2541 = arith.index_cast %swap3A_2539 : i32 to index
        %swap3A_2542 = arith.index_cast %swap3A_2540 : i32 to index
        %swap3A_2543 = arith.constant 112 : index
        %swap3A_2544 = tpu.vector_load %arg9[%swap3A_2541, %swap3A_2542, %swap3A_2543] {strides = array<i32>} : memref<1x32x128xf32, #tpu.memory_space<vmem>>, vector<16xf32>,
        tpu.vector_store %arg9[%swap3A_2541, %swap3A_2542, %swap3A_2543], %gather3A_2538 {strides = array<i32>} : memref<1x32x128xf32, #tpu.memory_space<vmem>>, vector<16xf32>,
        %add3A_2545 = arith.constant 10 : i32
        %add3A_2546 = vector.broadcast %add3A_2545 : i32 to vector<16xi32>
        %add3A_2547 = arith.addi %get3A_2441, %add3A_2546 : vector<16xi32>
        %gather3A_2548 = tpu.vector_load_idx %arg8[%add3A_2444, %add3A_2547] : memref<128x128xf32, #tpu.memory_space<vmem>>[vector<16xi32>, vector<16xi32>], vector<16xf32>,
        %swap3A_2549 = arith.constant 0 : i32
        %swap3A_2550 = arith.constant 10 : i32
        %swap3A_2551 = arith.index_cast %swap3A_2549 : i32 to index
        %swap3A_2552 = arith.index_cast %swap3A_2550 : i32 to index
        %swap3A_2553 = arith.constant 112 : index
        %swap3A_2554 = tpu.vector_load %arg9[%swap3A_2551, %swap3A_2552, %swap3A_2553] {strides = array<i32>} : memref<1x32x128xf32, #tpu.memory_space<vmem>>, vector<16xf32>,
        tpu.vector_store %arg9[%swap3A_2551, %swap3A_2552, %swap3A_2553], %gather3A_2548 {strides = array<i32>} : memref<1x32x128xf32, #tpu.memory_space<vmem>>, vector<16xf32>,
        %add3A_2555 = arith.constant 11 : i32
        %add3A_2556 = vector.broadcast %add3A_2555 : i32 to vector<16xi32>
        %add3A_2557 = arith.addi %get3A_2441, %add3A_2556 : vector<16xi32>
        %gather3A_2558 = tpu.vector_load_idx %arg8[%add3A_2444, %add3A_2557] : memref<128x128xf32, #tpu.memory_space<vmem>>[vector<16xi32>, vector<16xi32>], vector<16xf32>,
        %swap3A_2559 = arith.constant 0 : i32
        %swap3A_2560 = arith.constant 11 : i32
        %swap3A_2561 = arith.index_cast %swap3A_2559 : i32 to index
        %swap3A_2562 = arith.index_cast %swap3A_2560 : i32 to index
        %swap3A_2563 = arith.constant 112 : index
        %swap3A_2564 = tpu.vector_load %arg9[%swap3A_2561, %swap3A_2562, %swap3A_2563] {strides = array<i32>} : memref<1x32x128xf32, #tpu.memory_space<vmem>>, vector<16xf32>,
        tpu.vector_store %arg9[%swap3A_2561, %swap3A_2562, %swap3A_2563], %gather3A_2558 {strides = array<i32>} : memref<1x32x128xf32, #tpu.memory_space<vmem>>, vector<16xf32>,
        %add3A_2565 = arith.constant 12 : i32
        %add3A_2566 = vector.broadcast %add3A_2565 : i32 to vector<16xi32>
        %add3A_2567 = arith.addi %get3A_2441, %add3A_2566 : vector<16xi32>
        %gather3A_2568 = tpu.vector_load_idx %arg8[%add3A_2444, %add3A_2567] : memref<128x128xf32, #tpu.memory_space<vmem>>[vector<16xi32>, vector<16xi32>], vector<16xf32>,
        %swap3A_2569 = arith.constant 0 : i32
        %swap3A_2570 = arith.constant 12 : i32
        %swap3A_2571 = arith.index_cast %swap3A_2569 : i32 to index
        %swap3A_2572 = arith.index_cast %swap3A_2570 : i32 to index
        %swap3A_2573 = arith.constant 112 : index
        %swap3A_2574 = tpu.vector_load %arg9[%swap3A_2571, %swap3A_2572, %swap3A_2573] {strides = array<i32>} : memref<1x32x128xf32, #tpu.memory_space<vmem>>, vector<16xf32>,
        tpu.vector_store %arg9[%swap3A_2571, %swap3A_2572, %swap3A_2573], %gather3A_2568 {strides = array<i32>} : memref<1x32x128xf32, #tpu.memory_space<vmem>>, vector<16xf32>,
        %add3A_2575 = arith.constant 13 : i32
        %add3A_2576 = vector.broadcast %add3A_2575 : i32 to vector<16xi32>
        %add3A_2577 = arith.addi %get3A_2441, %add3A_2576 : vector<16xi32>
        %gather3A_2578 = tpu.vector_load_idx %arg8[%add3A_2444, %add3A_2577] : memref<128x128xf32, #tpu.memory_space<vmem>>[vector<16xi32>, vector<16xi32>], vector<16xf32>,
        %swap3A_2579 = arith.constant 0 : i32
        %swap3A_2580 = arith.constant 13 : i32
        %swap3A_2581 = arith.index_cast %swap3A_2579 : i32 to index
        %swap3A_2582 = arith.index_cast %swap3A_2580 : i32 to index
        %swap3A_2583 = arith.constant 112 : index
        %swap3A_2584 = tpu.vector_load %arg9[%swap3A_2581, %swap3A_2582, %swap3A_2583] {strides = array<i32>} : memref<1x32x128xf32, #tpu.memory_space<vmem>>, vector<16xf32>,
        tpu.vector_store %arg9[%swap3A_2581, %swap3A_2582, %swap3A_2583], %gather3A_2578 {strides = array<i32>} : memref<1x32x128xf32, #tpu.memory_space<vmem>>, vector<16xf32>,
        %add3A_2585 = arith.constant 14 : i32
        %add3A_2586 = vector.broadcast %add3A_2585 : i32 to vector<16xi32>
        %add3A_2587 = arith.addi %get3A_2441, %add3A_2586 : vector<16xi32>
        %gather3A_2588 = tpu.vector_load_idx %arg8[%add3A_2444, %add3A_2587] : memref<128x128xf32, #tpu.memory_space<vmem>>[vector<16xi32>, vector<16xi32>], vector<16xf32>,
        %swap3A_2589 = arith.constant 0 : i32
        %swap3A_2590 = arith.constant 14 : i32
        %swap3A_2591 = arith.index_cast %swap3A_2589 : i32 to index
        %swap3A_2592 = arith.index_cast %swap3A_2590 : i32 to index
        %swap3A_2593 = arith.constant 112 : index
        %swap3A_2594 = tpu.vector_load %arg9[%swap3A_2591, %swap3A_2592, %swap3A_2593] {strides = array<i32>} : memref<1x32x128xf32, #tpu.memory_space<vmem>>, vector<16xf32>,
        tpu.vector_store %arg9[%swap3A_2591, %swap3A_2592, %swap3A_2593], %gather3A_2588 {strides = array<i32>} : memref<1x32x128xf32, #tpu.memory_space<vmem>>, vector<16xf32>,
        %add3A_2595 = arith.constant 15 : i32
        %add3A_2596 = vector.broadcast %add3A_2595 : i32 to vector<16xi32>
        %add3A_2597 = arith.addi %get3A_2441, %add3A_2596 : vector<16xi32>
        %gather3A_2598 = tpu.vector_load_idx %arg8[%add3A_2444, %add3A_2597] : memref<128x128xf32, #tpu.memory_space<vmem>>[vector<16xi32>, vector<16xi32>], vector<16xf32>,
        %swap3A_2599 = arith.constant 0 : i32
        %swap3A_2600 = arith.constant 15 : i32
        %swap3A_2601 = arith.index_cast %swap3A_2599 : i32 to index
        %swap3A_2602 = arith.index_cast %swap3A_2600 : i32 to index
        %swap3A_2603 = arith.constant 112 : index
        %swap3A_2604 = tpu.vector_load %arg9[%swap3A_2601, %swap3A_2602, %swap3A_2603] {strides = array<i32>} : memref<1x32x128xf32, #tpu.memory_space<vmem>>, vector<16xf32>,
        tpu.vector_store %arg9[%swap3A_2601, %swap3A_2602, %swap3A_2603], %gather3A_2598 {strides = array<i32>} : memref<1x32x128xf32, #tpu.memory_space<vmem>>, vector<16xf32>,
        %add3A_2605 = arith.constant 16 : i32
        %add3A_2606 = vector.broadcast %add3A_2605 : i32 to vector<16xi32>
        %add3A_2607 = arith.addi %get3A_2441, %add3A_2606 : vector<16xi32>
        %gather3A_2608 = tpu.vector_load_idx %arg8[%add3A_2444, %add3A_2607] : memref<128x128xf32, #tpu.memory_space<vmem>>[vector<16xi32>, vector<16xi32>], vector<16xf32>,
        %swap3A_2609 = arith.constant 0 : i32
        %swap3A_2610 = arith.constant 16 : i32
        %swap3A_2611 = arith.index_cast %swap3A_2609 : i32 to index
        %swap3A_2612 = arith.index_cast %swap3A_2610 : i32 to index
        %swap3A_2613 = arith.constant 112 : index
        %swap3A_2614 = tpu.vector_load %arg9[%swap3A_2611, %swap3A_2612, %swap3A_2613] {strides = array<i32>} : memref<1x32x128xf32, #tpu.memory_space<vmem>>, vector<16xf32>,
        tpu.vector_store %arg9[%swap3A_2611, %swap3A_2612, %swap3A_2613], %gather3A_2608 {strides = array<i32>} : memref<1x32x128xf32, #tpu.memory_space<vmem>>, vector<16xf32>,
        %add3A_2615 = arith.constant 17 : i32
        %add3A_2616 = vector.broadcast %add3A_2615 : i32 to vector<16xi32>
        %add3A_2617 = arith.addi %get3A_2441, %add3A_2616 : vector<16xi32>
        %gather3A_2618 = tpu.vector_load_idx %arg8[%add3A_2444, %add3A_2617] : memref<128x128xf32, #tpu.memory_space<vmem>>[vector<16xi32>, vector<16xi32>], vector<16xf32>,
        %swap3A_2619 = arith.constant 0 : i32
        %swap3A_2620 = arith.constant 17 : i32
        %swap3A_2621 = arith.index_cast %swap3A_2619 : i32 to index
        %swap3A_2622 = arith.index_cast %swap3A_2620 : i32 to index
        %swap3A_2623 = arith.constant 112 : index
        %swap3A_2624 = tpu.vector_load %arg9[%swap3A_2621, %swap3A_2622, %swap3A_2623] {strides = array<i32>} : memref<1x32x128xf32, #tpu.memory_space<vmem>>, vector<16xf32>,
        tpu.vector_store %arg9[%swap3A_2621, %swap3A_2622, %swap3A_2623], %gather3A_2618 {strides = array<i32>} : memref<1x32x128xf32, #tpu.memory_space<vmem>>, vector<16xf32>,
        %add3A_2625 = arith.constant 18 : i32
        %add3A_2626 = vector.broadcast %add3A_2625 : i32 to vector<16xi32>
        %add3A_2627 = arith.addi %get3A_2441, %add3A_2626 : vector<16xi32>
        %gather3A_2628 = tpu.vector_load_idx %arg8[%add3A_2444, %add3A_2627] : memref<128x128xf32, #tpu.memory_space<vmem>>[vector<16xi32>, vector<16xi32>], vector<16xf32>,
        %swap3A_2629 = arith.constant 0 : i32
        %swap3A_2630 = arith.constant 18 : i32
        %swap3A_2631 = arith.index_cast %swap3A_2629 : i32 to index
        %swap3A_2632 = arith.index_cast %swap3A_2630 : i32 to index
        %swap3A_2633 = arith.constant 112 : index
        %swap3A_2634 = tpu.vector_load %arg9[%swap3A_2631, %swap3A_2632, %swap3A_2633] {strides = array<i32>} : memref<1x32x128xf32, #tpu.memory_space<vmem>>, vector<16xf32>,
        tpu.vector_store %arg9[%swap3A_2631, %swap3A_2632, %swap3A_2633], %gather3A_2628 {strides = array<i32>} : memref<1x32x128xf32, #tpu.memory_space<vmem>>, vector<16xf32>,
        %add3A_2635 = arith.constant 19 : i32
        %add3A_2636 = vector.broadcast %add3A_2635 : i32 to vector<16xi32>
        %add3A_2637 = arith.addi %get3A_2441, %add3A_2636 : vector<16xi32>
        %gather3A_2638 = tpu.vector_load_idx %arg8[%add3A_2444, %add3A_2637] : memref<128x128xf32, #tpu.memory_space<vmem>>[vector<16xi32>, vector<16xi32>], vector<16xf32>,
        %swap3A_2639 = arith.constant 0 : i32
        %swap3A_2640 = arith.constant 19 : i32
        %swap3A_2641 = arith.index_cast %swap3A_2639 : i32 to index
        %swap3A_2642 = arith.index_cast %swap3A_2640 : i32 to index
        %swap3A_2643 = arith.constant 112 : index
        %swap3A_2644 = tpu.vector_load %arg9[%swap3A_2641, %swap3A_2642, %swap3A_2643] {strides = array<i32>} : memref<1x32x128xf32, #tpu.memory_space<vmem>>, vector<16xf32>,
        tpu.vector_store %arg9[%swap3A_2641, %swap3A_2642, %swap3A_2643], %gather3A_2638 {strides = array<i32>} : memref<1x32x128xf32, #tpu.memory_space<vmem>>, vector<16xf32>,
        %add3A_2645 = arith.constant 20 : i32
        %add3A_2646 = vector.broadcast %add3A_2645 : i32 to vector<16xi32>
        %add3A_2647 = arith.addi %get3A_2441, %add3A_2646 : vector<16xi32>
        %gather3A_2648 = tpu.vector_load_idx %arg8[%add3A_2444, %add3A_2647] : memref<128x128xf32, #tpu.memory_space<vmem>>[vector<16xi32>, vector<16xi32>], vector<16xf32>,
        %swap3A_2649 = arith.constant 0 : i32
        %swap3A_2650 = arith.constant 20 : i32
        %swap3A_2651 = arith.index_cast %swap3A_2649 : i32 to index
        %swap3A_2652 = arith.index_cast %swap3A_2650 : i32 to index
        %swap3A_2653 = arith.constant 112 : index
        %swap3A_2654 = tpu.vector_load %arg9[%swap3A_2651, %swap3A_2652, %swap3A_2653] {strides = array<i32>} : memref<1x32x128xf32, #tpu.memory_space<vmem>>, vector<16xf32>,
        tpu.vector_store %arg9[%swap3A_2651, %swap3A_2652, %swap3A_2653], %gather3A_2648 {strides = array<i32>} : memref<1x32x128xf32, #tpu.memory_space<vmem>>, vector<16xf32>,
        %add3A_2655 = arith.constant 21 : i32
        %add3A_2656 = vector.broadcast %add3A_2655 : i32 to vector<16xi32>
        %add3A_2657 = arith.addi %get3A_2441, %add3A_2656 : vector<16xi32>
        %gather3A_2658 = tpu.vector_load_idx %arg8[%add3A_2444, %add3A_2657] : memref<128x128xf32, #tpu.memory_space<vmem>>[vector<16xi32>, vector<16xi32>], vector<16xf32>,
        %swap3A_2659 = arith.constant 0 : i32
        %swap3A_2660 = arith.constant 21 : i32
        %swap3A_2661 = arith.index_cast %swap3A_2659 : i32 to index
        %swap3A_2662 = arith.index_cast %swap3A_2660 : i32 to index
        %swap3A_2663 = arith.constant 112 : index
        %swap3A_2664 = tpu.vector_load %arg9[%swap3A_2661, %swap3A_2662, %swap3A_2663] {strides = array<i32>} : memref<1x32x128xf32, #tpu.memory_space<vmem>>, vector<16xf32>,
        tpu.vector_store %arg9[%swap3A_2661, %swap3A_2662, %swap3A_2663], %gather3A_2658 {strides = array<i32>} : memref<1x32x128xf32, #tpu.memory_space<vmem>>, vector<16xf32>,
        %add3A_2665 = arith.constant 22 : i32
        %add3A_2666 = vector.broadcast %add3A_2665 : i32 to vector<16xi32>
        %add3A_2667 = arith.addi %get3A_2441, %add3A_2666 : vector<16xi32>
        %gather3A_2668 = tpu.vector_load_idx %arg8[%add3A_2444, %add3A_2667] : memref<128x128xf32, #tpu.memory_space<vmem>>[vector<16xi32>, vector<16xi32>], vector<16xf32>,
        %swap3A_2669 = arith.constant 0 : i32
        %swap3A_2670 = arith.constant 22 : i32
        %swap3A_2671 = arith.index_cast %swap3A_2669 : i32 to index
        %swap3A_2672 = arith.index_cast %swap3A_2670 : i32 to index
        %swap3A_2673 = arith.constant 112 : index
        %swap3A_2674 = tpu.vector_load %arg9[%swap3A_2671, %swap3A_2672, %swap3A_2673] {strides = array<i32>} : memref<1x32x128xf32, #tpu.memory_space<vmem>>, vector<16xf32>,
        tpu.vector_store %arg9[%swap3A_2671, %swap3A_2672, %swap3A_2673], %gather3A_2668 {strides = array<i32>} : memref<1x32x128xf32, #tpu.memory_space<vmem>>, vector<16xf32>,
        %add3A_2675 = arith.constant 23 : i32
        %add3A_2676 = vector.broadcast %add3A_2675 : i32 to vector<16xi32>
        %add3A_2677 = arith.addi %get3A_2441, %add3A_2676 : vector<16xi32>
        %gather3A_2678 = tpu.vector_load_idx %arg8[%add3A_2444, %add3A_2677] : memref<128x128xf32, #tpu.memory_space<vmem>>[vector<16xi32>, vector<16xi32>], vector<16xf32>,
        %swap3A_2679 = arith.constant 0 : i32
        %swap3A_2680 = arith.constant 23 : i32
        %swap3A_2681 = arith.index_cast %swap3A_2679 : i32 to index
        %swap3A_2682 = arith.index_cast %swap3A_2680 : i32 to index
        %swap3A_2683 = arith.constant 112 : index
        %swap3A_2684 = tpu.vector_load %arg9[%swap3A_2681, %swap3A_2682, %swap3A_2683] {strides = array<i32>} : memref<1x32x128xf32, #tpu.memory_space<vmem>>, vector<16xf32>,
        tpu.vector_store %arg9[%swap3A_2681, %swap3A_2682, %swap3A_2683], %gather3A_2678 {strides = array<i32>} : memref<1x32x128xf32, #tpu.memory_space<vmem>>, vector<16xf32>,
        %add3A_2685 = arith.constant 24 : i32
        %add3A_2686 = vector.broadcast %add3A_2685 : i32 to vector<16xi32>
        %add3A_2687 = arith.addi %get3A_2441, %add3A_2686 : vector<16xi32>
        %gather3A_2688 = tpu.vector_load_idx %arg8[%add3A_2444, %add3A_2687] : memref<128x128xf32, #tpu.memory_space<vmem>>[vector<16xi32>, vector<16xi32>], vector<16xf32>,
        %swap3A_2689 = arith.constant 0 : i32
        %swap3A_2690 = arith.constant 24 : i32
        %swap3A_2691 = arith.index_cast %swap3A_2689 : i32 to index
        %swap3A_2692 = arith.index_cast %swap3A_2690 : i32 to index
        %swap3A_2693 = arith.constant 112 : index
        %swap3A_2694 = tpu.vector_load %arg9[%swap3A_2691, %swap3A_2692, %swap3A_2693] {strides = array<i32>} : memref<1x32x128xf32, #tpu.memory_space<vmem>>, vector<16xf32>,
        tpu.vector_store %arg9[%swap3A_2691, %swap3A_2692, %swap3A_2693], %gather3A_2688 {strides = array<i32>} : memref<1x32x128xf32, #tpu.memory_space<vmem>>, vector<16xf32>,
        %add3A_2695 = arith.constant 25 : i32
        %add3A_2696 = vector.broadcast %add3A_2695 : i32 to vector<16xi32>
        %add3A_2697 = arith.addi %get3A_2441, %add3A_2696 : vector<16xi32>
        %gather3A_2698 = tpu.vector_load_idx %arg8[%add3A_2444, %add3A_2697] : memref<128x128xf32, #tpu.memory_space<vmem>>[vector<16xi32>, vector<16xi32>], vector<16xf32>,
        %swap3A_2699 = arith.constant 0 : i32
        %swap3A_2700 = arith.constant 25 : i32
        %swap3A_2701 = arith.index_cast %swap3A_2699 : i32 to index
        %swap3A_2702 = arith.index_cast %swap3A_2700 : i32 to index
        %swap3A_2703 = arith.constant 112 : index
        %swap3A_2704 = tpu.vector_load %arg9[%swap3A_2701, %swap3A_2702, %swap3A_2703] {strides = array<i32>} : memref<1x32x128xf32, #tpu.memory_space<vmem>>, vector<16xf32>,
        tpu.vector_store %arg9[%swap3A_2701, %swap3A_2702, %swap3A_2703], %gather3A_2698 {strides = array<i32>} : memref<1x32x128xf32, #tpu.memory_space<vmem>>, vector<16xf32>,
        %add3A_2705 = arith.constant 26 : i32
        %add3A_2706 = vector.broadcast %add3A_2705 : i32 to vector<16xi32>
        %add3A_2707 = arith.addi %get3A_2441, %add3A_2706 : vector<16xi32>
        %gather3A_2708 = tpu.vector_load_idx %arg8[%add3A_2444, %add3A_2707] : memref<128x128xf32, #tpu.memory_space<vmem>>[vector<16xi32>, vector<16xi32>], vector<16xf32>,
        %swap3A_2709 = arith.constant 0 : i32
        %swap3A_2710 = arith.constant 26 : i32
        %swap3A_2711 = arith.index_cast %swap3A_2709 : i32 to index
        %swap3A_2712 = arith.index_cast %swap3A_2710 : i32 to index
        %swap3A_2713 = arith.constant 112 : index
        %swap3A_2714 = tpu.vector_load %arg9[%swap3A_2711, %swap3A_2712, %swap3A_2713] {strides = array<i32>} : memref<1x32x128xf32, #tpu.memory_space<vmem>>, vector<16xf32>,
        tpu.vector_store %arg9[%swap3A_2711, %swap3A_2712, %swap3A_2713], %gather3A_2708 {strides = array<i32>} : memref<1x32x128xf32, #tpu.memory_space<vmem>>, vector<16xf32>,
        %add3A_2715 = arith.constant 27 : i32
        %add3A_2716 = vector.broadcast %add3A_2715 : i32 to vector<16xi32>
        %add3A_2717 = arith.addi %get3A_2441, %add3A_2716 : vector<16xi32>
        %gather3A_2718 = tpu.vector_load_idx %arg8[%add3A_2444, %add3A_2717] : memref<128x128xf32, #tpu.memory_space<vmem>>[vector<16xi32>, vector<16xi32>], vector<16xf32>,
        %swap3A_2719 = arith.constant 0 : i32
        %swap3A_2720 = arith.constant 27 : i32
        %swap3A_2721 = arith.index_cast %swap3A_2719 : i32 to index
        %swap3A_2722 = arith.index_cast %swap3A_2720 : i32 to index
        %swap3A_2723 = arith.constant 112 : index
        %swap3A_2724 = tpu.vector_load %arg9[%swap3A_2721, %swap3A_2722, %swap3A_2723] {strides = array<i32>} : memref<1x32x128xf32, #tpu.memory_space<vmem>>, vector<16xf32>,
        tpu.vector_store %arg9[%swap3A_2721, %swap3A_2722, %swap3A_2723], %gather3A_2718 {strides = array<i32>} : memref<1x32x128xf32, #tpu.memory_space<vmem>>, vector<16xf32>,
        %add3A_2725 = arith.constant 28 : i32
        %add3A_2726 = vector.broadcast %add3A_2725 : i32 to vector<16xi32>
        %add3A_2727 = arith.addi %get3A_2441, %add3A_2726 : vector<16xi32>
        %gather3A_2728 = tpu.vector_load_idx %arg8[%add3A_2444, %add3A_2727] : memref<128x128xf32, #tpu.memory_space<vmem>>[vector<16xi32>, vector<16xi32>], vector<16xf32>,
        %swap3A_2729 = arith.constant 0 : i32
        %swap3A_2730 = arith.constant 28 : i32
        %swap3A_2731 = arith.index_cast %swap3A_2729 : i32 to index
        %swap3A_2732 = arith.index_cast %swap3A_2730 : i32 to index
        %swap3A_2733 = arith.constant 112 : index
        %swap3A_2734 = tpu.vector_load %arg9[%swap3A_2731, %swap3A_2732, %swap3A_2733] {strides = array<i32>} : memref<1x32x128xf32, #tpu.memory_space<vmem>>, vector<16xf32>,
        tpu.vector_store %arg9[%swap3A_2731, %swap3A_2732, %swap3A_2733], %gather3A_2728 {strides = array<i32>} : memref<1x32x128xf32, #tpu.memory_space<vmem>>, vector<16xf32>,
        %add3A_2735 = arith.constant 29 : i32
        %add3A_2736 = vector.broadcast %add3A_2735 : i32 to vector<16xi32>
        %add3A_2737 = arith.addi %get3A_2441, %add3A_2736 : vector<16xi32>
        %gather3A_2738 = tpu.vector_load_idx %arg8[%add3A_2444, %add3A_2737] : memref<128x128xf32, #tpu.memory_space<vmem>>[vector<16xi32>, vector<16xi32>], vector<16xf32>,
        %swap3A_2739 = arith.constant 0 : i32
        %swap3A_2740 = arith.constant 29 : i32
        %swap3A_2741 = arith.index_cast %swap3A_2739 : i32 to index
        %swap3A_2742 = arith.index_cast %swap3A_2740 : i32 to index
        %swap3A_2743 = arith.constant 112 : index
        %swap3A_2744 = tpu.vector_load %arg9[%swap3A_2741, %swap3A_2742, %swap3A_2743] {strides = array<i32>} : memref<1x32x128xf32, #tpu.memory_space<vmem>>, vector<16xf32>,
        tpu.vector_store %arg9[%swap3A_2741, %swap3A_2742, %swap3A_2743], %gather3A_2738 {strides = array<i32>} : memref<1x32x128xf32, #tpu.memory_space<vmem>>, vector<16xf32>,
        %add3A_2745 = arith.constant 30 : i32
        %add3A_2746 = vector.broadcast %add3A_2745 : i32 to vector<16xi32>
        %add3A_2747 = arith.addi %get3A_2441, %add3A_2746 : vector<16xi32>
        %gather3A_2748 = tpu.vector_load_idx %arg8[%add3A_2444, %add3A_2747] : memref<128x128xf32, #tpu.memory_space<vmem>>[vector<16xi32>, vector<16xi32>], vector<16xf32>,
        %swap3A_2749 = arith.constant 0 : i32
        %swap3A_2750 = arith.constant 30 : i32
        %swap3A_2751 = arith.index_cast %swap3A_2749 : i32 to index
        %swap3A_2752 = arith.index_cast %swap3A_2750 : i32 to index
        %swap3A_2753 = arith.constant 112 : index
        %swap3A_2754 = tpu.vector_load %arg9[%swap3A_2751, %swap3A_2752, %swap3A_2753] {strides = array<i32>} : memref<1x32x128xf32, #tpu.memory_space<vmem>>, vector<16xf32>,
        tpu.vector_store %arg9[%swap3A_2751, %swap3A_2752, %swap3A_2753], %gather3A_2748 {strides = array<i32>} : memref<1x32x128xf32, #tpu.memory_space<vmem>>, vector<16xf32>,
        %add3A_2755 = arith.constant 31 : i32
        %add3A_2756 = vector.broadcast %add3A_2755 : i32 to vector<16xi32>
        %add3A_2757 = arith.addi %get3A_2441, %add3A_2756 : vector<16xi32>
        %gather3A_2758 = tpu.vector_load_idx %arg8[%add3A_2444, %add3A_2757] : memref<128x128xf32, #tpu.memory_space<vmem>>[vector<16xi32>, vector<16xi32>], vector<16xf32>,
        %swap3A_2759 = arith.constant 0 : i32
        %swap3A_2760 = arith.constant 31 : i32
        %swap3A_2761 = arith.index_cast %swap3A_2759 : i32 to index
        %swap3A_2762 = arith.index_cast %swap3A_2760 : i32 to index
        %swap3A_2763 = arith.constant 112 : index
        %swap3A_2764 = tpu.vector_load %arg9[%swap3A_2761, %swap3A_2762, %swap3A_2763] {strides = array<i32>} : memref<1x32x128xf32, #tpu.memory_space<vmem>>, vector<16xf32>,
        tpu.vector_store %arg9[%swap3A_2761, %swap3A_2762, %swap3A_2763], %gather3A_2758 {strides = array<i32>} : memref<1x32x128xf32, #tpu.memory_space<vmem>>, vector<16xf32>,
        %mul3A_2765 = arith.constant 128 : i32
        %mul3A_2766 = arith.muli %select_n3A_42, %mul3A_2765 : i32
        "tpu.region"() ({
          %run_scoped3A = tpu.sem_alloc : memref<!tpu.dma_semaphore, #tpu.memory_space<semaphore_mem>>
          %dma_start3A_2767 = arith.constant 0 : i32
          %dma_start3A_2768 = tpu.memref_slice %arg4[%select_n3A, %dma_start3A_2767, %mul3A_2766] : memref<50x32x1024xf32, #tpu.memory_space<hbm>> -> memref<1x32x128xf32, #tpu.memory_space<hbm>>
          %dma_start3A_2769 = arith.constant 0 : i32
          %dma_start3A_2770 = tpu.memref_slice %arg4[%select_n3A, %dma_start3A_2769, %mul3A_2766] : memref<50x32x1024xf32, #tpu.memory_space<hbm>> -> memref<1x32x128xf32, #tpu.memory_space<hbm>>
          tpu.enqueue_dma source(%arg9 : memref<1x32x128xf32, #tpu.memory_space<vmem>>) target(%dma_start3A_2770 : memref<1x32x128xf32, #tpu.memory_space<hbm>>) target_semaphore(%run_scoped3A : memref<!tpu.dma_semaphore, #tpu.memory_space<semaphore_mem>>)
          %dma_wait3A_2771 = arith.constant 0 : i32
          %dma_wait3A_2772 = tpu.memref_slice %arg4[%select_n3A, %dma_wait3A_2771, %mul3A_2766] : memref<50x32x1024xf32, #tpu.memory_space<hbm>> -> memref<1x32x128xf32, #tpu.memory_space<hbm>>
          %dma_wait3A_2773 = arith.constant 0 : i32
          %dma_wait3A_2774 = tpu.memref_slice %arg4[%select_n3A, %dma_wait3A_2773, %mul3A_2766] : memref<50x32x1024xf32, #tpu.memory_space<hbm>> -> memref<1x32x128xf32, #tpu.memory_space<hbm>>
          tpu.wait_dma2 semaphore(%run_scoped3A : memref<!tpu.dma_semaphore, #tpu.memory_space<semaphore_mem>>) src(%arg9 : memref<1x32x128xf32, #tpu.memory_space<vmem>>) dst(%dma_wait3A_2774 : memref<1x32x128xf32, #tpu.memory_space<hbm>>)
          tpu.yield
        }) : () -> ()
      } else {
      }
    }
    %scan3A_5 = arith.constant 13 : i32
    return
  }
}

#map = affine_map<(d0, d1) -> (0)>
#map1 = affine_map<(d0, d1) -> (0, 0)>
module attributes {stable_mosaic.version = 14 : i64} {
  func.func @gather_kernel(%arg0: i32, %arg1: i32, %arg2: memref<51200xi32, #tpu.memory_space<hbm>>, %arg3: memref<100000x512xf32, #tpu.memory_space<hbm>>, %arg4: memref<51200x512xf32, #tpu.memory_space<hbm>>, %arg5: memref<1600xi32, #tpu.memory_space<vmem>>, %arg6: memref<80x512xf32, #tpu.memory_space<vmem>>, %arg7: memref<80x512xf32, #tpu.memory_space<vmem>>, %arg8: memref<!tpu.dma_semaphore, #tpu.memory_space<semaphore_mem>>, %arg9: memref<!tpu.dma_semaphore, #tpu.memory_space<semaphore_mem>>, %arg10: memref<!tpu.dma_semaphore, #tpu.memory_space<semaphore_mem>>) attributes {dimension_semantics = [#tpu.dimension_semantics<core_parallel>, #tpu.dimension_semantics<subcore_parallel>], iteration_bounds = array<i64: 2, 16>, scalar_prefetch = 0 : i64, scratch_operands = 6 : i64, tpu.core_type = #tpu.core_type<sc_vector_subcore>, window_params = [{transform_indices = #map}, {transform_indices = #map1}, {transform_indices = #map1}]} {
    %mul3A = arith.constant 2 : i32
    %mul3A_0 = arith.muli %arg1, %mul3A : i32
    %add3A = arith.addi %mul3A_0, %arg0 : i32
    %mul3A_1 = arith.constant 1600 : i32
    %mul3A_2 = arith.muli %add3A, %mul3A_1 : i32
    "tpu.region"() ({
      %run_scoped3A = tpu.sem_alloc : memref<!tpu.dma_semaphore, #tpu.memory_space<semaphore_mem>>
      %dma_start3A_12 = tpu.memref_slice %arg2[%mul3A_2] : memref<51200xi32, #tpu.memory_space<hbm>> -> memref<1600xi32, #tpu.memory_space<hbm>>
      %dma_start3A_13 = tpu.memref_slice %arg2[%mul3A_2] : memref<51200xi32, #tpu.memory_space<hbm>> -> memref<1600xi32, #tpu.memory_space<hbm>>
      tpu.enqueue_dma source(%dma_start3A_13 : memref<1600xi32, #tpu.memory_space<hbm>>) target(%arg5 : memref<1600xi32, #tpu.memory_space<vmem>>) target_semaphore(%run_scoped3A : memref<!tpu.dma_semaphore, #tpu.memory_space<semaphore_mem>>)
      %dma_wait3A = tpu.memref_slice %arg2[%mul3A_2] : memref<51200xi32, #tpu.memory_space<hbm>> -> memref<1600xi32, #tpu.memory_space<hbm>>
      %dma_wait3A_14 = tpu.memref_slice %arg2[%mul3A_2] : memref<51200xi32, #tpu.memory_space<hbm>> -> memref<1600xi32, #tpu.memory_space<hbm>>
      tpu.wait_dma2 semaphore(%run_scoped3A : memref<!tpu.dma_semaphore, #tpu.memory_space<semaphore_mem>>) src(%dma_wait3A_14 : memref<1600xi32, #tpu.memory_space<hbm>>) dst(%arg5 : memref<1600xi32, #tpu.memory_space<vmem>>)
      tpu.yield
    }) : () -> ()
    %dma_start3A = arith.constant 0 : i32
    %dma_start3A_3 = tpu.memref_slice %arg5[%dma_start3A] : memref<1600xi32, #tpu.memory_space<vmem>> -> memref<80xi32, #tpu.memory_space<vmem>>
    %dma_start3A_4 = arith.constant 0 : i32
    %dma_start3A_5 = arith.constant 0 : i32
    %dma_start3A_6 = tpu.memref_slice %arg3[%dma_start3A_4, %dma_start3A_5] : memref<100000x512xf32, #tpu.memory_space<hbm>> -> memref<100000x512xf32, #tpu.memory_space<hbm>>
    tpu.enqueue_indirect_dma source(%dma_start3A_6 : memref<100000x512xf32, #tpu.memory_space<hbm>>) target(%arg6 : memref<80x512xf32, #tpu.memory_space<vmem>>) offsets(%dma_start3A_3 : memref<80xi32, #tpu.memory_space<vmem>>) semaphore(%arg8 : memref<!tpu.dma_semaphore, #tpu.memory_space<semaphore_mem>>)
    %scan3A = arith.constant 0 : i32
    %scan3A_7 = arith.constant 0 : i32
    %scan3A_8 = arith.constant 10 : i32
    %scan3A_9 = arith.addi %scan3A_7, %scan3A_8 : i32
    %scan3A_10 = arith.constant 1 : i32
    scf.for %scan3A_12 = %scan3A_7 to %scan3A_9 step %scan3A_10  : i32 {
      %mul3A_13 = arith.constant 2 : i32
      %mul3A_14 = arith.muli %mul3A_13, %scan3A_12 : i32
      %dma_wait3A = arith.constant 0 : i32
      %dma_wait3A_15 = arith.constant 0 : i32
      %dma_wait3A_16 = tpu.memref_slice %arg3[%dma_wait3A, %dma_wait3A_15] : memref<100000x512xf32, #tpu.memory_space<hbm>> -> memref<80x512xf32, #tpu.memory_space<hbm>>
      %dma_wait3A_17 = arith.constant 0 : i32
      %dma_wait3A_18 = arith.constant 0 : i32
      %dma_wait3A_19 = tpu.memref_slice %arg3[%dma_wait3A_17, %dma_wait3A_18] : memref<100000x512xf32, #tpu.memory_space<hbm>> -> memref<80x512xf32, #tpu.memory_space<hbm>>
      tpu.wait_dma2 semaphore(%arg8 : memref<!tpu.dma_semaphore, #tpu.memory_space<semaphore_mem>>) src(%dma_wait3A_19 : memref<80x512xf32, #tpu.memory_space<hbm>>) dst(%arg6 : memref<80x512xf32, #tpu.memory_space<vmem>>)
      %add3A_20 = arith.constant 1 : i32
      %add3A_21 = arith.addi %mul3A_14, %add3A_20 : i32
      %mul3A_22 = arith.constant 80 : i32
      %mul3A_23 = arith.muli %add3A_21, %mul3A_22 : i32
      %dma_start3A_24 = tpu.memref_slice %arg5[%mul3A_23] : memref<1600xi32, #tpu.memory_space<vmem>> -> memref<80xi32, #tpu.memory_space<vmem>>
      %dma_start3A_25 = arith.constant 0 : i32
      %dma_start3A_26 = arith.constant 0 : i32
      %dma_start3A_27 = tpu.memref_slice %arg3[%dma_start3A_25, %dma_start3A_26] : memref<100000x512xf32, #tpu.memory_space<hbm>> -> memref<100000x512xf32, #tpu.memory_space<hbm>>
      tpu.enqueue_indirect_dma source(%dma_start3A_27 : memref<100000x512xf32, #tpu.memory_space<hbm>>) target(%arg7 : memref<80x512xf32, #tpu.memory_space<vmem>>) offsets(%dma_start3A_24 : memref<80xi32, #tpu.memory_space<vmem>>) semaphore(%arg9 : memref<!tpu.dma_semaphore, #tpu.memory_space<semaphore_mem>>)
      %mul3A_28 = arith.constant 80 : i32
      %mul3A_29 = arith.muli %mul3A_14, %mul3A_28 : i32
      %add3A_30 = arith.addi %mul3A_2, %mul3A_29 : i32
      %dma_start3A_31 = arith.constant 0 : i32
      %dma_start3A_32 = tpu.memref_slice %arg4[%add3A_30, %dma_start3A_31] : memref<51200x512xf32, #tpu.memory_space<hbm>> -> memref<80x512xf32, #tpu.memory_space<hbm>>
      %dma_start3A_33 = arith.constant 0 : i32
      %dma_start3A_34 = tpu.memref_slice %arg4[%add3A_30, %dma_start3A_33] : memref<51200x512xf32, #tpu.memory_space<hbm>> -> memref<80x512xf32, #tpu.memory_space<hbm>>
      tpu.enqueue_dma source(%arg6 : memref<80x512xf32, #tpu.memory_space<vmem>>) target(%dma_start3A_34 : memref<80x512xf32, #tpu.memory_space<hbm>>) target_semaphore(%arg10 : memref<!tpu.dma_semaphore, #tpu.memory_space<semaphore_mem>>)
      %dma_wait3A_35 = arith.constant 0 : i32
      %dma_wait3A_36 = tpu.memref_slice %arg4[%add3A_30, %dma_wait3A_35] : memref<51200x512xf32, #tpu.memory_space<hbm>> -> memref<80x512xf32, #tpu.memory_space<hbm>>
      %dma_wait3A_37 = arith.constant 0 : i32
      %dma_wait3A_38 = tpu.memref_slice %arg4[%add3A_30, %dma_wait3A_37] : memref<51200x512xf32, #tpu.memory_space<hbm>> -> memref<80x512xf32, #tpu.memory_space<hbm>>
      tpu.wait_dma2 semaphore(%arg10 : memref<!tpu.dma_semaphore, #tpu.memory_space<semaphore_mem>>) src(%arg6 : memref<80x512xf32, #tpu.memory_space<vmem>>) dst(%dma_wait3A_38 : memref<80x512xf32, #tpu.memory_space<hbm>>)
      %dma_wait3A_39 = arith.constant 0 : i32
      %dma_wait3A_40 = arith.constant 0 : i32
      %dma_wait3A_41 = tpu.memref_slice %arg3[%dma_wait3A_39, %dma_wait3A_40] : memref<100000x512xf32, #tpu.memory_space<hbm>> -> memref<80x512xf32, #tpu.memory_space<hbm>>
      %dma_wait3A_42 = arith.constant 0 : i32
      %dma_wait3A_43 = arith.constant 0 : i32
      %dma_wait3A_44 = tpu.memref_slice %arg3[%dma_wait3A_42, %dma_wait3A_43] : memref<100000x512xf32, #tpu.memory_space<hbm>> -> memref<80x512xf32, #tpu.memory_space<hbm>>
      tpu.wait_dma2 semaphore(%arg9 : memref<!tpu.dma_semaphore, #tpu.memory_space<semaphore_mem>>) src(%dma_wait3A_44 : memref<80x512xf32, #tpu.memory_space<hbm>>) dst(%arg7 : memref<80x512xf32, #tpu.memory_space<vmem>>)
      %add3A_45 = arith.constant 1 : i32
      %add3A_46 = arith.addi %scan3A_12, %add3A_45 : i32
      %lt3A = arith.constant 10 : i32
      %lt3A_47 = arith.cmpi slt, %add3A_46, %lt3A : i32
      %convert_element_type3A = arith.extui %lt3A_47 : i1 to i32
      %cond3A = arith.constant 0 : i32
      %cond3A_48 = arith.cmpi ne, %convert_element_type3A, %cond3A : i32
      scf.if %cond3A_48 {
        %add3A_62 = arith.constant 2 : i32
        %add3A_63 = arith.addi %mul3A_14, %add3A_62 : i32
        %mul3A_64 = arith.constant 80 : i32
        %mul3A_65 = arith.muli %add3A_63, %mul3A_64 : i32
        %dma_start3A_66 = tpu.memref_slice %arg5[%mul3A_65] : memref<1600xi32, #tpu.memory_space<vmem>> -> memref<80xi32, #tpu.memory_space<vmem>>
        %dma_start3A_67 = arith.constant 0 : i32
        %dma_start3A_68 = arith.constant 0 : i32
        %dma_start3A_69 = tpu.memref_slice %arg3[%dma_start3A_67, %dma_start3A_68] : memref<100000x512xf32, #tpu.memory_space<hbm>> -> memref<100000x512xf32, #tpu.memory_space<hbm>>
        tpu.enqueue_indirect_dma source(%dma_start3A_69 : memref<100000x512xf32, #tpu.memory_space<hbm>>) target(%arg6 : memref<80x512xf32, #tpu.memory_space<vmem>>) offsets(%dma_start3A_66 : memref<80xi32, #tpu.memory_space<vmem>>) semaphore(%arg8 : memref<!tpu.dma_semaphore, #tpu.memory_space<semaphore_mem>>)
      } else {
      }
      %add3A_49 = arith.constant 1 : i32
      %add3A_50 = arith.addi %mul3A_14, %add3A_49 : i32
      %mul3A_51 = arith.constant 80 : i32
      %mul3A_52 = arith.muli %add3A_50, %mul3A_51 : i32
      %add3A_53 = arith.addi %mul3A_2, %mul3A_52 : i32
      %dma_start3A_54 = arith.constant 0 : i32
      %dma_start3A_55 = tpu.memref_slice %arg4[%add3A_53, %dma_start3A_54] : memref<51200x512xf32, #tpu.memory_space<hbm>> -> memref<80x512xf32, #tpu.memory_space<hbm>>
      %dma_start3A_56 = arith.constant 0 : i32
      %dma_start3A_57 = tpu.memref_slice %arg4[%add3A_53, %dma_start3A_56] : memref<51200x512xf32, #tpu.memory_space<hbm>> -> memref<80x512xf32, #tpu.memory_space<hbm>>
      tpu.enqueue_dma source(%arg7 : memref<80x512xf32, #tpu.memory_space<vmem>>) target(%dma_start3A_57 : memref<80x512xf32, #tpu.memory_space<hbm>>) target_semaphore(%arg10 : memref<!tpu.dma_semaphore, #tpu.memory_space<semaphore_mem>>)
      %dma_wait3A_58 = arith.constant 0 : i32
      %dma_wait3A_59 = tpu.memref_slice %arg4[%add3A_53, %dma_wait3A_58] : memref<51200x512xf32, #tpu.memory_space<hbm>> -> memref<80x512xf32, #tpu.memory_space<hbm>>
      %dma_wait3A_60 = arith.constant 0 : i32
      %dma_wait3A_61 = tpu.memref_slice %arg4[%add3A_53, %dma_wait3A_60] : memref<51200x512xf32, #tpu.memory_space<hbm>> -> memref<80x512xf32, #tpu.memory_space<hbm>>
      tpu.wait_dma2 semaphore(%arg10 : memref<!tpu.dma_semaphore, #tpu.memory_space<semaphore_mem>>) src(%arg7 : memref<80x512xf32, #tpu.memory_space<vmem>>) dst(%dma_wait3A_61 : memref<80x512xf32, #tpu.memory_space<hbm>>)
    }
    %scan3A_11 = arith.constant 10 : i32
    return
  }
}

module attributes {stable_mosaic.version = 14 : i64} {
  func.func @body(%arg0: i32, %arg1: memref<1x1024x512xf32, #tpu.memory_space<vmem>>, %arg2: memref<1x512x1024xf32, #tpu.memory_space<vmem>>) attributes {dimension_semantics = [#tpu.dimension_semantics<arbitrary>], iteration_bounds = array<i64: 50>, scalar_prefetch = 0 : i64, scratch_operands = 0 : i64, tpu.core_type = #tpu.core_type<tc>, window_params = [{transform_indices = @transform_0, window_bounds = array<i64: 1, 1024, 512>}, {transform_indices = @transform_1, window_bounds = array<i64: 1, 512, 1024>}]} {
    %get3A = arith.constant 0 : index
    %get3A_0 = arith.constant 0 : index
    %get3A_1 = arith.constant 0 : index
    %get3A_2 = vector.load %arg1[%get3A, %get3A_0, %get3A_1] : memref<1x1024x512xf32, #tpu.memory_space<vmem>>, vector<1x1024x512xf32>
    %get3A_3 = vector.shape_cast %get3A_2 : vector<1x1024x512xf32> to vector<1024x512xf32>
    %transpose3A = tpu.transpose %get3A_3, [1, 0] : vector<1024x512xf32> -> vector<512x1024xf32>
    %swap3A = arith.constant 0 : index
    %swap3A_4 = arith.constant 0 : index
    %swap3A_5 = arith.constant 0 : index
    %swap3A_6 = vector.load %arg2[%swap3A, %swap3A_4, %swap3A_5] : memref<1x512x1024xf32, #tpu.memory_space<vmem>>, vector<1x512x1024xf32>
    %swap3A_7 = vector.shape_cast %swap3A_6 : vector<1x512x1024xf32> to vector<512x1024xf32>
    %swap3A_8 = vector.shape_cast %transpose3A : vector<512x1024xf32> to vector<1x512x1024xf32>
    tpu.vector_store %arg2[%swap3A, %swap3A_4, %swap3A_5], %swap3A_8 {strides = array<i32>} : memref<1x512x1024xf32, #tpu.memory_space<vmem>>, vector<1x512x1024xf32>,
    return
  }
  func.func @transform_0(%arg0: i32) -> (i32, i32, i32) {
    %c0_i32 = arith.constant 0 : i32
    %c0_i32_0 = arith.constant 0 : i32
    %c0_i32_1 = arith.constant 0 : i32
    return %arg0, %c0_i32, %c0_i32_0 : i32, i32, i32
  }
  func.func @transform_1(%arg0: i32) -> (i32, i32, i32) {
    %c0_i32 = arith.constant 0 : i32
    %c0_i32_0 = arith.constant 0 : i32
    %c0_i32_1 = arith.constant 0 : i32
    return %arg0, %c0_i32, %c0_i32_0 : i32, i32, i32
  }
}

</mosaic_0001>

<sc_bundles>
// kernel: kernel.5.cloned.1.call-start
scs
__scs_entry_jumppad:
0x0: {  	(pc) =	sbr.rel $0x88, $3  }
0x1: {  	(tag) =	ssettag $0x0;
	lr =	simm.s32 $0x1  }
0x2: {  	[smem:$0x3F9E] =	sst lr;
	_ =	strace $0xD0000000  }
0x3: {  	_ = 	snop  }
0x4: {  	_ = 	snop  }
0x5: {  	_ = 	snop  }
0x6: {  	_ = 	snop  }
0x7: {  	_ = 	snop  }
__scs_overlays_trampoline_lowered:
0x8: {  	[smem:$0x3FAD] =	sst s0  }
0x9: {  	[smem:$0x3FAE] =	sst s1  }
0xa: {  	[smem:$0x3FAF] =	sst s2  }
0xb: {  	[smem:$0x3FB0] =	sst s3  }
0xc: {  	[smem:$0x3FB1] =	sst s4  }
0xd: {  	[smem:$0x3FB2] =	sst s5  }
0xe: {  	[smem:$0x3FB3] =	sst s6  }
0xf: {  	[smem:$0x3FB4] =	sst s7  }
0x10: {  	[smem:$0x3FB5] =	sst s8  }
0x11: {  	[smem:$0x3FB6] =	sst s9;
	s0 =	simm.s32 @!p0 $0x0  }
0x12: {  	s1 =	sld [smem:$0x3F9C];
	s0 =	simm.s32 @p0 $0x1  }
0x13: {  	[smem:$0x3FB7] =	sst s0;
	s0 =	simm.s32 @!p1 $0x0  }
0x14: {  	s2 =	sld [smem:$0x3F9B];
	s0 =	simm.s32 @p1 $0x1  }
0x15: {  	[smem:$0x3FB8] =	sst s0;
	s0 =	simm.s32 @!p2 $0x0  }
0x16: {  	s3 =	sld [smem:$0x3FDB];
	s0 =	simm.s32 @p2 $0x1  }
0x17: {  	s4 =	simm.s32 $0x1BF5;
	[smem:$0x3FBA] =	sst s0  }
0x18: {  	s0 =	sld [smem:$0x3F9D];
	_ =	swait.ge [sflag:s4], $0x0  }
0x19: {  	s7 =	sld [smem:$0x3F9E]  }
0x1a: {  	s8 =	sadd.s32 $0xFFFFE003, lr  }
0x1b: {  	s9 =	sadd.s32 $0xFFFFFEF7, lr;
	s5 =	simm.s32 $0xFFFFFFFF;
	p2 =	slt.u32 s8, $0xFFFFF086  }
0x1c: {  	p1 =	slt.u32 s9, $0xF7A;
	s5 =	simm.s32 @!p2 $0x0  }
0x1d: {  	s5 =	simm.s32 @p1 $0x1;
	p0 =	seq.s32 s7, s2  }
0x1e: {  	s7 =	smul.u32 @!p0 $0xF7A, s2;
	p2 =	seq.s32 @!p0 s5, $0x0  }
0x1f: {  	s9 =	smul.u32 $0xF7A, s1;
	s8 =	simm.s32 @!p0 $0x1BF5;
	p2 =	por !p2, p0  }
0x20: {  	[sflag:s8] =	ssyncset.s32 @!p0 $0xFFFFF086;
	s6 =	sadd.s32 @!p0 s3, s7;
	s7 =	simm.s32 @!p0 $0x108  }
0x21: {  	s3 =	sadd.s32 s3, s9;
	s6 =	sadd.s32 @!p0 $0x88, s6;
	s7 =	simm.s32 @p2 $0x1082  }
0x22: {  	[simem:s7], [sflag:s8] =	dma.local @!p0 [hbm:s6], $0xF7A  }
0x23: {  	s9 =	sor.u32 $0xD0000000, s2;
	s6 =	simm.s32 $0x108;
	_ =	swait.ge @!p0 [sflag:s8], $0x0  }
0x24: {  	s3 =	sadd.s32 $0x88, s3;
	s6 =	simm.s32 @!p1 $0x1082;
	[sflag:s4] =	ssyncset.s32 $0xFFFFF086  }
0x25: {  	[simem:s6], [sflag:s4] =	dma.local [hbm:s3], $0xF7A  }
0x26: {  	[smem:$0x3F9E] =	sst s1;
	(tag) =	ssettag s2;
	_ =	strace s9  }
0x27: {  	s1 =	sld [smem:$0x3FAE]  }
0x28: {  	s2 =	sld [smem:$0x3FAF]  }
0x29: {  	s4 =	sld [smem:$0x3FB1]  }
0x2a: {  	p0 =	seq.s32 s5, $0x0;
	s5 =	sld [smem:$0x3FB2]  }
0x2b: {  	s6 =	sld [smem:$0x3FB3]  }
0x2c: {  	s7 =	sld [smem:$0x3FB4]  }
0x2d: {  	s3 =	simm.s32 $0x108;
	s8 =	sld [smem:$0x3FB5]  }
0x2e: {  	s3 =	simm.s32 @!p0 $0x1082;
	s9 =	sld [smem:$0x3FB6]  }
0x2f: {  	lr =	sadd.s32 s0, s3;
	s0 =	sld [smem:$0x3FAD]  }
0x30: {  	s3 =	sld [smem:$0x3FB0]  }
0x31: {  	[smem:$0x3FB9] =	sst s10  }
0x32: {  	s10 =	sld [smem:$0x3FB7];
	_ =	sdelay $0x3  }
0x33: {  	p0 =	seq.s32 s10, $0x1;
	s10 =	sld [smem:$0x3FB9];
	_ =	sdelay $0x3  }
0x34: {  	[smem:$0x3FB9] =	sst s10  }
0x35: {  	s10 =	sld [smem:$0x3FB8];
	_ =	sdelay $0x3  }
0x36: {  	p1 =	seq.s32 s10, $0x1;
	s10 =	sld [smem:$0x3FB9];
	_ =	sdelay $0x3  }
0x37: {  	[smem:$0x3FB9] =	sst s10  }
0x38: {  	s10 =	sld [smem:$0x3FBA]  }
0x39: {  	_ = 	snop;
	(pc) =	sbr.ind lr, $3  }
0x3a: {  	_ = 	snop  }
0x3b: {  	_ = 	snop  }
0x3c: {  	p2 =	seq.s32 s10, $0x1;
	s10 =	sld [smem:$0x3FB9]  }
0x3d: {  	_ =	shalt  }
0x3e: {  	_ =	shalt  }
0x3f: {  	_ =	shalt  }
0x40: {  	_ =	shalt  }
0x41: {  	_ =	shalt  }
0x42: {  	_ =	shalt  }
0x43: {  	_ =	shalt  }
0x44: {  	_ =	shalt  }
0x45: {  	_ =	shalt  }
0x46: {  	_ =	shalt  }
0x47: {  	_ =	shalt  }
0x48: {  	_ =	shalt  }
0x49: {  	_ =	shalt  }
0x4a: {  	_ =	shalt  }
0x4b: {  	_ =	shalt  }
0x4c: {  	_ =	shalt  }
0x4d: {  	_ =	shalt  }
0x4e: {  	_ =	shalt  }
0x4f: {  	_ =	shalt  }
0x50: {  	_ =	shalt  }
0x51: {  	_ =	shalt  }
0x52: {  	_ =	shalt  }
0x53: {  	_ =	shalt  }
0x54: {  	_ =	shalt  }
0x55: {  	_ =	shalt  }
0x56: {  	_ =	shalt  }
0x57: {  	_ =	shalt  }
0x58: {  	_ =	shalt  }
0x59: {  	_ =	shalt  }
0x5a: {  	_ =	shalt  }
0x5b: {  	_ =	shalt  }
0x5c: {  	_ =	shalt  }
0x5d: {  	_ =	shalt  }
0x5e: {  	_ =	shalt  }
0x5f: {  	_ =	shalt  }
0x60: {  	_ =	shalt  }
0x61: {  	_ =	shalt  }
0x62: {  	_ =	shalt  }
0x63: {  	_ =	shalt  }
0x64: {  	_ =	shalt  }
0x65: {  	_ =	shalt  }
0x66: {  	_ =	shalt  }
0x67: {  	_ =	shalt  }
0x68: {  	_ =	shalt  }
0x69: {  	_ =	shalt  }
0x6a: {  	_ =	shalt  }
0x6b: {  	_ =	shalt  }
0x6c: {  	_ =	shalt  }
0x6d: {  	_ =	shalt  }
0x6e: {  	_ =	shalt  }
0x6f: {  	_ =	shalt  }
0x70: {  	_ =	shalt  }
0x71: {  	_ =	shalt  }
0x72: {  	_ =	shalt  }
0x73: {  	_ =	shalt  }
0x74: {  	_ =	shalt  }
0x75: {  	_ =	shalt  }
0x76: {  	_ =	shalt  }
0x77: {  	_ =	shalt  }
0x78: {  	_ =	shalt  }
0x79: {  	_ =	shalt  }
0x7a: {  	_ =	shalt  }
0x7b: {  	_ =	shalt  }
0x7c: {  	_ =	shalt  }
0x7d: {  	_ =	shalt  }
0x7e: {  	_ =	shalt  }
0x7f: {  	_ =	shalt  }
0x80: {  	_ =	shalt  }
0x81: {  	_ =	shalt  }
0x82: {  	_ =	shalt  }
0x83: {  	_ =	shalt  }
0x84: {  	_ =	shalt  }
0x85: {  	_ =	shalt  }
0x86: {  	_ =	shalt  }
0x87: {  	_ =	shalt  }
.Lfunc_end0:
.L_simem_size_0:
called_computation_lowered:
.L_overlay_start_0:
0x88: {  	s2 =	sld [smem:$0x3FD9]  }
0x89: {  	s3 =	sld [smem:$0x3FFE];
	_ =	sdelay $0x1  }
0x8a: {  	s1 =	srdreg.scid  }
0x8b: {  	s0 =	sand.u32 $0x1, s1  }
0x8c: {  	s17 =	sshll.u32 s0, $0xA;
	s2 =	sadd.s32 s3, s2  }
0x8d: {  	s2 =	sadd.s32 s2, s17  }
0x8e: {  	[smem:$0x3FC5] =	sst s2  }
0x8f: {  	_ = 	snop  }
0x90: {  	s2 =	sld [smem:$0x3FC7];
	(tm) =	ssettm $0x1  }
0x91: {  	s18 =	sld [smem:$0x3FFB];
	_ =	sdelay $0x3  }
0x92: {  	_ =	strace s18  }
0x93: {  	s3 =	sld [smem:$0x3FFC];
	_ =	sdelay $0x3  }
0x94: {  	_ =	strace s3  }
0x95: {  	s3 =	sld [smem:$0x3FFD];
	_ =	sdelay $0x3  }
0x96: {  	_ =	strace s3  }
0x97: {  	_ =	strace $0x8FFFFFFF  }
0x98: {  	s19 =	sld [smem:$0x3FDB];
	_ =	sdelay $0x1  }
0x99: {  	s4 =	simm.s32 $_scs_section_size  }
0x9a: {  	s5 =	simm.s32 $_size__tile_overlayer_lowered;
	s6 =	simm.s32 $_tile_overlayer_lowered  }
0x9b: {  	s22 =	simm.s32 $0x1BFF;
	s21 =	sshll.u32 s6, $0x1;
	s3 =	sadd.s32 s4, s19  }
0x9c: {  	s7 =	simm.s32 $0x0;
	s20 =	sshll.u32 s5, $0x1;
	s5 =	sadd.s32 s21, s3  }
0x9d: {  	[timem:s7], [sflag:s22] =	dma.local [hbm:s5], s20  }
0x9e: {  	_ =	swait.ge [sflag:s22], s20  }
0x9f: {  	s4 =	ssub.s32 $0x0, s20;
	[sflag:s22] =	ssyncset.done $0x0  }
0xa0: {  	[sflag:s22] =	ssyncadd.s32 s4;
	_ =	sdelay $0x1  }
0xa1: {  	s23 =	simm.s32 $0x1B8B  }
0xa2: {  	_ =	swait.ge [sflag:s23], $0x1  }
0xa3: {  	[sflag:s23] =	ssyncset.done $0x0  }
0xa4: {  	s25 =	simm.s32 $0x1B8E;
	s24 =	sld [smem:$0x3FFE];
	[sflag:s23] =	ssyncadd.s32 $0xFFFFFFFF  }
0xa5: {  	s26 =	simm.s32 $execute0_lowered;
	[smem:$0x3FD2] =	sst s25  }
0xa6: {  	s5 =	sshll.u32 s26, $0x1;
	_ =	strace $0x80000046;
	[dreg:$0x1] =	wrdreg $0xFFFFFFFF  }
0xa7: {  	s28 =	simm.s32 $_size_execute0_lowered;
	s3 =	sadd.s32 s3, s5;
	[dreg:$0x0] =	wrdreg $0x0  }
0xa8: {  	s5 =	sshll.u32 s28, $0x1;
	[dreg:$0x2] =	wrdreg s3  }
0xa9: {  	[dreg:$0x3] =	wrdreg s5  }
0xaa: {  	[dreg:$0x4] =	wrdreg $0xC0  }
0xab: {  	_ =	task [dreg:s7], $0x5FFFF  }
0xac: {  	[dreg:$0x1] =	wrdreg $0xFFFFFFFF  }
0xad: {  	[dreg:$0x0] =	wrdreg $0x60  }
0xae: {  	[dreg:$0x2] =	wrdreg s24  }
0xaf: {  	[dreg:$0x3] =	wrdreg s2  }
0xb0: {  	[dreg:$0x4] =	wrdreg $0x9  }
0xb1: {  	_ =	task.clear_ibuf [dreg:s7], $0x5FFFF;
	_ =	strace $0x90000046  }
0xb2: {  	s29 =	simm.s32 $0x9;
	_ =	strace $0x80000048  }
0xb3: {  	_ =	swait.ge [sflag:s29], $0x1  }
0xb4: {  	[sflag:s29] =	ssyncadd.s32 $0xFFFFFFFF  }
0xb5: {  	_ =	strace $0x90000048  }
0xb6: {  	_ =	sfence  }
0xb7: {  	s30 =	sld [smem:$0x0];
	_ =	sdelay $0x2  }
0xb8: {  	s31 =	sshll.u32 s1, $0xD;
	s1 =	sshrl.u32 s1, $0x2  }
0xb9: {  	s3 =	sand.u32 $0x4000, s31;
	s1 =	sadd.s32 s1, s30  }
0xba: {  	s0 =	sor.u32 s3, s0;
	s1 =	sshll.u32 s1, $0x11  }
0xbb: {  	s0 =	sor.u32 s1, s0  }
0xbc: {  	s0 =	sadd.s32 $0x8F2B, s0  }
0xbd: {  	[sflag:s0] =	ssyncadd.remote.s32 $0x1  }
0xbe: {  	_ =	sfence.sel $0xFFFF  }
0xbf: {  	[dreg:$0x0] =	wrdreg $0xFFFFFFFF;
	(pc) =	sbr.abs _section_cstart, $3  }
0xc0: {  	[dreg:$0x1] =	wrdreg $0xFFFFFFFF  }
0xc1: {  	_ =	task.clear_ibuf [dreg:s7], $0x2FFFF;
	_ =	strace $0x9FFFFFFF  }
0xc2: {  	(tm) =	ssettm $0x7FFFFFFF  }
0xc3: {  	_ =	shalt  }
tec
execute0_lowered:
.L_overlay_start_1:
0x0: {  	(tag) =	ssettag $0x1  }
0x1: {  	s0 =	rddreg [dreg:$0x0]  }
0x2: {  	s1 =	srdreg.scid;
	s5 =	stileid.u32  }
0x3: {  	s2 =	rddreg [dreg:$0x1];
	s3 =	simm.s32 $0x0;
	s9 =	simm.s32 $0x680  }
0x4: {  	s30 =	simm.s32 $0x1;
	s31 =	simm.s32 $0xA680;
	s8 =	simm.s32 $0xCE80  }
0x5: {  	s10 =	simm.s32 $0xD680;
	s11 =	simm.s32 $0xDE80;
	s12 =	simm.s32 $0xE680  }
0x6: {  	s13 =	simm.s32 $0xEE80;
	s14 =	simm.s32 $0xF680;
	s15 =	simm.s32 $0xFE80  }
0x7: {  	s16 =	simm.s32 $0x10680;
	s17 =	simm.s32 $0x10E80;
	s18 =	simm.s32 $0x11680  }
0x8: {  	s19 =	simm.s32 $0x11E80;
	s20 =	simm.s32 $0x12680;
	s21 =	simm.s32 $0x12E80  }
0x9: {  	s22 =	simm.s32 $0x13680;
	s23 =	simm.s32 $0x13E80;
	s24 =	simm.s32 $0x3  }
0xa: {  	s25 =	simm.s32 $0x2;
	s1 =	sand.u32 $0x1, s1;
	s4 =	sshll.u32 s5, $0x1  }
0xb: {  	s5 =	smul.u32 $0x32000, s5;
	s4 =	sor.u32 s1, s4;
	s6 =	ssub.s32 $0x2, s1  }
0xc: {  	[smem:$0x7FF] =	sst s3;
	s4 =	smul.u32 $0x640, s4;
	s28 =	sshrl.u32 s6, $0x1  }
0xd: {  	_ =	strace $0x80000047;
	s1 =	smul.u32 $0x19000, s1;
	s6 =	ssub.s32 s6, s28  }
.Ltmp0:
0xe: {  	s4 =	sshrl.u32 s4, $0x3;
	s29 =	smax.u32 s6, $0x1;
	(pc) =	sbr.rel .LBB2_1-.Ltmp0, $4  }
0xf: {  	s6 =	simm.s32 $0xC680;
	s4 =	sadd.s32 s4, s0;
	s0 =	sadd.s32 s5, s0  }
0x10: {  	v2 =	vlaneseq.u32;
	s5 =	sadd.s32 $0x100, s2;
	[dreg:$0x4] =	wrdreg s29;
	s4 =	sadd.s32 $0xA00, s4  }
0x11: {  	vm0 =	vmmov $0xffff;
	v1 =	vshrl.u32 v2, $0x3;
	s0 =	sadd.s32 s1, s0;
	s1 =	simm.s32 $0x0;
	[dreg:$0x3] =	wrdreg s4  }
0x12: {  	v0 =	vand.u32 $0x7, v2;
	v2 =	vor.u32 $0x8, v2;
	v1 =	vmul.u32 $0x8, v1;
	s7 =	sadd.s32 $0x2400, s0;
	s0 =	simm.s32 $0xB680;
	s4 =	simm.s32 $0xBE80  }
.LBB2_5:
0x13: {  	s1 =	rddreg [dreg:$0x5]  }
0x14: {  	s26 =	rddreg [dreg:$0x4];
	s1 =	sadd.s32 $0x1, s1  }
0x15: {  	p0 =	sne.s32 s1, s26  }
.Ltmp1:
0x16: {  	_ = 	snop;
	(pc) =	sbr.rel @!p0 .LBB2_6-.Ltmp1, $1  }
0x17: {  	_ =	sdelay $0x3  }
.LBB2_1:
0x18: {  	[dreg:$0x5] =	wrdreg s1  }
0x19: {  	s26 =	rddreg [dreg:$0x3];
	s29 =	simm.s32 $0x4  }
0x1a: {  	[tilespmem:s3], [sflag:$0x4] =	stream.linear.gather [hbm4b:s26+s3], $0x640, $0x38;
	[tilespmem:$0x14680] =	vst v63  }
0x1b: {  	_ =	swait.ge [sflag:s29], $0x640  }
0x1c: {  	[sflag:s29] =	ssyncset.done $0x0  }
0x1d: {  	[sflag:s29] =	ssyncadd.s32 $0xFFFFF9C0  }
0x1e: {  	v3 =	vld [tilespmem:$0x0];
	_ =	sdelay $0x4  }
0x1f: {  	v4 =	vshll.u32 v3, $0x2  }
0x20: {  	v3 =	vand.u32 $0x7, v3;
	v4 =	vand.u32 $0xFFFFFFE0, v4  }
0x21: {  	v3 =	vor.u32 v3, v4  }
0x22: {  	v4 =	vperm.xlane v3, v0;
	_ =	sdelay $0x1  }
0x23: {  	v4 =	vadd.s32 v1, v4;
	_ =	sdelay $0x1  }
0x24: {  	v3 =	vperm.xlane v3, v2;
	_ =	sdelay $0x1  }
0x25: {  	v3 =	vadd.s32 v1, v3  }
0x26: {  	[tilespmem:s9], [sflag:$0x1] =	stream.indirect_vreg.gather [hbm4b:s2+s3], $0x80, v4, vm0, $0xb8;
	[tilespmem:$0x14680] =	vst v63  }
0x27: {  	s1 =	simm.s32 $0xE80  }
0x28: {  	[tilespmem:s1], [sflag:$0x1] =	stream.indirect_vreg.gather [hbm4b:s5+s3], $0x80, v4, vm0, $0xb8;
	[tilespmem:$0x14680] =	vst v63  }
0x29: {  	s26 =	simm.s32 $0x1680  }
0x2a: {  	[tilespmem:s26], [sflag:$0x1] =	stream.indirect_vreg.gather [hbm4b:s2+s3], $0x80, v3, vm0, $0xb8;
	[tilespmem:$0x14680] =	vst v63  }
0x2b: {  	s29 =	simm.s32 $0x1E80  }
0x2c: {  	[tilespmem:s29], [sflag:$0x1] =	stream.indirect_vreg.gather [hbm4b:s5+s3], $0x80, v3, vm0, $0xb8;
	[tilespmem:$0x14680] =	vst v63  }
0x2d: {  	v3 =	vld [tilespmem:$0x10];
	_ =	sdelay $0x4  }
0x2e: {  	v60 =	vshll.u32 v3, $0x2  }
0x2f: {  	v3 =	vand.u32 $0x7, v3;
	v4 =	vand.u32 $0xFFFFFFE0, v60  }
0x30: {  	v3 =	vor.u32 v3, v4  }
0x31: {  	v4 =	vperm.xlane v3, v0;
	_ =	sdelay $0x1  }
0x32: {  	v4 =	vadd.s32 v1, v4;
	_ =	sdelay $0x1  }
0x33: {  	v3 =	vperm.xlane v3, v2;
	_ =	sdelay $0x1  }
0x34: {  	s26 =	simm.s32 $0x2680;
	v3 =	vadd.s32 v1, v3  }
0x35: {  	[tilespmem:s26], [sflag:$0x1] =	stream.indirect_vreg.gather [hbm4b:s2+s3], $0x80, v4, vm0, $0xb8;
	[tilespmem:$0x14680] =	vst v63  }
0x36: {  	s29 =	simm.s32 $0x2E80  }
0x37: {  	[tilespmem:s29], [sflag:$0x1] =	stream.indirect_vreg.gather [hbm4b:s5+s3], $0x80, v4, vm0, $0xb8;
	[tilespmem:$0x14680] =	vst v63  }
0x38: {  	s26 =	simm.s32 $0x3680  }
0x39: {  	[tilespmem:s26], [sflag:$0x1] =	stream.indirect_vreg.gather [hbm4b:s2+s3], $0x80, v3, vm0, $0xb8;
	[tilespmem:$0x14680] =	vst v63  }
0x3a: {  	s29 =	simm.s32 $0x3E80  }
0x3b: {  	[tilespmem:s29], [sflag:$0x1] =	stream.indirect_vreg.gather [hbm4b:s5+s3], $0x80, v3, vm0, $0xb8;
	[tilespmem:$0x14680] =	vst v63  }
0x3c: {  	v3 =	vld [tilespmem:$0x20];
	_ =	sdelay $0x4  }
0x3d: {  	v61 =	vshll.u32 v3, $0x2  }
0x3e: {  	v3 =	vand.u32 $0x7, v3;
	v4 =	vand.u32 $0xFFFFFFE0, v61  }
0x3f: {  	v3 =	vor.u32 v3, v4  }
0x40: {  	v4 =	vperm.xlane v3, v0;
	_ =	sdelay $0x1  }
0x41: {  	v4 =	vadd.s32 v1, v4;
	_ =	sdelay $0x1  }
0x42: {  	v3 =	vperm.xlane v3, v2;
	_ =	sdelay $0x1  }
0x43: {  	s26 =	simm.s32 $0x4680;
	v3 =	vadd.s32 v1, v3  }
0x44: {  	[tilespmem:s26], [sflag:$0x1] =	stream.indirect_vreg.gather [hbm4b:s2+s3], $0x80, v4, vm0, $0xb8;
	[tilespmem:$0x14680] =	vst v63  }
0x45: {  	s29 =	simm.s32 $0x4E80  }
0x46: {  	[tilespmem:s29], [sflag:$0x1] =	stream.indirect_vreg.gather [hbm4b:s5+s3], $0x80, v4, vm0, $0xb8;
	[tilespmem:$0x14680] =	vst v63  }
0x47: {  	s26 =	simm.s32 $0x5680  }
0x48: {  	[tilespmem:s26], [sflag:$0x1] =	stream.indirect_vreg.gather [hbm4b:s2+s3], $0x80, v3, vm0, $0xb8;
	[tilespmem:$0x14680] =	vst v63  }
0x49: {  	s29 =	simm.s32 $0x5E80  }
0x4a: {  	[tilespmem:s29], [sflag:$0x1] =	stream.indirect_vreg.gather [hbm4b:s5+s3], $0x80, v3, vm0, $0xb8;
	[tilespmem:$0x14680] =	vst v63  }
0x4b: {  	v3 =	vld [tilespmem:$0x30];
	_ =	sdelay $0x4  }
0x4c: {  	v62 =	vshll.u32 v3, $0x2  }
0x4d: {  	v3 =	vand.u32 $0x7, v3;
	v4 =	vand.u32 $0xFFFFFFE0, v62  }
0x4e: {  	v3 =	vor.u32 v3, v4  }
0x4f: {  	v4 =	vperm.xlane v3, v0;
	_ =	sdelay $0x1  }
0x50: {  	v4 =	vadd.s32 v1, v4;
	_ =	sdelay $0x1  }
0x51: {  	v3 =	vperm.xlane v3, v2;
	_ =	sdelay $0x1  }
0x52: {  	s26 =	simm.s32 $0x6680;
	v3 =	vadd.s32 v1, v3  }
0x53: {  	[tilespmem:s26], [sflag:$0x1] =	stream.indirect_vreg.gather [hbm4b:s2+s3], $0x80, v4, vm0, $0xb8;
	[tilespmem:$0x14680] =	vst v63  }
0x54: {  	s29 =	simm.s32 $0x6E80  }
0x55: {  	[tilespmem:s29], [sflag:$0x1] =	stream.indirect_vreg.gather [hbm4b:s5+s3], $0x80, v4, vm0, $0xb8;
	[tilespmem:$0x14680] =	vst v63  }
0x56: {  	s26 =	simm.s32 $0x7680  }
0x57: {  	[tilespmem:s26], [sflag:$0x1] =	stream.indirect_vreg.gather [hbm4b:s2+s3], $0x80, v3, vm0, $0xb8;
	[tilespmem:$0x14680] =	vst v63  }
0x58: {  	s29 =	simm.s32 $0x7E80  }
0x59: {  	[tilespmem:s29], [sflag:$0x1] =	stream.indirect_vreg.gather [hbm4b:s5+s3], $0x80, v3, vm0, $0xb8;
	[tilespmem:$0x14680] =	vst v63  }
0x5a: {  	v3 =	vld [tilespmem:$0x40];
	_ =	sdelay $0x4  }
0x5b: {  	v63 =	vshll.u32 v3, $0x2  }
0x5c: {  	v3 =	vand.u32 $0x7, v3;
	v4 =	vand.u32 $0xFFFFFFE0, v63  }
0x5d: {  	v3 =	vor.u32 v3, v4  }
0x5e: {  	v4 =	vperm.xlane v3, v0;
	_ =	sdelay $0x1  }
0x5f: {  	v4 =	vadd.s32 v1, v4;
	_ =	sdelay $0x2  }
0x60: {  	v3 =	vperm.xlane v3, v2  }
0x61: {  	s26 =	simm.s32 $0x8680  }
0x62: {  	v3 =	vadd.s32 v1, v3;
	[tilespmem:s26], [sflag:$0x1] =	stream.indirect_vreg.gather [hbm4b:s2+s3], $0x80, v4, vm0, $0xb8;
	[tilespmem:$0x14680] =	vst v63  }
0x63: {  	s29 =	simm.s32 $0x8E80  }
0x64: {  	[tilespmem:s29], [sflag:$0x1] =	stream.indirect_vreg.gather [hbm4b:s5+s3], $0x80, v4, vm0, $0xb8;
	[tilespmem:$0x14680] =	vst v63  }
.Ltmp2:
0x65: {  	_ = 	snop;
	(pc) =	sbr.rel .LBB2_2-.Ltmp2, $4  }
0x66: {  	s26 =	simm.s32 $0x9680  }
0x67: {  	[tilespmem:s26], [sflag:$0x1] =	stream.indirect_vreg.gather [hbm4b:s2+s3], $0x80, v3, vm0, $0xb8;
	[tilespmem:$0x14680] =	vst v63  }
0x68: {  	s28 =	simm.s32 $0x0;
	s29 =	simm.s32 $0x9E80;
	s26 =	simm.s32 $0x70  }
0x69: {  	[tilespmem:s29], [sflag:$0x1] =	stream.indirect_vreg.gather [hbm4b:s5+s3], $0x80, v3, vm0, $0xb8;
	[tilespmem:$0x14680] =	vst v63  }
.LBB2_4:
0x6a: {  	s28 =	sadd.s32 $0x2800, s28  }
0x6b: {  	p0 =	sne.s32 s28, $0x19000  }
.Ltmp3:
0x6c: {  	s29 =	sadd.s32 $0x1400, s29;
	(pc) =	sbr.rel @!p0 .LBB2_5-.Ltmp3, $4  }
0x6d: {  	[hbm4b:s29+s3] =	stream.linear.scatter [tilespmem:s31], [sflag:$0x3], $0xA000, $0x38;
	[tilespmem:$0x14680] =	vst v63  }
0x6e: {  	_ =	swait.ge [sflag:s24], $0xA000  }
0x6f: {  	[sflag:s24] =	ssyncset.done $0x0  }
0x70: {  	s26 =	sadd.s32 $0xA0, s26;
	[sflag:s24] =	ssyncadd.s32 $0xFFFF6000  }
.LBB2_2:
0x71: {  	_ =	swait.ge [sflag:s30], $0xA000  }
0x72: {  	[sflag:s30] =	ssyncset.done $0x0  }
0x73: {  	[sflag:s30] =	ssyncadd.s32 $0xFFFF6000  }
0x74: {  	v3 =	vld [tilespmem:s26+$0xFFFFFFE0];
	_ =	sdelay $0x4  }
0x75: {  	v4 =	vshll.u32 v3, $0x2  }
0x76: {  	v3 =	vand.u32 $0x7, v3;
	v4 =	vand.u32 $0xFFFFFFE0, v4  }
0x77: {  	v3 =	vor.u32 v3, v4  }
0x78: {  	v4 =	vperm.xlane v3, v0;
	_ =	sdelay $0x1  }
0x79: {  	v4 =	vadd.s32 v1, v4;
	_ =	sdelay $0x1  }
0x7a: {  	v3 =	vperm.xlane v3, v2;
	_ =	sdelay $0x1  }
0x7b: {  	v3 =	vadd.s32 v1, v3  }
0x7c: {  	[tilespmem:s31], [sflag:$0x2] =	stream.indirect_vreg.gather [hbm4b:s2+s3], $0x80, v4, vm0, $0xb8;
	[tilespmem:$0x14680] =	vst v63  }
0x7d: {  	s1 =	simm.s32 $0xAE80  }
0x7e: {  	[tilespmem:s1], [sflag:$0x2] =	stream.indirect_vreg.gather [hbm4b:s5+s3], $0x80, v4, vm0, $0xb8;
	[tilespmem:$0x14680] =	vst v63  }
0x7f: {  	_ = 	snop  }
0x80: {  	[tilespmem:s0], [sflag:$0x2] =	stream.indirect_vreg.gather [hbm4b:s2+s3], $0x80, v3, vm0, $0xb8;
	[tilespmem:$0x14680] =	vst v63  }
0x81: {  	_ = 	snop  }
0x82: {  	[tilespmem:s4], [sflag:$0x2] =	stream.indirect_vreg.gather [hbm4b:s5+s3], $0x80, v3, vm0, $0xb8;
	[tilespmem:$0x14680] =	vst v63  }
0x83: {  	v3 =	vld [tilespmem:s26+$0xFFFFFFF0];
	_ =	sdelay $0x4  }
0x84: {  	v60 =	vshll.u32 v3, $0x2  }
0x85: {  	v3 =	vand.u32 $0x7, v3;
	v4 =	vand.u32 $0xFFFFFFE0, v60  }
0x86: {  	v3 =	vor.u32 v3, v4  }
0x87: {  	v4 =	vperm.xlane v3, v0;
	_ =	sdelay $0x1  }
0x88: {  	v4 =	vadd.s32 v1, v4;
	_ =	sdelay $0x1  }
0x89: {  	v3 =	vperm.xlane v3, v2;
	_ =	sdelay $0x1  }
0x8a: {  	v3 =	vadd.s32 v1, v3  }
0x8b: {  	[tilespmem:s6], [sflag:$0x2] =	stream.indirect_vreg.gather [hbm4b:s2+s3], $0x80, v4, vm0, $0xb8;
	[tilespmem:$0x14680] =	vst v63  }
0x8c: {  	_ = 	snop  }
0x8d: {  	[tilespmem:s8], [sflag:$0x2] =	stream.indirect_vreg.gather [hbm4b:s5+s3], $0x80, v4, vm0, $0xb8;
	[tilespmem:$0x14680] =	vst v63  }
0x8e: {  	_ = 	snop  }
0x8f: {  	[tilespmem:s10], [sflag:$0x2] =	stream.indirect_vreg.gather [hbm4b:s2+s3], $0x80, v3, vm0, $0xb8;
	[tilespmem:$0x14680] =	vst v63  }
0x90: {  	_ = 	snop  }
0x91: {  	[tilespmem:s11], [sflag:$0x2] =	stream.indirect_vreg.gather [hbm4b:s5+s3], $0x80, v3, vm0, $0xb8;
	[tilespmem:$0x14680] =	vst v63  }
0x92: {  	v3 =	vld [tilespmem:s26+$0x0];
	_ =	sdelay $0x4  }
0x93: {  	v61 =	vshll.u32 v3, $0x2  }
0x94: {  	v3 =	vand.u32 $0x7, v3;
	v4 =	vand.u32 $0xFFFFFFE0, v61  }
0x95: {  	v3 =	vor.u32 v3, v4  }
0x96: {  	v4 =	vperm.xlane v3, v0;
	_ =	sdelay $0x1  }
0x97: {  	v4 =	vadd.s32 v1, v4;
	_ =	sdelay $0x1  }
0x98: {  	v3 =	vperm.xlane v3, v2;
	_ =	sdelay $0x1  }
0x99: {  	v3 =	vadd.s32 v1, v3  }
0x9a: {  	[tilespmem:s12], [sflag:$0x2] =	stream.indirect_vreg.gather [hbm4b:s2+s3], $0x80, v4, vm0, $0xb8;
	[tilespmem:$0x14680] =	vst v63  }
0x9b: {  	_ = 	snop  }
0x9c: {  	[tilespmem:s13], [sflag:$0x2] =	stream.indirect_vreg.gather [hbm4b:s5+s3], $0x80, v4, vm0, $0xb8;
	[tilespmem:$0x14680] =	vst v63  }
0x9d: {  	_ = 	snop  }
0x9e: {  	[tilespmem:s14], [sflag:$0x2] =	stream.indirect_vreg.gather [hbm4b:s2+s3], $0x80, v3, vm0, $0xb8;
	[tilespmem:$0x14680] =	vst v63  }
0x9f: {  	_ = 	snop  }
0xa0: {  	[tilespmem:s15], [sflag:$0x2] =	stream.indirect_vreg.gather [hbm4b:s5+s3], $0x80, v3, vm0, $0xb8;
	[tilespmem:$0x14680] =	vst v63  }
0xa1: {  	v3 =	vld [tilespmem:s26+$0x10];
	_ =	sdelay $0x4  }
0xa2: {  	v62 =	vshll.u32 v3, $0x2  }
0xa3: {  	v3 =	vand.u32 $0x7, v3;
	v4 =	vand.u32 $0xFFFFFFE0, v62  }
0xa4: {  	v3 =	vor.u32 v3, v4  }
0xa5: {  	v4 =	vperm.xlane v3, v0;
	_ =	sdelay $0x1  }
0xa6: {  	v4 =	vadd.s32 v1, v4;
	_ =	sdelay $0x1  }
0xa7: {  	v3 =	vperm.xlane v3, v2;
	_ =	sdelay $0x1  }
0xa8: {  	v3 =	vadd.s32 v1, v3  }
0xa9: {  	[tilespmem:s16], [sflag:$0x2] =	stream.indirect_vreg.gather [hbm4b:s2+s3], $0x80, v4, vm0, $0xb8;
	[tilespmem:$0x14680] =	vst v63  }
0xaa: {  	_ = 	snop  }
0xab: {  	[tilespmem:s17], [sflag:$0x2] =	stream.indirect_vreg.gather [hbm4b:s5+s3], $0x80, v4, vm0, $0xb8;
	[tilespmem:$0x14680] =	vst v63  }
0xac: {  	_ = 	snop  }
0xad: {  	[tilespmem:s18], [sflag:$0x2] =	stream.indirect_vreg.gather [hbm4b:s2+s3], $0x80, v3, vm0, $0xb8;
	[tilespmem:$0x14680] =	vst v63  }
0xae: {  	_ = 	snop  }
0xaf: {  	[tilespmem:s19], [sflag:$0x2] =	stream.indirect_vreg.gather [hbm4b:s5+s3], $0x80, v3, vm0, $0xb8;
	[tilespmem:$0x14680] =	vst v63  }
0xb0: {  	v3 =	vld [tilespmem:s26+$0x20];
	_ =	sdelay $0x4  }
0xb1: {  	v63 =	vshll.u32 v3, $0x2  }
0xb2: {  	v3 =	vand.u32 $0x7, v3;
	v4 =	vand.u32 $0xFFFFFFE0, v63  }
0xb3: {  	v3 =	vor.u32 v3, v4  }
0xb4: {  	v4 =	vperm.xlane v3, v0;
	_ =	sdelay $0x1  }
0xb5: {  	v4 =	vadd.s32 v1, v4;
	_ =	sdelay $0x1  }
0xb6: {  	v3 =	vperm.xlane v3, v2;
	_ =	sdelay $0x1  }
0xb7: {  	v3 =	vadd.s32 v1, v3  }
0xb8: {  	[tilespmem:s20], [sflag:$0x2] =	stream.indirect_vreg.gather [hbm4b:s2+s3], $0x80, v4, vm0, $0xb8;
	[tilespmem:$0x14680] =	vst v63  }
0xb9: {  	_ = 	snop  }
0xba: {  	[tilespmem:s21], [sflag:$0x2] =	stream.indirect_vreg.gather [hbm4b:s5+s3], $0x80, v4, vm0, $0xb8;
	[tilespmem:$0x14680] =	vst v63  }
0xbb: {  	_ = 	snop  }
0xbc: {  	[tilespmem:s22], [sflag:$0x2] =	stream.indirect_vreg.gather [hbm4b:s2+s3], $0x80, v3, vm0, $0xb8;
	[tilespmem:$0x14680] =	vst v63  }
0xbd: {  	_ = 	snop  }
0xbe: {  	[tilespmem:s23], [sflag:$0x2] =	stream.indirect_vreg.gather [hbm4b:s5+s3], $0x80, v3, vm0, $0xb8;
	[tilespmem:$0x14680] =	vst v63  }
0xbf: {  	s29 =	sadd.s32 s28, s7  }
0xc0: {  	[hbm4b:s29+s3] =	stream.linear.scatter [tilespmem:s9], [sflag:$0x3], $0xA000, $0x38;
	[tilespmem:$0x14680] =	vst v63  }
0xc1: {  	p0 =	seq.s32 s28, $0x16800;
	_ =	swait.ge [sflag:s24], $0xA000  }
.Ltmp4:
0xc2: {  	[sflag:s24] =	ssyncset.done $0x0;
	(pc) =	sbr.rel @p0 .LBB2_4-.Ltmp4, $4  }
0xc3: {  	[sflag:s24] =	ssyncadd.s32 $0xFFFF6000  }
0xc4: {  	_ =	swait.ge [sflag:s25], $0xA000  }
0xc5: {  	[sflag:s25] =	ssyncset.done $0x0  }
0xc6: {  	[sflag:s25] =	ssyncadd.s32 $0xFFFF6000  }
0xc7: {  	v3 =	vld [tilespmem:s26+$0x30];
	_ =	sdelay $0x4  }
0xc8: {  	v4 =	vshll.u32 v3, $0x2  }
0xc9: {  	v3 =	vand.u32 $0x7, v3;
	v4 =	vand.u32 $0xFFFFFFE0, v4  }
0xca: {  	v3 =	vor.u32 v3, v4  }
0xcb: {  	v4 =	vperm.xlane v3, v0;
	_ =	sdelay $0x1  }
0xcc: {  	v4 =	vadd.s32 v1, v4;
	_ =	sdelay $0x1  }
0xcd: {  	v3 =	vperm.xlane v3, v2;
	_ =	sdelay $0x1  }
0xce: {  	v3 =	vadd.s32 v1, v3  }
0xcf: {  	[tilespmem:s9], [sflag:$0x1] =	stream.indirect_vreg.gather [hbm4b:s2+s3], $0x80, v4, vm0, $0xb8;
	[tilespmem:$0x14680] =	vst v63  }
0xd0: {  	s1 =	simm.s32 $0xE80  }
0xd1: {  	[tilespmem:s1], [sflag:$0x1] =	stream.indirect_vreg.gather [hbm4b:s5+s3], $0x80, v4, vm0, $0xb8;
	[tilespmem:$0x14680] =	vst v63  }
0xd2: {  	s1 =	simm.s32 $0x1680  }
0xd3: {  	[tilespmem:s1], [sflag:$0x1] =	stream.indirect_vreg.gather [hbm4b:s2+s3], $0x80, v3, vm0, $0xb8;
	[tilespmem:$0x14680] =	vst v63  }
0xd4: {  	s1 =	simm.s32 $0x1E80  }
0xd5: {  	[tilespmem:s1], [sflag:$0x1] =	stream.indirect_vreg.gather [hbm4b:s5+s3], $0x80, v3, vm0, $0xb8;
	[tilespmem:$0x14680] =	vst v63  }
0xd6: {  	v3 =	vld [tilespmem:s26+$0x40];
	_ =	sdelay $0x4  }
0xd7: {  	v60 =	vshll.u32 v3, $0x2  }
0xd8: {  	v3 =	vand.u32 $0x7, v3;
	v4 =	vand.u32 $0xFFFFFFE0, v60  }
0xd9: {  	v3 =	vor.u32 v3, v4  }
0xda: {  	v4 =	vperm.xlane v3, v0;
	_ =	sdelay $0x1  }
0xdb: {  	v4 =	vadd.s32 v1, v4;
	_ =	sdelay $0x1  }
0xdc: {  	v3 =	vperm.xlane v3, v2;
	_ =	sdelay $0x1  }
0xdd: {  	s1 =	simm.s32 $0x2680;
	v3 =	vadd.s32 v1, v3  }
0xde: {  	[tilespmem:s1], [sflag:$0x1] =	stream.indirect_vreg.gather [hbm4b:s2+s3], $0x80, v4, vm0, $0xb8;
	[tilespmem:$0x14680] =	vst v63  }
0xdf: {  	s1 =	simm.s32 $0x2E80  }
0xe0: {  	[tilespmem:s1], [sflag:$0x1] =	stream.indirect_vreg.gather [hbm4b:s5+s3], $0x80, v4, vm0, $0xb8;
	[tilespmem:$0x14680] =	vst v63  }
0xe1: {  	s1 =	simm.s32 $0x3680  }
0xe2: {  	[tilespmem:s1], [sflag:$0x1] =	stream.indirect_vreg.gather [hbm4b:s2+s3], $0x80, v3, vm0, $0xb8;
	[tilespmem:$0x14680] =	vst v63  }
0xe3: {  	s1 =	simm.s32 $0x3E80  }
0xe4: {  	[tilespmem:s1], [sflag:$0x1] =	stream.indirect_vreg.gather [hbm4b:s5+s3], $0x80, v3, vm0, $0xb8;
	[tilespmem:$0x14680] =	vst v63  }
0xe5: {  	v3 =	vld [tilespmem:s26+$0x50];
	_ =	sdelay $0x4  }
0xe6: {  	v61 =	vshll.u32 v3, $0x2  }
0xe7: {  	v3 =	vand.u32 $0x7, v3;
	v4 =	vand.u32 $0xFFFFFFE0, v61  }
0xe8: {  	v3 =	vor.u32 v3, v4  }
0xe9: {  	v4 =	vperm.xlane v3, v0;
	_ =	sdelay $0x1  }
0xea: {  	v4 =	vadd.s32 v1, v4;
	_ =	sdelay $0x1  }
0xeb: {  	v3 =	vperm.xlane v3, v2;
	_ =	sdelay $0x1  }
0xec: {  	s1 =	simm.s32 $0x4680;
	v3 =	vadd.s32 v1, v3  }
0xed: {  	[tilespmem:s1], [sflag:$0x1] =	stream.indirect_vreg.gather [hbm4b:s2+s3], $0x80, v4, vm0, $0xb8;
	[tilespmem:$0x14680] =	vst v63  }
0xee: {  	s1 =	simm.s32 $0x4E80  }
0xef: {  	[tilespmem:s1], [sflag:$0x1] =	stream.indirect_vreg.gather [hbm4b:s5+s3], $0x80, v4, vm0, $0xb8;
	[tilespmem:$0x14680] =	vst v63  }
0xf0: {  	s1 =	simm.s32 $0x5680  }
0xf1: {  	[tilespmem:s1], [sflag:$0x1] =	stream.indirect_vreg.gather [hbm4b:s2+s3], $0x80, v3, vm0, $0xb8;
	[tilespmem:$0x14680] =	vst v63  }
0xf2: {  	s1 =	simm.s32 $0x5E80  }
0xf3: {  	[tilespmem:s1], [sflag:$0x1] =	stream.indirect_vreg.gather [hbm4b:s5+s3], $0x80, v3, vm0, $0xb8;
	[tilespmem:$0x14680] =	vst v63  }
0xf4: {  	v3 =	vld [tilespmem:s26+$0x60];
	_ =	sdelay $0x4  }
0xf5: {  	v62 =	vshll.u32 v3, $0x2  }
0xf6: {  	v3 =	vand.u32 $0x7, v3;
	v4 =	vand.u32 $0xFFFFFFE0, v62  }
0xf7: {  	v3 =	vor.u32 v3, v4  }
0xf8: {  	v4 =	vperm.xlane v3, v0;
	_ =	sdelay $0x1  }
0xf9: {  	v4 =	vadd.s32 v1, v4;
	_ =	sdelay $0x1  }
0xfa: {  	v3 =	vperm.xlane v3, v2;
	_ =	sdelay $0x1  }
0xfb: {  	s1 =	simm.s32 $0x6680;
	v3 =	vadd.s32 v1, v3  }
0xfc: {  	[tilespmem:s1], [sflag:$0x1] =	stream.indirect_vreg.gather [hbm4b:s2+s3], $0x80, v4, vm0, $0xb8;
	[tilespmem:$0x14680] =	vst v63  }
0xfd: {  	s1 =	simm.s32 $0x6E80  }
0xfe: {  	[tilespmem:s1], [sflag:$0x1] =	stream.indirect_vreg.gather [hbm4b:s5+s3], $0x80, v4, vm0, $0xb8;
	[tilespmem:$0x14680] =	vst v63  }
0xff: {  	s1 =	simm.s32 $0x7680  }
0x100: {  	[tilespmem:s1], [sflag:$0x1] =	stream.indirect_vreg.gather [hbm4b:s2+s3], $0x80, v3, vm0, $0xb8;
	[tilespmem:$0x14680] =	vst v63  }
0x101: {  	s1 =	simm.s32 $0x7E80  }
0x102: {  	[tilespmem:s1], [sflag:$0x1] =	stream.indirect_vreg.gather [hbm4b:s5+s3], $0x80, v3, vm0, $0xb8;
	[tilespmem:$0x14680] =	vst v63  }
0x103: {  	v3 =	vld [tilespmem:s26+$0x70];
	_ =	sdelay $0x4  }
0x104: {  	v63 =	vshll.u32 v3, $0x2  }
0x105: {  	v3 =	vand.u32 $0x7, v3;
	v4 =	vand.u32 $0xFFFFFFE0, v63  }
0x106: {  	v3 =	vor.u32 v3, v4  }
0x107: {  	v4 =	vperm.xlane v3, v0;
	_ =	sdelay $0x1  }
0x108: {  	v4 =	vadd.s32 v1, v4;
	_ =	sdelay $0x2  }
0x109: {  	v3 =	vperm.xlane v3, v2  }
0x10a: {  	s1 =	simm.s32 $0x8680  }
0x10b: {  	v3 =	vadd.s32 v1, v3;
	[tilespmem:s1], [sflag:$0x1] =	stream.indirect_vreg.gather [hbm4b:s2+s3], $0x80, v4, vm0, $0xb8;
	[tilespmem:$0x14680] =	vst v63  }
0x10c: {  	s1 =	simm.s32 $0x8E80  }
0x10d: {  	[tilespmem:s1], [sflag:$0x1] =	stream.indirect_vreg.gather [hbm4b:s5+s3], $0x80, v4, vm0, $0xb8;
	[tilespmem:$0x14680] =	vst v63  }
.Ltmp5:
0x10e: {  	_ = 	snop;
	(pc) =	sbr.rel .LBB2_4-.Ltmp5, $4  }
0x10f: {  	s1 =	simm.s32 $0x9680  }
0x110: {  	[tilespmem:s1], [sflag:$0x1] =	stream.indirect_vreg.gather [hbm4b:s2+s3], $0x80, v3, vm0, $0xb8;
	[tilespmem:$0x14680] =	vst v63  }
0x111: {  	s1 =	simm.s32 $0x9E80  }
0x112: {  	[tilespmem:s1], [sflag:$0x1] =	stream.indirect_vreg.gather [hbm4b:s5+s3], $0x80, v3, vm0, $0xb8;
	[tilespmem:$0x14680] =	vst v63  }
.LBB2_6:
0x113: {  	_ =	sfence.sel $0x180000  }
0x114: {  	[bflag:$0x0] =	sbarrier.arrive $0xFFFF  }
0x115: {  	_ =	strace $0x90000047  }
0x116: {  	s0 =	stileid.u32;
	[bflag:$0x2] =	sbarrier.arrive $0xFFFF  }
0x117: {  	p0 =	sne.s32 s0, $0x0;
	s0 =	rddreg [dreg:$0x2]  }
0x118: {  	s0 =	sadd.s32 @!p0 $0x100000, s0  }
0x119: {  	[sflag:s0] =	ssyncadd.tile.s32 @!p0 $0x1;
	_ =	shalt  }
.Lfunc_end2:
_tile_overlayer_lowered:
.L_overlay_start_2:
0x11a: {  	(tag) =	ssettag $0x2  }
0x11b: {  	s0 =	rddreg [dreg:$0x0];
	s2 =	stileid.u32  }
0x11c: {  	s1 =	rddreg [dreg:$0x1];
	p0 =	sne.s32 s2, $0x0  }
0x11d: {  	s3 =	rddreg [dreg:$0x2];
	[bflag:$0x3] =	sbarrier.arrive $0xFFFF;
	s2 =	simm.s32 @!p0 $0x1C04  }
0x11e: {  	[timem:s3], [sflag:s2] =	dma.local @!p0 [hbm:s0], s1  }
0x11f: {  	s0 =	simm.s32 @!p0 $0x4  }
0x120: {  	_ =	swait.ge @!p0 [sflag:s0], s1  }
0x121: {  	s1 =	ssub.s32 @!p0 $0x0, s1;
	[sflag:s0] =	ssyncset.done @!p0 $0x0  }
0x122: {  	[sflag:s0] =	ssyncadd.s32 @!p0 s1  }
0x123: {  	[bflag:$0x3] =	sbarrier.arrive $0xFFFF  }
0x124: {  	_ =	shalt  }

// kernel: kernel.8.cloned.1.call-start
scs
__scs_entry_jumppad:
0x0: {  	(pc) =	sbr.rel $0x88, $3  }
0x1: {  	(tag) =	ssettag $0x0;
	lr =	simm.s32 $0x1  }
0x2: {  	[smem:$0x3F9E] =	sst lr;
	_ =	strace $0xD0000000  }
0x3: {  	_ = 	snop  }
0x4: {  	_ = 	snop  }
0x5: {  	_ = 	snop  }
0x6: {  	_ = 	snop  }
0x7: {  	_ = 	snop  }
__scs_overlays_trampoline_lowered:
0x8: {  	[smem:$0x3FAD] =	sst s0  }
0x9: {  	[smem:$0x3FAE] =	sst s1  }
0xa: {  	[smem:$0x3FAF] =	sst s2  }
0xb: {  	[smem:$0x3FB0] =	sst s3  }
0xc: {  	[smem:$0x3FB1] =	sst s4  }
0xd: {  	[smem:$0x3FB2] =	sst s5  }
0xe: {  	[smem:$0x3FB3] =	sst s6  }
0xf: {  	[smem:$0x3FB4] =	sst s7  }
0x10: {  	[smem:$0x3FB5] =	sst s8  }
0x11: {  	[smem:$0x3FB6] =	sst s9;
	s0 =	simm.s32 @!p0 $0x0  }
0x12: {  	s1 =	sld [smem:$0x3F9C];
	s0 =	simm.s32 @p0 $0x1  }
0x13: {  	[smem:$0x3FB7] =	sst s0;
	s0 =	simm.s32 @!p1 $0x0  }
0x14: {  	s2 =	sld [smem:$0x3F9B];
	s0 =	simm.s32 @p1 $0x1  }
0x15: {  	[smem:$0x3FB8] =	sst s0;
	s0 =	simm.s32 @!p2 $0x0  }
0x16: {  	s3 =	sld [smem:$0x3FDB];
	s0 =	simm.s32 @p2 $0x1  }
0x17: {  	s4 =	simm.s32 $0x1BF5;
	[smem:$0x3FBA] =	sst s0  }
0x18: {  	s0 =	sld [smem:$0x3F9D];
	_ =	swait.ge [sflag:s4], $0x0  }
0x19: {  	s7 =	sld [smem:$0x3F9E]  }
0x1a: {  	s8 =	sadd.s32 $0xFFFFE003, lr  }
0x1b: {  	s9 =	sadd.s32 $0xFFFFFEF7, lr;
	s5 =	simm.s32 $0xFFFFFFFF;
	p2 =	slt.u32 s8, $0xFFFFF086  }
0x1c: {  	p1 =	slt.u32 s9, $0xF7A;
	s5 =	simm.s32 @!p2 $0x0  }
0x1d: {  	s5 =	simm.s32 @p1 $0x1;
	p0 =	seq.s32 s7, s2  }
0x1e: {  	s7 =	smul.u32 @!p0 $0xF7A, s2;
	p2 =	seq.s32 @!p0 s5, $0x0  }
0x1f: {  	s9 =	smul.u32 $0xF7A, s1;
	s8 =	simm.s32 @!p0 $0x1BF5;
	p2 =	por !p2, p0  }
0x20: {  	[sflag:s8] =	ssyncset.s32 @!p0 $0xFFFFF086;
	s6 =	sadd.s32 @!p0 s3, s7;
	s7 =	simm.s32 @!p0 $0x108  }
0x21: {  	s3 =	sadd.s32 s3, s9;
	s6 =	sadd.s32 @!p0 $0x88, s6;
	s7 =	simm.s32 @p2 $0x1082  }
0x22: {  	[simem:s7], [sflag:s8] =	dma.local @!p0 [hbm:s6], $0xF7A  }
0x23: {  	s9 =	sor.u32 $0xD0000000, s2;
	s6 =	simm.s32 $0x108;
	_ =	swait.ge @!p0 [sflag:s8], $0x0  }
0x24: {  	s3 =	sadd.s32 $0x88, s3;
	s6 =	simm.s32 @!p1 $0x1082;
	[sflag:s4] =	ssyncset.s32 $0xFFFFF086  }
0x25: {  	[simem:s6], [sflag:s4] =	dma.local [hbm:s3], $0xF7A  }
0x26: {  	[smem:$0x3F9E] =	sst s1;
	(tag) =	ssettag s2;
	_ =	strace s9  }
0x27: {  	s1 =	sld [smem:$0x3FAE]  }
0x28: {  	s2 =	sld [smem:$0x3FAF]  }
0x29: {  	s4 =	sld [smem:$0x3FB1]  }
0x2a: {  	p0 =	seq.s32 s5, $0x0;
	s5 =	sld [smem:$0x3FB2]  }
0x2b: {  	s6 =	sld [smem:$0x3FB3]  }
0x2c: {  	s7 =	sld [smem:$0x3FB4]  }
0x2d: {  	s3 =	simm.s32 $0x108;
	s8 =	sld [smem:$0x3FB5]  }
0x2e: {  	s3 =	simm.s32 @!p0 $0x1082;
	s9 =	sld [smem:$0x3FB6]  }
0x2f: {  	lr =	sadd.s32 s0, s3;
	s0 =	sld [smem:$0x3FAD]  }
0x30: {  	s3 =	sld [smem:$0x3FB0]  }
0x31: {  	[smem:$0x3FB9] =	sst s10  }
0x32: {  	s10 =	sld [smem:$0x3FB7];
	_ =	sdelay $0x3  }
0x33: {  	p0 =	seq.s32 s10, $0x1;
	s10 =	sld [smem:$0x3FB9];
	_ =	sdelay $0x3  }
0x34: {  	[smem:$0x3FB9] =	sst s10  }
0x35: {  	s10 =	sld [smem:$0x3FB8];
	_ =	sdelay $0x3  }
0x36: {  	p1 =	seq.s32 s10, $0x1;
	s10 =	sld [smem:$0x3FB9];
	_ =	sdelay $0x3  }
0x37: {  	[smem:$0x3FB9] =	sst s10  }
0x38: {  	s10 =	sld [smem:$0x3FBA]  }
0x39: {  	_ = 	snop;
	(pc) =	sbr.ind lr, $3  }
0x3a: {  	_ = 	snop  }
0x3b: {  	_ = 	snop  }
0x3c: {  	p2 =	seq.s32 s10, $0x1;
	s10 =	sld [smem:$0x3FB9]  }
0x3d: {  	_ =	shalt  }
0x3e: {  	_ =	shalt  }
0x3f: {  	_ =	shalt  }
0x40: {  	_ =	shalt  }
0x41: {  	_ =	shalt  }
0x42: {  	_ =	shalt  }
0x43: {  	_ =	shalt  }
0x44: {  	_ =	shalt  }
0x45: {  	_ =	shalt  }
0x46: {  	_ =	shalt  }
0x47: {  	_ =	shalt  }
0x48: {  	_ =	shalt  }
0x49: {  	_ =	shalt  }
0x4a: {  	_ =	shalt  }
0x4b: {  	_ =	shalt  }
0x4c: {  	_ =	shalt  }
0x4d: {  	_ =	shalt  }
0x4e: {  	_ =	shalt  }
0x4f: {  	_ =	shalt  }
0x50: {  	_ =	shalt  }
0x51: {  	_ =	shalt  }
0x52: {  	_ =	shalt  }
0x53: {  	_ =	shalt  }
0x54: {  	_ =	shalt  }
0x55: {  	_ =	shalt  }
0x56: {  	_ =	shalt  }
0x57: {  	_ =	shalt  }
0x58: {  	_ =	shalt  }
0x59: {  	_ =	shalt  }
0x5a: {  	_ =	shalt  }
0x5b: {  	_ =	shalt  }
0x5c: {  	_ =	shalt  }
0x5d: {  	_ =	shalt  }
0x5e: {  	_ =	shalt  }
0x5f: {  	_ =	shalt  }
0x60: {  	_ =	shalt  }
0x61: {  	_ =	shalt  }
0x62: {  	_ =	shalt  }
0x63: {  	_ =	shalt  }
0x64: {  	_ =	shalt  }
0x65: {  	_ =	shalt  }
0x66: {  	_ =	shalt  }
0x67: {  	_ =	shalt  }
0x68: {  	_ =	shalt  }
0x69: {  	_ =	shalt  }
0x6a: {  	_ =	shalt  }
0x6b: {  	_ =	shalt  }
0x6c: {  	_ =	shalt  }
0x6d: {  	_ =	shalt  }
0x6e: {  	_ =	shalt  }
0x6f: {  	_ =	shalt  }
0x70: {  	_ =	shalt  }
0x71: {  	_ =	shalt  }
0x72: {  	_ =	shalt  }
0x73: {  	_ =	shalt  }
0x74: {  	_ =	shalt  }
0x75: {  	_ =	shalt  }
0x76: {  	_ =	shalt  }
0x77: {  	_ =	shalt  }
0x78: {  	_ =	shalt  }
0x79: {  	_ =	shalt  }
0x7a: {  	_ =	shalt  }
0x7b: {  	_ =	shalt  }
0x7c: {  	_ =	shalt  }
0x7d: {  	_ =	shalt  }
0x7e: {  	_ =	shalt  }
0x7f: {  	_ =	shalt  }
0x80: {  	_ =	shalt  }
0x81: {  	_ =	shalt  }
0x82: {  	_ =	shalt  }
0x83: {  	_ =	shalt  }
0x84: {  	_ =	shalt  }
0x85: {  	_ =	shalt  }
0x86: {  	_ =	shalt  }
0x87: {  	_ =	shalt  }
.Lfunc_end0:
.L_simem_size_0:
called_computation.1_lowered:
.L_overlay_start_0:
0x88: {  	s2 =	sld [smem:$0x3FD9]  }
0x89: {  	s3 =	sld [smem:$0x3FFE];
	_ =	sdelay $0x1  }
0x8a: {  	s1 =	srdreg.scid  }
0x8b: {  	s0 =	sand.u32 $0x1, s1  }
0x8c: {  	s15 =	sshll.u32 s0, $0xA;
	s2 =	sadd.s32 s3, s2  }
0x8d: {  	s2 =	sadd.s32 s2, s15  }
0x8e: {  	[smem:$0x3FC5] =	sst s2  }
0x8f: {  	_ = 	snop  }
0x90: {  	s2 =	sld [smem:$0x3FD0];
	_ =	sdelay $0x2  }
0x91: {  	s16 =	simm.s32 $0xB;
	s4 =	simm.s32 $0x10  }
0x92: {  	[smem:s4], [sflag:s16] =	dma.local [hbm:s2], $0x1  }
0x93: {  	_ =	swait.eq [sflag:s16], $0x1  }
0x94: {  	[sflag:s16] =	ssyncset.done $0x0  }
0x95: {  	[sflag:s16] =	ssyncadd.s32 $0xFFFFFFFF  }
0x96: {  	s17 =	sld [smem:$0x11];
	(tm) =	ssettm $0x1  }
0x97: {  	s18 =	sld [smem:$0x3FFB];
	_ =	sdelay $0x3  }
0x98: {  	_ =	strace s18  }
0x99: {  	s2 =	sld [smem:$0x3FFC];
	_ =	sdelay $0x3  }
0x9a: {  	_ =	strace s2  }
0x9b: {  	s2 =	sld [smem:$0x3FFD];
	_ =	sdelay $0x3  }
0x9c: {  	_ =	strace s2  }
0x9d: {  	_ =	strace $0x8FFFFFFF  }
0x9e: {  	s19 =	sld [smem:$0x3FDB];
	_ =	sdelay $0x1  }
0x9f: {  	s20 =	simm.s32 $_scs_section_size  }
0xa0: {  	s5 =	simm.s32 $_size__tile_overlayer_lowered;
	s6 =	simm.s32 $_tile_overlayer_lowered  }
0xa1: {  	s7 =	simm.s32 $0x1BFF;
	s21 =	sshll.u32 s6, $0x1;
	s4 =	sadd.s32 s20, s19  }
0xa2: {  	s22 =	simm.s32 $0x0;
	s5 =	sshll.u32 s5, $0x1;
	s6 =	sadd.s32 s21, s4  }
0xa3: {  	[timem:s22], [sflag:s7] =	dma.local [hbm:s6], s5  }
0xa4: {  	_ =	swait.ge [sflag:s7], s5  }
0xa5: {  	s5 =	ssub.s32 $0x0, s5;
	[sflag:s7] =	ssyncset.done $0x0  }
0xa6: {  	[sflag:s7] =	ssyncadd.s32 s5;
	_ =	sdelay $0x1  }
0xa7: {  	s23 =	simm.s32 $0x1B8B  }
0xa8: {  	_ =	swait.ge [sflag:s23], $0x1  }
0xa9: {  	[sflag:s23] =	ssyncset.done $0x0  }
0xaa: {  	[sflag:s23] =	ssyncadd.s32 $0xFFFFFFFF  }
0xab: {  	s5 =	sld [smem:$0x0]  }
0xac: {  	s6 =	sand.u32 $0xFFFFFFFE, s1  }
0xad: {  	p0 =	sne.s32 s1, s6  }
0xae: {  	s6 =	sshll.u32 @p0 s6, $0xE  }
0xaf: {  	s6 =	sadd.s32 @p0 $0x11B8D, s6;
	s7 =	sshll.u32 @p0 s5, $0x11  }
0xb0: {  	s6 =	sor.u32 @p0 s7, s6  }
0xb1: {  	[sflag:s6] =	ssyncadd.remote.s32 @p0 $0x1;
	_ =	sdelay $0x1  }
0xb2: {  	s6 =	simm.s32 @p0 $0x1B8D  }
0xb3: {  	_ =	swait.eq @p0 [sflag:s6], $0x1  }
0xb4: {  	[sflag:s6] =	ssyncadd.s32 @p0 $0xFFFFFFFF  }
0xb5: {  	s7 =	sshll.u32 @!p0 s1, $0xE  }
0xb6: {  	s7 =	sor.u32 @!p0 $0x4000, s7;
	s6 =	simm.s32 @!p0 $0x1B8D  }
0xb7: {  	s5 =	sshll.u32 @!p0 s5, $0x11;
	s7 =	sadd.s32 @!p0 $0x11B8D, s7;
	_ =	swait.eq @!p0 [sflag:s6], $0x1  }
0xb8: {  	s5 =	sor.u32 @!p0 s5, s7;
	[sflag:s6] =	ssyncadd.s32 @!p0 $0xFFFFFFFF  }
0xb9: {  	s25 =	simm.s32 $0x1B8E;
	s24 =	sld [smem:$0x3FFE];
	[sflag:s5] =	ssyncadd.remote.s32 @!p0 $0x1  }
0xba: {  	s26 =	simm.s32 $execute0_lowered;
	[smem:$0x3FD2] =	sst s25  }
0xbb: {  	s6 =	sshll.u32 s26, $0x1;
	_ =	strace $0x80000049;
	[dreg:$0x1] =	wrdreg $0xFFFFFFFF  }
0xbc: {  	s28 =	simm.s32 $_size_execute0_lowered;
	s4 =	sadd.s32 s4, s6;
	[dreg:$0x0] =	wrdreg $0x0  }
0xbd: {  	s6 =	sshll.u32 s28, $0x1;
	[dreg:$0x2] =	wrdreg s4  }
0xbe: {  	[dreg:$0x3] =	wrdreg s6  }
0xbf: {  	[dreg:$0x4] =	wrdreg $0xC0  }
0xc0: {  	_ =	task [dreg:s22], $0x5FFFF  }
0xc1: {  	[dreg:$0x1] =	wrdreg $0xFFFFFFFF  }
0xc2: {  	[dreg:$0x0] =	wrdreg $0x60  }
0xc3: {  	[dreg:$0x2] =	wrdreg s24  }
0xc4: {  	[dreg:$0x3] =	wrdreg s17  }
0xc5: {  	[dreg:$0x4] =	wrdreg $0xA  }
0xc6: {  	_ =	task.clear_ibuf [dreg:s22], $0x5FFFF;
	_ =	strace $0x90000049  }
0xc7: {  	s29 =	simm.s32 $0xA;
	_ =	strace $0x8000004B  }
0xc8: {  	_ =	swait.ge [sflag:s29], $0x1  }
0xc9: {  	[sflag:s29] =	ssyncadd.s32 $0xFFFFFFFF  }
0xca: {  	_ =	strace $0x9000004B  }
0xcb: {  	_ =	sfence  }
0xcc: {  	s30 =	sld [smem:$0x0];
	_ =	sdelay $0x2  }
0xcd: {  	s31 =	sshll.u32 s1, $0xD;
	s1 =	sshrl.u32 s1, $0x2  }
0xce: {  	s4 =	sand.u32 $0x4000, s31;
	s1 =	sadd.s32 s1, s30  }
0xcf: {  	s0 =	sor.u32 s4, s0;
	s1 =	sshll.u32 s1, $0x11  }
0xd0: {  	s0 =	sor.u32 s1, s0  }
0xd1: {  	s0 =	sadd.s32 $0x8F2B, s0  }
0xd2: {  	[sflag:s0] =	ssyncadd.remote.s32 $0x1  }
0xd3: {  	_ =	sfence.sel $0xFFFF  }
0xd4: {  	[dreg:$0x0] =	wrdreg $0xFFFFFFFF;
	(pc) =	sbr.abs _section_cstart, $3  }
0xd5: {  	[dreg:$0x1] =	wrdreg $0xFFFFFFFF  }
0xd6: {  	_ =	task.clear_ibuf [dreg:s22], $0x2FFFF;
	_ =	strace $0x9FFFFFFF  }
0xd7: {  	(tm) =	ssettm $0x7FFFFFFF  }
tec
execute0_lowered:
.L_overlay_start_1:
0x0: {  	(tag) =	ssettag $0x1  }
0x1: {  	v0 =	vlaneseq.u32  }
0x2: {  	v0 =	vmul.u32 $0x80, v0;
	_ =	sdelay $0x1  }
0x3: {  	v1 =	vor.u32 $0x1, v0;
	v5 =	vor.u32 $0x5, v0;
	v6 =	vor.u32 $0x6, v0  }
0x4: {  	v7 =	vor.u32 $0x7, v0;
	v8 =	vor.u32 $0x8, v0;
	v9 =	vor.u32 $0x9, v0  }
0x5: {  	v10 =	vor.u32 $0xA, v0;
	v11 =	vor.u32 $0xB, v0;
	v12 =	vor.u32 $0xC, v0  }
0x6: {  	v13 =	vor.u32 $0xD, v0;
	v14 =	vor.u32 $0xE, v0;
	v15 =	vor.u32 $0xF, v0  }
0x7: {  	v16 =	vor.u32 $0x10, v0;
	v17 =	vor.u32 $0x11, v0;
	v18 =	vor.u32 $0x12, v0  }
0x8: {  	v19 =	vor.u32 $0x13, v0;
	v20 =	vor.u32 $0x14, v0;
	v21 =	vor.u32 $0x15, v0  }
0x9: {  	v22 =	vor.u32 $0x16, v0;
	v23 =	vor.u32 $0x17, v0;
	v24 =	vor.u32 $0x18, v0  }
0xa: {  	s3 =	rddreg [dreg:$0x0];
	v25 =	vor.u32 $0x19, v0;
	v26 =	vor.u32 $0x1A, v0;
	v27 =	vor.u32 $0x1B, v0  }
0xb: {  	s5 =	rddreg [dreg:$0x1];
	v28 =	vor.u32 $0x1C, v0;
	v29 =	vor.u32 $0x1D, v0;
	v30 =	vor.u32 $0x1E, v0  }
0xc: {  	s0 =	rddreg [dreg:$0x2];
	s4 =	srdreg.scid;
	s2 =	simm.s32 $0x0;
	v31 =	vor.u32 $0x1F, v0;
	v32 =	vor.u32 $0x800, v0;
	v33 =	vor.u32 $0x801, v0  }
0xd: {  	s1 =	stileid.u32;
	s12 =	simm.s32 $0x400;
	s13 =	simm.s32 $0x2000;
	v34 =	vor.u32 $0x802, v0;
	v35 =	vor.u32 $0x803, v0;
	v36 =	vor.u32 $0x804, v0  }
0xe: {  	s14 =	simm.s32 $0x4180;
	s15 =	simm.s32 $0x2;
	s16 =	simm.s32 $0x0;
	v37 =	vor.u32 $0x805, v0;
	v38 =	vor.u32 $0x806, v0;
	v39 =	vor.u32 $0x807, v0  }
0xf: {  	s6 =	sand.u32 $0x1, s4;
	[smem:$0x7FF] =	sst s2;
	s28 =	sshll.u32 s1, $0x5;
	v40 =	vor.u32 $0x808, v0;
	v41 =	vor.u32 $0x809, v0;
	v42 =	vor.u32 $0x80A, v0  }
0x10: {  	s4 =	sshll.u32 s1, $0x1;
	s9 =	sshll.u32 s1, $0x8;
	s11 =	sshll.u32 s1, $0xA;
	v43 =	vor.u32 $0x80B, v0;
	v44 =	vor.u32 $0x80C, v0;
	v45 =	vor.u32 $0x80D, v0  }
0x11: {  	s7 =	ssub.s32 $0x2, s6;
	s8 =	sadd.s32 s28, s3;
	s3 =	sadd.s32 $0x322400, s3;
	v46 =	vor.u32 $0x80E, v0;
	v47 =	vor.u32 $0x80F, v0;
	v48 =	vor.u32 $0x810, v0  }
0x12: {  	s10 =	sshll.u32 s6, $0x7;
	s6 =	sshll.u32 s6, $0x4;
	s30 =	sand.u32 $0x3000, s11;
	v49 =	vor.u32 $0x811, v0;
	v50 =	vor.u32 $0x812, v0;
	v51 =	vor.u32 $0x813, v0  }
.Ltmp0:
0x13: {  	s11 =	simm.s32 $0x1;
	s29 =	sshrl.u32 s7, $0x1;
	v52 =	vor.u32 $0x814, v0;
	v53 =	vor.u32 $0x815, v0;
	[tilespmem:$0x1FFC0] =	vst v1;
	v1 =	vor.u32 $0x2, v0;
	(pc) =	sbr.rel .LBB2_1-.Ltmp0, $4  }
0x14: {  	s9 =	sor.u32 s10, s9;
	s6 =	sadd.s32 s6, s8;
	s31 =	sadd.s32 s30, s5;
	v54 =	vor.u32 $0x816, v0;
	v55 =	vor.u32 $0x817, v0;
	[tilespmem:$0x1FFD0] =	vst v1;
	v1 =	vor.u32 $0x3, v0  }
0x15: {  	s8 =	simm.s32 $0x3;
	s10 =	simm.s32 $0x180;
	v56 =	vor.u32 $0x818, v0;
	v57 =	vor.u32 $0x819, v0;
	s7 =	ssub.s32 s7, s29;
	[tilespmem:$0x1FFE0] =	vst v1;
	v1 =	vor.u32 $0x4, v0  }
0x16: {  	v58 =	vor.u32 $0x81A, v0;
	v59 =	vor.u32 $0x81B, v0;
	v60 =	vor.u32 $0x81C, v0;
	s9 =	sand.u32 $0x380, s9;
	s6 =	sadd.s32 $0xA00, s6;
	s5 =	smax.u32 s7, $0x1;
	[tilespmem:$0x1FFF0] =	vst v1  }
0x17: {  	v61 =	vor.u32 $0x81D, v0;
	v62 =	vor.u32 $0x81E, v0;
	v63 =	vor.u32 $0x81F, v0;
	s7 =	sadd.s32 s9, s31;
	s9 =	simm.s32 $0x80;
	_ =	strace $0x8000004A  }
.LBB2_5:
0x18: {  	s16 =	sadd.s32 $0x1, s16  }
0x19: {  	p0 =	sne.s32 s16, s5  }
.Ltmp1:
0x1a: {  	_ = 	snop;
	(pc) =	sbr.rel @!p0 .LBB2_6-.Ltmp1, $1  }
0x1b: {  	_ =	sdelay $0x3  }
.LBB2_1:
.Ltmp2:
0x1c: {  	(pc) =	sbr.rel .LBB2_2-.Ltmp2, $2  }
0x1d: {  	_ =	sdelay $0x2  }
0x1e: {  	s17 =	smov.u32 s7;
	s18 =	smov.u32 s6;
	s19 =	simm.s32 $0x0  }
.LBB2_4:
0x1f: {  	s19 =	sadd.s32 $0x20, s19  }
0x20: {  	p0 =	sne.s32 s19, $0x1A0  }
.Ltmp3:
0x21: {  	_ = 	snop;
	(pc) =	sbr.rel @!p0 .LBB2_5-.Ltmp3, $2  }
0x22: {  	_ =	sdelay $0x2  }
0x23: {  	s18 =	sadd.s32 $0x200, s18;
	s17 =	sadd.s32 $0x4000, s17  }
.LBB2_2:
0x24: {  	s20 =	sadd.s32 s19, s4  }
0x25: {  	p0 =	sgt.u32 s20, $0x18F  }
.Ltmp4:
0x26: {  	_ = 	snop;
	(pc) =	sbr.rel @p0 .LBB2_4-.Ltmp4, $1  }
0x27: {  	_ =	sdelay $0x3  }
0x28: {  	[tilespmem:s2], [sflag:$0x3] =	stream.linear.gather [hbm4b:s18+s2], $0x80, $0x38;
	[tilespmem:$0x5180] =	vst v63  }
0x29: {  	_ =	swait.ge [sflag:s8], $0x80  }
0x2a: {  	[sflag:s8] =	ssyncset.done $0x0  }
0x2b: {  	[sflag:s8] =	ssyncadd.s32 $0xFFFFFF80  }
0x2c: {  	v1 =	vld [tilespmem:$0x0];
	_ =	sdelay $0x1  }
0x2d: {  	v2 =	vld [tilespmem:$0x10];
	_ =	sdelay $0x1  }
0x2e: {  	v3 =	vld [tilespmem:$0x20]  }
0x2f: {  	v4 =	vshrl.u32 v1, $0x2;
	v1 =	vshll.u32 v1, $0x5  }
0x30: {  	[tilespmem:$0x80] =	vst v4;
	v1 =	vand.u32 $0x60, v1;
	v4 =	vld [tilespmem:$0x30]  }
0x31: {  	[tilespmem:$0x100] =	vst v1;
	v1 =	vshrl.u32 v2, $0x2;
	v2 =	vshll.u32 v2, $0x5  }
0x32: {  	[tilespmem:$0x90] =	vst v1;
	v1 =	vand.u32 $0x60, v2;
	v2 =	vld [tilespmem:$0x40]  }
0x33: {  	[tilespmem:$0x110] =	vst v1;
	v1 =	vshrl.u32 v3, $0x2;
	v3 =	vshll.u32 v3, $0x5  }
0x34: {  	[tilespmem:$0xA0] =	vst v1;
	v1 =	vand.u32 $0x60, v3;
	v3 =	vld [tilespmem:$0x50]  }
0x35: {  	[tilespmem:$0x120] =	vst v1;
	v1 =	vshrl.u32 v4, $0x2;
	v4 =	vshll.u32 v4, $0x5  }
0x36: {  	[tilespmem:$0xB0] =	vst v1;
	v1 =	vand.u32 $0x60, v4;
	v4 =	vld [tilespmem:$0x60]  }
0x37: {  	[tilespmem:$0x130] =	vst v1;
	v1 =	vshrl.u32 v2, $0x2;
	v2 =	vshll.u32 v2, $0x5  }
0x38: {  	[tilespmem:$0xC0] =	vst v1;
	v1 =	vand.u32 $0x60, v2;
	v2 =	vld [tilespmem:$0x70]  }
0x39: {  	[tilespmem:$0x140] =	vst v1;
	v1 =	vshrl.u32 v3, $0x2;
	v3 =	vshll.u32 v3, $0x5  }
0x3a: {  	[tilespmem:$0xD0] =	vst v1;
	v1 =	vand.u32 $0x60, v3  }
0x3b: {  	[tilespmem:$0x150] =	vst v1;
	v1 =	vshrl.u32 v4, $0x2;
	v3 =	vshll.u32 v4, $0x5  }
0x3c: {  	[tilespmem:$0xE0] =	vst v1;
	v1 =	vand.u32 $0x60, v3  }
0x3d: {  	[tilespmem:$0x160] =	vst v1;
	v1 =	vshrl.u32 v2, $0x2;
	v2 =	vshll.u32 v2, $0x5  }
0x3e: {  	[tilespmem:$0xF0] =	vst v1;
	v1 =	vand.u32 $0x60, v2  }
0x3f: {  	[tilespmem:$0x170] =	vst v1  }
0x40: {  	[tilespmem:s10], [sflag:$0x1] =	stream.indirect.gather [hbm4b:s3+s9], $0x80, s9, s9, $0xb8;
	[tilespmem:$0x5180] =	vst v63  }
0x41: {  	_ =	swait.ge [sflag:s11], $0x4000  }
0x42: {  	[sflag:s11] =	ssyncset.done $0x0  }
0x43: {  	[sflag:s11] =	ssyncadd.s32 $0xFFFFC000  }
0x44: {  	v1 =	vld [tilespmem:$0x100];
	_ =	sdelay $0x4  }
0x45: {  	v2 =	vadd.s32 v0, v1  }
0x46: {  	v3 =	vld [tilespmem:$0x1FFC0];
	_ =	sdelay $0x3  }
0x47: {  	v2 =	vld.idx.msk [tilespmem:v2+s10+$0x0], $0xffff  }
0x48: {  	v3 =	vadd.s32 v3, v1;
	_ =	sdelay $0x3  }
0x49: {  	[tilespmem:$0x4180] =	vst v2  }
0x4a: {  	v2 =	vld.idx.msk [tilespmem:v3+s10+$0x0], $0xffff  }
0x4b: {  	v3 =	vld [tilespmem:$0x1FFD0];
	_ =	sdelay $0x4  }
0x4c: {  	v3 =	vadd.s32 v3, v1;
	_ =	sdelay $0x3  }
0x4d: {  	[tilespmem:$0x4200] =	vst v2  }
0x4e: {  	v2 =	vld.idx.msk [tilespmem:v3+s10+$0x0], $0xffff  }
0x4f: {  	v3 =	vld [tilespmem:$0x1FFE0];
	_ =	sdelay $0x4  }
0x50: {  	v3 =	vadd.s32 v3, v1;
	_ =	sdelay $0x3  }
0x51: {  	[tilespmem:$0x4280] =	vst v2  }
0x52: {  	v2 =	vld.idx.msk [tilespmem:v3+s10+$0x0], $0xffff  }
0x53: {  	v3 =	vld [tilespmem:$0x1FFF0];
	_ =	sdelay $0x4  }
0x54: {  	v3 =	vadd.s32 v3, v1;
	_ =	sdelay $0x3  }
0x55: {  	[tilespmem:$0x4300] =	vst v2  }
0x56: {  	v2 =	vld.idx.msk [tilespmem:v3+s10+$0x0], $0xffff  }
0x57: {  	v3 =	vadd.s32 v5, v1;
	_ =	sdelay $0x3  }
0x58: {  	[tilespmem:$0x4380] =	vst v2  }
0x59: {  	v2 =	vld.idx.msk [tilespmem:v3+s10+$0x0], $0xffff  }
0x5a: {  	v3 =	vadd.s32 v6, v1;
	_ =	sdelay $0x3  }
0x5b: {  	[tilespmem:$0x4400] =	vst v2  }
0x5c: {  	v2 =	vld.idx.msk [tilespmem:v3+s10+$0x0], $0xffff  }
0x5d: {  	v3 =	vadd.s32 v7, v1;
	_ =	sdelay $0x3  }
0x5e: {  	[tilespmem:$0x4480] =	vst v2  }
0x5f: {  	v2 =	vld.idx.msk [tilespmem:v3+s10+$0x0], $0xffff  }
0x60: {  	v3 =	vadd.s32 v8, v1;
	_ =	sdelay $0x3  }
0x61: {  	[tilespmem:$0x4500] =	vst v2  }
0x62: {  	v2 =	vld.idx.msk [tilespmem:v3+s10+$0x0], $0xffff  }
0x63: {  	v3 =	vadd.s32 v9, v1;
	_ =	sdelay $0x3  }
0x64: {  	[tilespmem:$0x4580] =	vst v2  }
0x65: {  	v2 =	vld.idx.msk [tilespmem:v3+s10+$0x0], $0xffff  }
0x66: {  	v3 =	vadd.s32 v10, v1;
	_ =	sdelay $0x3  }
0x67: {  	[tilespmem:$0x4600] =	vst v2  }
0x68: {  	v2 =	vld.idx.msk [tilespmem:v3+s10+$0x0], $0xffff  }
0x69: {  	v3 =	vadd.s32 v11, v1;
	_ =	sdelay $0x3  }
0x6a: {  	[tilespmem:$0x4680] =	vst v2  }
0x6b: {  	v2 =	vld.idx.msk [tilespmem:v3+s10+$0x0], $0xffff  }
0x6c: {  	v3 =	vadd.s32 v12, v1;
	_ =	sdelay $0x3  }
0x6d: {  	[tilespmem:$0x4700] =	vst v2  }
0x6e: {  	v2 =	vld.idx.msk [tilespmem:v3+s10+$0x0], $0xffff  }
0x6f: {  	v3 =	vadd.s32 v13, v1;
	_ =	sdelay $0x3  }
0x70: {  	[tilespmem:$0x4780] =	vst v2  }
0x71: {  	v2 =	vld.idx.msk [tilespmem:v3+s10+$0x0], $0xffff  }
0x72: {  	v3 =	vadd.s32 v14, v1;
	_ =	sdelay $0x3  }
0x73: {  	[tilespmem:$0x4800] =	vst v2  }
0x74: {  	v2 =	vld.idx.msk [tilespmem:v3+s10+$0x0], $0xffff  }
0x75: {  	v3 =	vadd.s32 v15, v1;
	_ =	sdelay $0x3  }
0x76: {  	[tilespmem:$0x4880] =	vst v2  }
0x77: {  	v2 =	vld.idx.msk [tilespmem:v3+s10+$0x0], $0xffff  }
0x78: {  	v3 =	vadd.s32 v16, v1;
	_ =	sdelay $0x3  }
0x79: {  	[tilespmem:$0x4900] =	vst v2  }
0x7a: {  	v2 =	vld.idx.msk [tilespmem:v3+s10+$0x0], $0xffff  }
0x7b: {  	v3 =	vadd.s32 v17, v1;
	_ =	sdelay $0x3  }
0x7c: {  	[tilespmem:$0x4980] =	vst v2  }
0x7d: {  	v2 =	vld.idx.msk [tilespmem:v3+s10+$0x0], $0xffff  }
0x7e: {  	v3 =	vadd.s32 v18, v1;
	_ =	sdelay $0x3  }
0x7f: {  	[tilespmem:$0x4A00] =	vst v2  }
0x80: {  	v2 =	vld.idx.msk [tilespmem:v3+s10+$0x0], $0xffff  }
0x81: {  	v3 =	vadd.s32 v19, v1;
	_ =	sdelay $0x3  }
0x82: {  	[tilespmem:$0x4A80] =	vst v2  }
0x83: {  	v2 =	vld.idx.msk [tilespmem:v3+s10+$0x0], $0xffff  }
0x84: {  	v3 =	vadd.s32 v20, v1;
	_ =	sdelay $0x3  }
0x85: {  	[tilespmem:$0x4B00] =	vst v2  }
0x86: {  	v2 =	vld.idx.msk [tilespmem:v3+s10+$0x0], $0xffff  }
0x87: {  	v3 =	vadd.s32 v21, v1;
	_ =	sdelay $0x3  }
0x88: {  	[tilespmem:$0x4B80] =	vst v2  }
0x89: {  	v2 =	vld.idx.msk [tilespmem:v3+s10+$0x0], $0xffff  }
0x8a: {  	v3 =	vadd.s32 v22, v1;
	_ =	sdelay $0x3  }
0x8b: {  	[tilespmem:$0x4C00] =	vst v2  }
0x8c: {  	v2 =	vld.idx.msk [tilespmem:v3+s10+$0x0], $0xffff  }
0x8d: {  	v3 =	vadd.s32 v23, v1;
	_ =	sdelay $0x3  }
0x8e: {  	[tilespmem:$0x4C80] =	vst v2  }
0x8f: {  	v2 =	vld.idx.msk [tilespmem:v3+s10+$0x0], $0xffff  }
0x90: {  	v3 =	vadd.s32 v24, v1;
	_ =	sdelay $0x3  }
0x91: {  	[tilespmem:$0x4D00] =	vst v2  }
0x92: {  	v2 =	vld.idx.msk [tilespmem:v3+s10+$0x0], $0xffff  }
0x93: {  	v3 =	vadd.s32 v25, v1;
	_ =	sdelay $0x3  }
0x94: {  	[tilespmem:$0x4D80] =	vst v2  }
0x95: {  	v2 =	vld.idx.msk [tilespmem:v3+s10+$0x0], $0xffff  }
0x96: {  	v3 =	vadd.s32 v26, v1;
	_ =	sdelay $0x3  }
0x97: {  	[tilespmem:$0x4E00] =	vst v2  }
0x98: {  	v2 =	vld.idx.msk [tilespmem:v3+s10+$0x0], $0xffff  }
0x99: {  	v3 =	vadd.s32 v27, v1;
	_ =	sdelay $0x3  }
0x9a: {  	[tilespmem:$0x4E80] =	vst v2  }
0x9b: {  	v2 =	vld.idx.msk [tilespmem:v3+s10+$0x0], $0xffff  }
0x9c: {  	v3 =	vadd.s32 v28, v1;
	_ =	sdelay $0x3  }
0x9d: {  	[tilespmem:$0x4F00] =	vst v2  }
0x9e: {  	v2 =	vld.idx.msk [tilespmem:v3+s10+$0x0], $0xffff  }
0x9f: {  	v3 =	vadd.s32 v29, v1;
	_ =	sdelay $0x3  }
0xa0: {  	[tilespmem:$0x4F80] =	vst v2  }
0xa1: {  	v2 =	vld.idx.msk [tilespmem:v3+s10+$0x0], $0xffff  }
0xa2: {  	v3 =	vadd.s32 v30, v1;
	_ =	sdelay $0x3  }
0xa3: {  	[tilespmem:$0x5000] =	vst v2  }
0xa4: {  	v2 =	vld.idx.msk [tilespmem:v3+s10+$0x0], $0xffff  }
0xa5: {  	v1 =	vadd.s32 v31, v1  }
0xa6: {  	v3 =	vld [tilespmem:$0x110];
	_ =	sdelay $0x2  }
0xa7: {  	[tilespmem:$0x5080] =	vst v2  }
0xa8: {  	v1 =	vld.idx.msk [tilespmem:v1+s10+$0x0], $0xffff  }
0xa9: {  	v2 =	vadd.s32 v32, v3;
	_ =	sdelay $0x3  }
0xaa: {  	[tilespmem:$0x5100] =	vst v1  }
0xab: {  	v1 =	vld.idx.msk [tilespmem:v2+s10+$0x0], $0xffff  }
0xac: {  	v2 =	vadd.s32 v33, v3;
	_ =	sdelay $0x3  }
0xad: {  	[tilespmem:$0x4190] =	vst v1  }
0xae: {  	v1 =	vld.idx.msk [tilespmem:v2+s10+$0x0], $0xffff  }
0xaf: {  	v2 =	vadd.s32 v34, v3;
	_ =	sdelay $0x3  }
0xb0: {  	[tilespmem:$0x4210] =	vst v1  }
0xb1: {  	v1 =	vld.idx.msk [tilespmem:v2+s10+$0x0], $0xffff  }
0xb2: {  	v2 =	vadd.s32 v35, v3;
	_ =	sdelay $0x3  }
0xb3: {  	[tilespmem:$0x4290] =	vst v1  }
0xb4: {  	v1 =	vld.idx.msk [tilespmem:v2+s10+$0x0], $0xffff  }
0xb5: {  	v2 =	vadd.s32 v36, v3;
	_ =	sdelay $0x3  }
0xb6: {  	[tilespmem:$0x4310] =	vst v1  }
0xb7: {  	v1 =	vld.idx.msk [tilespmem:v2+s10+$0x0], $0xffff  }
0xb8: {  	v2 =	vadd.s32 v37, v3;
	_ =	sdelay $0x3  }
0xb9: {  	[tilespmem:$0x4390] =	vst v1  }
0xba: {  	v1 =	vld.idx.msk [tilespmem:v2+s10+$0x0], $0xffff  }
0xbb: {  	v2 =	vadd.s32 v38, v3;
	_ =	sdelay $0x3  }
0xbc: {  	[tilespmem:$0x4410] =	vst v1  }
0xbd: {  	v1 =	vld.idx.msk [tilespmem:v2+s10+$0x0], $0xffff  }
0xbe: {  	v2 =	vadd.s32 v39, v3;
	_ =	sdelay $0x3  }
0xbf: {  	[tilespmem:$0x4490] =	vst v1  }
0xc0: {  	v1 =	vld.idx.msk [tilespmem:v2+s10+$0x0], $0xffff  }
0xc1: {  	v2 =	vadd.s32 v40, v3;
	_ =	sdelay $0x3  }
0xc2: {  	[tilespmem:$0x4510] =	vst v1  }
0xc3: {  	v1 =	vld.idx.msk [tilespmem:v2+s10+$0x0], $0xffff  }
0xc4: {  	v2 =	vadd.s32 v41, v3;
	_ =	sdelay $0x3  }
0xc5: {  	[tilespmem:$0x4590] =	vst v1  }
0xc6: {  	v1 =	vld.idx.msk [tilespmem:v2+s10+$0x0], $0xffff  }
0xc7: {  	v2 =	vadd.s32 v42, v3;
	_ =	sdelay $0x3  }
0xc8: {  	[tilespmem:$0x4610] =	vst v1  }
0xc9: {  	v1 =	vld.idx.msk [tilespmem:v2+s10+$0x0], $0xffff  }
0xca: {  	v2 =	vadd.s32 v43, v3;
	_ =	sdelay $0x3  }
0xcb: {  	[tilespmem:$0x4690] =	vst v1  }
0xcc: {  	v1 =	vld.idx.msk [tilespmem:v2+s10+$0x0], $0xffff  }
0xcd: {  	v2 =	vadd.s32 v44, v3;
	_ =	sdelay $0x3  }
0xce: {  	[tilespmem:$0x4710] =	vst v1  }
0xcf: {  	v1 =	vld.idx.msk [tilespmem:v2+s10+$0x0], $0xffff  }
0xd0: {  	v2 =	vadd.s32 v45, v3;
	_ =	sdelay $0x3  }
0xd1: {  	[tilespmem:$0x4790] =	vst v1  }
0xd2: {  	v1 =	vld.idx.msk [tilespmem:v2+s10+$0x0], $0xffff  }
0xd3: {  	v2 =	vadd.s32 v46, v3;
	_ =	sdelay $0x3  }
0xd4: {  	[tilespmem:$0x4810] =	vst v1  }
0xd5: {  	v1 =	vld.idx.msk [tilespmem:v2+s10+$0x0], $0xffff  }
0xd6: {  	v2 =	vadd.s32 v47, v3;
	_ =	sdelay $0x3  }
0xd7: {  	[tilespmem:$0x4890] =	vst v1  }
0xd8: {  	v1 =	vld.idx.msk [tilespmem:v2+s10+$0x0], $0xffff  }
0xd9: {  	v2 =	vadd.s32 v48, v3;
	_ =	sdelay $0x3  }
0xda: {  	[tilespmem:$0x4910] =	vst v1  }
0xdb: {  	v1 =	vld.idx.msk [tilespmem:v2+s10+$0x0], $0xffff  }
0xdc: {  	v2 =	vadd.s32 v49, v3;
	_ =	sdelay $0x3  }
0xdd: {  	[tilespmem:$0x4990] =	vst v1  }
0xde: {  	v1 =	vld.idx.msk [tilespmem:v2+s10+$0x0], $0xffff  }
0xdf: {  	v2 =	vadd.s32 v50, v3;
	_ =	sdelay $0x3  }
0xe0: {  	[tilespmem:$0x4A10] =	vst v1  }
0xe1: {  	v1 =	vld.idx.msk [tilespmem:v2+s10+$0x0], $0xffff  }
0xe2: {  	v2 =	vadd.s32 v51, v3;
	_ =	sdelay $0x3  }
0xe3: {  	[tilespmem:$0x4A90] =	vst v1  }
0xe4: {  	v1 =	vld.idx.msk [tilespmem:v2+s10+$0x0], $0xffff  }
0xe5: {  	v2 =	vadd.s32 v52, v3;
	_ =	sdelay $0x3  }
0xe6: {  	[tilespmem:$0x4B10] =	vst v1  }
0xe7: {  	v1 =	vld.idx.msk [tilespmem:v2+s10+$0x0], $0xffff  }
0xe8: {  	v2 =	vadd.s32 v53, v3;
	_ =	sdelay $0x3  }
0xe9: {  	[tilespmem:$0x4B90] =	vst v1  }
0xea: {  	v1 =	vld.idx.msk [tilespmem:v2+s10+$0x0], $0xffff  }
0xeb: {  	v2 =	vadd.s32 v54, v3;
	_ =	sdelay $0x3  }
0xec: {  	[tilespmem:$0x4C10] =	vst v1  }
0xed: {  	v1 =	vld.idx.msk [tilespmem:v2+s10+$0x0], $0xffff  }
0xee: {  	v2 =	vadd.s32 v55, v3;
	_ =	sdelay $0x3  }
0xef: {  	[tilespmem:$0x4C90] =	vst v1  }
0xf0: {  	v1 =	vld.idx.msk [tilespmem:v2+s10+$0x0], $0xffff  }
0xf1: {  	v2 =	vadd.s32 v56, v3;
	_ =	sdelay $0x3  }
0xf2: {  	[tilespmem:$0x4D10] =	vst v1  }
0xf3: {  	v1 =	vld.idx.msk [tilespmem:v2+s10+$0x0], $0xffff  }
0xf4: {  	v2 =	vadd.s32 v57, v3;
	_ =	sdelay $0x3  }
0xf5: {  	[tilespmem:$0x4D90] =	vst v1  }
0xf6: {  	v1 =	vld.idx.msk [tilespmem:v2+s10+$0x0], $0xffff  }
0xf7: {  	v2 =	vadd.s32 v58, v3;
	_ =	sdelay $0x3  }
0xf8: {  	[tilespmem:$0x4E10] =	vst v1  }
0xf9: {  	v1 =	vld.idx.msk [tilespmem:v2+s10+$0x0], $0xffff  }
0xfa: {  	v2 =	vadd.s32 v59, v3;
	_ =	sdelay $0x3  }
0xfb: {  	[tilespmem:$0x4E90] =	vst v1  }
0xfc: {  	v1 =	vld.idx.msk [tilespmem:v2+s10+$0x0], $0xffff  }
0xfd: {  	v2 =	vadd.s32 v60, v3;
	_ =	sdelay $0x3  }
0xfe: {  	[tilespmem:$0x4F10] =	vst v1  }
0xff: {  	v1 =	vld.idx.msk [tilespmem:v2+s10+$0x0], $0xffff  }
0x100: {  	v2 =	vadd.s32 v61, v3;
	_ =	sdelay $0x3  }
0x101: {  	[tilespmem:$0x4F90] =	vst v1  }
0x102: {  	v1 =	vld.idx.msk [tilespmem:v2+s10+$0x0], $0xffff  }
0x103: {  	v2 =	vadd.s32 v62, v3;
	_ =	sdelay $0x3  }
0x104: {  	[tilespmem:$0x5010] =	vst v1  }
0x105: {  	v1 =	vld.idx.msk [tilespmem:v2+s10+$0x0], $0xffff  }
0x106: {  	v2 =	vadd.s32 v63, v3  }
0x107: {  	v3 =	vld [tilespmem:$0x120];
	_ =	sdelay $0x2  }
0x108: {  	[tilespmem:$0x5090] =	vst v1  }
0x109: {  	v1 =	vld.idx.msk [tilespmem:v2+s10+$0x0], $0xffff;
	v2 =	vor.u32 $0x1000, v0  }
0x10a: {  	v2 =	vadd.s32 v2, v3;
	_ =	sdelay $0x3  }
0x10b: {  	[tilespmem:$0x5110] =	vst v1  }
0x10c: {  	v1 =	vld.idx.msk [tilespmem:v2+s10+$0x0], $0xffff;
	v2 =	vor.u32 $0x1001, v0  }
0x10d: {  	v2 =	vadd.s32 v2, v3;
	_ =	sdelay $0x3  }
0x10e: {  	[tilespmem:$0x41A0] =	vst v1  }
0x10f: {  	v1 =	vld.idx.msk [tilespmem:v2+s10+$0x0], $0xffff;
	v2 =	vor.u32 $0x1002, v0  }
0x110: {  	v2 =	vadd.s32 v2, v3;
	_ =	sdelay $0x3  }
0x111: {  	[tilespmem:$0x4220] =	vst v1  }
0x112: {  	v1 =	vld.idx.msk [tilespmem:v2+s10+$0x0], $0xffff;
	v2 =	vor.u32 $0x1003, v0  }
0x113: {  	v2 =	vadd.s32 v2, v3;
	_ =	sdelay $0x3  }
0x114: {  	[tilespmem:$0x42A0] =	vst v1  }
0x115: {  	v1 =	vld.idx.msk [tilespmem:v2+s10+$0x0], $0xffff;
	v2 =	vor.u32 $0x1004, v0  }
0x116: {  	v2 =	vadd.s32 v2, v3;
	_ =	sdelay $0x3  }
0x117: {  	[tilespmem:$0x4320] =	vst v1  }
0x118: {  	v1 =	vld.idx.msk [tilespmem:v2+s10+$0x0], $0xffff;
	v2 =	vor.u32 $0x1005, v0  }
0x119: {  	v2 =	vadd.s32 v2, v3;
	_ =	sdelay $0x3  }
0x11a: {  	[tilespmem:$0x43A0] =	vst v1  }
0x11b: {  	v1 =	vld.idx.msk [tilespmem:v2+s10+$0x0], $0xffff;
	v2 =	vor.u32 $0x1006, v0  }
0x11c: {  	v2 =	vadd.s32 v2, v3;
	_ =	sdelay $0x3  }
0x11d: {  	[tilespmem:$0x4420] =	vst v1  }
0x11e: {  	v1 =	vld.idx.msk [tilespmem:v2+s10+$0x0], $0xffff;
	v2 =	vor.u32 $0x1007, v0  }
0x11f: {  	v2 =	vadd.s32 v2, v3;
	_ =	sdelay $0x3  }
0x120: {  	[tilespmem:$0x44A0] =	vst v1  }
0x121: {  	v1 =	vld.idx.msk [tilespmem:v2+s10+$0x0], $0xffff;
	v2 =	vor.u32 $0x1008, v0  }
0x122: {  	v2 =	vadd.s32 v2, v3;
	_ =	sdelay $0x3  }
0x123: {  	[tilespmem:$0x4520] =	vst v1  }
0x124: {  	v1 =	vld.idx.msk [tilespmem:v2+s10+$0x0], $0xffff;
	v2 =	vor.u32 $0x1009, v0  }
0x125: {  	v2 =	vadd.s32 v2, v3;
	_ =	sdelay $0x3  }
0x126: {  	[tilespmem:$0x45A0] =	vst v1  }
0x127: {  	v1 =	vld.idx.msk [tilespmem:v2+s10+$0x0], $0xffff;
	v2 =	vor.u32 $0x100A, v0  }
0x128: {  	v2 =	vadd.s32 v2, v3;
	_ =	sdelay $0x3  }
0x129: {  	[tilespmem:$0x4620] =	vst v1  }
0x12a: {  	v1 =	vld.idx.msk [tilespmem:v2+s10+$0x0], $0xffff;
	v2 =	vor.u32 $0x100B, v0  }
0x12b: {  	v2 =	vadd.s32 v2, v3;
	_ =	sdelay $0x3  }
0x12c: {  	[tilespmem:$0x46A0] =	vst v1  }
0x12d: {  	v1 =	vld.idx.msk [tilespmem:v2+s10+$0x0], $0xffff;
	v2 =	vor.u32 $0x100C, v0  }
0x12e: {  	v2 =	vadd.s32 v2, v3;
	_ =	sdelay $0x3  }
0x12f: {  	[tilespmem:$0x4720] =	vst v1  }
0x130: {  	v1 =	vld.idx.msk [tilespmem:v2+s10+$0x0], $0xffff;
	v2 =	vor.u32 $0x100D, v0  }
0x131: {  	v2 =	vadd.s32 v2, v3;
	_ =	sdelay $0x3  }
0x132: {  	[tilespmem:$0x47A0] =	vst v1  }
0x133: {  	v1 =	vld.idx.msk [tilespmem:v2+s10+$0x0], $0xffff;
	v2 =	vor.u32 $0x100E, v0  }
0x134: {  	v2 =	vadd.s32 v2, v3;
	_ =	sdelay $0x3  }
0x135: {  	[tilespmem:$0x4820] =	vst v1  }
0x136: {  	v1 =	vld.idx.msk [tilespmem:v2+s10+$0x0], $0xffff;
	v2 =	vor.u32 $0x100F, v0  }
0x137: {  	v2 =	vadd.s32 v2, v3;
	_ =	sdelay $0x3  }
0x138: {  	[tilespmem:$0x48A0] =	vst v1  }
0x139: {  	v1 =	vld.idx.msk [tilespmem:v2+s10+$0x0], $0xffff;
	v2 =	vor.u32 $0x1010, v0  }
0x13a: {  	v2 =	vadd.s32 v2, v3;
	_ =	sdelay $0x3  }
0x13b: {  	[tilespmem:$0x4920] =	vst v1  }
0x13c: {  	v1 =	vld.idx.msk [tilespmem:v2+s10+$0x0], $0xffff;
	v2 =	vor.u32 $0x1011, v0  }
0x13d: {  	v2 =	vadd.s32 v2, v3;
	_ =	sdelay $0x3  }
0x13e: {  	[tilespmem:$0x49A0] =	vst v1  }
0x13f: {  	v1 =	vld.idx.msk [tilespmem:v2+s10+$0x0], $0xffff;
	v2 =	vor.u32 $0x1012, v0  }
0x140: {  	v2 =	vadd.s32 v2, v3;
	_ =	sdelay $0x3  }
0x141: {  	[tilespmem:$0x4A20] =	vst v1  }
0x142: {  	v1 =	vld.idx.msk [tilespmem:v2+s10+$0x0], $0xffff;
	v2 =	vor.u32 $0x1013, v0  }
0x143: {  	v2 =	vadd.s32 v2, v3;
	_ =	sdelay $0x3  }
0x144: {  	[tilespmem:$0x4AA0] =	vst v1  }
0x145: {  	v1 =	vld.idx.msk [tilespmem:v2+s10+$0x0], $0xffff;
	v2 =	vor.u32 $0x1014, v0  }
0x146: {  	v2 =	vadd.s32 v2, v3;
	_ =	sdelay $0x3  }
0x147: {  	[tilespmem:$0x4B20] =	vst v1  }
0x148: {  	v1 =	vld.idx.msk [tilespmem:v2+s10+$0x0], $0xffff;
	v2 =	vor.u32 $0x1015, v0  }
0x149: {  	v2 =	vadd.s32 v2, v3;
	_ =	sdelay $0x3  }
0x14a: {  	[tilespmem:$0x4BA0] =	vst v1  }
0x14b: {  	v1 =	vld.idx.msk [tilespmem:v2+s10+$0x0], $0xffff;
	v2 =	vor.u32 $0x1016, v0  }
0x14c: {  	v2 =	vadd.s32 v2, v3;
	_ =	sdelay $0x3  }
0x14d: {  	[tilespmem:$0x4C20] =	vst v1  }
0x14e: {  	v1 =	vld.idx.msk [tilespmem:v2+s10+$0x0], $0xffff;
	v2 =	vor.u32 $0x1017, v0  }
0x14f: {  	v2 =	vadd.s32 v2, v3;
	_ =	sdelay $0x3  }
0x150: {  	[tilespmem:$0x4CA0] =	vst v1  }
0x151: {  	v1 =	vld.idx.msk [tilespmem:v2+s10+$0x0], $0xffff;
	v2 =	vor.u32 $0x1018, v0  }
0x152: {  	v2 =	vadd.s32 v2, v3;
	_ =	sdelay $0x3  }
0x153: {  	[tilespmem:$0x4D20] =	vst v1  }
0x154: {  	v1 =	vld.idx.msk [tilespmem:v2+s10+$0x0], $0xffff;
	v2 =	vor.u32 $0x1019, v0  }
0x155: {  	v2 =	vadd.s32 v2, v3;
	_ =	sdelay $0x3  }
0x156: {  	[tilespmem:$0x4DA0] =	vst v1  }
0x157: {  	v1 =	vld.idx.msk [tilespmem:v2+s10+$0x0], $0xffff;
	v2 =	vor.u32 $0x101A, v0  }
0x158: {  	v2 =	vadd.s32 v2, v3;
	_ =	sdelay $0x3  }
0x159: {  	[tilespmem:$0x4E20] =	vst v1  }
0x15a: {  	v1 =	vld.idx.msk [tilespmem:v2+s10+$0x0], $0xffff;
	v2 =	vor.u32 $0x101B, v0  }
0x15b: {  	v2 =	vadd.s32 v2, v3;
	_ =	sdelay $0x3  }
0x15c: {  	[tilespmem:$0x4EA0] =	vst v1  }
0x15d: {  	v1 =	vld.idx.msk [tilespmem:v2+s10+$0x0], $0xffff;
	v2 =	vor.u32 $0x101C, v0  }
0x15e: {  	v2 =	vadd.s32 v2, v3;
	_ =	sdelay $0x3  }
0x15f: {  	[tilespmem:$0x4F20] =	vst v1  }
0x160: {  	v1 =	vld.idx.msk [tilespmem:v2+s10+$0x0], $0xffff;
	v2 =	vor.u32 $0x101D, v0  }
0x161: {  	v2 =	vadd.s32 v2, v3;
	_ =	sdelay $0x3  }
0x162: {  	[tilespmem:$0x4FA0] =	vst v1  }
0x163: {  	v1 =	vld.idx.msk [tilespmem:v2+s10+$0x0], $0xffff;
	v2 =	vor.u32 $0x101E, v0  }
0x164: {  	v2 =	vadd.s32 v2, v3;
	_ =	sdelay $0x3  }
0x165: {  	[tilespmem:$0x5020] =	vst v1  }
0x166: {  	v1 =	vld.idx.msk [tilespmem:v2+s10+$0x0], $0xffff;
	v2 =	vor.u32 $0x101F, v0  }
0x167: {  	v2 =	vadd.s32 v2, v3  }
0x168: {  	v3 =	vld [tilespmem:$0x130];
	_ =	sdelay $0x2  }
0x169: {  	[tilespmem:$0x50A0] =	vst v1  }
0x16a: {  	v1 =	vld.idx.msk [tilespmem:v2+s10+$0x0], $0xffff;
	v2 =	vor.u32 $0x1800, v0  }
0x16b: {  	v2 =	vadd.s32 v2, v3;
	_ =	sdelay $0x3  }
0x16c: {  	[tilespmem:$0x5120] =	vst v1  }
0x16d: {  	v1 =	vld.idx.msk [tilespmem:v2+s10+$0x0], $0xffff;
	v2 =	vor.u32 $0x1801, v0  }
0x16e: {  	v2 =	vadd.s32 v2, v3;
	_ =	sdelay $0x3  }
0x16f: {  	[tilespmem:$0x41B0] =	vst v1  }
0x170: {  	v1 =	vld.idx.msk [tilespmem:v2+s10+$0x0], $0xffff;
	v2 =	vor.u32 $0x1802, v0  }
0x171: {  	v2 =	vadd.s32 v2, v3;
	_ =	sdelay $0x3  }
0x172: {  	[tilespmem:$0x4230] =	vst v1  }
0x173: {  	v1 =	vld.idx.msk [tilespmem:v2+s10+$0x0], $0xffff;
	v2 =	vor.u32 $0x1803, v0  }
0x174: {  	v2 =	vadd.s32 v2, v3;
	_ =	sdelay $0x3  }
0x175: {  	[tilespmem:$0x42B0] =	vst v1  }
0x176: {  	v1 =	vld.idx.msk [tilespmem:v2+s10+$0x0], $0xffff;
	v2 =	vor.u32 $0x1804, v0  }
0x177: {  	v2 =	vadd.s32 v2, v3;
	_ =	sdelay $0x3  }
0x178: {  	[tilespmem:$0x4330] =	vst v1  }
0x179: {  	v1 =	vld.idx.msk [tilespmem:v2+s10+$0x0], $0xffff;
	v2 =	vor.u32 $0x1805, v0  }
0x17a: {  	v2 =	vadd.s32 v2, v3;
	_ =	sdelay $0x3  }
0x17b: {  	[tilespmem:$0x43B0] =	vst v1  }
0x17c: {  	v1 =	vld.idx.msk [tilespmem:v2+s10+$0x0], $0xffff;
	v2 =	vor.u32 $0x1806, v0  }
0x17d: {  	v2 =	vadd.s32 v2, v3;
	_ =	sdelay $0x3  }
0x17e: {  	[tilespmem:$0x4430] =	vst v1  }
0x17f: {  	v1 =	vld.idx.msk [tilespmem:v2+s10+$0x0], $0xffff;
	v2 =	vor.u32 $0x1807, v0  }
0x180: {  	v2 =	vadd.s32 v2, v3;
	_ =	sdelay $0x3  }
0x181: {  	[tilespmem:$0x44B0] =	vst v1  }
0x182: {  	v1 =	vld.idx.msk [tilespmem:v2+s10+$0x0], $0xffff;
	v2 =	vor.u32 $0x1808, v0  }
0x183: {  	v2 =	vadd.s32 v2, v3;
	_ =	sdelay $0x3  }
0x184: {  	[tilespmem:$0x4530] =	vst v1  }
0x185: {  	v1 =	vld.idx.msk [tilespmem:v2+s10+$0x0], $0xffff;
	v2 =	vor.u32 $0x1809, v0  }
0x186: {  	v2 =	vadd.s32 v2, v3;
	_ =	sdelay $0x3  }
0x187: {  	[tilespmem:$0x45B0] =	vst v1  }
0x188: {  	v1 =	vld.idx.msk [tilespmem:v2+s10+$0x0], $0xffff;
	v2 =	vor.u32 $0x180A, v0  }
0x189: {  	v2 =	vadd.s32 v2, v3;
	_ =	sdelay $0x3  }
0x18a: {  	[tilespmem:$0x4630] =	vst v1  }
0x18b: {  	v1 =	vld.idx.msk [tilespmem:v2+s10+$0x0], $0xffff;
	v2 =	vor.u32 $0x180B, v0  }
0x18c: {  	v2 =	vadd.s32 v2, v3;
	_ =	sdelay $0x3  }
0x18d: {  	[tilespmem:$0x46B0] =	vst v1  }
0x18e: {  	v1 =	vld.idx.msk [tilespmem:v2+s10+$0x0], $0xffff;
	v2 =	vor.u32 $0x180C, v0  }
0x18f: {  	v2 =	vadd.s32 v2, v3;
	_ =	sdelay $0x3  }
0x190: {  	[tilespmem:$0x4730] =	vst v1  }
0x191: {  	v1 =	vld.idx.msk [tilespmem:v2+s10+$0x0], $0xffff;
	v2 =	vor.u32 $0x180D, v0  }
0x192: {  	v2 =	vadd.s32 v2, v3;
	_ =	sdelay $0x3  }
0x193: {  	[tilespmem:$0x47B0] =	vst v1  }
0x194: {  	v1 =	vld.idx.msk [tilespmem:v2+s10+$0x0], $0xffff;
	v2 =	vor.u32 $0x180E, v0  }
0x195: {  	v2 =	vadd.s32 v2, v3;
	_ =	sdelay $0x3  }
0x196: {  	[tilespmem:$0x4830] =	vst v1  }
0x197: {  	v1 =	vld.idx.msk [tilespmem:v2+s10+$0x0], $0xffff;
	v2 =	vor.u32 $0x180F, v0  }
0x198: {  	v2 =	vadd.s32 v2, v3;
	_ =	sdelay $0x3  }
0x199: {  	[tilespmem:$0x48B0] =	vst v1  }
0x19a: {  	v1 =	vld.idx.msk [tilespmem:v2+s10+$0x0], $0xffff;
	v2 =	vor.u32 $0x1810, v0  }
0x19b: {  	v2 =	vadd.s32 v2, v3;
	_ =	sdelay $0x3  }
0x19c: {  	[tilespmem:$0x4930] =	vst v1  }
0x19d: {  	v1 =	vld.idx.msk [tilespmem:v2+s10+$0x0], $0xffff;
	v2 =	vor.u32 $0x1811, v0  }
0x19e: {  	v2 =	vadd.s32 v2, v3;
	_ =	sdelay $0x3  }
0x19f: {  	[tilespmem:$0x49B0] =	vst v1  }
0x1a0: {  	v1 =	vld.idx.msk [tilespmem:v2+s10+$0x0], $0xffff;
	v2 =	vor.u32 $0x1812, v0  }
0x1a1: {  	v2 =	vadd.s32 v2, v3;
	_ =	sdelay $0x3  }
0x1a2: {  	[tilespmem:$0x4A30] =	vst v1  }
0x1a3: {  	v1 =	vld.idx.msk [tilespmem:v2+s10+$0x0], $0xffff;
	v2 =	vor.u32 $0x1813, v0  }
0x1a4: {  	v2 =	vadd.s32 v2, v3;
	_ =	sdelay $0x3  }
0x1a5: {  	[tilespmem:$0x4AB0] =	vst v1  }
0x1a6: {  	v1 =	vld.idx.msk [tilespmem:v2+s10+$0x0], $0xffff;
	v2 =	vor.u32 $0x1814, v0  }
0x1a7: {  	v2 =	vadd.s32 v2, v3;
	_ =	sdelay $0x3  }
0x1a8: {  	[tilespmem:$0x4B30] =	vst v1  }
0x1a9: {  	v1 =	vld.idx.msk [tilespmem:v2+s10+$0x0], $0xffff;
	v2 =	vor.u32 $0x1815, v0  }
0x1aa: {  	v2 =	vadd.s32 v2, v3;
	_ =	sdelay $0x3  }
0x1ab: {  	[tilespmem:$0x4BB0] =	vst v1  }
0x1ac: {  	v1 =	vld.idx.msk [tilespmem:v2+s10+$0x0], $0xffff;
	v2 =	vor.u32 $0x1816, v0  }
0x1ad: {  	v2 =	vadd.s32 v2, v3;
	_ =	sdelay $0x3  }
0x1ae: {  	[tilespmem:$0x4C30] =	vst v1  }
0x1af: {  	v1 =	vld.idx.msk [tilespmem:v2+s10+$0x0], $0xffff;
	v2 =	vor.u32 $0x1817, v0  }
0x1b0: {  	v2 =	vadd.s32 v2, v3;
	_ =	sdelay $0x3  }
0x1b1: {  	[tilespmem:$0x4CB0] =	vst v1  }
0x1b2: {  	v1 =	vld.idx.msk [tilespmem:v2+s10+$0x0], $0xffff;
	v2 =	vor.u32 $0x1818, v0  }
0x1b3: {  	v2 =	vadd.s32 v2, v3;
	_ =	sdelay $0x3  }
0x1b4: {  	[tilespmem:$0x4D30] =	vst v1  }
0x1b5: {  	v1 =	vld.idx.msk [tilespmem:v2+s10+$0x0], $0xffff;
	v2 =	vor.u32 $0x1819, v0  }
0x1b6: {  	v2 =	vadd.s32 v2, v3;
	_ =	sdelay $0x3  }
0x1b7: {  	[tilespmem:$0x4DB0] =	vst v1  }
0x1b8: {  	v1 =	vld.idx.msk [tilespmem:v2+s10+$0x0], $0xffff;
	v2 =	vor.u32 $0x181A, v0  }
0x1b9: {  	v2 =	vadd.s32 v2, v3;
	_ =	sdelay $0x3  }
0x1ba: {  	[tilespmem:$0x4E30] =	vst v1  }
0x1bb: {  	v1 =	vld.idx.msk [tilespmem:v2+s10+$0x0], $0xffff;
	v2 =	vor.u32 $0x181B, v0  }
0x1bc: {  	v2 =	vadd.s32 v2, v3;
	_ =	sdelay $0x3  }
0x1bd: {  	[tilespmem:$0x4EB0] =	vst v1  }
0x1be: {  	v1 =	vld.idx.msk [tilespmem:v2+s10+$0x0], $0xffff;
	v2 =	vor.u32 $0x181C, v0  }
0x1bf: {  	v2 =	vadd.s32 v2, v3;
	_ =	sdelay $0x3  }
0x1c0: {  	[tilespmem:$0x4F30] =	vst v1  }
0x1c1: {  	v1 =	vld.idx.msk [tilespmem:v2+s10+$0x0], $0xffff;
	v2 =	vor.u32 $0x181D, v0  }
0x1c2: {  	v2 =	vadd.s32 v2, v3;
	_ =	sdelay $0x3  }
0x1c3: {  	[tilespmem:$0x4FB0] =	vst v1  }
0x1c4: {  	v1 =	vld.idx.msk [tilespmem:v2+s10+$0x0], $0xffff;
	v2 =	vor.u32 $0x181E, v0  }
0x1c5: {  	v2 =	vadd.s32 v2, v3;
	_ =	sdelay $0x3  }
0x1c6: {  	[tilespmem:$0x5030] =	vst v1  }
0x1c7: {  	v1 =	vld.idx.msk [tilespmem:v2+s10+$0x0], $0xffff;
	v2 =	vor.u32 $0x181F, v0  }
0x1c8: {  	v2 =	vadd.s32 v2, v3  }
0x1c9: {  	v3 =	vld [tilespmem:$0x140];
	_ =	sdelay $0x2  }
0x1ca: {  	[tilespmem:$0x50B0] =	vst v1  }
0x1cb: {  	v1 =	vld.idx.msk [tilespmem:v2+s10+$0x0], $0xffff;
	v2 =	vor.u32 $0x2000, v0  }
0x1cc: {  	v2 =	vadd.s32 v2, v3;
	_ =	sdelay $0x3  }
0x1cd: {  	[tilespmem:$0x5130] =	vst v1  }
0x1ce: {  	v1 =	vld.idx.msk [tilespmem:v2+s10+$0x0], $0xffff;
	v2 =	vor.u32 $0x2001, v0  }
0x1cf: {  	v2 =	vadd.s32 v2, v3;
	_ =	sdelay $0x3  }
0x1d0: {  	[tilespmem:$0x41C0] =	vst v1  }
0x1d1: {  	v1 =	vld.idx.msk [tilespmem:v2+s10+$0x0], $0xffff;
	v2 =	vor.u32 $0x2002, v0  }
0x1d2: {  	v2 =	vadd.s32 v2, v3;
	_ =	sdelay $0x3  }
0x1d3: {  	[tilespmem:$0x4240] =	vst v1  }
0x1d4: {  	v1 =	vld.idx.msk [tilespmem:v2+s10+$0x0], $0xffff;
	v2 =	vor.u32 $0x2003, v0  }
0x1d5: {  	v2 =	vadd.s32 v2, v3;
	_ =	sdelay $0x3  }
0x1d6: {  	[tilespmem:$0x42C0] =	vst v1  }
0x1d7: {  	v1 =	vld.idx.msk [tilespmem:v2+s10+$0x0], $0xffff;
	v2 =	vor.u32 $0x2004, v0  }
0x1d8: {  	v2 =	vadd.s32 v2, v3;
	_ =	sdelay $0x3  }
0x1d9: {  	[tilespmem:$0x4340] =	vst v1  }
0x1da: {  	v1 =	vld.idx.msk [tilespmem:v2+s10+$0x0], $0xffff;
	v2 =	vor.u32 $0x2005, v0  }
0x1db: {  	v2 =	vadd.s32 v2, v3;
	_ =	sdelay $0x3  }
0x1dc: {  	[tilespmem:$0x43C0] =	vst v1  }
0x1dd: {  	v1 =	vld.idx.msk [tilespmem:v2+s10+$0x0], $0xffff;
	v2 =	vor.u32 $0x2006, v0  }
0x1de: {  	v2 =	vadd.s32 v2, v3;
	_ =	sdelay $0x3  }
0x1df: {  	[tilespmem:$0x4440] =	vst v1  }
0x1e0: {  	v1 =	vld.idx.msk [tilespmem:v2+s10+$0x0], $0xffff;
	v2 =	vor.u32 $0x2007, v0  }
0x1e1: {  	v2 =	vadd.s32 v2, v3;
	_ =	sdelay $0x3  }
0x1e2: {  	[tilespmem:$0x44C0] =	vst v1  }
0x1e3: {  	v1 =	vld.idx.msk [tilespmem:v2+s10+$0x0], $0xffff;
	v2 =	vor.u32 $0x2008, v0  }
0x1e4: {  	v2 =	vadd.s32 v2, v3;
	_ =	sdelay $0x3  }
0x1e5: {  	[tilespmem:$0x4540] =	vst v1  }
0x1e6: {  	v1 =	vld.idx.msk [tilespmem:v2+s10+$0x0], $0xffff;
	v2 =	vor.u32 $0x2009, v0  }
0x1e7: {  	v2 =	vadd.s32 v2, v3;
	_ =	sdelay $0x3  }
0x1e8: {  	[tilespmem:$0x45C0] =	vst v1  }
0x1e9: {  	v1 =	vld.idx.msk [tilespmem:v2+s10+$0x0], $0xffff;
	v2 =	vor.u32 $0x200A, v0  }
0x1ea: {  	v2 =	vadd.s32 v2, v3;
	_ =	sdelay $0x3  }
0x1eb: {  	[tilespmem:$0x4640] =	vst v1  }
0x1ec: {  	v1 =	vld.idx.msk [tilespmem:v2+s10+$0x0], $0xffff;
	v2 =	vor.u32 $0x200B, v0  }
0x1ed: {  	v2 =	vadd.s32 v2, v3;
	_ =	sdelay $0x3  }
0x1ee: {  	[tilespmem:$0x46C0] =	vst v1  }
0x1ef: {  	v1 =	vld.idx.msk [tilespmem:v2+s10+$0x0], $0xffff;
	v2 =	vor.u32 $0x200C, v0  }
0x1f0: {  	v2 =	vadd.s32 v2, v3;
	_ =	sdelay $0x3  }
0x1f1: {  	[tilespmem:$0x4740] =	vst v1  }
0x1f2: {  	v1 =	vld.idx.msk [tilespmem:v2+s10+$0x0], $0xffff;
	v2 =	vor.u32 $0x200D, v0  }
0x1f3: {  	v2 =	vadd.s32 v2, v3;
	_ =	sdelay $0x3  }
0x1f4: {  	[tilespmem:$0x47C0] =	vst v1  }
0x1f5: {  	v1 =	vld.idx.msk [tilespmem:v2+s10+$0x0], $0xffff;
	v2 =	vor.u32 $0x200E, v0  }
0x1f6: {  	v2 =	vadd.s32 v2, v3;
	_ =	sdelay $0x3  }
0x1f7: {  	[tilespmem:$0x4840] =	vst v1  }
0x1f8: {  	v1 =	vld.idx.msk [tilespmem:v2+s10+$0x0], $0xffff;
	v2 =	vor.u32 $0x200F, v0  }
0x1f9: {  	v2 =	vadd.s32 v2, v3;
	_ =	sdelay $0x3  }
0x1fa: {  	[tilespmem:$0x48C0] =	vst v1  }
0x1fb: {  	v1 =	vld.idx.msk [tilespmem:v2+s10+$0x0], $0xffff;
	v2 =	vor.u32 $0x2010, v0  }
0x1fc: {  	v2 =	vadd.s32 v2, v3;
	_ =	sdelay $0x3  }
0x1fd: {  	[tilespmem:$0x4940] =	vst v1  }
0x1fe: {  	v1 =	vld.idx.msk [tilespmem:v2+s10+$0x0], $0xffff;
	v2 =	vor.u32 $0x2011, v0  }
0x1ff: {  	v2 =	vadd.s32 v2, v3;
	_ =	sdelay $0x3  }
0x200: {  	[tilespmem:$0x49C0] =	vst v1  }
0x201: {  	v1 =	vld.idx.msk [tilespmem:v2+s10+$0x0], $0xffff;
	v2 =	vor.u32 $0x2012, v0  }
0x202: {  	v2 =	vadd.s32 v2, v3;
	_ =	sdelay $0x3  }
0x203: {  	[tilespmem:$0x4A40] =	vst v1  }
0x204: {  	v1 =	vld.idx.msk [tilespmem:v2+s10+$0x0], $0xffff;
	v2 =	vor.u32 $0x2013, v0  }
0x205: {  	v2 =	vadd.s32 v2, v3;
	_ =	sdelay $0x3  }
0x206: {  	[tilespmem:$0x4AC0] =	vst v1  }
0x207: {  	v1 =	vld.idx.msk [tilespmem:v2+s10+$0x0], $0xffff;
	v2 =	vor.u32 $0x2014, v0  }
0x208: {  	v2 =	vadd.s32 v2, v3;
	_ =	sdelay $0x3  }
0x209: {  	[tilespmem:$0x4B40] =	vst v1  }
0x20a: {  	v1 =	vld.idx.msk [tilespmem:v2+s10+$0x0], $0xffff;
	v2 =	vor.u32 $0x2015, v0  }
0x20b: {  	v2 =	vadd.s32 v2, v3;
	_ =	sdelay $0x3  }
0x20c: {  	[tilespmem:$0x4BC0] =	vst v1  }
0x20d: {  	v1 =	vld.idx.msk [tilespmem:v2+s10+$0x0], $0xffff;
	v2 =	vor.u32 $0x2016, v0  }
0x20e: {  	v2 =	vadd.s32 v2, v3;
	_ =	sdelay $0x3  }
0x20f: {  	[tilespmem:$0x4C40] =	vst v1  }
0x210: {  	v1 =	vld.idx.msk [tilespmem:v2+s10+$0x0], $0xffff;
	v2 =	vor.u32 $0x2017, v0  }
0x211: {  	v2 =	vadd.s32 v2, v3;
	_ =	sdelay $0x3  }
0x212: {  	[tilespmem:$0x4CC0] =	vst v1  }
0x213: {  	v1 =	vld.idx.msk [tilespmem:v2+s10+$0x0], $0xffff;
	v2 =	vor.u32 $0x2018, v0  }
0x214: {  	v2 =	vadd.s32 v2, v3;
	_ =	sdelay $0x3  }
0x215: {  	[tilespmem:$0x4D40] =	vst v1  }
0x216: {  	v1 =	vld.idx.msk [tilespmem:v2+s10+$0x0], $0xffff;
	v2 =	vor.u32 $0x2019, v0  }
0x217: {  	v2 =	vadd.s32 v2, v3;
	_ =	sdelay $0x3  }
0x218: {  	[tilespmem:$0x4DC0] =	vst v1  }
0x219: {  	v1 =	vld.idx.msk [tilespmem:v2+s10+$0x0], $0xffff;
	v2 =	vor.u32 $0x201A, v0  }
0x21a: {  	v2 =	vadd.s32 v2, v3;
	_ =	sdelay $0x3  }
0x21b: {  	[tilespmem:$0x4E40] =	vst v1  }
0x21c: {  	v1 =	vld.idx.msk [tilespmem:v2+s10+$0x0], $0xffff;
	v2 =	vor.u32 $0x201B, v0  }
0x21d: {  	v2 =	vadd.s32 v2, v3;
	_ =	sdelay $0x3  }
0x21e: {  	[tilespmem:$0x4EC0] =	vst v1  }
0x21f: {  	v1 =	vld.idx.msk [tilespmem:v2+s10+$0x0], $0xffff;
	v2 =	vor.u32 $0x201C, v0  }
0x220: {  	v2 =	vadd.s32 v2, v3;
	_ =	sdelay $0x3  }
0x221: {  	[tilespmem:$0x4F40] =	vst v1  }
0x222: {  	v1 =	vld.idx.msk [tilespmem:v2+s10+$0x0], $0xffff;
	v2 =	vor.u32 $0x201D, v0  }
0x223: {  	v2 =	vadd.s32 v2, v3;
	_ =	sdelay $0x3  }
0x224: {  	[tilespmem:$0x4FC0] =	vst v1  }
0x225: {  	v1 =	vld.idx.msk [tilespmem:v2+s10+$0x0], $0xffff;
	v2 =	vor.u32 $0x201E, v0  }
0x226: {  	v2 =	vadd.s32 v2, v3;
	_ =	sdelay $0x3  }
0x227: {  	[tilespmem:$0x5040] =	vst v1  }
0x228: {  	v1 =	vld.idx.msk [tilespmem:v2+s10+$0x0], $0xffff;
	v2 =	vor.u32 $0x201F, v0  }
0x229: {  	v2 =	vadd.s32 v2, v3  }
0x22a: {  	v3 =	vld [tilespmem:$0x150];
	_ =	sdelay $0x2  }
0x22b: {  	[tilespmem:$0x50C0] =	vst v1  }
0x22c: {  	v1 =	vld.idx.msk [tilespmem:v2+s10+$0x0], $0xffff;
	v2 =	vor.u32 $0x2800, v0  }
0x22d: {  	v2 =	vadd.s32 v2, v3;
	_ =	sdelay $0x3  }
0x22e: {  	[tilespmem:$0x5140] =	vst v1  }
0x22f: {  	v1 =	vld.idx.msk [tilespmem:v2+s10+$0x0], $0xffff;
	v2 =	vor.u32 $0x2801, v0  }
0x230: {  	v2 =	vadd.s32 v2, v3;
	_ =	sdelay $0x3  }
0x231: {  	[tilespmem:$0x41D0] =	vst v1  }
0x232: {  	v1 =	vld.idx.msk [tilespmem:v2+s10+$0x0], $0xffff;
	v2 =	vor.u32 $0x2802, v0  }
0x233: {  	v2 =	vadd.s32 v2, v3;
	_ =	sdelay $0x3  }
0x234: {  	[tilespmem:$0x4250] =	vst v1  }
0x235: {  	v1 =	vld.idx.msk [tilespmem:v2+s10+$0x0], $0xffff;
	v2 =	vor.u32 $0x2803, v0  }
0x236: {  	v2 =	vadd.s32 v2, v3;
	_ =	sdelay $0x3  }
0x237: {  	[tilespmem:$0x42D0] =	vst v1  }
0x238: {  	v1 =	vld.idx.msk [tilespmem:v2+s10+$0x0], $0xffff;
	v2 =	vor.u32 $0x2804, v0  }
0x239: {  	v2 =	vadd.s32 v2, v3;
	_ =	sdelay $0x3  }
0x23a: {  	[tilespmem:$0x4350] =	vst v1  }
0x23b: {  	v1 =	vld.idx.msk [tilespmem:v2+s10+$0x0], $0xffff;
	v2 =	vor.u32 $0x2805, v0  }
0x23c: {  	v2 =	vadd.s32 v2, v3;
	_ =	sdelay $0x3  }
0x23d: {  	[tilespmem:$0x43D0] =	vst v1  }
0x23e: {  	v1 =	vld.idx.msk [tilespmem:v2+s10+$0x0], $0xffff;
	v2 =	vor.u32 $0x2806, v0  }
0x23f: {  	v2 =	vadd.s32 v2, v3;
	_ =	sdelay $0x3  }
0x240: {  	[tilespmem:$0x4450] =	vst v1  }
0x241: {  	v1 =	vld.idx.msk [tilespmem:v2+s10+$0x0], $0xffff;
	v2 =	vor.u32 $0x2807, v0  }
0x242: {  	v2 =	vadd.s32 v2, v3;
	_ =	sdelay $0x3  }
0x243: {  	[tilespmem:$0x44D0] =	vst v1  }
0x244: {  	v1 =	vld.idx.msk [tilespmem:v2+s10+$0x0], $0xffff;
	v2 =	vor.u32 $0x2808, v0  }
0x245: {  	v2 =	vadd.s32 v2, v3;
	_ =	sdelay $0x3  }
0x246: {  	[tilespmem:$0x4550] =	vst v1  }
0x247: {  	v1 =	vld.idx.msk [tilespmem:v2+s10+$0x0], $0xffff;
	v2 =	vor.u32 $0x2809, v0  }
0x248: {  	v2 =	vadd.s32 v2, v3;
	_ =	sdelay $0x3  }
0x249: {  	[tilespmem:$0x45D0] =	vst v1  }
0x24a: {  	v1 =	vld.idx.msk [tilespmem:v2+s10+$0x0], $0xffff;
	v2 =	vor.u32 $0x280A, v0  }
0x24b: {  	v2 =	vadd.s32 v2, v3;
	_ =	sdelay $0x3  }
0x24c: {  	[tilespmem:$0x4650] =	vst v1  }
0x24d: {  	v1 =	vld.idx.msk [tilespmem:v2+s10+$0x0], $0xffff;
	v2 =	vor.u32 $0x280B, v0  }
0x24e: {  	v2 =	vadd.s32 v2, v3;
	_ =	sdelay $0x3  }
0x24f: {  	[tilespmem:$0x46D0] =	vst v1  }
0x250: {  	v1 =	vld.idx.msk [tilespmem:v2+s10+$0x0], $0xffff;
	v2 =	vor.u32 $0x280C, v0  }
0x251: {  	v2 =	vadd.s32 v2, v3;
	_ =	sdelay $0x3  }
0x252: {  	[tilespmem:$0x4750] =	vst v1  }
0x253: {  	v1 =	vld.idx.msk [tilespmem:v2+s10+$0x0], $0xffff;
	v2 =	vor.u32 $0x280D, v0  }
0x254: {  	v2 =	vadd.s32 v2, v3;
	_ =	sdelay $0x3  }
0x255: {  	[tilespmem:$0x47D0] =	vst v1  }
0x256: {  	v1 =	vld.idx.msk [tilespmem:v2+s10+$0x0], $0xffff;
	v2 =	vor.u32 $0x280E, v0  }
0x257: {  	v2 =	vadd.s32 v2, v3;
	_ =	sdelay $0x3  }
0x258: {  	[tilespmem:$0x4850] =	vst v1  }
0x259: {  	v1 =	vld.idx.msk [tilespmem:v2+s10+$0x0], $0xffff;
	v2 =	vor.u32 $0x280F, v0  }
0x25a: {  	v2 =	vadd.s32 v2, v3;
	_ =	sdelay $0x3  }
0x25b: {  	[tilespmem:$0x48D0] =	vst v1  }
0x25c: {  	v1 =	vld.idx.msk [tilespmem:v2+s10+$0x0], $0xffff;
	v2 =	vor.u32 $0x2810, v0  }
0x25d: {  	v2 =	vadd.s32 v2, v3;
	_ =	sdelay $0x3  }
0x25e: {  	[tilespmem:$0x4950] =	vst v1  }
0x25f: {  	v1 =	vld.idx.msk [tilespmem:v2+s10+$0x0], $0xffff;
	v2 =	vor.u32 $0x2811, v0  }
0x260: {  	v2 =	vadd.s32 v2, v3;
	_ =	sdelay $0x3  }
0x261: {  	[tilespmem:$0x49D0] =	vst v1  }
0x262: {  	v1 =	vld.idx.msk [tilespmem:v2+s10+$0x0], $0xffff;
	v2 =	vor.u32 $0x2812, v0  }
0x263: {  	v2 =	vadd.s32 v2, v3;
	_ =	sdelay $0x3  }
0x264: {  	[tilespmem:$0x4A50] =	vst v1  }
0x265: {  	v1 =	vld.idx.msk [tilespmem:v2+s10+$0x0], $0xffff;
	v2 =	vor.u32 $0x2813, v0  }
0x266: {  	v2 =	vadd.s32 v2, v3;
	_ =	sdelay $0x3  }
0x267: {  	[tilespmem:$0x4AD0] =	vst v1  }
0x268: {  	v1 =	vld.idx.msk [tilespmem:v2+s10+$0x0], $0xffff;
	v2 =	vor.u32 $0x2814, v0  }
0x269: {  	v2 =	vadd.s32 v2, v3;
	_ =	sdelay $0x3  }
0x26a: {  	[tilespmem:$0x4B50] =	vst v1  }
0x26b: {  	v1 =	vld.idx.msk [tilespmem:v2+s10+$0x0], $0xffff;
	v2 =	vor.u32 $0x2815, v0  }
0x26c: {  	v2 =	vadd.s32 v2, v3;
	_ =	sdelay $0x3  }
0x26d: {  	[tilespmem:$0x4BD0] =	vst v1  }
0x26e: {  	v1 =	vld.idx.msk [tilespmem:v2+s10+$0x0], $0xffff;
	v2 =	vor.u32 $0x2816, v0  }
0x26f: {  	v2 =	vadd.s32 v2, v3;
	_ =	sdelay $0x3  }
0x270: {  	[tilespmem:$0x4C50] =	vst v1  }
0x271: {  	v1 =	vld.idx.msk [tilespmem:v2+s10+$0x0], $0xffff;
	v2 =	vor.u32 $0x2817, v0  }
0x272: {  	v2 =	vadd.s32 v2, v3;
	_ =	sdelay $0x3  }
0x273: {  	[tilespmem:$0x4CD0] =	vst v1  }
0x274: {  	v1 =	vld.idx.msk [tilespmem:v2+s10+$0x0], $0xffff;
	v2 =	vor.u32 $0x2818, v0  }
0x275: {  	v2 =	vadd.s32 v2, v3;
	_ =	sdelay $0x3  }
0x276: {  	[tilespmem:$0x4D50] =	vst v1  }
0x277: {  	v1 =	vld.idx.msk [tilespmem:v2+s10+$0x0], $0xffff;
	v2 =	vor.u32 $0x2819, v0  }
0x278: {  	v2 =	vadd.s32 v2, v3;
	_ =	sdelay $0x3  }
0x279: {  	[tilespmem:$0x4DD0] =	vst v1  }
0x27a: {  	v1 =	vld.idx.msk [tilespmem:v2+s10+$0x0], $0xffff;
	v2 =	vor.u32 $0x281A, v0  }
0x27b: {  	v2 =	vadd.s32 v2, v3;
	_ =	sdelay $0x3  }
0x27c: {  	[tilespmem:$0x4E50] =	vst v1  }
0x27d: {  	v1 =	vld.idx.msk [tilespmem:v2+s10+$0x0], $0xffff;
	v2 =	vor.u32 $0x281B, v0  }
0x27e: {  	v2 =	vadd.s32 v2, v3;
	_ =	sdelay $0x3  }
0x27f: {  	[tilespmem:$0x4ED0] =	vst v1  }
0x280: {  	v1 =	vld.idx.msk [tilespmem:v2+s10+$0x0], $0xffff;
	v2 =	vor.u32 $0x281C, v0  }
0x281: {  	v2 =	vadd.s32 v2, v3;
	_ =	sdelay $0x3  }
0x282: {  	[tilespmem:$0x4F50] =	vst v1  }
0x283: {  	v1 =	vld.idx.msk [tilespmem:v2+s10+$0x0], $0xffff;
	v2 =	vor.u32 $0x281D, v0  }
0x284: {  	v2 =	vadd.s32 v2, v3;
	_ =	sdelay $0x3  }
0x285: {  	[tilespmem:$0x4FD0] =	vst v1  }
0x286: {  	v1 =	vld.idx.msk [tilespmem:v2+s10+$0x0], $0xffff;
	v2 =	vor.u32 $0x281E, v0  }
0x287: {  	v2 =	vadd.s32 v2, v3;
	_ =	sdelay $0x3  }
0x288: {  	[tilespmem:$0x5050] =	vst v1  }
0x289: {  	v1 =	vld.idx.msk [tilespmem:v2+s10+$0x0], $0xffff;
	v2 =	vor.u32 $0x281F, v0  }
0x28a: {  	v2 =	vadd.s32 v2, v3  }
0x28b: {  	v3 =	vld [tilespmem:$0x160];
	_ =	sdelay $0x2  }
0x28c: {  	[tilespmem:$0x50D0] =	vst v1  }
0x28d: {  	v1 =	vld.idx.msk [tilespmem:v2+s10+$0x0], $0xffff;
	v2 =	vor.u32 $0x3000, v0  }
0x28e: {  	v2 =	vadd.s32 v2, v3;
	_ =	sdelay $0x3  }
0x28f: {  	[tilespmem:$0x5150] =	vst v1  }
0x290: {  	v1 =	vld.idx.msk [tilespmem:v2+s10+$0x0], $0xffff;
	v2 =	vor.u32 $0x3001, v0  }
0x291: {  	v2 =	vadd.s32 v2, v3;
	_ =	sdelay $0x3  }
0x292: {  	[tilespmem:$0x41E0] =	vst v1  }
0x293: {  	v1 =	vld.idx.msk [tilespmem:v2+s10+$0x0], $0xffff;
	v2 =	vor.u32 $0x3002, v0  }
0x294: {  	v2 =	vadd.s32 v2, v3;
	_ =	sdelay $0x3  }
0x295: {  	[tilespmem:$0x4260] =	vst v1  }
0x296: {  	v1 =	vld.idx.msk [tilespmem:v2+s10+$0x0], $0xffff;
	v2 =	vor.u32 $0x3003, v0  }
0x297: {  	v2 =	vadd.s32 v2, v3;
	_ =	sdelay $0x3  }
0x298: {  	[tilespmem:$0x42E0] =	vst v1  }
0x299: {  	v1 =	vld.idx.msk [tilespmem:v2+s10+$0x0], $0xffff;
	v2 =	vor.u32 $0x3004, v0  }
0x29a: {  	v2 =	vadd.s32 v2, v3;
	_ =	sdelay $0x3  }
0x29b: {  	[tilespmem:$0x4360] =	vst v1  }
0x29c: {  	v1 =	vld.idx.msk [tilespmem:v2+s10+$0x0], $0xffff;
	v2 =	vor.u32 $0x3005, v0  }
0x29d: {  	v2 =	vadd.s32 v2, v3;
	_ =	sdelay $0x3  }
0x29e: {  	[tilespmem:$0x43E0] =	vst v1  }
0x29f: {  	v1 =	vld.idx.msk [tilespmem:v2+s10+$0x0], $0xffff;
	v2 =	vor.u32 $0x3006, v0  }
0x2a0: {  	v2 =	vadd.s32 v2, v3;
	_ =	sdelay $0x3  }
0x2a1: {  	[tilespmem:$0x4460] =	vst v1  }
0x2a2: {  	v1 =	vld.idx.msk [tilespmem:v2+s10+$0x0], $0xffff;
	v2 =	vor.u32 $0x3007, v0  }
0x2a3: {  	v2 =	vadd.s32 v2, v3;
	_ =	sdelay $0x3  }
0x2a4: {  	[tilespmem:$0x44E0] =	vst v1  }
0x2a5: {  	v1 =	vld.idx.msk [tilespmem:v2+s10+$0x0], $0xffff;
	v2 =	vor.u32 $0x3008, v0  }
0x2a6: {  	v2 =	vadd.s32 v2, v3;
	_ =	sdelay $0x3  }
0x2a7: {  	[tilespmem:$0x4560] =	vst v1  }
0x2a8: {  	v1 =	vld.idx.msk [tilespmem:v2+s10+$0x0], $0xffff;
	v2 =	vor.u32 $0x3009, v0  }
0x2a9: {  	v2 =	vadd.s32 v2, v3;
	_ =	sdelay $0x3  }
0x2aa: {  	[tilespmem:$0x45E0] =	vst v1  }
0x2ab: {  	v1 =	vld.idx.msk [tilespmem:v2+s10+$0x0], $0xffff;
	v2 =	vor.u32 $0x300A, v0  }
0x2ac: {  	v2 =	vadd.s32 v2, v3;
	_ =	sdelay $0x3  }
0x2ad: {  	[tilespmem:$0x4660] =	vst v1  }
0x2ae: {  	v1 =	vld.idx.msk [tilespmem:v2+s10+$0x0], $0xffff;
	v2 =	vor.u32 $0x300B, v0  }
0x2af: {  	v2 =	vadd.s32 v2, v3;
	_ =	sdelay $0x3  }
0x2b0: {  	[tilespmem:$0x46E0] =	vst v1  }
0x2b1: {  	v1 =	vld.idx.msk [tilespmem:v2+s10+$0x0], $0xffff;
	v2 =	vor.u32 $0x300C, v0  }
0x2b2: {  	v2 =	vadd.s32 v2, v3;
	_ =	sdelay $0x3  }
0x2b3: {  	[tilespmem:$0x4760] =	vst v1  }
0x2b4: {  	v1 =	vld.idx.msk [tilespmem:v2+s10+$0x0], $0xffff;
	v2 =	vor.u32 $0x300D, v0  }
0x2b5: {  	v2 =	vadd.s32 v2, v3;
	_ =	sdelay $0x3  }
0x2b6: {  	[tilespmem:$0x47E0] =	vst v1  }
0x2b7: {  	v1 =	vld.idx.msk [tilespmem:v2+s10+$0x0], $0xffff;
	v2 =	vor.u32 $0x300E, v0  }
0x2b8: {  	v2 =	vadd.s32 v2, v3;
	_ =	sdelay $0x3  }
0x2b9: {  	[tilespmem:$0x4860] =	vst v1  }
0x2ba: {  	v1 =	vld.idx.msk [tilespmem:v2+s10+$0x0], $0xffff;
	v2 =	vor.u32 $0x300F, v0  }
0x2bb: {  	v2 =	vadd.s32 v2, v3;
	_ =	sdelay $0x3  }
0x2bc: {  	[tilespmem:$0x48E0] =	vst v1  }
0x2bd: {  	v1 =	vld.idx.msk [tilespmem:v2+s10+$0x0], $0xffff;
	v2 =	vor.u32 $0x3010, v0  }
0x2be: {  	v2 =	vadd.s32 v2, v3;
	_ =	sdelay $0x3  }
0x2bf: {  	[tilespmem:$0x4960] =	vst v1  }
0x2c0: {  	v1 =	vld.idx.msk [tilespmem:v2+s10+$0x0], $0xffff;
	v2 =	vor.u32 $0x3011, v0  }
0x2c1: {  	v2 =	vadd.s32 v2, v3;
	_ =	sdelay $0x3  }
0x2c2: {  	[tilespmem:$0x49E0] =	vst v1  }
0x2c3: {  	v1 =	vld.idx.msk [tilespmem:v2+s10+$0x0], $0xffff;
	v2 =	vor.u32 $0x3012, v0  }
0x2c4: {  	v2 =	vadd.s32 v2, v3;
	_ =	sdelay $0x3  }
0x2c5: {  	[tilespmem:$0x4A60] =	vst v1  }
0x2c6: {  	v1 =	vld.idx.msk [tilespmem:v2+s10+$0x0], $0xffff;
	v2 =	vor.u32 $0x3013, v0  }
0x2c7: {  	v2 =	vadd.s32 v2, v3;
	_ =	sdelay $0x3  }
0x2c8: {  	[tilespmem:$0x4AE0] =	vst v1  }
0x2c9: {  	v1 =	vld.idx.msk [tilespmem:v2+s10+$0x0], $0xffff;
	v2 =	vor.u32 $0x3014, v0  }
0x2ca: {  	v2 =	vadd.s32 v2, v3;
	_ =	sdelay $0x3  }
0x2cb: {  	[tilespmem:$0x4B60] =	vst v1  }
0x2cc: {  	v1 =	vld.idx.msk [tilespmem:v2+s10+$0x0], $0xffff;
	v2 =	vor.u32 $0x3015, v0  }
0x2cd: {  	v2 =	vadd.s32 v2, v3;
	_ =	sdelay $0x3  }
0x2ce: {  	[tilespmem:$0x4BE0] =	vst v1  }
0x2cf: {  	v1 =	vld.idx.msk [tilespmem:v2+s10+$0x0], $0xffff;
	v2 =	vor.u32 $0x3016, v0  }
0x2d0: {  	v2 =	vadd.s32 v2, v3;
	_ =	sdelay $0x3  }
0x2d1: {  	[tilespmem:$0x4C60] =	vst v1  }
0x2d2: {  	v1 =	vld.idx.msk [tilespmem:v2+s10+$0x0], $0xffff;
	v2 =	vor.u32 $0x3017, v0  }
0x2d3: {  	v2 =	vadd.s32 v2, v3;
	_ =	sdelay $0x3  }
0x2d4: {  	[tilespmem:$0x4CE0] =	vst v1  }
0x2d5: {  	v1 =	vld.idx.msk [tilespmem:v2+s10+$0x0], $0xffff;
	v2 =	vor.u32 $0x3018, v0  }
0x2d6: {  	v2 =	vadd.s32 v2, v3;
	_ =	sdelay $0x3  }
0x2d7: {  	[tilespmem:$0x4D60] =	vst v1  }
0x2d8: {  	v1 =	vld.idx.msk [tilespmem:v2+s10+$0x0], $0xffff;
	v2 =	vor.u32 $0x3019, v0  }
0x2d9: {  	v2 =	vadd.s32 v2, v3;
	_ =	sdelay $0x3  }
0x2da: {  	[tilespmem:$0x4DE0] =	vst v1  }
0x2db: {  	v1 =	vld.idx.msk [tilespmem:v2+s10+$0x0], $0xffff;
	v2 =	vor.u32 $0x301A, v0  }
0x2dc: {  	v2 =	vadd.s32 v2, v3;
	_ =	sdelay $0x3  }
0x2dd: {  	[tilespmem:$0x4E60] =	vst v1  }
0x2de: {  	v1 =	vld.idx.msk [tilespmem:v2+s10+$0x0], $0xffff;
	v2 =	vor.u32 $0x301B, v0  }
0x2df: {  	v2 =	vadd.s32 v2, v3;
	_ =	sdelay $0x3  }
0x2e0: {  	[tilespmem:$0x4EE0] =	vst v1  }
0x2e1: {  	v1 =	vld.idx.msk [tilespmem:v2+s10+$0x0], $0xffff;
	v2 =	vor.u32 $0x301C, v0  }
0x2e2: {  	v2 =	vadd.s32 v2, v3;
	_ =	sdelay $0x3  }
0x2e3: {  	[tilespmem:$0x4F60] =	vst v1  }
0x2e4: {  	v1 =	vld.idx.msk [tilespmem:v2+s10+$0x0], $0xffff;
	v2 =	vor.u32 $0x301D, v0  }
0x2e5: {  	v2 =	vadd.s32 v2, v3;
	_ =	sdelay $0x3  }
0x2e6: {  	[tilespmem:$0x4FE0] =	vst v1  }
0x2e7: {  	v1 =	vld.idx.msk [tilespmem:v2+s10+$0x0], $0xffff;
	v2 =	vor.u32 $0x301E, v0  }
0x2e8: {  	v2 =	vadd.s32 v2, v3;
	_ =	sdelay $0x3  }
0x2e9: {  	[tilespmem:$0x5060] =	vst v1  }
0x2ea: {  	v1 =	vld.idx.msk [tilespmem:v2+s10+$0x0], $0xffff;
	v2 =	vor.u32 $0x301F, v0  }
0x2eb: {  	v2 =	vadd.s32 v2, v3  }
0x2ec: {  	v3 =	vld [tilespmem:$0x170];
	_ =	sdelay $0x2  }
0x2ed: {  	[tilespmem:$0x50E0] =	vst v1  }
0x2ee: {  	v1 =	vld.idx.msk [tilespmem:v2+s10+$0x0], $0xffff;
	v2 =	vor.u32 $0x3800, v0  }
0x2ef: {  	v2 =	vadd.s32 v2, v3;
	_ =	sdelay $0x3  }
0x2f0: {  	[tilespmem:$0x5160] =	vst v1  }
0x2f1: {  	v1 =	vld.idx.msk [tilespmem:v2+s10+$0x0], $0xffff;
	v2 =	vor.u32 $0x3801, v0  }
0x2f2: {  	v2 =	vadd.s32 v2, v3;
	_ =	sdelay $0x3  }
0x2f3: {  	[tilespmem:$0x41F0] =	vst v1  }
0x2f4: {  	v1 =	vld.idx.msk [tilespmem:v2+s10+$0x0], $0xffff;
	v2 =	vor.u32 $0x3802, v0  }
0x2f5: {  	v2 =	vadd.s32 v2, v3;
	_ =	sdelay $0x3  }
0x2f6: {  	[tilespmem:$0x4270] =	vst v1  }
0x2f7: {  	v1 =	vld.idx.msk [tilespmem:v2+s10+$0x0], $0xffff;
	v2 =	vor.u32 $0x3803, v0  }
0x2f8: {  	v2 =	vadd.s32 v2, v3;
	_ =	sdelay $0x3  }
0x2f9: {  	[tilespmem:$0x42F0] =	vst v1  }
0x2fa: {  	v1 =	vld.idx.msk [tilespmem:v2+s10+$0x0], $0xffff;
	v2 =	vor.u32 $0x3804, v0  }
0x2fb: {  	v2 =	vadd.s32 v2, v3;
	_ =	sdelay $0x3  }
0x2fc: {  	[tilespmem:$0x4370] =	vst v1  }
0x2fd: {  	v1 =	vld.idx.msk [tilespmem:v2+s10+$0x0], $0xffff;
	v2 =	vor.u32 $0x3805, v0  }
0x2fe: {  	v2 =	vadd.s32 v2, v3;
	_ =	sdelay $0x3  }
0x2ff: {  	[tilespmem:$0x43F0] =	vst v1  }
0x300: {  	v1 =	vld.idx.msk [tilespmem:v2+s10+$0x0], $0xffff;
	v2 =	vor.u32 $0x3806, v0  }
0x301: {  	v2 =	vadd.s32 v2, v3;
	_ =	sdelay $0x3  }
0x302: {  	[tilespmem:$0x4470] =	vst v1  }
0x303: {  	v1 =	vld.idx.msk [tilespmem:v2+s10+$0x0], $0xffff;
	v2 =	vor.u32 $0x3807, v0  }
0x304: {  	v2 =	vadd.s32 v2, v3;
	_ =	sdelay $0x3  }
0x305: {  	[tilespmem:$0x44F0] =	vst v1  }
0x306: {  	v1 =	vld.idx.msk [tilespmem:v2+s10+$0x0], $0xffff;
	v2 =	vor.u32 $0x3808, v0  }
0x307: {  	v2 =	vadd.s32 v2, v3;
	_ =	sdelay $0x3  }
0x308: {  	[tilespmem:$0x4570] =	vst v1  }
0x309: {  	v1 =	vld.idx.msk [tilespmem:v2+s10+$0x0], $0xffff;
	v2 =	vor.u32 $0x3809, v0  }
0x30a: {  	v2 =	vadd.s32 v2, v3;
	_ =	sdelay $0x3  }
0x30b: {  	[tilespmem:$0x45F0] =	vst v1  }
0x30c: {  	v1 =	vld.idx.msk [tilespmem:v2+s10+$0x0], $0xffff;
	v2 =	vor.u32 $0x380A, v0  }
0x30d: {  	v2 =	vadd.s32 v2, v3;
	_ =	sdelay $0x3  }
0x30e: {  	[tilespmem:$0x4670] =	vst v1  }
0x30f: {  	v1 =	vld.idx.msk [tilespmem:v2+s10+$0x0], $0xffff;
	v2 =	vor.u32 $0x380B, v0  }
0x310: {  	v2 =	vadd.s32 v2, v3;
	_ =	sdelay $0x3  }
0x311: {  	[tilespmem:$0x46F0] =	vst v1  }
0x312: {  	v1 =	vld.idx.msk [tilespmem:v2+s10+$0x0], $0xffff;
	v2 =	vor.u32 $0x380C, v0  }
0x313: {  	v2 =	vadd.s32 v2, v3;
	_ =	sdelay $0x3  }
0x314: {  	[tilespmem:$0x4770] =	vst v1  }
0x315: {  	v1 =	vld.idx.msk [tilespmem:v2+s10+$0x0], $0xffff;
	v2 =	vor.u32 $0x380D, v0  }
0x316: {  	v2 =	vadd.s32 v2, v3;
	_ =	sdelay $0x3  }
0x317: {  	[tilespmem:$0x47F0] =	vst v1  }
0x318: {  	v1 =	vld.idx.msk [tilespmem:v2+s10+$0x0], $0xffff;
	v2 =	vor.u32 $0x380E, v0  }
0x319: {  	v2 =	vadd.s32 v2, v3;
	_ =	sdelay $0x3  }
0x31a: {  	[tilespmem:$0x4870] =	vst v1  }
0x31b: {  	v1 =	vld.idx.msk [tilespmem:v2+s10+$0x0], $0xffff;
	v2 =	vor.u32 $0x380F, v0  }
0x31c: {  	v2 =	vadd.s32 v2, v3;
	_ =	sdelay $0x3  }
0x31d: {  	[tilespmem:$0x48F0] =	vst v1  }
0x31e: {  	v1 =	vld.idx.msk [tilespmem:v2+s10+$0x0], $0xffff;
	v2 =	vor.u32 $0x3810, v0  }
0x31f: {  	v2 =	vadd.s32 v2, v3;
	_ =	sdelay $0x3  }
0x320: {  	[tilespmem:$0x4970] =	vst v1  }
0x321: {  	v1 =	vld.idx.msk [tilespmem:v2+s10+$0x0], $0xffff;
	v2 =	vor.u32 $0x3811, v0  }
0x322: {  	v2 =	vadd.s32 v2, v3;
	_ =	sdelay $0x3  }
0x323: {  	[tilespmem:$0x49F0] =	vst v1  }
0x324: {  	v1 =	vld.idx.msk [tilespmem:v2+s10+$0x0], $0xffff;
	v2 =	vor.u32 $0x3812, v0  }
0x325: {  	v2 =	vadd.s32 v2, v3;
	_ =	sdelay $0x3  }
0x326: {  	[tilespmem:$0x4A70] =	vst v1  }
0x327: {  	v1 =	vld.idx.msk [tilespmem:v2+s10+$0x0], $0xffff;
	v2 =	vor.u32 $0x3813, v0  }
0x328: {  	v2 =	vadd.s32 v2, v3;
	_ =	sdelay $0x3  }
0x329: {  	[tilespmem:$0x4AF0] =	vst v1  }
0x32a: {  	v1 =	vld.idx.msk [tilespmem:v2+s10+$0x0], $0xffff;
	v2 =	vor.u32 $0x3814, v0  }
0x32b: {  	v2 =	vadd.s32 v2, v3;
	_ =	sdelay $0x3  }
0x32c: {  	[tilespmem:$0x4B70] =	vst v1  }
0x32d: {  	v1 =	vld.idx.msk [tilespmem:v2+s10+$0x0], $0xffff;
	v2 =	vor.u32 $0x3815, v0  }
0x32e: {  	v2 =	vadd.s32 v2, v3;
	_ =	sdelay $0x3  }
0x32f: {  	[tilespmem:$0x4BF0] =	vst v1  }
0x330: {  	v1 =	vld.idx.msk [tilespmem:v2+s10+$0x0], $0xffff;
	v2 =	vor.u32 $0x3816, v0  }
0x331: {  	v2 =	vadd.s32 v2, v3;
	_ =	sdelay $0x3  }
0x332: {  	[tilespmem:$0x4C70] =	vst v1  }
0x333: {  	v1 =	vld.idx.msk [tilespmem:v2+s10+$0x0], $0xffff;
	v2 =	vor.u32 $0x3817, v0  }
0x334: {  	v2 =	vadd.s32 v2, v3;
	_ =	sdelay $0x3  }
0x335: {  	[tilespmem:$0x4CF0] =	vst v1  }
0x336: {  	v1 =	vld.idx.msk [tilespmem:v2+s10+$0x0], $0xffff;
	v2 =	vor.u32 $0x3818, v0  }
0x337: {  	v2 =	vadd.s32 v2, v3;
	_ =	sdelay $0x3  }
0x338: {  	[tilespmem:$0x4D70] =	vst v1  }
0x339: {  	v1 =	vld.idx.msk [tilespmem:v2+s10+$0x0], $0xffff;
	v2 =	vor.u32 $0x3819, v0  }
0x33a: {  	v2 =	vadd.s32 v2, v3;
	_ =	sdelay $0x3  }
0x33b: {  	[tilespmem:$0x4DF0] =	vst v1  }
0x33c: {  	v1 =	vld.idx.msk [tilespmem:v2+s10+$0x0], $0xffff;
	v2 =	vor.u32 $0x381A, v0  }
0x33d: {  	v2 =	vadd.s32 v2, v3;
	_ =	sdelay $0x3  }
0x33e: {  	[tilespmem:$0x4E70] =	vst v1  }
0x33f: {  	v1 =	vld.idx.msk [tilespmem:v2+s10+$0x0], $0xffff;
	v2 =	vor.u32 $0x381B, v0  }
0x340: {  	v2 =	vadd.s32 v2, v3;
	_ =	sdelay $0x3  }
0x341: {  	[tilespmem:$0x4EF0] =	vst v1  }
0x342: {  	v1 =	vld.idx.msk [tilespmem:v2+s10+$0x0], $0xffff;
	v2 =	vor.u32 $0x381C, v0  }
0x343: {  	v2 =	vadd.s32 v2, v3;
	_ =	sdelay $0x3  }
0x344: {  	[tilespmem:$0x4F70] =	vst v1  }
0x345: {  	v1 =	vld.idx.msk [tilespmem:v2+s10+$0x0], $0xffff;
	v2 =	vor.u32 $0x381D, v0  }
0x346: {  	v2 =	vadd.s32 v2, v3;
	_ =	sdelay $0x3  }
0x347: {  	[tilespmem:$0x4FF0] =	vst v1  }
0x348: {  	v1 =	vld.idx.msk [tilespmem:v2+s10+$0x0], $0xffff;
	v2 =	vor.u32 $0x381E, v0  }
0x349: {  	v2 =	vadd.s32 v2, v3;
	_ =	sdelay $0x3  }
0x34a: {  	[tilespmem:$0x5070] =	vst v1  }
0x34b: {  	v1 =	vld.idx.msk [tilespmem:v2+s10+$0x0], $0xffff;
	v2 =	vor.u32 $0x381F, v0  }
0x34c: {  	v2 =	vadd.s32 v2, v3;
	_ =	sdelay $0x3  }
0x34d: {  	[tilespmem:$0x50F0] =	vst v1  }
0x34e: {  	v1 =	vld.idx.msk [tilespmem:v2+s10+$0x0], $0xffff;
	_ =	sdelay $0x4  }
.Ltmp5:
0x34f: {  	[tilespmem:$0x5170] =	vst v1;
	(pc) =	sbr.rel .LBB2_4-.Ltmp5, $4  }
0x350: {  	[hbm4b:s17+s12] =	stream.strided.scatter [tilespmem:s14], [sflag:$0x2], $0x1000, s13, s12, $0x38;
	[tilespmem:$0x5180] =	vst v63  }
0x351: {  	_ =	swait.ge [sflag:s15], $0x1000  }
0x352: {  	[sflag:s15] =	ssyncset.done $0x0  }
0x353: {  	[sflag:s15] =	ssyncadd.s32 $0xFFFFF000  }
.LBB2_6:
0x354: {  	_ =	sfence.sel $0x180000  }
0x355: {  	[bflag:$0x0] =	sbarrier.arrive $0xFFFF  }
0x356: {  	p0 =	sne.s32 s1, $0x0;
	_ =	strace $0x9000004A  }
0x357: {  	s0 =	sadd.s32 @!p0 $0x100000, s0;
	[bflag:$0x2] =	sbarrier.arrive $0xFFFF  }
0x358: {  	[sflag:s0] =	ssyncadd.tile.s32 @!p0 $0x1;
	_ =	shalt  }
.Lfunc_end2:
_tile_overlayer_lowered:
.L_overlay_start_2:
0x359: {  	(tag) =	ssettag $0x2  }
0x35a: {  	s0 =	rddreg [dreg:$0x0];
	s2 =	stileid.u32  }
0x35b: {  	s1 =	rddreg [dreg:$0x1];
	p0 =	sne.s32 s2, $0x0  }
0x35c: {  	s3 =	rddreg [dreg:$0x2];
	[bflag:$0x3] =	sbarrier.arrive $0xFFFF;
	s2 =	simm.s32 @!p0 $0x1C02  }
0x35d: {  	[timem:s3], [sflag:s2] =	dma.local @!p0 [hbm:s0], s1  }
0x35e: {  	s0 =	simm.s32 @!p0 $0x2  }
0x35f: {  	_ =	swait.ge @!p0 [sflag:s0], s1  }
0x360: {  	s1 =	ssub.s32 @!p0 $0x0, s1;
	[sflag:s0] =	ssyncset.done @!p0 $0x0  }
0x361: {  	[sflag:s0] =	ssyncadd.s32 @!p0 s1  }
0x362: {  	[bflag:$0x3] =	sbarrier.arrive $0xFFFF  }
0x363: {  	_ =	shalt  }

</sc_bundles>
